<compile_context>
chip_gen: v7x
topology: tpu7x:2x2x1
jax: 0.10.2.dev20260603
libtpu: 0.0.44.dev20260713+nightly
codegen_flags: <defaults>
</compile_context>

<pallas_src>
import functools

import jax
import jax.numpy as jnp
import numpy as np
from jax import lax
from jax.experimental import pallas as pl
from jax.experimental.pallas import tpu as pltpu
from jax.experimental.pallas import tpu_sc as plsc

_N_COLUMNS = 4
_INPUT_DIM = 1024
_N_SDR = 8192
_W_SPARSITY = 164
_N_MINI = 2048
_K_ACTIVE = 80
_IDX_PAD = 256



def _act_body(s_ref, w_ref, o_ref):
    o_ref[...] = lax.dot_general(
        s_ref[...], w_ref[...], (((1,), (1,)), ((), ())),
        preferred_element_type=jnp.float32)[None]


def _stage_a(w2d, s_row):
    br = 1024
    n = w2d.shape[0] // br
    return pl.pallas_call(
        _act_body,
        grid=(n,),
        in_specs=[
            pl.BlockSpec((1, _INPUT_DIM), lambda i: (0, 0)),
            pl.BlockSpec((br, _INPUT_DIM), lambda i: (i, 0)),
        ],
        out_specs=pl.BlockSpec((1, 1, br), lambda i: (i, 0, 0)),
        out_shape=jax.ShapeDtypeStruct((n, 1, br), jnp.float32),
    )(s_row, w2d)



def _cumsum8192(x):
    x2 = x.reshape(64, 128)
    ii = lax.broadcasted_iota(jnp.int32, (128, 128), 0)
    jj = lax.broadcasted_iota(jnp.int32, (128, 128), 1)
    li = (ii <= jj).astype(jnp.float32)
    cs = jnp.dot(x2, li, preferred_element_type=jnp.float32)
    rt = cs[:, 127].reshape(1, 64)
    i2 = lax.broadcasted_iota(jnp.int32, (64, 64), 0)
    j2 = lax.broadcasted_iota(jnp.int32, (64, 64), 1)
    sl = (i2 < j2).astype(jnp.float32)
    ro = jnp.dot(rt, sl, preferred_element_type=jnp.float32)
    return (cs + ro.reshape(64, 1)).reshape(_N_SDR)


def _topk_body(act_ref, cons_ref, sdr_ref, idx_ref):
    c = pl.program_id(0)
    a = act_ref[0, 0, :]
    bits = lax.bitcast_convert_type(a, jnp.uint32)
    u = jnp.where(bits >> 31 != jnp.uint32(0), ~bits,
                  bits | jnp.uint32(0x80000000))

    def srch(i, t):
        cand = t | (jnp.uint32(1) << (31 - i).astype(jnp.uint32))
        cnt = jnp.sum((u >= cand).astype(jnp.int32))
        return jnp.where(cnt >= _W_SPARSITY, cand, t)

    tt = lax.fori_loop(0, 32, srch, jnp.uint32(0))
    gt = u > tt
    g = jnp.sum(gt.astype(jnp.int32))
    eq = u == tt
    rank_eq = _cumsum8192(eq.astype(jnp.float32))
    need = (_W_SPARSITY - g).astype(jnp.float32)
    mask = gt | (eq & (rank_eq <= need))
    sdr = mask.astype(jnp.float32)
    sdr_ref[...] = sdr[None, None, :]

    @pl.when(c == 0)
    def _():
        cons_ref[...] = sdr[None, :]

    @pl.when(c != 0)
    def _():
        cons_ref[...] = cons_ref[...] * sdr[None, :]

    rank_m = _cumsum8192(sdr) * sdr
    jcol = lax.broadcasted_iota(jnp.int32, (_N_SDR, _IDX_PAD), 1).astype(jnp.float32)
    onehot = (rank_m[:, None] == (jcol + 1.0)).astype(jnp.float32)
    ii = lax.broadcasted_iota(jnp.int32, (1, _N_SDR), 1)
    hi = jnp.dot((ii // 128).astype(jnp.float32), onehot,
                 preferred_element_type=jnp.float32)
    lo = jnp.dot((ii % 128).astype(jnp.float32), onehot,
                 preferred_element_type=jnp.float32)
    idx_ref[...] = (hi.astype(jnp.int32) * 128 + lo.astype(jnp.int32))[None]


def _stage_b(act4):
    return pl.pallas_call(
        _topk_body,
        grid=(_N_COLUMNS,),
        in_specs=[pl.BlockSpec((1, 1, _N_SDR), lambda c: (c, 0, 0))],
        out_specs=[
            pl.BlockSpec((1, _N_SDR), lambda c: (0, 0)),
            pl.BlockSpec((1, 1, _N_SDR), lambda c: (c, 0, 0)),
            pl.BlockSpec((1, 1, _IDX_PAD), lambda c: (c, 0, 0)),
        ],
        out_shape=[
            jax.ShapeDtypeStruct((1, _N_SDR), jnp.float32),
            jax.ShapeDtypeStruct((_N_COLUMNS, 1, _N_SDR), jnp.float32),
            jax.ShapeDtypeStruct((_N_COLUMNS, 1, _IDX_PAD), jnp.int32),
        ],
    )(act4)



def _stage_c_sc(perm_flat, idx2d):
    info = plsc.get_sparse_core_info()
    nc, ns = info.num_cores, info.num_subcores
    nw = nc * ns
    rows_w = _N_MINI // nw
    groups = _W_SPARSITY * 4
    chunks = groups * 16 // 128
    mesh = plsc.VectorSubcoreMesh(core_axis_name="c", subcore_axis_name="s")

    nwords = chunks * 128

    @functools.partial(
        pl.kernel, mesh=mesh,
        out_type=jax.ShapeDtypeStruct((_N_COLUMNS * _N_MINI,), jnp.float32),
        scratch_types=[
            pltpu.VMEM((_IDX_PAD,), jnp.int32),
            pltpu.VMEM((nwords,), jnp.int32),
            pltpu.VMEM((nwords,), jnp.float32),
            pltpu.VMEM((rows_w,), jnp.float32),
            pltpu.SemaphoreType.DMA,
        ],
    )
    def k(perm_hbm, idx_hbm, ov_hbm, idx_v, fidx, data, ovb, sem):
        w = lax.axis_index("s") * nc + lax.axis_index("c")
        iota16 = lax.broadcasted_iota(jnp.int32, (16,), 0)
        lanev = iota16 * _N_SDR
        for c in range(_N_COLUMNS):
            cbase = c * _N_MINI + w * rows_w
            base_off = cbase * _N_SDR
            pltpu.sync_copy(idx_hbm.at[c], idx_v)

            def _emit(j, sidx):
                pv = lanev + (base_off + sidx)
                for rg in range(4):
                    q16 = j * 4 + rg
                    fidx[pl.ds(q16 * 16, 16)] = pv + rg * 16 * _N_SDR

            def build(jb, _):
                start = pl.multiple_of(jb * 16, 16)
                wv = idx_v[pl.ds(start, 16)]
                for l in range(16):
                    _emit(jb * 16 + l, wv[l])
                return 0

            lax.fori_loop(0, _W_SPARSITY // 16, build, 0)
            wv = idx_v[pl.ds((_W_SPARSITY // 16) * 16, 16)]
            for l in range(_W_SPARSITY % 16):
                _emit((_W_SPARSITY // 16) * 16 + l, wv[l])

            pltpu.async_copy(perm_hbm.at[fidx], data, sem).wait()

            def comp(j, accs):
                new = []
                for rg in range(4):
                    q16 = j * 4 + rg
                    v = data[pl.ds(q16 * 16, 16)]
                    new.append(accs[rg] +
                               jnp.where(v >= 0.5, 1.0, 0.0))
                return tuple(new)

            z = jnp.zeros((16,), jnp.float32)
            accs = lax.fori_loop(0, _W_SPARSITY, comp, (z, z, z, z))
            for rg in range(4):
                ovb[pl.ds(rg * 16, 16)] = accs[rg]
            pltpu.sync_copy(ovb, ov_hbm.at[pl.ds(cbase, rows_w)])

    return k(perm_flat, idx2d)



def _code_body(ov_ref, wl_ref, wv_ref, b_ref, v_ref, d_ref, out_ref):
    ov = ov_ref[0, 0, :]
    ji = lax.broadcasted_iota(jnp.int32, (1, _N_MINI), 1)[0]
    comp = ov.astype(jnp.int32) * _N_MINI + (_N_MINI - 1 - ji)

    def srch(i, t):
        cand = t | (jnp.int32(1) << (18 - i))
        cnt = jnp.sum((comp >= cand).astype(jnp.int32))
        return jnp.where(cnt >= _K_ACTIVE, cand, t)

    tt = lax.fori_loop(0, 19, srch, jnp.int32(0))
    maskf = (comp >= tt).astype(jnp.float32)

    active = jnp.sum(wl_ref[0] * maskf[None, :], axis=1)
    base = jnp.sum(wv_ref[0] * v_ref[...], axis=1)
    allo = jnp.tanh(active + base + b_ref[0, 0, :])
    ph = jnp.mod(allo / d_ref[0, :], 1.0)
    out_ref[0, 0, :] = jnp.sin(2.0 * jnp.pi * ph)
    out_ref[0, 1, :] = jnp.cos(2.0 * jnp.pi * ph)


def _stage_d(ov4, wl, wv, bpad, vrow, drow):
    return pl.pallas_call(
        _code_body,
        grid=(_N_COLUMNS,),
        in_specs=[
            pl.BlockSpec((1, 1, _N_MINI), lambda c: (c, 0, 0)),
            pl.BlockSpec((1, 16, _N_MINI), lambda c: (c, 0, 0)),
            pl.BlockSpec((1, 16, 128), lambda c: (c, 0, 0)),
            pl.BlockSpec((1, 1, 16), lambda c: (c, 0, 0)),
            pl.BlockSpec((1, 128), lambda c: (0, 0)),
            pl.BlockSpec((1, 16), lambda c: (0, 0)),
        ],
        out_specs=pl.BlockSpec((1, 2, 16), lambda c: (c, 0, 0)),
        out_shape=jax.ShapeDtypeStruct((_N_COLUMNS, 2, 16), jnp.float32),
    )(ov4, wl, wv, bpad, vrow, drow)



def kernel(s_t, v_t, W_enc, permanences, W_l6b, b_l6b):
    s_row = s_t.reshape(1, _INPUT_DIM)
    w2d = W_enc.reshape(_N_COLUMNS * _N_SDR, _INPUT_DIM)
    act = _stage_a(w2d, s_row).reshape(_N_COLUMNS, 1, _N_SDR)

    cons, sdr4, idx4 = _stage_b(act)

    perm_flat = permanences.reshape(_N_COLUMNS * _N_MINI * _N_SDR)
    ov = _stage_c_sc(perm_flat, idx4.reshape(_N_COLUMNS, _IDX_PAD))
    ov = ov.reshape(_N_COLUMNS, 1, _N_MINI)

    wl = jnp.pad(W_l6b[:, :, :_N_MINI], ((0, 0), (0, 4), (0, 0)))
    wv = jnp.pad(W_l6b[:, :, _N_SDR:], ((0, 0), (0, 4), (0, 126)))
    bpad = jnp.pad(b_l6b, ((0, 0), (0, 4))).reshape(_N_COLUMNS, 1, 16)
    vrow = jnp.zeros((1, 128), jnp.float32).at[0, :2].set(v_t)
    periods = np.array([5.0, 7.0, 11.0, 13.0, 17.0, 19.0], np.float32)
    drow = jnp.asarray(
        np.concatenate([np.repeat(periods, 2), np.ones(4, np.float32)])
    ).reshape(1, 16)

    sincos = _stage_d(ov, wl, wv, bpad, vrow, drow)
    sin_p = sincos[:, 0, :12].reshape(_N_COLUMNS, 6, 2)
    cos_p = sincos[:, 1, :12].reshape(_N_COLUMNS, 6, 2)
    codes = jnp.concatenate([sin_p, cos_p], axis=2).reshape(-1)
    return jnp.concatenate([cons.reshape(-1), codes])

# --- scband reference (transcript-rebuilt; emitter-appended) ---
"""Pipeline reference for scband-cortical-column-54271206752762 (READ-ONLY COPY).

The authoritative reference and input builder live on the scoring server;
editing this copy changes nothing except your own understanding.
"""

import jax, jax.numpy as jnp
import numpy as np

N_COLUMNS = 4
INPUT_DIM = 1024
N_SDR = 8192
W_SPARSITY = 164
N_MINI = 2048
K_ACTIVE = 80
N_GRID = 6
PERIODS = jnp.array([5.0, 7.0, 11.0, 13.0, 17.0, 19.0], dtype=jnp.float32)
CONSENSUS_THRESHOLD = 1.0
CONNECTED_THRESHOLD = 0.5


def setup_inputs(seed: int = 0) -> dict:
    key = jax.random.key(seed)
    ks = jax.random.split(key, 6)
    s_t = jax.random.normal(ks[0], (INPUT_DIM,), dtype=jnp.float32)
    v_t = jax.random.normal(ks[1], (2,), dtype=jnp.float32)
    # per-column private parameters (no weight sharing, I6.1)
    W_enc = jax.random.normal(ks[2], (N_COLUMNS, N_SDR, INPUT_DIM), dtype=jnp.float32) / np.sqrt(INPUT_DIM)
    permanences = jax.random.uniform(ks[3], (N_COLUMNS, N_MINI, N_SDR), dtype=jnp.float32)
    W_l6b = jax.random.normal(ks[4], (N_COLUMNS, 2 * N_GRID, N_SDR + 2), dtype=jnp.float32) * 0.02
    b_l6b = jnp.zeros((N_COLUMNS, 2 * N_GRID), dtype=jnp.float32)
    return {"s_t": s_t, "v_t": v_t, "W_enc": W_enc, "permanences": permanences, "W_l6b": W_l6b, "b_l6b": b_l6b}


def _column_step(s_t, v_t, W_enc_c, perm_c, W_c, b_c):
    # SDRSpace.encode: random projection + top-w binarization -> binary SDR
    act = W_enc_c @ s_t                                        # (N_SDR,)
    _, top_idx = jax.lax.top_k(act, W_SPARSITY)
    sdr = jnp.zeros((N_SDR,), jnp.float32).at[top_idx].set(1.0)
    # SpatialPooler.forward: connected-synapse overlap + top-k active minicolumns (I2.1)
    connected = (perm_c >= CONNECTED_THRESHOLD).astype(jnp.float32)
    overlap = connected @ sdr                                  # (N_MINI,)
    _, active = jax.lax.top_k(overlap, K_ACTIVE)               # (K_ACTIVE,) indices
    # scatter active indices into a dense n_sdr vector (as in SingleColumn.step)
    sdr_active_dense = jnp.zeros((N_SDR,), jnp.float32).at[active].set(1.0)
    # Layer6bTransformer.transform: egocentric -> allocentric phase update
    inp = jnp.concatenate([sdr_active_dense, v_t])             # (N_SDR + 2,)
    allo_phase = jnp.tanh(W_c @ inp + b_c)                     # (2 * N_GRID,)
    # GridCellNetwork.integrate: modular phase (state starts at 0 each step)
    phase = jnp.mod(allo_phase.reshape(N_GRID, 2) / PERIODS[:, None], 1.0)  # (N_GRID, 2)
    # GridCellNetwork.get_code: sin/cos position code -> (4 * N_GRID,)
    grid_code = jnp.concatenate([jnp.sin(2.0 * jnp.pi * phase), jnp.cos(2.0 * jnp.pi * phase)], axis=1).reshape(-1)
    return sdr, phase, grid_code


def reference(s_t, v_t, W_enc, permanences, W_l6b, b_l6b):
    all_sdrs, all_codes = [], []
    for c in range(N_COLUMNS):
        sdr, phase, code = _column_step(s_t, v_t, W_enc[c], permanences[c], W_l6b[c], b_l6b[c])
        all_sdrs.append(sdr)
        all_codes.append(code)
    # MultiColumnConsensus.vote_with_stats: fraction vote, AND with threshold=1.0 (I6.2/I6.3)
    sdr_stack = jnp.stack(all_sdrs, axis=0)                    # (K, N_SDR)
    vote_fraction = sdr_stack.mean(axis=0)
    consensus = (vote_fraction >= CONSENSUS_THRESHOLD).astype(jnp.float32)
    out = jnp.concatenate([consensus, jnp.concatenate(all_codes)])  # (N_SDR + K*4*N_GRID,)
    return out

if __name__ == "__main__":
    import jax
    _d = setup_inputs()
    print(jax.jit(kernel)(*tuple(_d.values())))

</pallas_src>

<mosaic_0001>
#map = affine_map<(d0, d1) -> (0)>
#map1 = affine_map<(d0, d1) -> (0, 0)>
module attributes {stable_mosaic.version = 14 : i64} {
  func.func @k(%arg0: i32, %arg1: i32, %arg2: memref<67108864xf32, #tpu.memory_space<hbm>>, %arg3: memref<4x256xi32, #tpu.memory_space<hbm>>, %arg4: memref<8192xf32, #tpu.memory_space<hbm>>, %arg5: memref<256xi32, #tpu.memory_space<vmem>>, %arg6: memref<10496xi32, #tpu.memory_space<vmem>>, %arg7: memref<10496xf32, #tpu.memory_space<vmem>>, %arg8: memref<64xf32, #tpu.memory_space<vmem>>, %arg9: memref<!tpu.dma_semaphore, #tpu.memory_space<semaphore_mem>>) attributes {dimension_semantics = [#tpu.dimension_semantics<core_parallel>, #tpu.dimension_semantics<subcore_parallel>], iteration_bounds = array<i64: 2, 16>, scalar_prefetch = 0 : i64, scratch_operands = 5 : i64, tpu.core_type = #tpu.core_type<sc_vector_subcore>, window_params = [{transform_indices = #map}, {transform_indices = #map1}, {transform_indices = #map}]} {
    %mul3A = arith.constant 2 : i32
    %mul3A_0 = arith.muli %arg1, %mul3A : i32
    %add3A = arith.addi %mul3A_0, %arg0 : i32
    %iota3A = tpu.iota {dimensions = array<i32: 0>} : vector<16xi32>
    %mul3A_1 = arith.constant 8192 : i32
    %mul3A_2 = vector.broadcast %mul3A_1 : i32 to vector<16xi32>
    %mul3A_3 = arith.muli %iota3A, %mul3A_2 : vector<16xi32>
    %mul3A_4 = arith.constant 64 : i32
    %mul3A_5 = arith.muli %add3A, %mul3A_4 : i32
    %add3A_6 = arith.constant 0 : i32
    %add3A_7 = arith.addi %add3A_6, %mul3A_5 : i32
    %mul3A_8 = arith.constant 8192 : i32
    %mul3A_9 = arith.muli %add3A_7, %mul3A_8 : i32
    %run_scoped3A = arith.constant 0 : i32
    "tpu.region"() ({
      %run_scoped3A_703 = tpu.sem_alloc : memref<!tpu.dma_semaphore, #tpu.memory_space<semaphore_mem>>
      %dma_start3A_704 = arith.constant 0 : i32
      %dma_start3A_705 = tpu.memref_slice %arg3[%run_scoped3A, %dma_start3A_704] : memref<4x256xi32, #tpu.memory_space<hbm>> -> memref<1x256xi32, #tpu.memory_space<hbm>>
      %dma_start3A_706 = tpu.memref_squeeze %dma_start3A_705 : memref<1x256xi32, #tpu.memory_space<hbm>> -> memref<256xi32, #tpu.memory_space<hbm>>
      %dma_start3A_707 = arith.constant 0 : i32
      %dma_start3A_708 = tpu.memref_slice %arg3[%run_scoped3A, %dma_start3A_707] : memref<4x256xi32, #tpu.memory_space<hbm>> -> memref<1x256xi32, #tpu.memory_space<hbm>>
      %dma_start3A_709 = tpu.memref_squeeze %dma_start3A_708 : memref<1x256xi32, #tpu.memory_space<hbm>> -> memref<256xi32, #tpu.memory_space<hbm>>
      tpu.enqueue_dma source(%dma_start3A_709 : memref<256xi32, #tpu.memory_space<hbm>>) target(%arg5 : memref<256xi32, #tpu.memory_space<vmem>>) target_semaphore(%run_scoped3A_703 : memref<!tpu.dma_semaphore, #tpu.memory_space<semaphore_mem>>)
      %dma_wait3A_710 = arith.constant 0 : i32
      %dma_wait3A_711 = tpu.memref_slice %arg3[%run_scoped3A, %dma_wait3A_710] : memref<4x256xi32, #tpu.memory_space<hbm>> -> memref<1x256xi32, #tpu.memory_space<hbm>>
      %dma_wait3A_712 = tpu.memref_squeeze %dma_wait3A_711 : memref<1x256xi32, #tpu.memory_space<hbm>> -> memref<256xi32, #tpu.memory_space<hbm>>
      %dma_wait3A_713 = arith.constant 0 : i32
      %dma_wait3A_714 = tpu.memref_slice %arg3[%run_scoped3A, %dma_wait3A_713] : memref<4x256xi32, #tpu.memory_space<hbm>> -> memref<1x256xi32, #tpu.memory_space<hbm>>
      %dma_wait3A_715 = tpu.memref_squeeze %dma_wait3A_714 : memref<1x256xi32, #tpu.memory_space<hbm>> -> memref<256xi32, #tpu.memory_space<hbm>>
      tpu.wait_dma2 semaphore(%run_scoped3A_703 : memref<!tpu.dma_semaphore, #tpu.memory_space<semaphore_mem>>) src(%dma_wait3A_715 : memref<256xi32, #tpu.memory_space<hbm>>) dst(%arg5 : memref<256xi32, #tpu.memory_space<vmem>>)
      tpu.yield
    }) : () -> ()
    %scan3A = arith.constant 0 : i32
    %scan3A_10 = arith.constant 0 : i32
    %scan3A_11 = arith.constant 10 : i32
    %scan3A_12 = arith.addi %scan3A_10, %scan3A_11 : i32
    %scan3A_13 = arith.constant 1 : i32
    %scan3A_14 = scf.for %scan3A_703 = %scan3A_10 to %scan3A_12 step %scan3A_13 iter_args(%scan3A_704 = %scan3A) -> (i32)  : i32 {
      %mul3A_705 = arith.constant 16 : i32
      %mul3A_706 = arith.muli %scan3A_703, %mul3A_705 : i32
      %multiple_of3A = tpu.assume_multiple %mul3A_706, 16 : i32
      %get3A_707 = arith.index_cast %multiple_of3A : i32 to index
      %get3A_708 = tpu.vector_load %arg5[%get3A_707] {strides = array<i32>} : memref<256xi32, #tpu.memory_space<vmem>>, vector<16xi32>,
      %get3A_709 = vector.shape_cast %get3A_708 : vector<16xi32> to vector<16xi32>
      %mul3A_710 = arith.constant 16 : i32
      %mul3A_711 = arith.muli %scan3A_703, %mul3A_710 : i32
      %add3A_712 = arith.constant 0 : i32
      %add3A_713 = arith.addi %mul3A_711, %add3A_712 : i32
      %slice3A_714 = vector.extract_strided_slice %get3A_709 {offsets = [0], sizes = [1], strides = [1]} : vector<16xi32> to vector<1xi32>
      %squeeze3A_715 = vector.extract %slice3A_714[0] : i32 from vector<1xi32>
      %add3A_716 = arith.addi %mul3A_9, %squeeze3A_715 : i32
      %add3A_717 = vector.broadcast %add3A_716 : i32 to vector<16xi32>
      %add3A_718 = arith.addi %mul3A_3, %add3A_717 : vector<16xi32>
      %mul3A_719 = arith.constant 4 : i32
      %mul3A_720 = arith.muli %add3A_713, %mul3A_719 : i32
      %add3A_721 = arith.constant 0 : i32
      %add3A_722 = arith.addi %mul3A_720, %add3A_721 : i32
      %add3A_723 = arith.constant 0 : i32
      %add3A_724 = vector.broadcast %add3A_723 : i32 to vector<16xi32>
      %add3A_725 = arith.addi %add3A_718, %add3A_724 : vector<16xi32>
      %mul3A_726 = arith.constant 16 : i32
      %mul3A_727 = arith.muli %add3A_722, %mul3A_726 : i32
      %swap3A_728 = arith.index_cast %mul3A_727 : i32 to index
      %swap3A_729 = tpu.vector_load %arg6[%swap3A_728] {strides = array<i32>} : memref<10496xi32, #tpu.memory_space<vmem>>, vector<16xi32>,
      %swap3A_730 = vector.shape_cast %swap3A_729 : vector<16xi32> to vector<16xi32>
      %swap3A_731 = vector.shape_cast %add3A_725 : vector<16xi32> to vector<16xi32>
      tpu.vector_store %arg6[%swap3A_728], %swap3A_731 {strides = array<i32>} : memref<10496xi32, #tpu.memory_space<vmem>>, vector<16xi32>,
      %mul3A_732 = arith.constant 4 : i32
      %mul3A_733 = arith.muli %add3A_713, %mul3A_732 : i32
      %add3A_734 = arith.constant 1 : i32
      %add3A_735 = arith.addi %mul3A_733, %add3A_734 : i32
      %add3A_736 = arith.constant 131072 : i32
      %add3A_737 = vector.broadcast %add3A_736 : i32 to vector<16xi32>
      %add3A_738 = arith.addi %add3A_718, %add3A_737 : vector<16xi32>
      %mul3A_739 = arith.constant 16 : i32
      %mul3A_740 = arith.muli %add3A_735, %mul3A_739 : i32
      %swap3A_741 = arith.index_cast %mul3A_740 : i32 to index
      %swap3A_742 = tpu.vector_load %arg6[%swap3A_741] {strides = array<i32>} : memref<10496xi32, #tpu.memory_space<vmem>>, vector<16xi32>,
      %swap3A_743 = vector.shape_cast %swap3A_742 : vector<16xi32> to vector<16xi32>
      %swap3A_744 = vector.shape_cast %add3A_738 : vector<16xi32> to vector<16xi32>
      tpu.vector_store %arg6[%swap3A_741], %swap3A_744 {strides = array<i32>} : memref<10496xi32, #tpu.memory_space<vmem>>, vector<16xi32>,
      %mul3A_745 = arith.constant 4 : i32
      %mul3A_746 = arith.muli %add3A_713, %mul3A_745 : i32
      %add3A_747 = arith.constant 2 : i32
      %add3A_748 = arith.addi %mul3A_746, %add3A_747 : i32
      %add3A_749 = arith.constant 262144 : i32
      %add3A_750 = vector.broadcast %add3A_749 : i32 to vector<16xi32>
      %add3A_751 = arith.addi %add3A_718, %add3A_750 : vector<16xi32>
      %mul3A_752 = arith.constant 16 : i32
      %mul3A_753 = arith.muli %add3A_748, %mul3A_752 : i32
      %swap3A_754 = arith.index_cast %mul3A_753 : i32 to index
      %swap3A_755 = tpu.vector_load %arg6[%swap3A_754] {strides = array<i32>} : memref<10496xi32, #tpu.memory_space<vmem>>, vector<16xi32>,
      %swap3A_756 = vector.shape_cast %swap3A_755 : vector<16xi32> to vector<16xi32>
      %swap3A_757 = vector.shape_cast %add3A_751 : vector<16xi32> to vector<16xi32>
      tpu.vector_store %arg6[%swap3A_754], %swap3A_757 {strides = array<i32>} : memref<10496xi32, #tpu.memory_space<vmem>>, vector<16xi32>,
      %mul3A_758 = arith.constant 4 : i32
      %mul3A_759 = arith.muli %add3A_713, %mul3A_758 : i32
      %add3A_760 = arith.constant 3 : i32
      %add3A_761 = arith.addi %mul3A_759, %add3A_760 : i32
      %add3A_762 = arith.constant 393216 : i32
      %add3A_763 = vector.broadcast %add3A_762 : i32 to vector<16xi32>
      %add3A_764 = arith.addi %add3A_718, %add3A_763 : vector<16xi32>
      %mul3A_765 = arith.constant 16 : i32
      %mul3A_766 = arith.muli %add3A_761, %mul3A_765 : i32
      %swap3A_767 = arith.index_cast %mul3A_766 : i32 to index
      %swap3A_768 = tpu.vector_load %arg6[%swap3A_767] {strides = array<i32>} : memref<10496xi32, #tpu.memory_space<vmem>>, vector<16xi32>,
      %swap3A_769 = vector.shape_cast %swap3A_768 : vector<16xi32> to vector<16xi32>
      %swap3A_770 = vector.shape_cast %add3A_764 : vector<16xi32> to vector<16xi32>
      tpu.vector_store %arg6[%swap3A_767], %swap3A_770 {strides = array<i32>} : memref<10496xi32, #tpu.memory_space<vmem>>, vector<16xi32>,
      %mul3A_771 = arith.constant 16 : i32
      %mul3A_772 = arith.muli %scan3A_703, %mul3A_771 : i32
      %add3A_773 = arith.constant 1 : i32
      %add3A_774 = arith.addi %mul3A_772, %add3A_773 : i32
      %slice3A_775 = vector.extract_strided_slice %get3A_709 {offsets = [1], sizes = [1], strides = [1]} : vector<16xi32> to vector<1xi32>
      %squeeze3A_776 = vector.extract %slice3A_775[0] : i32 from vector<1xi32>
      %add3A_777 = arith.addi %mul3A_9, %squeeze3A_776 : i32
      %add3A_778 = vector.broadcast %add3A_777 : i32 to vector<16xi32>
      %add3A_779 = arith.addi %mul3A_3, %add3A_778 : vector<16xi32>
      %mul3A_780 = arith.constant 4 : i32
      %mul3A_781 = arith.muli %add3A_774, %mul3A_780 : i32
      %add3A_782 = arith.constant 0 : i32
      %add3A_783 = arith.addi %mul3A_781, %add3A_782 : i32
      %add3A_784 = arith.constant 0 : i32
      %add3A_785 = vector.broadcast %add3A_784 : i32 to vector<16xi32>
      %add3A_786 = arith.addi %add3A_779, %add3A_785 : vector<16xi32>
      %mul3A_787 = arith.constant 16 : i32
      %mul3A_788 = arith.muli %add3A_783, %mul3A_787 : i32
      %swap3A_789 = arith.index_cast %mul3A_788 : i32 to index
      %swap3A_790 = tpu.vector_load %arg6[%swap3A_789] {strides = array<i32>} : memref<10496xi32, #tpu.memory_space<vmem>>, vector<16xi32>,
      %swap3A_791 = vector.shape_cast %swap3A_790 : vector<16xi32> to vector<16xi32>
      %swap3A_792 = vector.shape_cast %add3A_786 : vector<16xi32> to vector<16xi32>
      tpu.vector_store %arg6[%swap3A_789], %swap3A_792 {strides = array<i32>} : memref<10496xi32, #tpu.memory_space<vmem>>, vector<16xi32>,
      %mul3A_793 = arith.constant 4 : i32
      %mul3A_794 = arith.muli %add3A_774, %mul3A_793 : i32
      %add3A_795 = arith.constant 1 : i32
      %add3A_796 = arith.addi %mul3A_794, %add3A_795 : i32
      %add3A_797 = arith.constant 131072 : i32
      %add3A_798 = vector.broadcast %add3A_797 : i32 to vector<16xi32>
      %add3A_799 = arith.addi %add3A_779, %add3A_798 : vector<16xi32>
      %mul3A_800 = arith.constant 16 : i32
      %mul3A_801 = arith.muli %add3A_796, %mul3A_800 : i32
      %swap3A_802 = arith.index_cast %mul3A_801 : i32 to index
      %swap3A_803 = tpu.vector_load %arg6[%swap3A_802] {strides = array<i32>} : memref<10496xi32, #tpu.memory_space<vmem>>, vector<16xi32>,
      %swap3A_804 = vector.shape_cast %swap3A_803 : vector<16xi32> to vector<16xi32>
      %swap3A_805 = vector.shape_cast %add3A_799 : vector<16xi32> to vector<16xi32>
      tpu.vector_store %arg6[%swap3A_802], %swap3A_805 {strides = array<i32>} : memref<10496xi32, #tpu.memory_space<vmem>>, vector<16xi32>,
      %mul3A_806 = arith.constant 4 : i32
      %mul3A_807 = arith.muli %add3A_774, %mul3A_806 : i32
      %add3A_808 = arith.constant 2 : i32
      %add3A_809 = arith.addi %mul3A_807, %add3A_808 : i32
      %add3A_810 = arith.constant 262144 : i32
      %add3A_811 = vector.broadcast %add3A_810 : i32 to vector<16xi32>
      %add3A_812 = arith.addi %add3A_779, %add3A_811 : vector<16xi32>
      %mul3A_813 = arith.constant 16 : i32
      %mul3A_814 = arith.muli %add3A_809, %mul3A_813 : i32
      %swap3A_815 = arith.index_cast %mul3A_814 : i32 to index
      %swap3A_816 = tpu.vector_load %arg6[%swap3A_815] {strides = array<i32>} : memref<10496xi32, #tpu.memory_space<vmem>>, vector<16xi32>,
      %swap3A_817 = vector.shape_cast %swap3A_816 : vector<16xi32> to vector<16xi32>
      %swap3A_818 = vector.shape_cast %add3A_812 : vector<16xi32> to vector<16xi32>
      tpu.vector_store %arg6[%swap3A_815], %swap3A_818 {strides = array<i32>} : memref<10496xi32, #tpu.memory_space<vmem>>, vector<16xi32>,
      %mul3A_819 = arith.constant 4 : i32
      %mul3A_820 = arith.muli %add3A_774, %mul3A_819 : i32
      %add3A_821 = arith.constant 3 : i32
      %add3A_822 = arith.addi %mul3A_820, %add3A_821 : i32
      %add3A_823 = arith.constant 393216 : i32
      %add3A_824 = vector.broadcast %add3A_823 : i32 to vector<16xi32>
      %add3A_825 = arith.addi %add3A_779, %add3A_824 : vector<16xi32>
      %mul3A_826 = arith.constant 16 : i32
      %mul3A_827 = arith.muli %add3A_822, %mul3A_826 : i32
      %swap3A_828 = arith.index_cast %mul3A_827 : i32 to index
      %swap3A_829 = tpu.vector_load %arg6[%swap3A_828] {strides = array<i32>} : memref<10496xi32, #tpu.memory_space<vmem>>, vector<16xi32>,
      %swap3A_830 = vector.shape_cast %swap3A_829 : vector<16xi32> to vector<16xi32>
      %swap3A_831 = vector.shape_cast %add3A_825 : vector<16xi32> to vector<16xi32>
      tpu.vector_store %arg6[%swap3A_828], %swap3A_831 {strides = array<i32>} : memref<10496xi32, #tpu.memory_space<vmem>>, vector<16xi32>,
      %mul3A_832 = arith.constant 16 : i32
      %mul3A_833 = arith.muli %scan3A_703, %mul3A_832 : i32
      %add3A_834 = arith.constant 2 : i32
      %add3A_835 = arith.addi %mul3A_833, %add3A_834 : i32
      %slice3A_836 = vector.extract_strided_slice %get3A_709 {offsets = [2], sizes = [1], strides = [1]} : vector<16xi32> to vector<1xi32>
      %squeeze3A_837 = vector.extract %slice3A_836[0] : i32 from vector<1xi32>
      %add3A_838 = arith.addi %mul3A_9, %squeeze3A_837 : i32
      %add3A_839 = vector.broadcast %add3A_838 : i32 to vector<16xi32>
      %add3A_840 = arith.addi %mul3A_3, %add3A_839 : vector<16xi32>
      %mul3A_841 = arith.constant 4 : i32
      %mul3A_842 = arith.muli %add3A_835, %mul3A_841 : i32
      %add3A_843 = arith.constant 0 : i32
      %add3A_844 = arith.addi %mul3A_842, %add3A_843 : i32
      %add3A_845 = arith.constant 0 : i32
      %add3A_846 = vector.broadcast %add3A_845 : i32 to vector<16xi32>
      %add3A_847 = arith.addi %add3A_840, %add3A_846 : vector<16xi32>
      %mul3A_848 = arith.constant 16 : i32
      %mul3A_849 = arith.muli %add3A_844, %mul3A_848 : i32
      %swap3A_850 = arith.index_cast %mul3A_849 : i32 to index
      %swap3A_851 = tpu.vector_load %arg6[%swap3A_850] {strides = array<i32>} : memref<10496xi32, #tpu.memory_space<vmem>>, vector<16xi32>,
      %swap3A_852 = vector.shape_cast %swap3A_851 : vector<16xi32> to vector<16xi32>
      %swap3A_853 = vector.shape_cast %add3A_847 : vector<16xi32> to vector<16xi32>
      tpu.vector_store %arg6[%swap3A_850], %swap3A_853 {strides = array<i32>} : memref<10496xi32, #tpu.memory_space<vmem>>, vector<16xi32>,
      %mul3A_854 = arith.constant 4 : i32
      %mul3A_855 = arith.muli %add3A_835, %mul3A_854 : i32
      %add3A_856 = arith.constant 1 : i32
      %add3A_857 = arith.addi %mul3A_855, %add3A_856 : i32
      %add3A_858 = arith.constant 131072 : i32
      %add3A_859 = vector.broadcast %add3A_858 : i32 to vector<16xi32>
      %add3A_860 = arith.addi %add3A_840, %add3A_859 : vector<16xi32>
      %mul3A_861 = arith.constant 16 : i32
      %mul3A_862 = arith.muli %add3A_857, %mul3A_861 : i32
      %swap3A_863 = arith.index_cast %mul3A_862 : i32 to index
      %swap3A_864 = tpu.vector_load %arg6[%swap3A_863] {strides = array<i32>} : memref<10496xi32, #tpu.memory_space<vmem>>, vector<16xi32>,
      %swap3A_865 = vector.shape_cast %swap3A_864 : vector<16xi32> to vector<16xi32>
      %swap3A_866 = vector.shape_cast %add3A_860 : vector<16xi32> to vector<16xi32>
      tpu.vector_store %arg6[%swap3A_863], %swap3A_866 {strides = array<i32>} : memref<10496xi32, #tpu.memory_space<vmem>>, vector<16xi32>,
      %mul3A_867 = arith.constant 4 : i32
      %mul3A_868 = arith.muli %add3A_835, %mul3A_867 : i32
      %add3A_869 = arith.constant 2 : i32
      %add3A_870 = arith.addi %mul3A_868, %add3A_869 : i32
      %add3A_871 = arith.constant 262144 : i32
      %add3A_872 = vector.broadcast %add3A_871 : i32 to vector<16xi32>
      %add3A_873 = arith.addi %add3A_840, %add3A_872 : vector<16xi32>
      %mul3A_874 = arith.constant 16 : i32
      %mul3A_875 = arith.muli %add3A_870, %mul3A_874 : i32
      %swap3A_876 = arith.index_cast %mul3A_875 : i32 to index
      %swap3A_877 = tpu.vector_load %arg6[%swap3A_876] {strides = array<i32>} : memref<10496xi32, #tpu.memory_space<vmem>>, vector<16xi32>,
      %swap3A_878 = vector.shape_cast %swap3A_877 : vector<16xi32> to vector<16xi32>
      %swap3A_879 = vector.shape_cast %add3A_873 : vector<16xi32> to vector<16xi32>
      tpu.vector_store %arg6[%swap3A_876], %swap3A_879 {strides = array<i32>} : memref<10496xi32, #tpu.memory_space<vmem>>, vector<16xi32>,
      %mul3A_880 = arith.constant 4 : i32
      %mul3A_881 = arith.muli %add3A_835, %mul3A_880 : i32
      %add3A_882 = arith.constant 3 : i32
      %add3A_883 = arith.addi %mul3A_881, %add3A_882 : i32
      %add3A_884 = arith.constant 393216 : i32
      %add3A_885 = vector.broadcast %add3A_884 : i32 to vector<16xi32>
      %add3A_886 = arith.addi %add3A_840, %add3A_885 : vector<16xi32>
      %mul3A_887 = arith.constant 16 : i32
      %mul3A_888 = arith.muli %add3A_883, %mul3A_887 : i32
      %swap3A_889 = arith.index_cast %mul3A_888 : i32 to index
      %swap3A_890 = tpu.vector_load %arg6[%swap3A_889] {strides = array<i32>} : memref<10496xi32, #tpu.memory_space<vmem>>, vector<16xi32>,
      %swap3A_891 = vector.shape_cast %swap3A_890 : vector<16xi32> to vector<16xi32>
      %swap3A_892 = vector.shape_cast %add3A_886 : vector<16xi32> to vector<16xi32>
      tpu.vector_store %arg6[%swap3A_889], %swap3A_892 {strides = array<i32>} : memref<10496xi32, #tpu.memory_space<vmem>>, vector<16xi32>,
      %mul3A_893 = arith.constant 16 : i32
      %mul3A_894 = arith.muli %scan3A_703, %mul3A_893 : i32
      %add3A_895 = arith.constant 3 : i32
      %add3A_896 = arith.addi %mul3A_894, %add3A_895 : i32
      %slice3A_897 = vector.extract_strided_slice %get3A_709 {offsets = [3], sizes = [1], strides = [1]} : vector<16xi32> to vector<1xi32>
      %squeeze3A_898 = vector.extract %slice3A_897[0] : i32 from vector<1xi32>
      %add3A_899 = arith.addi %mul3A_9, %squeeze3A_898 : i32
      %add3A_900 = vector.broadcast %add3A_899 : i32 to vector<16xi32>
      %add3A_901 = arith.addi %mul3A_3, %add3A_900 : vector<16xi32>
      %mul3A_902 = arith.constant 4 : i32
      %mul3A_903 = arith.muli %add3A_896, %mul3A_902 : i32
      %add3A_904 = arith.constant 0 : i32
      %add3A_905 = arith.addi %mul3A_903, %add3A_904 : i32
      %add3A_906 = arith.constant 0 : i32
      %add3A_907 = vector.broadcast %add3A_906 : i32 to vector<16xi32>
      %add3A_908 = arith.addi %add3A_901, %add3A_907 : vector<16xi32>
      %mul3A_909 = arith.constant 16 : i32
      %mul3A_910 = arith.muli %add3A_905, %mul3A_909 : i32
      %swap3A_911 = arith.index_cast %mul3A_910 : i32 to index
      %swap3A_912 = tpu.vector_load %arg6[%swap3A_911] {strides = array<i32>} : memref<10496xi32, #tpu.memory_space<vmem>>, vector<16xi32>,
      %swap3A_913 = vector.shape_cast %swap3A_912 : vector<16xi32> to vector<16xi32>
      %swap3A_914 = vector.shape_cast %add3A_908 : vector<16xi32> to vector<16xi32>
      tpu.vector_store %arg6[%swap3A_911], %swap3A_914 {strides = array<i32>} : memref<10496xi32, #tpu.memory_space<vmem>>, vector<16xi32>,
      %mul3A_915 = arith.constant 4 : i32
      %mul3A_916 = arith.muli %add3A_896, %mul3A_915 : i32
      %add3A_917 = arith.constant 1 : i32
      %add3A_918 = arith.addi %mul3A_916, %add3A_917 : i32
      %add3A_919 = arith.constant 131072 : i32
      %add3A_920 = vector.broadcast %add3A_919 : i32 to vector<16xi32>
      %add3A_921 = arith.addi %add3A_901, %add3A_920 : vector<16xi32>
      %mul3A_922 = arith.constant 16 : i32
      %mul3A_923 = arith.muli %add3A_918, %mul3A_922 : i32
      %swap3A_924 = arith.index_cast %mul3A_923 : i32 to index
      %swap3A_925 = tpu.vector_load %arg6[%swap3A_924] {strides = array<i32>} : memref<10496xi32, #tpu.memory_space<vmem>>, vector<16xi32>,
      %swap3A_926 = vector.shape_cast %swap3A_925 : vector<16xi32> to vector<16xi32>
      %swap3A_927 = vector.shape_cast %add3A_921 : vector<16xi32> to vector<16xi32>
      tpu.vector_store %arg6[%swap3A_924], %swap3A_927 {strides = array<i32>} : memref<10496xi32, #tpu.memory_space<vmem>>, vector<16xi32>,
      %mul3A_928 = arith.constant 4 : i32
      %mul3A_929 = arith.muli %add3A_896, %mul3A_928 : i32
      %add3A_930 = arith.constant 2 : i32
      %add3A_931 = arith.addi %mul3A_929, %add3A_930 : i32
      %add3A_932 = arith.constant 262144 : i32
      %add3A_933 = vector.broadcast %add3A_932 : i32 to vector<16xi32>
      %add3A_934 = arith.addi %add3A_901, %add3A_933 : vector<16xi32>
      %mul3A_935 = arith.constant 16 : i32
      %mul3A_936 = arith.muli %add3A_931, %mul3A_935 : i32
      %swap3A_937 = arith.index_cast %mul3A_936 : i32 to index
      %swap3A_938 = tpu.vector_load %arg6[%swap3A_937] {strides = array<i32>} : memref<10496xi32, #tpu.memory_space<vmem>>, vector<16xi32>,
      %swap3A_939 = vector.shape_cast %swap3A_938 : vector<16xi32> to vector<16xi32>
      %swap3A_940 = vector.shape_cast %add3A_934 : vector<16xi32> to vector<16xi32>
      tpu.vector_store %arg6[%swap3A_937], %swap3A_940 {strides = array<i32>} : memref<10496xi32, #tpu.memory_space<vmem>>, vector<16xi32>,
      %mul3A_941 = arith.constant 4 : i32
      %mul3A_942 = arith.muli %add3A_896, %mul3A_941 : i32
      %add3A_943 = arith.constant 3 : i32
      %add3A_944 = arith.addi %mul3A_942, %add3A_943 : i32
      %add3A_945 = arith.constant 393216 : i32
      %add3A_946 = vector.broadcast %add3A_945 : i32 to vector<16xi32>
      %add3A_947 = arith.addi %add3A_901, %add3A_946 : vector<16xi32>
      %mul3A_948 = arith.constant 16 : i32
      %mul3A_949 = arith.muli %add3A_944, %mul3A_948 : i32
      %swap3A_950 = arith.index_cast %mul3A_949 : i32 to index
      %swap3A_951 = tpu.vector_load %arg6[%swap3A_950] {strides = array<i32>} : memref<10496xi32, #tpu.memory_space<vmem>>, vector<16xi32>,
      %swap3A_952 = vector.shape_cast %swap3A_951 : vector<16xi32> to vector<16xi32>
      %swap3A_953 = vector.shape_cast %add3A_947 : vector<16xi32> to vector<16xi32>
      tpu.vector_store %arg6[%swap3A_950], %swap3A_953 {strides = array<i32>} : memref<10496xi32, #tpu.memory_space<vmem>>, vector<16xi32>,
      %mul3A_954 = arith.constant 16 : i32
      %mul3A_955 = arith.muli %scan3A_703, %mul3A_954 : i32
      %add3A_956 = arith.constant 4 : i32
      %add3A_957 = arith.addi %mul3A_955, %add3A_956 : i32
      %slice3A_958 = vector.extract_strided_slice %get3A_709 {offsets = [4], sizes = [1], strides = [1]} : vector<16xi32> to vector<1xi32>
      %squeeze3A_959 = vector.extract %slice3A_958[0] : i32 from vector<1xi32>
      %add3A_960 = arith.addi %mul3A_9, %squeeze3A_959 : i32
      %add3A_961 = vector.broadcast %add3A_960 : i32 to vector<16xi32>
      %add3A_962 = arith.addi %mul3A_3, %add3A_961 : vector<16xi32>
      %mul3A_963 = arith.constant 4 : i32
      %mul3A_964 = arith.muli %add3A_957, %mul3A_963 : i32
      %add3A_965 = arith.constant 0 : i32
      %add3A_966 = arith.addi %mul3A_964, %add3A_965 : i32
      %add3A_967 = arith.constant 0 : i32
      %add3A_968 = vector.broadcast %add3A_967 : i32 to vector<16xi32>
      %add3A_969 = arith.addi %add3A_962, %add3A_968 : vector<16xi32>
      %mul3A_970 = arith.constant 16 : i32
      %mul3A_971 = arith.muli %add3A_966, %mul3A_970 : i32
      %swap3A_972 = arith.index_cast %mul3A_971 : i32 to index
      %swap3A_973 = tpu.vector_load %arg6[%swap3A_972] {strides = array<i32>} : memref<10496xi32, #tpu.memory_space<vmem>>, vector<16xi32>,
      %swap3A_974 = vector.shape_cast %swap3A_973 : vector<16xi32> to vector<16xi32>
      %swap3A_975 = vector.shape_cast %add3A_969 : vector<16xi32> to vector<16xi32>
      tpu.vector_store %arg6[%swap3A_972], %swap3A_975 {strides = array<i32>} : memref<10496xi32, #tpu.memory_space<vmem>>, vector<16xi32>,
      %mul3A_976 = arith.constant 4 : i32
      %mul3A_977 = arith.muli %add3A_957, %mul3A_976 : i32
      %add3A_978 = arith.constant 1 : i32
      %add3A_979 = arith.addi %mul3A_977, %add3A_978 : i32
      %add3A_980 = arith.constant 131072 : i32
      %add3A_981 = vector.broadcast %add3A_980 : i32 to vector<16xi32>
      %add3A_982 = arith.addi %add3A_962, %add3A_981 : vector<16xi32>
      %mul3A_983 = arith.constant 16 : i32
      %mul3A_984 = arith.muli %add3A_979, %mul3A_983 : i32
      %swap3A_985 = arith.index_cast %mul3A_984 : i32 to index
      %swap3A_986 = tpu.vector_load %arg6[%swap3A_985] {strides = array<i32>} : memref<10496xi32, #tpu.memory_space<vmem>>, vector<16xi32>,
      %swap3A_987 = vector.shape_cast %swap3A_986 : vector<16xi32> to vector<16xi32>
      %swap3A_988 = vector.shape_cast %add3A_982 : vector<16xi32> to vector<16xi32>
      tpu.vector_store %arg6[%swap3A_985], %swap3A_988 {strides = array<i32>} : memref<10496xi32, #tpu.memory_space<vmem>>, vector<16xi32>,
      %mul3A_989 = arith.constant 4 : i32
      %mul3A_990 = arith.muli %add3A_957, %mul3A_989 : i32
      %add3A_991 = arith.constant 2 : i32
      %add3A_992 = arith.addi %mul3A_990, %add3A_991 : i32
      %add3A_993 = arith.constant 262144 : i32
      %add3A_994 = vector.broadcast %add3A_993 : i32 to vector<16xi32>
      %add3A_995 = arith.addi %add3A_962, %add3A_994 : vector<16xi32>
      %mul3A_996 = arith.constant 16 : i32
      %mul3A_997 = arith.muli %add3A_992, %mul3A_996 : i32
      %swap3A_998 = arith.index_cast %mul3A_997 : i32 to index
      %swap3A_999 = tpu.vector_load %arg6[%swap3A_998] {strides = array<i32>} : memref<10496xi32, #tpu.memory_space<vmem>>, vector<16xi32>,
      %swap3A_1000 = vector.shape_cast %swap3A_999 : vector<16xi32> to vector<16xi32>
      %swap3A_1001 = vector.shape_cast %add3A_995 : vector<16xi32> to vector<16xi32>
      tpu.vector_store %arg6[%swap3A_998], %swap3A_1001 {strides = array<i32>} : memref<10496xi32, #tpu.memory_space<vmem>>, vector<16xi32>,
      %mul3A_1002 = arith.constant 4 : i32
      %mul3A_1003 = arith.muli %add3A_957, %mul3A_1002 : i32
      %add3A_1004 = arith.constant 3 : i32
      %add3A_1005 = arith.addi %mul3A_1003, %add3A_1004 : i32
      %add3A_1006 = arith.constant 393216 : i32
      %add3A_1007 = vector.broadcast %add3A_1006 : i32 to vector<16xi32>
      %add3A_1008 = arith.addi %add3A_962, %add3A_1007 : vector<16xi32>
      %mul3A_1009 = arith.constant 16 : i32
      %mul3A_1010 = arith.muli %add3A_1005, %mul3A_1009 : i32
      %swap3A_1011 = arith.index_cast %mul3A_1010 : i32 to index
      %swap3A_1012 = tpu.vector_load %arg6[%swap3A_1011] {strides = array<i32>} : memref<10496xi32, #tpu.memory_space<vmem>>, vector<16xi32>,
      %swap3A_1013 = vector.shape_cast %swap3A_1012 : vector<16xi32> to vector<16xi32>
      %swap3A_1014 = vector.shape_cast %add3A_1008 : vector<16xi32> to vector<16xi32>
      tpu.vector_store %arg6[%swap3A_1011], %swap3A_1014 {strides = array<i32>} : memref<10496xi32, #tpu.memory_space<vmem>>, vector<16xi32>,
      %mul3A_1015 = arith.constant 16 : i32
      %mul3A_1016 = arith.muli %scan3A_703, %mul3A_1015 : i32
      %add3A_1017 = arith.constant 5 : i32
      %add3A_1018 = arith.addi %mul3A_1016, %add3A_1017 : i32
      %slice3A_1019 = vector.extract_strided_slice %get3A_709 {offsets = [5], sizes = [1], strides = [1]} : vector<16xi32> to vector<1xi32>
      %squeeze3A_1020 = vector.extract %slice3A_1019[0] : i32 from vector<1xi32>
      %add3A_1021 = arith.addi %mul3A_9, %squeeze3A_1020 : i32
      %add3A_1022 = vector.broadcast %add3A_1021 : i32 to vector<16xi32>
      %add3A_1023 = arith.addi %mul3A_3, %add3A_1022 : vector<16xi32>
      %mul3A_1024 = arith.constant 4 : i32
      %mul3A_1025 = arith.muli %add3A_1018, %mul3A_1024 : i32
      %add3A_1026 = arith.constant 0 : i32
      %add3A_1027 = arith.addi %mul3A_1025, %add3A_1026 : i32
      %add3A_1028 = arith.constant 0 : i32
      %add3A_1029 = vector.broadcast %add3A_1028 : i32 to vector<16xi32>
      %add3A_1030 = arith.addi %add3A_1023, %add3A_1029 : vector<16xi32>
      %mul3A_1031 = arith.constant 16 : i32
      %mul3A_1032 = arith.muli %add3A_1027, %mul3A_1031 : i32
      %swap3A_1033 = arith.index_cast %mul3A_1032 : i32 to index
      %swap3A_1034 = tpu.vector_load %arg6[%swap3A_1033] {strides = array<i32>} : memref<10496xi32, #tpu.memory_space<vmem>>, vector<16xi32>,
      %swap3A_1035 = vector.shape_cast %swap3A_1034 : vector<16xi32> to vector<16xi32>
      %swap3A_1036 = vector.shape_cast %add3A_1030 : vector<16xi32> to vector<16xi32>
      tpu.vector_store %arg6[%swap3A_1033], %swap3A_1036 {strides = array<i32>} : memref<10496xi32, #tpu.memory_space<vmem>>, vector<16xi32>,
      %mul3A_1037 = arith.constant 4 : i32
      %mul3A_1038 = arith.muli %add3A_1018, %mul3A_1037 : i32
      %add3A_1039 = arith.constant 1 : i32
      %add3A_1040 = arith.addi %mul3A_1038, %add3A_1039 : i32
      %add3A_1041 = arith.constant 131072 : i32
      %add3A_1042 = vector.broadcast %add3A_1041 : i32 to vector<16xi32>
      %add3A_1043 = arith.addi %add3A_1023, %add3A_1042 : vector<16xi32>
      %mul3A_1044 = arith.constant 16 : i32
      %mul3A_1045 = arith.muli %add3A_1040, %mul3A_1044 : i32
      %swap3A_1046 = arith.index_cast %mul3A_1045 : i32 to index
      %swap3A_1047 = tpu.vector_load %arg6[%swap3A_1046] {strides = array<i32>} : memref<10496xi32, #tpu.memory_space<vmem>>, vector<16xi32>,
      %swap3A_1048 = vector.shape_cast %swap3A_1047 : vector<16xi32> to vector<16xi32>
      %swap3A_1049 = vector.shape_cast %add3A_1043 : vector<16xi32> to vector<16xi32>
      tpu.vector_store %arg6[%swap3A_1046], %swap3A_1049 {strides = array<i32>} : memref<10496xi32, #tpu.memory_space<vmem>>, vector<16xi32>,
      %mul3A_1050 = arith.constant 4 : i32
      %mul3A_1051 = arith.muli %add3A_1018, %mul3A_1050 : i32
      %add3A_1052 = arith.constant 2 : i32
      %add3A_1053 = arith.addi %mul3A_1051, %add3A_1052 : i32
      %add3A_1054 = arith.constant 262144 : i32
      %add3A_1055 = vector.broadcast %add3A_1054 : i32 to vector<16xi32>
      %add3A_1056 = arith.addi %add3A_1023, %add3A_1055 : vector<16xi32>
      %mul3A_1057 = arith.constant 16 : i32
      %mul3A_1058 = arith.muli %add3A_1053, %mul3A_1057 : i32
      %swap3A_1059 = arith.index_cast %mul3A_1058 : i32 to index
      %swap3A_1060 = tpu.vector_load %arg6[%swap3A_1059] {strides = array<i32>} : memref<10496xi32, #tpu.memory_space<vmem>>, vector<16xi32>,
      %swap3A_1061 = vector.shape_cast %swap3A_1060 : vector<16xi32> to vector<16xi32>
      %swap3A_1062 = vector.shape_cast %add3A_1056 : vector<16xi32> to vector<16xi32>
      tpu.vector_store %arg6[%swap3A_1059], %swap3A_1062 {strides = array<i32>} : memref<10496xi32, #tpu.memory_space<vmem>>, vector<16xi32>,
      %mul3A_1063 = arith.constant 4 : i32
      %mul3A_1064 = arith.muli %add3A_1018, %mul3A_1063 : i32
      %add3A_1065 = arith.constant 3 : i32
      %add3A_1066 = arith.addi %mul3A_1064, %add3A_1065 : i32
      %add3A_1067 = arith.constant 393216 : i32
      %add3A_1068 = vector.broadcast %add3A_1067 : i32 to vector<16xi32>
      %add3A_1069 = arith.addi %add3A_1023, %add3A_1068 : vector<16xi32>
      %mul3A_1070 = arith.constant 16 : i32
      %mul3A_1071 = arith.muli %add3A_1066, %mul3A_1070 : i32
      %swap3A_1072 = arith.index_cast %mul3A_1071 : i32 to index
      %swap3A_1073 = tpu.vector_load %arg6[%swap3A_1072] {strides = array<i32>} : memref<10496xi32, #tpu.memory_space<vmem>>, vector<16xi32>,
      %swap3A_1074 = vector.shape_cast %swap3A_1073 : vector<16xi32> to vector<16xi32>
      %swap3A_1075 = vector.shape_cast %add3A_1069 : vector<16xi32> to vector<16xi32>
      tpu.vector_store %arg6[%swap3A_1072], %swap3A_1075 {strides = array<i32>} : memref<10496xi32, #tpu.memory_space<vmem>>, vector<16xi32>,
      %mul3A_1076 = arith.constant 16 : i32
      %mul3A_1077 = arith.muli %scan3A_703, %mul3A_1076 : i32
      %add3A_1078 = arith.constant 6 : i32
      %add3A_1079 = arith.addi %mul3A_1077, %add3A_1078 : i32
      %slice3A_1080 = vector.extract_strided_slice %get3A_709 {offsets = [6], sizes = [1], strides = [1]} : vector<16xi32> to vector<1xi32>
      %squeeze3A_1081 = vector.extract %slice3A_1080[0] : i32 from vector<1xi32>
      %add3A_1082 = arith.addi %mul3A_9, %squeeze3A_1081 : i32
      %add3A_1083 = vector.broadcast %add3A_1082 : i32 to vector<16xi32>
      %add3A_1084 = arith.addi %mul3A_3, %add3A_1083 : vector<16xi32>
      %mul3A_1085 = arith.constant 4 : i32
      %mul3A_1086 = arith.muli %add3A_1079, %mul3A_1085 : i32
      %add3A_1087 = arith.constant 0 : i32
      %add3A_1088 = arith.addi %mul3A_1086, %add3A_1087 : i32
      %add3A_1089 = arith.constant 0 : i32
      %add3A_1090 = vector.broadcast %add3A_1089 : i32 to vector<16xi32>
      %add3A_1091 = arith.addi %add3A_1084, %add3A_1090 : vector<16xi32>
      %mul3A_1092 = arith.constant 16 : i32
      %mul3A_1093 = arith.muli %add3A_1088, %mul3A_1092 : i32
      %swap3A_1094 = arith.index_cast %mul3A_1093 : i32 to index
      %swap3A_1095 = tpu.vector_load %arg6[%swap3A_1094] {strides = array<i32>} : memref<10496xi32, #tpu.memory_space<vmem>>, vector<16xi32>,
      %swap3A_1096 = vector.shape_cast %swap3A_1095 : vector<16xi32> to vector<16xi32>
      %swap3A_1097 = vector.shape_cast %add3A_1091 : vector<16xi32> to vector<16xi32>
      tpu.vector_store %arg6[%swap3A_1094], %swap3A_1097 {strides = array<i32>} : memref<10496xi32, #tpu.memory_space<vmem>>, vector<16xi32>,
      %mul3A_1098 = arith.constant 4 : i32
      %mul3A_1099 = arith.muli %add3A_1079, %mul3A_1098 : i32
      %add3A_1100 = arith.constant 1 : i32
      %add3A_1101 = arith.addi %mul3A_1099, %add3A_1100 : i32
      %add3A_1102 = arith.constant 131072 : i32
      %add3A_1103 = vector.broadcast %add3A_1102 : i32 to vector<16xi32>
      %add3A_1104 = arith.addi %add3A_1084, %add3A_1103 : vector<16xi32>
      %mul3A_1105 = arith.constant 16 : i32
      %mul3A_1106 = arith.muli %add3A_1101, %mul3A_1105 : i32
      %swap3A_1107 = arith.index_cast %mul3A_1106 : i32 to index
      %swap3A_1108 = tpu.vector_load %arg6[%swap3A_1107] {strides = array<i32>} : memref<10496xi32, #tpu.memory_space<vmem>>, vector<16xi32>,
      %swap3A_1109 = vector.shape_cast %swap3A_1108 : vector<16xi32> to vector<16xi32>
      %swap3A_1110 = vector.shape_cast %add3A_1104 : vector<16xi32> to vector<16xi32>
      tpu.vector_store %arg6[%swap3A_1107], %swap3A_1110 {strides = array<i32>} : memref<10496xi32, #tpu.memory_space<vmem>>, vector<16xi32>,
      %mul3A_1111 = arith.constant 4 : i32
      %mul3A_1112 = arith.muli %add3A_1079, %mul3A_1111 : i32
      %add3A_1113 = arith.constant 2 : i32
      %add3A_1114 = arith.addi %mul3A_1112, %add3A_1113 : i32
      %add3A_1115 = arith.constant 262144 : i32
      %add3A_1116 = vector.broadcast %add3A_1115 : i32 to vector<16xi32>
      %add3A_1117 = arith.addi %add3A_1084, %add3A_1116 : vector<16xi32>
      %mul3A_1118 = arith.constant 16 : i32
      %mul3A_1119 = arith.muli %add3A_1114, %mul3A_1118 : i32
      %swap3A_1120 = arith.index_cast %mul3A_1119 : i32 to index
      %swap3A_1121 = tpu.vector_load %arg6[%swap3A_1120] {strides = array<i32>} : memref<10496xi32, #tpu.memory_space<vmem>>, vector<16xi32>,
      %swap3A_1122 = vector.shape_cast %swap3A_1121 : vector<16xi32> to vector<16xi32>
      %swap3A_1123 = vector.shape_cast %add3A_1117 : vector<16xi32> to vector<16xi32>
      tpu.vector_store %arg6[%swap3A_1120], %swap3A_1123 {strides = array<i32>} : memref<10496xi32, #tpu.memory_space<vmem>>, vector<16xi32>,
      %mul3A_1124 = arith.constant 4 : i32
      %mul3A_1125 = arith.muli %add3A_1079, %mul3A_1124 : i32
      %add3A_1126 = arith.constant 3 : i32
      %add3A_1127 = arith.addi %mul3A_1125, %add3A_1126 : i32
      %add3A_1128 = arith.constant 393216 : i32
      %add3A_1129 = vector.broadcast %add3A_1128 : i32 to vector<16xi32>
      %add3A_1130 = arith.addi %add3A_1084, %add3A_1129 : vector<16xi32>
      %mul3A_1131 = arith.constant 16 : i32
      %mul3A_1132 = arith.muli %add3A_1127, %mul3A_1131 : i32
      %swap3A_1133 = arith.index_cast %mul3A_1132 : i32 to index
      %swap3A_1134 = tpu.vector_load %arg6[%swap3A_1133] {strides = array<i32>} : memref<10496xi32, #tpu.memory_space<vmem>>, vector<16xi32>,
      %swap3A_1135 = vector.shape_cast %swap3A_1134 : vector<16xi32> to vector<16xi32>
      %swap3A_1136 = vector.shape_cast %add3A_1130 : vector<16xi32> to vector<16xi32>
      tpu.vector_store %arg6[%swap3A_1133], %swap3A_1136 {strides = array<i32>} : memref<10496xi32, #tpu.memory_space<vmem>>, vector<16xi32>,
      %mul3A_1137 = arith.constant 16 : i32
      %mul3A_1138 = arith.muli %scan3A_703, %mul3A_1137 : i32
      %add3A_1139 = arith.constant 7 : i32
      %add3A_1140 = arith.addi %mul3A_1138, %add3A_1139 : i32
      %slice3A_1141 = vector.extract_strided_slice %get3A_709 {offsets = [7], sizes = [1], strides = [1]} : vector<16xi32> to vector<1xi32>
      %squeeze3A_1142 = vector.extract %slice3A_1141[0] : i32 from vector<1xi32>
      %add3A_1143 = arith.addi %mul3A_9, %squeeze3A_1142 : i32
      %add3A_1144 = vector.broadcast %add3A_1143 : i32 to vector<16xi32>
      %add3A_1145 = arith.addi %mul3A_3, %add3A_1144 : vector<16xi32>
      %mul3A_1146 = arith.constant 4 : i32
      %mul3A_1147 = arith.muli %add3A_1140, %mul3A_1146 : i32
      %add3A_1148 = arith.constant 0 : i32
      %add3A_1149 = arith.addi %mul3A_1147, %add3A_1148 : i32
      %add3A_1150 = arith.constant 0 : i32
      %add3A_1151 = vector.broadcast %add3A_1150 : i32 to vector<16xi32>
      %add3A_1152 = arith.addi %add3A_1145, %add3A_1151 : vector<16xi32>
      %mul3A_1153 = arith.constant 16 : i32
      %mul3A_1154 = arith.muli %add3A_1149, %mul3A_1153 : i32
      %swap3A_1155 = arith.index_cast %mul3A_1154 : i32 to index
      %swap3A_1156 = tpu.vector_load %arg6[%swap3A_1155] {strides = array<i32>} : memref<10496xi32, #tpu.memory_space<vmem>>, vector<16xi32>,
      %swap3A_1157 = vector.shape_cast %swap3A_1156 : vector<16xi32> to vector<16xi32>
      %swap3A_1158 = vector.shape_cast %add3A_1152 : vector<16xi32> to vector<16xi32>
      tpu.vector_store %arg6[%swap3A_1155], %swap3A_1158 {strides = array<i32>} : memref<10496xi32, #tpu.memory_space<vmem>>, vector<16xi32>,
      %mul3A_1159 = arith.constant 4 : i32
      %mul3A_1160 = arith.muli %add3A_1140, %mul3A_1159 : i32
      %add3A_1161 = arith.constant 1 : i32
      %add3A_1162 = arith.addi %mul3A_1160, %add3A_1161 : i32
      %add3A_1163 = arith.constant 131072 : i32
      %add3A_1164 = vector.broadcast %add3A_1163 : i32 to vector<16xi32>
      %add3A_1165 = arith.addi %add3A_1145, %add3A_1164 : vector<16xi32>
      %mul3A_1166 = arith.constant 16 : i32
      %mul3A_1167 = arith.muli %add3A_1162, %mul3A_1166 : i32
      %swap3A_1168 = arith.index_cast %mul3A_1167 : i32 to index
      %swap3A_1169 = tpu.vector_load %arg6[%swap3A_1168] {strides = array<i32>} : memref<10496xi32, #tpu.memory_space<vmem>>, vector<16xi32>,
      %swap3A_1170 = vector.shape_cast %swap3A_1169 : vector<16xi32> to vector<16xi32>
      %swap3A_1171 = vector.shape_cast %add3A_1165 : vector<16xi32> to vector<16xi32>
      tpu.vector_store %arg6[%swap3A_1168], %swap3A_1171 {strides = array<i32>} : memref<10496xi32, #tpu.memory_space<vmem>>, vector<16xi32>,
      %mul3A_1172 = arith.constant 4 : i32
      %mul3A_1173 = arith.muli %add3A_1140, %mul3A_1172 : i32
      %add3A_1174 = arith.constant 2 : i32
      %add3A_1175 = arith.addi %mul3A_1173, %add3A_1174 : i32
      %add3A_1176 = arith.constant 262144 : i32
      %add3A_1177 = vector.broadcast %add3A_1176 : i32 to vector<16xi32>
      %add3A_1178 = arith.addi %add3A_1145, %add3A_1177 : vector<16xi32>
      %mul3A_1179 = arith.constant 16 : i32
      %mul3A_1180 = arith.muli %add3A_1175, %mul3A_1179 : i32
      %swap3A_1181 = arith.index_cast %mul3A_1180 : i32 to index
      %swap3A_1182 = tpu.vector_load %arg6[%swap3A_1181] {strides = array<i32>} : memref<10496xi32, #tpu.memory_space<vmem>>, vector<16xi32>,
      %swap3A_1183 = vector.shape_cast %swap3A_1182 : vector<16xi32> to vector<16xi32>
      %swap3A_1184 = vector.shape_cast %add3A_1178 : vector<16xi32> to vector<16xi32>
      tpu.vector_store %arg6[%swap3A_1181], %swap3A_1184 {strides = array<i32>} : memref<10496xi32, #tpu.memory_space<vmem>>, vector<16xi32>,
      %mul3A_1185 = arith.constant 4 : i32
      %mul3A_1186 = arith.muli %add3A_1140, %mul3A_1185 : i32
      %add3A_1187 = arith.constant 3 : i32
      %add3A_1188 = arith.addi %mul3A_1186, %add3A_1187 : i32
      %add3A_1189 = arith.constant 393216 : i32
      %add3A_1190 = vector.broadcast %add3A_1189 : i32 to vector<16xi32>
      %add3A_1191 = arith.addi %add3A_1145, %add3A_1190 : vector<16xi32>
      %mul3A_1192 = arith.constant 16 : i32
      %mul3A_1193 = arith.muli %add3A_1188, %mul3A_1192 : i32
      %swap3A_1194 = arith.index_cast %mul3A_1193 : i32 to index
      %swap3A_1195 = tpu.vector_load %arg6[%swap3A_1194] {strides = array<i32>} : memref<10496xi32, #tpu.memory_space<vmem>>, vector<16xi32>,
      %swap3A_1196 = vector.shape_cast %swap3A_1195 : vector<16xi32> to vector<16xi32>
      %swap3A_1197 = vector.shape_cast %add3A_1191 : vector<16xi32> to vector<16xi32>
      tpu.vector_store %arg6[%swap3A_1194], %swap3A_1197 {strides = array<i32>} : memref<10496xi32, #tpu.memory_space<vmem>>, vector<16xi32>,
      %mul3A_1198 = arith.constant 16 : i32
      %mul3A_1199 = arith.muli %scan3A_703, %mul3A_1198 : i32
      %add3A_1200 = arith.constant 8 : i32
      %add3A_1201 = arith.addi %mul3A_1199, %add3A_1200 : i32
      %slice3A_1202 = vector.extract_strided_slice %get3A_709 {offsets = [8], sizes = [1], strides = [1]} : vector<16xi32> to vector<1xi32>
      %squeeze3A_1203 = vector.extract %slice3A_1202[0] : i32 from vector<1xi32>
      %add3A_1204 = arith.addi %mul3A_9, %squeeze3A_1203 : i32
      %add3A_1205 = vector.broadcast %add3A_1204 : i32 to vector<16xi32>
      %add3A_1206 = arith.addi %mul3A_3, %add3A_1205 : vector<16xi32>
      %mul3A_1207 = arith.constant 4 : i32
      %mul3A_1208 = arith.muli %add3A_1201, %mul3A_1207 : i32
      %add3A_1209 = arith.constant 0 : i32
      %add3A_1210 = arith.addi %mul3A_1208, %add3A_1209 : i32
      %add3A_1211 = arith.constant 0 : i32
      %add3A_1212 = vector.broadcast %add3A_1211 : i32 to vector<16xi32>
      %add3A_1213 = arith.addi %add3A_1206, %add3A_1212 : vector<16xi32>
      %mul3A_1214 = arith.constant 16 : i32
      %mul3A_1215 = arith.muli %add3A_1210, %mul3A_1214 : i32
      %swap3A_1216 = arith.index_cast %mul3A_1215 : i32 to index
      %swap3A_1217 = tpu.vector_load %arg6[%swap3A_1216] {strides = array<i32>} : memref<10496xi32, #tpu.memory_space<vmem>>, vector<16xi32>,
      %swap3A_1218 = vector.shape_cast %swap3A_1217 : vector<16xi32> to vector<16xi32>
      %swap3A_1219 = vector.shape_cast %add3A_1213 : vector<16xi32> to vector<16xi32>
      tpu.vector_store %arg6[%swap3A_1216], %swap3A_1219 {strides = array<i32>} : memref<10496xi32, #tpu.memory_space<vmem>>, vector<16xi32>,
      %mul3A_1220 = arith.constant 4 : i32
      %mul3A_1221 = arith.muli %add3A_1201, %mul3A_1220 : i32
      %add3A_1222 = arith.constant 1 : i32
      %add3A_1223 = arith.addi %mul3A_1221, %add3A_1222 : i32
      %add3A_1224 = arith.constant 131072 : i32
      %add3A_1225 = vector.broadcast %add3A_1224 : i32 to vector<16xi32>
      %add3A_1226 = arith.addi %add3A_1206, %add3A_1225 : vector<16xi32>
      %mul3A_1227 = arith.constant 16 : i32
      %mul3A_1228 = arith.muli %add3A_1223, %mul3A_1227 : i32
      %swap3A_1229 = arith.index_cast %mul3A_1228 : i32 to index
      %swap3A_1230 = tpu.vector_load %arg6[%swap3A_1229] {strides = array<i32>} : memref<10496xi32, #tpu.memory_space<vmem>>, vector<16xi32>,
      %swap3A_1231 = vector.shape_cast %swap3A_1230 : vector<16xi32> to vector<16xi32>
      %swap3A_1232 = vector.shape_cast %add3A_1226 : vector<16xi32> to vector<16xi32>
      tpu.vector_store %arg6[%swap3A_1229], %swap3A_1232 {strides = array<i32>} : memref<10496xi32, #tpu.memory_space<vmem>>, vector<16xi32>,
      %mul3A_1233 = arith.constant 4 : i32
      %mul3A_1234 = arith.muli %add3A_1201, %mul3A_1233 : i32
      %add3A_1235 = arith.constant 2 : i32
      %add3A_1236 = arith.addi %mul3A_1234, %add3A_1235 : i32
      %add3A_1237 = arith.constant 262144 : i32
      %add3A_1238 = vector.broadcast %add3A_1237 : i32 to vector<16xi32>
      %add3A_1239 = arith.addi %add3A_1206, %add3A_1238 : vector<16xi32>
      %mul3A_1240 = arith.constant 16 : i32
      %mul3A_1241 = arith.muli %add3A_1236, %mul3A_1240 : i32
      %swap3A_1242 = arith.index_cast %mul3A_1241 : i32 to index
      %swap3A_1243 = tpu.vector_load %arg6[%swap3A_1242] {strides = array<i32>} : memref<10496xi32, #tpu.memory_space<vmem>>, vector<16xi32>,
      %swap3A_1244 = vector.shape_cast %swap3A_1243 : vector<16xi32> to vector<16xi32>
      %swap3A_1245 = vector.shape_cast %add3A_1239 : vector<16xi32> to vector<16xi32>
      tpu.vector_store %arg6[%swap3A_1242], %swap3A_1245 {strides = array<i32>} : memref<10496xi32, #tpu.memory_space<vmem>>, vector<16xi32>,
      %mul3A_1246 = arith.constant 4 : i32
      %mul3A_1247 = arith.muli %add3A_1201, %mul3A_1246 : i32
      %add3A_1248 = arith.constant 3 : i32
      %add3A_1249 = arith.addi %mul3A_1247, %add3A_1248 : i32
      %add3A_1250 = arith.constant 393216 : i32
      %add3A_1251 = vector.broadcast %add3A_1250 : i32 to vector<16xi32>
      %add3A_1252 = arith.addi %add3A_1206, %add3A_1251 : vector<16xi32>
      %mul3A_1253 = arith.constant 16 : i32
      %mul3A_1254 = arith.muli %add3A_1249, %mul3A_1253 : i32
      %swap3A_1255 = arith.index_cast %mul3A_1254 : i32 to index
      %swap3A_1256 = tpu.vector_load %arg6[%swap3A_1255] {strides = array<i32>} : memref<10496xi32, #tpu.memory_space<vmem>>, vector<16xi32>,
      %swap3A_1257 = vector.shape_cast %swap3A_1256 : vector<16xi32> to vector<16xi32>
      %swap3A_1258 = vector.shape_cast %add3A_1252 : vector<16xi32> to vector<16xi32>
      tpu.vector_store %arg6[%swap3A_1255], %swap3A_1258 {strides = array<i32>} : memref<10496xi32, #tpu.memory_space<vmem>>, vector<16xi32>,
      %mul3A_1259 = arith.constant 16 : i32
      %mul3A_1260 = arith.muli %scan3A_703, %mul3A_1259 : i32
      %add3A_1261 = arith.constant 9 : i32
      %add3A_1262 = arith.addi %mul3A_1260, %add3A_1261 : i32
      %slice3A_1263 = vector.extract_strided_slice %get3A_709 {offsets = [9], sizes = [1], strides = [1]} : vector<16xi32> to vector<1xi32>
      %squeeze3A_1264 = vector.extract %slice3A_1263[0] : i32 from vector<1xi32>
      %add3A_1265 = arith.addi %mul3A_9, %squeeze3A_1264 : i32
      %add3A_1266 = vector.broadcast %add3A_1265 : i32 to vector<16xi32>
      %add3A_1267 = arith.addi %mul3A_3, %add3A_1266 : vector<16xi32>
      %mul3A_1268 = arith.constant 4 : i32
      %mul3A_1269 = arith.muli %add3A_1262, %mul3A_1268 : i32
      %add3A_1270 = arith.constant 0 : i32
      %add3A_1271 = arith.addi %mul3A_1269, %add3A_1270 : i32
      %add3A_1272 = arith.constant 0 : i32
      %add3A_1273 = vector.broadcast %add3A_1272 : i32 to vector<16xi32>
      %add3A_1274 = arith.addi %add3A_1267, %add3A_1273 : vector<16xi32>
      %mul3A_1275 = arith.constant 16 : i32
      %mul3A_1276 = arith.muli %add3A_1271, %mul3A_1275 : i32
      %swap3A_1277 = arith.index_cast %mul3A_1276 : i32 to index
      %swap3A_1278 = tpu.vector_load %arg6[%swap3A_1277] {strides = array<i32>} : memref<10496xi32, #tpu.memory_space<vmem>>, vector<16xi32>,
      %swap3A_1279 = vector.shape_cast %swap3A_1278 : vector<16xi32> to vector<16xi32>
      %swap3A_1280 = vector.shape_cast %add3A_1274 : vector<16xi32> to vector<16xi32>
      tpu.vector_store %arg6[%swap3A_1277], %swap3A_1280 {strides = array<i32>} : memref<10496xi32, #tpu.memory_space<vmem>>, vector<16xi32>,
      %mul3A_1281 = arith.constant 4 : i32
      %mul3A_1282 = arith.muli %add3A_1262, %mul3A_1281 : i32
      %add3A_1283 = arith.constant 1 : i32
      %add3A_1284 = arith.addi %mul3A_1282, %add3A_1283 : i32
      %add3A_1285 = arith.constant 131072 : i32
      %add3A_1286 = vector.broadcast %add3A_1285 : i32 to vector<16xi32>
      %add3A_1287 = arith.addi %add3A_1267, %add3A_1286 : vector<16xi32>
      %mul3A_1288 = arith.constant 16 : i32
      %mul3A_1289 = arith.muli %add3A_1284, %mul3A_1288 : i32
      %swap3A_1290 = arith.index_cast %mul3A_1289 : i32 to index
      %swap3A_1291 = tpu.vector_load %arg6[%swap3A_1290] {strides = array<i32>} : memref<10496xi32, #tpu.memory_space<vmem>>, vector<16xi32>,
      %swap3A_1292 = vector.shape_cast %swap3A_1291 : vector<16xi32> to vector<16xi32>
      %swap3A_1293 = vector.shape_cast %add3A_1287 : vector<16xi32> to vector<16xi32>
      tpu.vector_store %arg6[%swap3A_1290], %swap3A_1293 {strides = array<i32>} : memref<10496xi32, #tpu.memory_space<vmem>>, vector<16xi32>,
      %mul3A_1294 = arith.constant 4 : i32
      %mul3A_1295 = arith.muli %add3A_1262, %mul3A_1294 : i32
      %add3A_1296 = arith.constant 2 : i32
      %add3A_1297 = arith.addi %mul3A_1295, %add3A_1296 : i32
      %add3A_1298 = arith.constant 262144 : i32
      %add3A_1299 = vector.broadcast %add3A_1298 : i32 to vector<16xi32>
      %add3A_1300 = arith.addi %add3A_1267, %add3A_1299 : vector<16xi32>
      %mul3A_1301 = arith.constant 16 : i32
      %mul3A_1302 = arith.muli %add3A_1297, %mul3A_1301 : i32
      %swap3A_1303 = arith.index_cast %mul3A_1302 : i32 to index
      %swap3A_1304 = tpu.vector_load %arg6[%swap3A_1303] {strides = array<i32>} : memref<10496xi32, #tpu.memory_space<vmem>>, vector<16xi32>,
      %swap3A_1305 = vector.shape_cast %swap3A_1304 : vector<16xi32> to vector<16xi32>
      %swap3A_1306 = vector.shape_cast %add3A_1300 : vector<16xi32> to vector<16xi32>
      tpu.vector_store %arg6[%swap3A_1303], %swap3A_1306 {strides = array<i32>} : memref<10496xi32, #tpu.memory_space<vmem>>, vector<16xi32>,
      %mul3A_1307 = arith.constant 4 : i32
      %mul3A_1308 = arith.muli %add3A_1262, %mul3A_1307 : i32
      %add3A_1309 = arith.constant 3 : i32
      %add3A_1310 = arith.addi %mul3A_1308, %add3A_1309 : i32
      %add3A_1311 = arith.constant 393216 : i32
      %add3A_1312 = vector.broadcast %add3A_1311 : i32 to vector<16xi32>
      %add3A_1313 = arith.addi %add3A_1267, %add3A_1312 : vector<16xi32>
      %mul3A_1314 = arith.constant 16 : i32
      %mul3A_1315 = arith.muli %add3A_1310, %mul3A_1314 : i32
      %swap3A_1316 = arith.index_cast %mul3A_1315 : i32 to index
      %swap3A_1317 = tpu.vector_load %arg6[%swap3A_1316] {strides = array<i32>} : memref<10496xi32, #tpu.memory_space<vmem>>, vector<16xi32>,
      %swap3A_1318 = vector.shape_cast %swap3A_1317 : vector<16xi32> to vector<16xi32>
      %swap3A_1319 = vector.shape_cast %add3A_1313 : vector<16xi32> to vector<16xi32>
      tpu.vector_store %arg6[%swap3A_1316], %swap3A_1319 {strides = array<i32>} : memref<10496xi32, #tpu.memory_space<vmem>>, vector<16xi32>,
      %mul3A_1320 = arith.constant 16 : i32
      %mul3A_1321 = arith.muli %scan3A_703, %mul3A_1320 : i32
      %add3A_1322 = arith.constant 10 : i32
      %add3A_1323 = arith.addi %mul3A_1321, %add3A_1322 : i32
      %slice3A_1324 = vector.extract_strided_slice %get3A_709 {offsets = [10], sizes = [1], strides = [1]} : vector<16xi32> to vector<1xi32>
      %squeeze3A_1325 = vector.extract %slice3A_1324[0] : i32 from vector<1xi32>
      %add3A_1326 = arith.addi %mul3A_9, %squeeze3A_1325 : i32
      %add3A_1327 = vector.broadcast %add3A_1326 : i32 to vector<16xi32>
      %add3A_1328 = arith.addi %mul3A_3, %add3A_1327 : vector<16xi32>
      %mul3A_1329 = arith.constant 4 : i32
      %mul3A_1330 = arith.muli %add3A_1323, %mul3A_1329 : i32
      %add3A_1331 = arith.constant 0 : i32
      %add3A_1332 = arith.addi %mul3A_1330, %add3A_1331 : i32
      %add3A_1333 = arith.constant 0 : i32
      %add3A_1334 = vector.broadcast %add3A_1333 : i32 to vector<16xi32>
      %add3A_1335 = arith.addi %add3A_1328, %add3A_1334 : vector<16xi32>
      %mul3A_1336 = arith.constant 16 : i32
      %mul3A_1337 = arith.muli %add3A_1332, %mul3A_1336 : i32
      %swap3A_1338 = arith.index_cast %mul3A_1337 : i32 to index
      %swap3A_1339 = tpu.vector_load %arg6[%swap3A_1338] {strides = array<i32>} : memref<10496xi32, #tpu.memory_space<vmem>>, vector<16xi32>,
      %swap3A_1340 = vector.shape_cast %swap3A_1339 : vector<16xi32> to vector<16xi32>
      %swap3A_1341 = vector.shape_cast %add3A_1335 : vector<16xi32> to vector<16xi32>
      tpu.vector_store %arg6[%swap3A_1338], %swap3A_1341 {strides = array<i32>} : memref<10496xi32, #tpu.memory_space<vmem>>, vector<16xi32>,
      %mul3A_1342 = arith.constant 4 : i32
      %mul3A_1343 = arith.muli %add3A_1323, %mul3A_1342 : i32
      %add3A_1344 = arith.constant 1 : i32
      %add3A_1345 = arith.addi %mul3A_1343, %add3A_1344 : i32
      %add3A_1346 = arith.constant 131072 : i32
      %add3A_1347 = vector.broadcast %add3A_1346 : i32 to vector<16xi32>
      %add3A_1348 = arith.addi %add3A_1328, %add3A_1347 : vector<16xi32>
      %mul3A_1349 = arith.constant 16 : i32
      %mul3A_1350 = arith.muli %add3A_1345, %mul3A_1349 : i32
      %swap3A_1351 = arith.index_cast %mul3A_1350 : i32 to index
      %swap3A_1352 = tpu.vector_load %arg6[%swap3A_1351] {strides = array<i32>} : memref<10496xi32, #tpu.memory_space<vmem>>, vector<16xi32>,
      %swap3A_1353 = vector.shape_cast %swap3A_1352 : vector<16xi32> to vector<16xi32>
      %swap3A_1354 = vector.shape_cast %add3A_1348 : vector<16xi32> to vector<16xi32>
      tpu.vector_store %arg6[%swap3A_1351], %swap3A_1354 {strides = array<i32>} : memref<10496xi32, #tpu.memory_space<vmem>>, vector<16xi32>,
      %mul3A_1355 = arith.constant 4 : i32
      %mul3A_1356 = arith.muli %add3A_1323, %mul3A_1355 : i32
      %add3A_1357 = arith.constant 2 : i32
      %add3A_1358 = arith.addi %mul3A_1356, %add3A_1357 : i32
      %add3A_1359 = arith.constant 262144 : i32
      %add3A_1360 = vector.broadcast %add3A_1359 : i32 to vector<16xi32>
      %add3A_1361 = arith.addi %add3A_1328, %add3A_1360 : vector<16xi32>
      %mul3A_1362 = arith.constant 16 : i32
      %mul3A_1363 = arith.muli %add3A_1358, %mul3A_1362 : i32
      %swap3A_1364 = arith.index_cast %mul3A_1363 : i32 to index
      %swap3A_1365 = tpu.vector_load %arg6[%swap3A_1364] {strides = array<i32>} : memref<10496xi32, #tpu.memory_space<vmem>>, vector<16xi32>,
      %swap3A_1366 = vector.shape_cast %swap3A_1365 : vector<16xi32> to vector<16xi32>
      %swap3A_1367 = vector.shape_cast %add3A_1361 : vector<16xi32> to vector<16xi32>
      tpu.vector_store %arg6[%swap3A_1364], %swap3A_1367 {strides = array<i32>} : memref<10496xi32, #tpu.memory_space<vmem>>, vector<16xi32>,
      %mul3A_1368 = arith.constant 4 : i32
      %mul3A_1369 = arith.muli %add3A_1323, %mul3A_1368 : i32
      %add3A_1370 = arith.constant 3 : i32
      %add3A_1371 = arith.addi %mul3A_1369, %add3A_1370 : i32
      %add3A_1372 = arith.constant 393216 : i32
      %add3A_1373 = vector.broadcast %add3A_1372 : i32 to vector<16xi32>
      %add3A_1374 = arith.addi %add3A_1328, %add3A_1373 : vector<16xi32>
      %mul3A_1375 = arith.constant 16 : i32
      %mul3A_1376 = arith.muli %add3A_1371, %mul3A_1375 : i32
      %swap3A_1377 = arith.index_cast %mul3A_1376 : i32 to index
      %swap3A_1378 = tpu.vector_load %arg6[%swap3A_1377] {strides = array<i32>} : memref<10496xi32, #tpu.memory_space<vmem>>, vector<16xi32>,
      %swap3A_1379 = vector.shape_cast %swap3A_1378 : vector<16xi32> to vector<16xi32>
      %swap3A_1380 = vector.shape_cast %add3A_1374 : vector<16xi32> to vector<16xi32>
      tpu.vector_store %arg6[%swap3A_1377], %swap3A_1380 {strides = array<i32>} : memref<10496xi32, #tpu.memory_space<vmem>>, vector<16xi32>,
      %mul3A_1381 = arith.constant 16 : i32
      %mul3A_1382 = arith.muli %scan3A_703, %mul3A_1381 : i32
      %add3A_1383 = arith.constant 11 : i32
      %add3A_1384 = arith.addi %mul3A_1382, %add3A_1383 : i32
      %slice3A_1385 = vector.extract_strided_slice %get3A_709 {offsets = [11], sizes = [1], strides = [1]} : vector<16xi32> to vector<1xi32>
      %squeeze3A_1386 = vector.extract %slice3A_1385[0] : i32 from vector<1xi32>
      %add3A_1387 = arith.addi %mul3A_9, %squeeze3A_1386 : i32
      %add3A_1388 = vector.broadcast %add3A_1387 : i32 to vector<16xi32>
      %add3A_1389 = arith.addi %mul3A_3, %add3A_1388 : vector<16xi32>
      %mul3A_1390 = arith.constant 4 : i32
      %mul3A_1391 = arith.muli %add3A_1384, %mul3A_1390 : i32
      %add3A_1392 = arith.constant 0 : i32
      %add3A_1393 = arith.addi %mul3A_1391, %add3A_1392 : i32
      %add3A_1394 = arith.constant 0 : i32
      %add3A_1395 = vector.broadcast %add3A_1394 : i32 to vector<16xi32>
      %add3A_1396 = arith.addi %add3A_1389, %add3A_1395 : vector<16xi32>
      %mul3A_1397 = arith.constant 16 : i32
      %mul3A_1398 = arith.muli %add3A_1393, %mul3A_1397 : i32
      %swap3A_1399 = arith.index_cast %mul3A_1398 : i32 to index
      %swap3A_1400 = tpu.vector_load %arg6[%swap3A_1399] {strides = array<i32>} : memref<10496xi32, #tpu.memory_space<vmem>>, vector<16xi32>,
      %swap3A_1401 = vector.shape_cast %swap3A_1400 : vector<16xi32> to vector<16xi32>
      %swap3A_1402 = vector.shape_cast %add3A_1396 : vector<16xi32> to vector<16xi32>
      tpu.vector_store %arg6[%swap3A_1399], %swap3A_1402 {strides = array<i32>} : memref<10496xi32, #tpu.memory_space<vmem>>, vector<16xi32>,
      %mul3A_1403 = arith.constant 4 : i32
      %mul3A_1404 = arith.muli %add3A_1384, %mul3A_1403 : i32
      %add3A_1405 = arith.constant 1 : i32
      %add3A_1406 = arith.addi %mul3A_1404, %add3A_1405 : i32
      %add3A_1407 = arith.constant 131072 : i32
      %add3A_1408 = vector.broadcast %add3A_1407 : i32 to vector<16xi32>
      %add3A_1409 = arith.addi %add3A_1389, %add3A_1408 : vector<16xi32>
      %mul3A_1410 = arith.constant 16 : i32
      %mul3A_1411 = arith.muli %add3A_1406, %mul3A_1410 : i32
      %swap3A_1412 = arith.index_cast %mul3A_1411 : i32 to index
      %swap3A_1413 = tpu.vector_load %arg6[%swap3A_1412] {strides = array<i32>} : memref<10496xi32, #tpu.memory_space<vmem>>, vector<16xi32>,
      %swap3A_1414 = vector.shape_cast %swap3A_1413 : vector<16xi32> to vector<16xi32>
      %swap3A_1415 = vector.shape_cast %add3A_1409 : vector<16xi32> to vector<16xi32>
      tpu.vector_store %arg6[%swap3A_1412], %swap3A_1415 {strides = array<i32>} : memref<10496xi32, #tpu.memory_space<vmem>>, vector<16xi32>,
      %mul3A_1416 = arith.constant 4 : i32
      %mul3A_1417 = arith.muli %add3A_1384, %mul3A_1416 : i32
      %add3A_1418 = arith.constant 2 : i32
      %add3A_1419 = arith.addi %mul3A_1417, %add3A_1418 : i32
      %add3A_1420 = arith.constant 262144 : i32
      %add3A_1421 = vector.broadcast %add3A_1420 : i32 to vector<16xi32>
      %add3A_1422 = arith.addi %add3A_1389, %add3A_1421 : vector<16xi32>
      %mul3A_1423 = arith.constant 16 : i32
      %mul3A_1424 = arith.muli %add3A_1419, %mul3A_1423 : i32
      %swap3A_1425 = arith.index_cast %mul3A_1424 : i32 to index
      %swap3A_1426 = tpu.vector_load %arg6[%swap3A_1425] {strides = array<i32>} : memref<10496xi32, #tpu.memory_space<vmem>>, vector<16xi32>,
      %swap3A_1427 = vector.shape_cast %swap3A_1426 : vector<16xi32> to vector<16xi32>
      %swap3A_1428 = vector.shape_cast %add3A_1422 : vector<16xi32> to vector<16xi32>
      tpu.vector_store %arg6[%swap3A_1425], %swap3A_1428 {strides = array<i32>} : memref<10496xi32, #tpu.memory_space<vmem>>, vector<16xi32>,
      %mul3A_1429 = arith.constant 4 : i32
      %mul3A_1430 = arith.muli %add3A_1384, %mul3A_1429 : i32
      %add3A_1431 = arith.constant 3 : i32
      %add3A_1432 = arith.addi %mul3A_1430, %add3A_1431 : i32
      %add3A_1433 = arith.constant 393216 : i32
      %add3A_1434 = vector.broadcast %add3A_1433 : i32 to vector<16xi32>
      %add3A_1435 = arith.addi %add3A_1389, %add3A_1434 : vector<16xi32>
      %mul3A_1436 = arith.constant 16 : i32
      %mul3A_1437 = arith.muli %add3A_1432, %mul3A_1436 : i32
      %swap3A_1438 = arith.index_cast %mul3A_1437 : i32 to index
      %swap3A_1439 = tpu.vector_load %arg6[%swap3A_1438] {strides = array<i32>} : memref<10496xi32, #tpu.memory_space<vmem>>, vector<16xi32>,
      %swap3A_1440 = vector.shape_cast %swap3A_1439 : vector<16xi32> to vector<16xi32>
      %swap3A_1441 = vector.shape_cast %add3A_1435 : vector<16xi32> to vector<16xi32>
      tpu.vector_store %arg6[%swap3A_1438], %swap3A_1441 {strides = array<i32>} : memref<10496xi32, #tpu.memory_space<vmem>>, vector<16xi32>,
      %mul3A_1442 = arith.constant 16 : i32
      %mul3A_1443 = arith.muli %scan3A_703, %mul3A_1442 : i32
      %add3A_1444 = arith.constant 12 : i32
      %add3A_1445 = arith.addi %mul3A_1443, %add3A_1444 : i32
      %slice3A_1446 = vector.extract_strided_slice %get3A_709 {offsets = [12], sizes = [1], strides = [1]} : vector<16xi32> to vector<1xi32>
      %squeeze3A_1447 = vector.extract %slice3A_1446[0] : i32 from vector<1xi32>
      %add3A_1448 = arith.addi %mul3A_9, %squeeze3A_1447 : i32
      %add3A_1449 = vector.broadcast %add3A_1448 : i32 to vector<16xi32>
      %add3A_1450 = arith.addi %mul3A_3, %add3A_1449 : vector<16xi32>
      %mul3A_1451 = arith.constant 4 : i32
      %mul3A_1452 = arith.muli %add3A_1445, %mul3A_1451 : i32
      %add3A_1453 = arith.constant 0 : i32
      %add3A_1454 = arith.addi %mul3A_1452, %add3A_1453 : i32
      %add3A_1455 = arith.constant 0 : i32
      %add3A_1456 = vector.broadcast %add3A_1455 : i32 to vector<16xi32>
      %add3A_1457 = arith.addi %add3A_1450, %add3A_1456 : vector<16xi32>
      %mul3A_1458 = arith.constant 16 : i32
      %mul3A_1459 = arith.muli %add3A_1454, %mul3A_1458 : i32
      %swap3A_1460 = arith.index_cast %mul3A_1459 : i32 to index
      %swap3A_1461 = tpu.vector_load %arg6[%swap3A_1460] {strides = array<i32>} : memref<10496xi32, #tpu.memory_space<vmem>>, vector<16xi32>,
      %swap3A_1462 = vector.shape_cast %swap3A_1461 : vector<16xi32> to vector<16xi32>
      %swap3A_1463 = vector.shape_cast %add3A_1457 : vector<16xi32> to vector<16xi32>
      tpu.vector_store %arg6[%swap3A_1460], %swap3A_1463 {strides = array<i32>} : memref<10496xi32, #tpu.memory_space<vmem>>, vector<16xi32>,
      %mul3A_1464 = arith.constant 4 : i32
      %mul3A_1465 = arith.muli %add3A_1445, %mul3A_1464 : i32
      %add3A_1466 = arith.constant 1 : i32
      %add3A_1467 = arith.addi %mul3A_1465, %add3A_1466 : i32
      %add3A_1468 = arith.constant 131072 : i32
      %add3A_1469 = vector.broadcast %add3A_1468 : i32 to vector<16xi32>
      %add3A_1470 = arith.addi %add3A_1450, %add3A_1469 : vector<16xi32>
      %mul3A_1471 = arith.constant 16 : i32
      %mul3A_1472 = arith.muli %add3A_1467, %mul3A_1471 : i32
      %swap3A_1473 = arith.index_cast %mul3A_1472 : i32 to index
      %swap3A_1474 = tpu.vector_load %arg6[%swap3A_1473] {strides = array<i32>} : memref<10496xi32, #tpu.memory_space<vmem>>, vector<16xi32>,
      %swap3A_1475 = vector.shape_cast %swap3A_1474 : vector<16xi32> to vector<16xi32>
      %swap3A_1476 = vector.shape_cast %add3A_1470 : vector<16xi32> to vector<16xi32>
      tpu.vector_store %arg6[%swap3A_1473], %swap3A_1476 {strides = array<i32>} : memref<10496xi32, #tpu.memory_space<vmem>>, vector<16xi32>,
      %mul3A_1477 = arith.constant 4 : i32
      %mul3A_1478 = arith.muli %add3A_1445, %mul3A_1477 : i32
      %add3A_1479 = arith.constant 2 : i32
      %add3A_1480 = arith.addi %mul3A_1478, %add3A_1479 : i32
      %add3A_1481 = arith.constant 262144 : i32
      %add3A_1482 = vector.broadcast %add3A_1481 : i32 to vector<16xi32>
      %add3A_1483 = arith.addi %add3A_1450, %add3A_1482 : vector<16xi32>
      %mul3A_1484 = arith.constant 16 : i32
      %mul3A_1485 = arith.muli %add3A_1480, %mul3A_1484 : i32
      %swap3A_1486 = arith.index_cast %mul3A_1485 : i32 to index
      %swap3A_1487 = tpu.vector_load %arg6[%swap3A_1486] {strides = array<i32>} : memref<10496xi32, #tpu.memory_space<vmem>>, vector<16xi32>,
      %swap3A_1488 = vector.shape_cast %swap3A_1487 : vector<16xi32> to vector<16xi32>
      %swap3A_1489 = vector.shape_cast %add3A_1483 : vector<16xi32> to vector<16xi32>
      tpu.vector_store %arg6[%swap3A_1486], %swap3A_1489 {strides = array<i32>} : memref<10496xi32, #tpu.memory_space<vmem>>, vector<16xi32>,
      %mul3A_1490 = arith.constant 4 : i32
      %mul3A_1491 = arith.muli %add3A_1445, %mul3A_1490 : i32
      %add3A_1492 = arith.constant 3 : i32
      %add3A_1493 = arith.addi %mul3A_1491, %add3A_1492 : i32
      %add3A_1494 = arith.constant 393216 : i32
      %add3A_1495 = vector.broadcast %add3A_1494 : i32 to vector<16xi32>
      %add3A_1496 = arith.addi %add3A_1450, %add3A_1495 : vector<16xi32>
      %mul3A_1497 = arith.constant 16 : i32
      %mul3A_1498 = arith.muli %add3A_1493, %mul3A_1497 : i32
      %swap3A_1499 = arith.index_cast %mul3A_1498 : i32 to index
      %swap3A_1500 = tpu.vector_load %arg6[%swap3A_1499] {strides = array<i32>} : memref<10496xi32, #tpu.memory_space<vmem>>, vector<16xi32>,
      %swap3A_1501 = vector.shape_cast %swap3A_1500 : vector<16xi32> to vector<16xi32>
      %swap3A_1502 = vector.shape_cast %add3A_1496 : vector<16xi32> to vector<16xi32>
      tpu.vector_store %arg6[%swap3A_1499], %swap3A_1502 {strides = array<i32>} : memref<10496xi32, #tpu.memory_space<vmem>>, vector<16xi32>,
      %mul3A_1503 = arith.constant 16 : i32
      %mul3A_1504 = arith.muli %scan3A_703, %mul3A_1503 : i32
      %add3A_1505 = arith.constant 13 : i32
      %add3A_1506 = arith.addi %mul3A_1504, %add3A_1505 : i32
      %slice3A_1507 = vector.extract_strided_slice %get3A_709 {offsets = [13], sizes = [1], strides = [1]} : vector<16xi32> to vector<1xi32>
      %squeeze3A_1508 = vector.extract %slice3A_1507[0] : i32 from vector<1xi32>
      %add3A_1509 = arith.addi %mul3A_9, %squeeze3A_1508 : i32
      %add3A_1510 = vector.broadcast %add3A_1509 : i32 to vector<16xi32>
      %add3A_1511 = arith.addi %mul3A_3, %add3A_1510 : vector<16xi32>
      %mul3A_1512 = arith.constant 4 : i32
      %mul3A_1513 = arith.muli %add3A_1506, %mul3A_1512 : i32
      %add3A_1514 = arith.constant 0 : i32
      %add3A_1515 = arith.addi %mul3A_1513, %add3A_1514 : i32
      %add3A_1516 = arith.constant 0 : i32
      %add3A_1517 = vector.broadcast %add3A_1516 : i32 to vector<16xi32>
      %add3A_1518 = arith.addi %add3A_1511, %add3A_1517 : vector<16xi32>
      %mul3A_1519 = arith.constant 16 : i32
      %mul3A_1520 = arith.muli %add3A_1515, %mul3A_1519 : i32
      %swap3A_1521 = arith.index_cast %mul3A_1520 : i32 to index
      %swap3A_1522 = tpu.vector_load %arg6[%swap3A_1521] {strides = array<i32>} : memref<10496xi32, #tpu.memory_space<vmem>>, vector<16xi32>,
      %swap3A_1523 = vector.shape_cast %swap3A_1522 : vector<16xi32> to vector<16xi32>
      %swap3A_1524 = vector.shape_cast %add3A_1518 : vector<16xi32> to vector<16xi32>
      tpu.vector_store %arg6[%swap3A_1521], %swap3A_1524 {strides = array<i32>} : memref<10496xi32, #tpu.memory_space<vmem>>, vector<16xi32>,
      %mul3A_1525 = arith.constant 4 : i32
      %mul3A_1526 = arith.muli %add3A_1506, %mul3A_1525 : i32
      %add3A_1527 = arith.constant 1 : i32
      %add3A_1528 = arith.addi %mul3A_1526, %add3A_1527 : i32
      %add3A_1529 = arith.constant 131072 : i32
      %add3A_1530 = vector.broadcast %add3A_1529 : i32 to vector<16xi32>
      %add3A_1531 = arith.addi %add3A_1511, %add3A_1530 : vector<16xi32>
      %mul3A_1532 = arith.constant 16 : i32
      %mul3A_1533 = arith.muli %add3A_1528, %mul3A_1532 : i32
      %swap3A_1534 = arith.index_cast %mul3A_1533 : i32 to index
      %swap3A_1535 = tpu.vector_load %arg6[%swap3A_1534] {strides = array<i32>} : memref<10496xi32, #tpu.memory_space<vmem>>, vector<16xi32>,
      %swap3A_1536 = vector.shape_cast %swap3A_1535 : vector<16xi32> to vector<16xi32>
      %swap3A_1537 = vector.shape_cast %add3A_1531 : vector<16xi32> to vector<16xi32>
      tpu.vector_store %arg6[%swap3A_1534], %swap3A_1537 {strides = array<i32>} : memref<10496xi32, #tpu.memory_space<vmem>>, vector<16xi32>,
      %mul3A_1538 = arith.constant 4 : i32
      %mul3A_1539 = arith.muli %add3A_1506, %mul3A_1538 : i32
      %add3A_1540 = arith.constant 2 : i32
      %add3A_1541 = arith.addi %mul3A_1539, %add3A_1540 : i32
      %add3A_1542 = arith.constant 262144 : i32
      %add3A_1543 = vector.broadcast %add3A_1542 : i32 to vector<16xi32>
      %add3A_1544 = arith.addi %add3A_1511, %add3A_1543 : vector<16xi32>
      %mul3A_1545 = arith.constant 16 : i32
      %mul3A_1546 = arith.muli %add3A_1541, %mul3A_1545 : i32
      %swap3A_1547 = arith.index_cast %mul3A_1546 : i32 to index
      %swap3A_1548 = tpu.vector_load %arg6[%swap3A_1547] {strides = array<i32>} : memref<10496xi32, #tpu.memory_space<vmem>>, vector<16xi32>,
      %swap3A_1549 = vector.shape_cast %swap3A_1548 : vector<16xi32> to vector<16xi32>
      %swap3A_1550 = vector.shape_cast %add3A_1544 : vector<16xi32> to vector<16xi32>
      tpu.vector_store %arg6[%swap3A_1547], %swap3A_1550 {strides = array<i32>} : memref<10496xi32, #tpu.memory_space<vmem>>, vector<16xi32>,
      %mul3A_1551 = arith.constant 4 : i32
      %mul3A_1552 = arith.muli %add3A_1506, %mul3A_1551 : i32
      %add3A_1553 = arith.constant 3 : i32
      %add3A_1554 = arith.addi %mul3A_1552, %add3A_1553 : i32
      %add3A_1555 = arith.constant 393216 : i32
      %add3A_1556 = vector.broadcast %add3A_1555 : i32 to vector<16xi32>
      %add3A_1557 = arith.addi %add3A_1511, %add3A_1556 : vector<16xi32>
      %mul3A_1558 = arith.constant 16 : i32
      %mul3A_1559 = arith.muli %add3A_1554, %mul3A_1558 : i32
      %swap3A_1560 = arith.index_cast %mul3A_1559 : i32 to index
      %swap3A_1561 = tpu.vector_load %arg6[%swap3A_1560] {strides = array<i32>} : memref<10496xi32, #tpu.memory_space<vmem>>, vector<16xi32>,
      %swap3A_1562 = vector.shape_cast %swap3A_1561 : vector<16xi32> to vector<16xi32>
      %swap3A_1563 = vector.shape_cast %add3A_1557 : vector<16xi32> to vector<16xi32>
      tpu.vector_store %arg6[%swap3A_1560], %swap3A_1563 {strides = array<i32>} : memref<10496xi32, #tpu.memory_space<vmem>>, vector<16xi32>,
      %mul3A_1564 = arith.constant 16 : i32
      %mul3A_1565 = arith.muli %scan3A_703, %mul3A_1564 : i32
      %add3A_1566 = arith.constant 14 : i32
      %add3A_1567 = arith.addi %mul3A_1565, %add3A_1566 : i32
      %slice3A_1568 = vector.extract_strided_slice %get3A_709 {offsets = [14], sizes = [1], strides = [1]} : vector<16xi32> to vector<1xi32>
      %squeeze3A_1569 = vector.extract %slice3A_1568[0] : i32 from vector<1xi32>
      %add3A_1570 = arith.addi %mul3A_9, %squeeze3A_1569 : i32
      %add3A_1571 = vector.broadcast %add3A_1570 : i32 to vector<16xi32>
      %add3A_1572 = arith.addi %mul3A_3, %add3A_1571 : vector<16xi32>
      %mul3A_1573 = arith.constant 4 : i32
      %mul3A_1574 = arith.muli %add3A_1567, %mul3A_1573 : i32
      %add3A_1575 = arith.constant 0 : i32
      %add3A_1576 = arith.addi %mul3A_1574, %add3A_1575 : i32
      %add3A_1577 = arith.constant 0 : i32
      %add3A_1578 = vector.broadcast %add3A_1577 : i32 to vector<16xi32>
      %add3A_1579 = arith.addi %add3A_1572, %add3A_1578 : vector<16xi32>
      %mul3A_1580 = arith.constant 16 : i32
      %mul3A_1581 = arith.muli %add3A_1576, %mul3A_1580 : i32
      %swap3A_1582 = arith.index_cast %mul3A_1581 : i32 to index
      %swap3A_1583 = tpu.vector_load %arg6[%swap3A_1582] {strides = array<i32>} : memref<10496xi32, #tpu.memory_space<vmem>>, vector<16xi32>,
      %swap3A_1584 = vector.shape_cast %swap3A_1583 : vector<16xi32> to vector<16xi32>
      %swap3A_1585 = vector.shape_cast %add3A_1579 : vector<16xi32> to vector<16xi32>
      tpu.vector_store %arg6[%swap3A_1582], %swap3A_1585 {strides = array<i32>} : memref<10496xi32, #tpu.memory_space<vmem>>, vector<16xi32>,
      %mul3A_1586 = arith.constant 4 : i32
      %mul3A_1587 = arith.muli %add3A_1567, %mul3A_1586 : i32
      %add3A_1588 = arith.constant 1 : i32
      %add3A_1589 = arith.addi %mul3A_1587, %add3A_1588 : i32
      %add3A_1590 = arith.constant 131072 : i32
      %add3A_1591 = vector.broadcast %add3A_1590 : i32 to vector<16xi32>
      %add3A_1592 = arith.addi %add3A_1572, %add3A_1591 : vector<16xi32>
      %mul3A_1593 = arith.constant 16 : i32
      %mul3A_1594 = arith.muli %add3A_1589, %mul3A_1593 : i32
      %swap3A_1595 = arith.index_cast %mul3A_1594 : i32 to index
      %swap3A_1596 = tpu.vector_load %arg6[%swap3A_1595] {strides = array<i32>} : memref<10496xi32, #tpu.memory_space<vmem>>, vector<16xi32>,
      %swap3A_1597 = vector.shape_cast %swap3A_1596 : vector<16xi32> to vector<16xi32>
      %swap3A_1598 = vector.shape_cast %add3A_1592 : vector<16xi32> to vector<16xi32>
      tpu.vector_store %arg6[%swap3A_1595], %swap3A_1598 {strides = array<i32>} : memref<10496xi32, #tpu.memory_space<vmem>>, vector<16xi32>,
      %mul3A_1599 = arith.constant 4 : i32
      %mul3A_1600 = arith.muli %add3A_1567, %mul3A_1599 : i32
      %add3A_1601 = arith.constant 2 : i32
      %add3A_1602 = arith.addi %mul3A_1600, %add3A_1601 : i32
      %add3A_1603 = arith.constant 262144 : i32
      %add3A_1604 = vector.broadcast %add3A_1603 : i32 to vector<16xi32>
      %add3A_1605 = arith.addi %add3A_1572, %add3A_1604 : vector<16xi32>
      %mul3A_1606 = arith.constant 16 : i32
      %mul3A_1607 = arith.muli %add3A_1602, %mul3A_1606 : i32
      %swap3A_1608 = arith.index_cast %mul3A_1607 : i32 to index
      %swap3A_1609 = tpu.vector_load %arg6[%swap3A_1608] {strides = array<i32>} : memref<10496xi32, #tpu.memory_space<vmem>>, vector<16xi32>,
      %swap3A_1610 = vector.shape_cast %swap3A_1609 : vector<16xi32> to vector<16xi32>
      %swap3A_1611 = vector.shape_cast %add3A_1605 : vector<16xi32> to vector<16xi32>
      tpu.vector_store %arg6[%swap3A_1608], %swap3A_1611 {strides = array<i32>} : memref<10496xi32, #tpu.memory_space<vmem>>, vector<16xi32>,
      %mul3A_1612 = arith.constant 4 : i32
      %mul3A_1613 = arith.muli %add3A_1567, %mul3A_1612 : i32
      %add3A_1614 = arith.constant 3 : i32
      %add3A_1615 = arith.addi %mul3A_1613, %add3A_1614 : i32
      %add3A_1616 = arith.constant 393216 : i32
      %add3A_1617 = vector.broadcast %add3A_1616 : i32 to vector<16xi32>
      %add3A_1618 = arith.addi %add3A_1572, %add3A_1617 : vector<16xi32>
      %mul3A_1619 = arith.constant 16 : i32
      %mul3A_1620 = arith.muli %add3A_1615, %mul3A_1619 : i32
      %swap3A_1621 = arith.index_cast %mul3A_1620 : i32 to index
      %swap3A_1622 = tpu.vector_load %arg6[%swap3A_1621] {strides = array<i32>} : memref<10496xi32, #tpu.memory_space<vmem>>, vector<16xi32>,
      %swap3A_1623 = vector.shape_cast %swap3A_1622 : vector<16xi32> to vector<16xi32>
      %swap3A_1624 = vector.shape_cast %add3A_1618 : vector<16xi32> to vector<16xi32>
      tpu.vector_store %arg6[%swap3A_1621], %swap3A_1624 {strides = array<i32>} : memref<10496xi32, #tpu.memory_space<vmem>>, vector<16xi32>,
      %mul3A_1625 = arith.constant 16 : i32
      %mul3A_1626 = arith.muli %scan3A_703, %mul3A_1625 : i32
      %add3A_1627 = arith.constant 15 : i32
      %add3A_1628 = arith.addi %mul3A_1626, %add3A_1627 : i32
      %slice3A_1629 = vector.extract_strided_slice %get3A_709 {offsets = [15], sizes = [1], strides = [1]} : vector<16xi32> to vector<1xi32>
      %squeeze3A_1630 = vector.extract %slice3A_1629[0] : i32 from vector<1xi32>
      %add3A_1631 = arith.addi %mul3A_9, %squeeze3A_1630 : i32
      %add3A_1632 = vector.broadcast %add3A_1631 : i32 to vector<16xi32>
      %add3A_1633 = arith.addi %mul3A_3, %add3A_1632 : vector<16xi32>
      %mul3A_1634 = arith.constant 4 : i32
      %mul3A_1635 = arith.muli %add3A_1628, %mul3A_1634 : i32
      %add3A_1636 = arith.constant 0 : i32
      %add3A_1637 = arith.addi %mul3A_1635, %add3A_1636 : i32
      %add3A_1638 = arith.constant 0 : i32
      %add3A_1639 = vector.broadcast %add3A_1638 : i32 to vector<16xi32>
      %add3A_1640 = arith.addi %add3A_1633, %add3A_1639 : vector<16xi32>
      %mul3A_1641 = arith.constant 16 : i32
      %mul3A_1642 = arith.muli %add3A_1637, %mul3A_1641 : i32
      %swap3A_1643 = arith.index_cast %mul3A_1642 : i32 to index
      %swap3A_1644 = tpu.vector_load %arg6[%swap3A_1643] {strides = array<i32>} : memref<10496xi32, #tpu.memory_space<vmem>>, vector<16xi32>,
      %swap3A_1645 = vector.shape_cast %swap3A_1644 : vector<16xi32> to vector<16xi32>
      %swap3A_1646 = vector.shape_cast %add3A_1640 : vector<16xi32> to vector<16xi32>
      tpu.vector_store %arg6[%swap3A_1643], %swap3A_1646 {strides = array<i32>} : memref<10496xi32, #tpu.memory_space<vmem>>, vector<16xi32>,
      %mul3A_1647 = arith.constant 4 : i32
      %mul3A_1648 = arith.muli %add3A_1628, %mul3A_1647 : i32
      %add3A_1649 = arith.constant 1 : i32
      %add3A_1650 = arith.addi %mul3A_1648, %add3A_1649 : i32
      %add3A_1651 = arith.constant 131072 : i32
      %add3A_1652 = vector.broadcast %add3A_1651 : i32 to vector<16xi32>
      %add3A_1653 = arith.addi %add3A_1633, %add3A_1652 : vector<16xi32>
      %mul3A_1654 = arith.constant 16 : i32
      %mul3A_1655 = arith.muli %add3A_1650, %mul3A_1654 : i32
      %swap3A_1656 = arith.index_cast %mul3A_1655 : i32 to index
      %swap3A_1657 = tpu.vector_load %arg6[%swap3A_1656] {strides = array<i32>} : memref<10496xi32, #tpu.memory_space<vmem>>, vector<16xi32>,
      %swap3A_1658 = vector.shape_cast %swap3A_1657 : vector<16xi32> to vector<16xi32>
      %swap3A_1659 = vector.shape_cast %add3A_1653 : vector<16xi32> to vector<16xi32>
      tpu.vector_store %arg6[%swap3A_1656], %swap3A_1659 {strides = array<i32>} : memref<10496xi32, #tpu.memory_space<vmem>>, vector<16xi32>,
      %mul3A_1660 = arith.constant 4 : i32
      %mul3A_1661 = arith.muli %add3A_1628, %mul3A_1660 : i32
      %add3A_1662 = arith.constant 2 : i32
      %add3A_1663 = arith.addi %mul3A_1661, %add3A_1662 : i32
      %add3A_1664 = arith.constant 262144 : i32
      %add3A_1665 = vector.broadcast %add3A_1664 : i32 to vector<16xi32>
      %add3A_1666 = arith.addi %add3A_1633, %add3A_1665 : vector<16xi32>
      %mul3A_1667 = arith.constant 16 : i32
      %mul3A_1668 = arith.muli %add3A_1663, %mul3A_1667 : i32
      %swap3A_1669 = arith.index_cast %mul3A_1668 : i32 to index
      %swap3A_1670 = tpu.vector_load %arg6[%swap3A_1669] {strides = array<i32>} : memref<10496xi32, #tpu.memory_space<vmem>>, vector<16xi32>,
      %swap3A_1671 = vector.shape_cast %swap3A_1670 : vector<16xi32> to vector<16xi32>
      %swap3A_1672 = vector.shape_cast %add3A_1666 : vector<16xi32> to vector<16xi32>
      tpu.vector_store %arg6[%swap3A_1669], %swap3A_1672 {strides = array<i32>} : memref<10496xi32, #tpu.memory_space<vmem>>, vector<16xi32>,
      %mul3A_1673 = arith.constant 4 : i32
      %mul3A_1674 = arith.muli %add3A_1628, %mul3A_1673 : i32
      %add3A_1675 = arith.constant 3 : i32
      %add3A_1676 = arith.addi %mul3A_1674, %add3A_1675 : i32
      %add3A_1677 = arith.constant 393216 : i32
      %add3A_1678 = vector.broadcast %add3A_1677 : i32 to vector<16xi32>
      %add3A_1679 = arith.addi %add3A_1633, %add3A_1678 : vector<16xi32>
      %mul3A_1680 = arith.constant 16 : i32
      %mul3A_1681 = arith.muli %add3A_1676, %mul3A_1680 : i32
      %swap3A_1682 = arith.index_cast %mul3A_1681 : i32 to index
      %swap3A_1683 = tpu.vector_load %arg6[%swap3A_1682] {strides = array<i32>} : memref<10496xi32, #tpu.memory_space<vmem>>, vector<16xi32>,
      %swap3A_1684 = vector.shape_cast %swap3A_1683 : vector<16xi32> to vector<16xi32>
      %swap3A_1685 = vector.shape_cast %add3A_1679 : vector<16xi32> to vector<16xi32>
      tpu.vector_store %arg6[%swap3A_1682], %swap3A_1685 {strides = array<i32>} : memref<10496xi32, #tpu.memory_space<vmem>>, vector<16xi32>,
      %scan3A_1686 = arith.constant 0 : i32
      scf.yield %scan3A_1686 : i32
    }
    %scan3A_15 = arith.constant 10 : i32
    %get3A = arith.constant 160 : index
    %get3A_16 = tpu.vector_load %arg5[%get3A] {strides = array<i32>} : memref<256xi32, #tpu.memory_space<vmem>>, vector<16xi32>,
    %get3A_17 = vector.shape_cast %get3A_16 : vector<16xi32> to vector<16xi32>
    %slice3A = vector.extract_strided_slice %get3A_17 {offsets = [0], sizes = [1], strides = [1]} : vector<16xi32> to vector<1xi32>
    %squeeze3A = vector.extract %slice3A[0] : i32 from vector<1xi32>
    %add3A_18 = arith.addi %mul3A_9, %squeeze3A : i32
    %add3A_19 = vector.broadcast %add3A_18 : i32 to vector<16xi32>
    %add3A_20 = arith.addi %mul3A_3, %add3A_19 : vector<16xi32>
    %add3A_21 = arith.constant 0 : i32
    %add3A_22 = vector.broadcast %add3A_21 : i32 to vector<16xi32>
    %add3A_23 = arith.addi %add3A_20, %add3A_22 : vector<16xi32>
    %swap3A = arith.constant 10240 : index
    %swap3A_24 = tpu.vector_load %arg6[%swap3A] {strides = array<i32>} : memref<10496xi32, #tpu.memory_space<vmem>>, vector<16xi32>,
    %swap3A_25 = vector.shape_cast %swap3A_24 : vector<16xi32> to vector<16xi32>
    %swap3A_26 = vector.shape_cast %add3A_23 : vector<16xi32> to vector<16xi32>
    tpu.vector_store %arg6[%swap3A], %swap3A_26 {strides = array<i32>} : memref<10496xi32, #tpu.memory_space<vmem>>, vector<16xi32>,
    %add3A_27 = arith.constant 131072 : i32
    %add3A_28 = vector.broadcast %add3A_27 : i32 to vector<16xi32>
    %add3A_29 = arith.addi %add3A_20, %add3A_28 : vector<16xi32>
    %swap3A_30 = arith.constant 10256 : index
    %swap3A_31 = tpu.vector_load %arg6[%swap3A_30] {strides = array<i32>} : memref<10496xi32, #tpu.memory_space<vmem>>, vector<16xi32>,
    %swap3A_32 = vector.shape_cast %swap3A_31 : vector<16xi32> to vector<16xi32>
    %swap3A_33 = vector.shape_cast %add3A_29 : vector<16xi32> to vector<16xi32>
    tpu.vector_store %arg6[%swap3A_30], %swap3A_33 {strides = array<i32>} : memref<10496xi32, #tpu.memory_space<vmem>>, vector<16xi32>,
    %add3A_34 = arith.constant 262144 : i32
    %add3A_35 = vector.broadcast %add3A_34 : i32 to vector<16xi32>
    %add3A_36 = arith.addi %add3A_20, %add3A_35 : vector<16xi32>
    %swap3A_37 = arith.constant 10272 : index
    %swap3A_38 = tpu.vector_load %arg6[%swap3A_37] {strides = array<i32>} : memref<10496xi32, #tpu.memory_space<vmem>>, vector<16xi32>,
    %swap3A_39 = vector.shape_cast %swap3A_38 : vector<16xi32> to vector<16xi32>
    %swap3A_40 = vector.shape_cast %add3A_36 : vector<16xi32> to vector<16xi32>
    tpu.vector_store %arg6[%swap3A_37], %swap3A_40 {strides = array<i32>} : memref<10496xi32, #tpu.memory_space<vmem>>, vector<16xi32>,
    %add3A_41 = arith.constant 393216 : i32
    %add3A_42 = vector.broadcast %add3A_41 : i32 to vector<16xi32>
    %add3A_43 = arith.addi %add3A_20, %add3A_42 : vector<16xi32>
    %swap3A_44 = arith.constant 10288 : index
    %swap3A_45 = tpu.vector_load %arg6[%swap3A_44] {strides = array<i32>} : memref<10496xi32, #tpu.memory_space<vmem>>, vector<16xi32>,
    %swap3A_46 = vector.shape_cast %swap3A_45 : vector<16xi32> to vector<16xi32>
    %swap3A_47 = vector.shape_cast %add3A_43 : vector<16xi32> to vector<16xi32>
    tpu.vector_store %arg6[%swap3A_44], %swap3A_47 {strides = array<i32>} : memref<10496xi32, #tpu.memory_space<vmem>>, vector<16xi32>,
    %slice3A_48 = vector.extract_strided_slice %get3A_17 {offsets = [1], sizes = [1], strides = [1]} : vector<16xi32> to vector<1xi32>
    %squeeze3A_49 = vector.extract %slice3A_48[0] : i32 from vector<1xi32>
    %add3A_50 = arith.addi %mul3A_9, %squeeze3A_49 : i32
    %add3A_51 = vector.broadcast %add3A_50 : i32 to vector<16xi32>
    %add3A_52 = arith.addi %mul3A_3, %add3A_51 : vector<16xi32>
    %add3A_53 = arith.constant 0 : i32
    %add3A_54 = vector.broadcast %add3A_53 : i32 to vector<16xi32>
    %add3A_55 = arith.addi %add3A_52, %add3A_54 : vector<16xi32>
    %swap3A_56 = arith.constant 10304 : index
    %swap3A_57 = tpu.vector_load %arg6[%swap3A_56] {strides = array<i32>} : memref<10496xi32, #tpu.memory_space<vmem>>, vector<16xi32>,
    %swap3A_58 = vector.shape_cast %swap3A_57 : vector<16xi32> to vector<16xi32>
    %swap3A_59 = vector.shape_cast %add3A_55 : vector<16xi32> to vector<16xi32>
    tpu.vector_store %arg6[%swap3A_56], %swap3A_59 {strides = array<i32>} : memref<10496xi32, #tpu.memory_space<vmem>>, vector<16xi32>,
    %add3A_60 = arith.constant 131072 : i32
    %add3A_61 = vector.broadcast %add3A_60 : i32 to vector<16xi32>
    %add3A_62 = arith.addi %add3A_52, %add3A_61 : vector<16xi32>
    %swap3A_63 = arith.constant 10320 : index
    %swap3A_64 = tpu.vector_load %arg6[%swap3A_63] {strides = array<i32>} : memref<10496xi32, #tpu.memory_space<vmem>>, vector<16xi32>,
    %swap3A_65 = vector.shape_cast %swap3A_64 : vector<16xi32> to vector<16xi32>
    %swap3A_66 = vector.shape_cast %add3A_62 : vector<16xi32> to vector<16xi32>
    tpu.vector_store %arg6[%swap3A_63], %swap3A_66 {strides = array<i32>} : memref<10496xi32, #tpu.memory_space<vmem>>, vector<16xi32>,
    %add3A_67 = arith.constant 262144 : i32
    %add3A_68 = vector.broadcast %add3A_67 : i32 to vector<16xi32>
    %add3A_69 = arith.addi %add3A_52, %add3A_68 : vector<16xi32>
    %swap3A_70 = arith.constant 10336 : index
    %swap3A_71 = tpu.vector_load %arg6[%swap3A_70] {strides = array<i32>} : memref<10496xi32, #tpu.memory_space<vmem>>, vector<16xi32>,
    %swap3A_72 = vector.shape_cast %swap3A_71 : vector<16xi32> to vector<16xi32>
    %swap3A_73 = vector.shape_cast %add3A_69 : vector<16xi32> to vector<16xi32>
    tpu.vector_store %arg6[%swap3A_70], %swap3A_73 {strides = array<i32>} : memref<10496xi32, #tpu.memory_space<vmem>>, vector<16xi32>,
    %add3A_74 = arith.constant 393216 : i32
    %add3A_75 = vector.broadcast %add3A_74 : i32 to vector<16xi32>
    %add3A_76 = arith.addi %add3A_52, %add3A_75 : vector<16xi32>
    %swap3A_77 = arith.constant 10352 : index
    %swap3A_78 = tpu.vector_load %arg6[%swap3A_77] {strides = array<i32>} : memref<10496xi32, #tpu.memory_space<vmem>>, vector<16xi32>,
    %swap3A_79 = vector.shape_cast %swap3A_78 : vector<16xi32> to vector<16xi32>
    %swap3A_80 = vector.shape_cast %add3A_76 : vector<16xi32> to vector<16xi32>
    tpu.vector_store %arg6[%swap3A_77], %swap3A_80 {strides = array<i32>} : memref<10496xi32, #tpu.memory_space<vmem>>, vector<16xi32>,
    %slice3A_81 = vector.extract_strided_slice %get3A_17 {offsets = [2], sizes = [1], strides = [1]} : vector<16xi32> to vector<1xi32>
    %squeeze3A_82 = vector.extract %slice3A_81[0] : i32 from vector<1xi32>
    %add3A_83 = arith.addi %mul3A_9, %squeeze3A_82 : i32
    %add3A_84 = vector.broadcast %add3A_83 : i32 to vector<16xi32>
    %add3A_85 = arith.addi %mul3A_3, %add3A_84 : vector<16xi32>
    %add3A_86 = arith.constant 0 : i32
    %add3A_87 = vector.broadcast %add3A_86 : i32 to vector<16xi32>
    %add3A_88 = arith.addi %add3A_85, %add3A_87 : vector<16xi32>
    %swap3A_89 = arith.constant 10368 : index
    %swap3A_90 = tpu.vector_load %arg6[%swap3A_89] {strides = array<i32>} : memref<10496xi32, #tpu.memory_space<vmem>>, vector<16xi32>,
    %swap3A_91 = vector.shape_cast %swap3A_90 : vector<16xi32> to vector<16xi32>
    %swap3A_92 = vector.shape_cast %add3A_88 : vector<16xi32> to vector<16xi32>
    tpu.vector_store %arg6[%swap3A_89], %swap3A_92 {strides = array<i32>} : memref<10496xi32, #tpu.memory_space<vmem>>, vector<16xi32>,
    %add3A_93 = arith.constant 131072 : i32
    %add3A_94 = vector.broadcast %add3A_93 : i32 to vector<16xi32>
    %add3A_95 = arith.addi %add3A_85, %add3A_94 : vector<16xi32>
    %swap3A_96 = arith.constant 10384 : index
    %swap3A_97 = tpu.vector_load %arg6[%swap3A_96] {strides = array<i32>} : memref<10496xi32, #tpu.memory_space<vmem>>, vector<16xi32>,
    %swap3A_98 = vector.shape_cast %swap3A_97 : vector<16xi32> to vector<16xi32>
    %swap3A_99 = vector.shape_cast %add3A_95 : vector<16xi32> to vector<16xi32>
    tpu.vector_store %arg6[%swap3A_96], %swap3A_99 {strides = array<i32>} : memref<10496xi32, #tpu.memory_space<vmem>>, vector<16xi32>,
    %add3A_100 = arith.constant 262144 : i32
    %add3A_101 = vector.broadcast %add3A_100 : i32 to vector<16xi32>
    %add3A_102 = arith.addi %add3A_85, %add3A_101 : vector<16xi32>
    %swap3A_103 = arith.constant 10400 : index
    %swap3A_104 = tpu.vector_load %arg6[%swap3A_103] {strides = array<i32>} : memref<10496xi32, #tpu.memory_space<vmem>>, vector<16xi32>,
    %swap3A_105 = vector.shape_cast %swap3A_104 : vector<16xi32> to vector<16xi32>
    %swap3A_106 = vector.shape_cast %add3A_102 : vector<16xi32> to vector<16xi32>
    tpu.vector_store %arg6[%swap3A_103], %swap3A_106 {strides = array<i32>} : memref<10496xi32, #tpu.memory_space<vmem>>, vector<16xi32>,
    %add3A_107 = arith.constant 393216 : i32
    %add3A_108 = vector.broadcast %add3A_107 : i32 to vector<16xi32>
    %add3A_109 = arith.addi %add3A_85, %add3A_108 : vector<16xi32>
    %swap3A_110 = arith.constant 10416 : index
    %swap3A_111 = tpu.vector_load %arg6[%swap3A_110] {strides = array<i32>} : memref<10496xi32, #tpu.memory_space<vmem>>, vector<16xi32>,
    %swap3A_112 = vector.shape_cast %swap3A_111 : vector<16xi32> to vector<16xi32>
    %swap3A_113 = vector.shape_cast %add3A_109 : vector<16xi32> to vector<16xi32>
    tpu.vector_store %arg6[%swap3A_110], %swap3A_113 {strides = array<i32>} : memref<10496xi32, #tpu.memory_space<vmem>>, vector<16xi32>,
    %slice3A_114 = vector.extract_strided_slice %get3A_17 {offsets = [3], sizes = [1], strides = [1]} : vector<16xi32> to vector<1xi32>
    %squeeze3A_115 = vector.extract %slice3A_114[0] : i32 from vector<1xi32>
    %add3A_116 = arith.addi %mul3A_9, %squeeze3A_115 : i32
    %add3A_117 = vector.broadcast %add3A_116 : i32 to vector<16xi32>
    %add3A_118 = arith.addi %mul3A_3, %add3A_117 : vector<16xi32>
    %add3A_119 = arith.constant 0 : i32
    %add3A_120 = vector.broadcast %add3A_119 : i32 to vector<16xi32>
    %add3A_121 = arith.addi %add3A_118, %add3A_120 : vector<16xi32>
    %swap3A_122 = arith.constant 10432 : index
    %swap3A_123 = tpu.vector_load %arg6[%swap3A_122] {strides = array<i32>} : memref<10496xi32, #tpu.memory_space<vmem>>, vector<16xi32>,
    %swap3A_124 = vector.shape_cast %swap3A_123 : vector<16xi32> to vector<16xi32>
    %swap3A_125 = vector.shape_cast %add3A_121 : vector<16xi32> to vector<16xi32>
    tpu.vector_store %arg6[%swap3A_122], %swap3A_125 {strides = array<i32>} : memref<10496xi32, #tpu.memory_space<vmem>>, vector<16xi32>,
    %add3A_126 = arith.constant 131072 : i32
    %add3A_127 = vector.broadcast %add3A_126 : i32 to vector<16xi32>
    %add3A_128 = arith.addi %add3A_118, %add3A_127 : vector<16xi32>
    %swap3A_129 = arith.constant 10448 : index
    %swap3A_130 = tpu.vector_load %arg6[%swap3A_129] {strides = array<i32>} : memref<10496xi32, #tpu.memory_space<vmem>>, vector<16xi32>,
    %swap3A_131 = vector.shape_cast %swap3A_130 : vector<16xi32> to vector<16xi32>
    %swap3A_132 = vector.shape_cast %add3A_128 : vector<16xi32> to vector<16xi32>
    tpu.vector_store %arg6[%swap3A_129], %swap3A_132 {strides = array<i32>} : memref<10496xi32, #tpu.memory_space<vmem>>, vector<16xi32>,
    %add3A_133 = arith.constant 262144 : i32
    %add3A_134 = vector.broadcast %add3A_133 : i32 to vector<16xi32>
    %add3A_135 = arith.addi %add3A_118, %add3A_134 : vector<16xi32>
    %swap3A_136 = arith.constant 10464 : index
    %swap3A_137 = tpu.vector_load %arg6[%swap3A_136] {strides = array<i32>} : memref<10496xi32, #tpu.memory_space<vmem>>, vector<16xi32>,
    %swap3A_138 = vector.shape_cast %swap3A_137 : vector<16xi32> to vector<16xi32>
    %swap3A_139 = vector.shape_cast %add3A_135 : vector<16xi32> to vector<16xi32>
    tpu.vector_store %arg6[%swap3A_136], %swap3A_139 {strides = array<i32>} : memref<10496xi32, #tpu.memory_space<vmem>>, vector<16xi32>,
    %add3A_140 = arith.constant 393216 : i32
    %add3A_141 = vector.broadcast %add3A_140 : i32 to vector<16xi32>
    %add3A_142 = arith.addi %add3A_118, %add3A_141 : vector<16xi32>
    %swap3A_143 = arith.constant 10480 : index
    %swap3A_144 = tpu.vector_load %arg6[%swap3A_143] {strides = array<i32>} : memref<10496xi32, #tpu.memory_space<vmem>>, vector<16xi32>,
    %swap3A_145 = vector.shape_cast %swap3A_144 : vector<16xi32> to vector<16xi32>
    %swap3A_146 = vector.shape_cast %add3A_142 : vector<16xi32> to vector<16xi32>
    tpu.vector_store %arg6[%swap3A_143], %swap3A_146 {strides = array<i32>} : memref<10496xi32, #tpu.memory_space<vmem>>, vector<16xi32>,
    %dma_start3A = arith.constant 0 : i32
    %dma_start3A_147 = tpu.memref_slice %arg2[%dma_start3A] : memref<67108864xf32, #tpu.memory_space<hbm>> -> memref<67108864xf32, #tpu.memory_space<hbm>>
    tpu.enqueue_indirect_dma source(%dma_start3A_147 : memref<67108864xf32, #tpu.memory_space<hbm>>) target(%arg7 : memref<10496xf32, #tpu.memory_space<vmem>>) offsets(%arg6 : memref<10496xi32, #tpu.memory_space<vmem>>) semaphore(%arg9 : memref<!tpu.dma_semaphore, #tpu.memory_space<semaphore_mem>>)
    %dma_wait3A = arith.constant 0 : i32
    %dma_wait3A_148 = tpu.memref_slice %arg2[%dma_wait3A] : memref<67108864xf32, #tpu.memory_space<hbm>> -> memref<67108864xf32, #tpu.memory_space<hbm>>
    tpu.wait_indirect_dma semaphore(%arg9 : memref<!tpu.dma_semaphore, #tpu.memory_space<semaphore_mem>>) src(%dma_wait3A_148 : memref<67108864xf32, #tpu.memory_space<hbm>>) dst(%arg7 : memref<10496xf32, #tpu.memory_space<vmem>>)
    %broadcast_in_dim3A = arith.constant 0.000000e+00 : f32
    %broadcast_in_dim3A_149 = vector.broadcast %broadcast_in_dim3A : f32 to vector<16xf32>
    %scan3A_150 = arith.constant 0 : i32
    %scan3A_151 = arith.constant 164 : i32
    %scan3A_152 = arith.addi %scan3A_150, %scan3A_151 : i32
    %scan3A_153 = arith.constant 1 : i32
    %scan3A_154:4 = scf.for %scan3A_703 = %scan3A_150 to %scan3A_152 step %scan3A_153 iter_args(%scan3A_704 = %broadcast_in_dim3A_149, %scan3A_705 = %broadcast_in_dim3A_149, %scan3A_706 = %broadcast_in_dim3A_149, %scan3A_707 = %broadcast_in_dim3A_149) -> (vector<16xf32>, vector<16xf32>, vector<16xf32>, vector<16xf32>)  : i32 {
      %mul3A_708 = arith.constant 4 : i32
      %mul3A_709 = arith.muli %scan3A_703, %mul3A_708 : i32
      %add3A_710 = arith.constant 0 : i32
      %add3A_711 = arith.addi %mul3A_709, %add3A_710 : i32
      %mul3A_712 = arith.constant 16 : i32
      %mul3A_713 = arith.muli %add3A_711, %mul3A_712 : i32
      %get3A_714 = arith.index_cast %mul3A_713 : i32 to index
      %get3A_715 = tpu.vector_load %arg7[%get3A_714] {strides = array<i32>} : memref<10496xf32, #tpu.memory_space<vmem>>, vector<16xf32>,
      %get3A_716 = vector.shape_cast %get3A_715 : vector<16xf32> to vector<16xf32>
      %ge3A = arith.constant 5.000000e-01 : f32
      %ge3A_717 = vector.broadcast %ge3A : f32 to vector<16xf32>
      %ge3A_718 = arith.cmpf oge, %get3A_716, %ge3A_717 : vector<16xf32>
      %jit3A = arith.constant 1.000000e+00 : f32
      %jit3A_719 = arith.constant 0.000000e+00 : f32
      %broadcast_in_dim3A_720 = vector.broadcast %jit3A : f32 to vector<16xf32>
      %broadcast_in_dim3A_721 = vector.broadcast %jit3A_719 : f32 to vector<16xf32>
      %select_n3A = arith.select %ge3A_718, %broadcast_in_dim3A_720, %broadcast_in_dim3A_721 : vector<16xi1>, vector<16xf32>
      %add3A_722 = arith.addf %scan3A_704, %select_n3A : vector<16xf32>
      %mul3A_723 = arith.constant 4 : i32
      %mul3A_724 = arith.muli %scan3A_703, %mul3A_723 : i32
      %add3A_725 = arith.constant 1 : i32
      %add3A_726 = arith.addi %mul3A_724, %add3A_725 : i32
      %mul3A_727 = arith.constant 16 : i32
      %mul3A_728 = arith.muli %add3A_726, %mul3A_727 : i32
      %get3A_729 = arith.index_cast %mul3A_728 : i32 to index
      %get3A_730 = tpu.vector_load %arg7[%get3A_729] {strides = array<i32>} : memref<10496xf32, #tpu.memory_space<vmem>>, vector<16xf32>,
      %get3A_731 = vector.shape_cast %get3A_730 : vector<16xf32> to vector<16xf32>
      %ge3A_732 = arith.constant 5.000000e-01 : f32
      %ge3A_733 = vector.broadcast %ge3A_732 : f32 to vector<16xf32>
      %ge3A_734 = arith.cmpf oge, %get3A_731, %ge3A_733 : vector<16xf32>
      %jit3A_735 = arith.constant 1.000000e+00 : f32
      %jit3A_736 = arith.constant 0.000000e+00 : f32
      %broadcast_in_dim3A_737 = vector.broadcast %jit3A_735 : f32 to vector<16xf32>
      %broadcast_in_dim3A_738 = vector.broadcast %jit3A_736 : f32 to vector<16xf32>
      %select_n3A_739 = arith.select %ge3A_734, %broadcast_in_dim3A_737, %broadcast_in_dim3A_738 : vector<16xi1>, vector<16xf32>
      %add3A_740 = arith.addf %scan3A_705, %select_n3A_739 : vector<16xf32>
      %mul3A_741 = arith.constant 4 : i32
      %mul3A_742 = arith.muli %scan3A_703, %mul3A_741 : i32
      %add3A_743 = arith.constant 2 : i32
      %add3A_744 = arith.addi %mul3A_742, %add3A_743 : i32
      %mul3A_745 = arith.constant 16 : i32
      %mul3A_746 = arith.muli %add3A_744, %mul3A_745 : i32
      %get3A_747 = arith.index_cast %mul3A_746 : i32 to index
      %get3A_748 = tpu.vector_load %arg7[%get3A_747] {strides = array<i32>} : memref<10496xf32, #tpu.memory_space<vmem>>, vector<16xf32>,
      %get3A_749 = vector.shape_cast %get3A_748 : vector<16xf32> to vector<16xf32>
      %ge3A_750 = arith.constant 5.000000e-01 : f32
      %ge3A_751 = vector.broadcast %ge3A_750 : f32 to vector<16xf32>
      %ge3A_752 = arith.cmpf oge, %get3A_749, %ge3A_751 : vector<16xf32>
      %jit3A_753 = arith.constant 1.000000e+00 : f32
      %jit3A_754 = arith.constant 0.000000e+00 : f32
      %broadcast_in_dim3A_755 = vector.broadcast %jit3A_753 : f32 to vector<16xf32>
      %broadcast_in_dim3A_756 = vector.broadcast %jit3A_754 : f32 to vector<16xf32>
      %select_n3A_757 = arith.select %ge3A_752, %broadcast_in_dim3A_755, %broadcast_in_dim3A_756 : vector<16xi1>, vector<16xf32>
      %add3A_758 = arith.addf %scan3A_706, %select_n3A_757 : vector<16xf32>
      %mul3A_759 = arith.constant 4 : i32
      %mul3A_760 = arith.muli %scan3A_703, %mul3A_759 : i32
      %add3A_761 = arith.constant 3 : i32
      %add3A_762 = arith.addi %mul3A_760, %add3A_761 : i32
      %mul3A_763 = arith.constant 16 : i32
      %mul3A_764 = arith.muli %add3A_762, %mul3A_763 : i32
      %get3A_765 = arith.index_cast %mul3A_764 : i32 to index
      %get3A_766 = tpu.vector_load %arg7[%get3A_765] {strides = array<i32>} : memref<10496xf32, #tpu.memory_space<vmem>>, vector<16xf32>,
      %get3A_767 = vector.shape_cast %get3A_766 : vector<16xf32> to vector<16xf32>
      %ge3A_768 = arith.constant 5.000000e-01 : f32
      %ge3A_769 = vector.broadcast %ge3A_768 : f32 to vector<16xf32>
      %ge3A_770 = arith.cmpf oge, %get3A_767, %ge3A_769 : vector<16xf32>
      %jit3A_771 = arith.constant 1.000000e+00 : f32
      %jit3A_772 = arith.constant 0.000000e+00 : f32
      %broadcast_in_dim3A_773 = vector.broadcast %jit3A_771 : f32 to vector<16xf32>
      %broadcast_in_dim3A_774 = vector.broadcast %jit3A_772 : f32 to vector<16xf32>
      %select_n3A_775 = arith.select %ge3A_770, %broadcast_in_dim3A_773, %broadcast_in_dim3A_774 : vector<16xi1>, vector<16xf32>
      %add3A_776 = arith.addf %scan3A_707, %select_n3A_775 : vector<16xf32>
      scf.yield %add3A_722, %add3A_740, %add3A_758, %add3A_776 : vector<16xf32>, vector<16xf32>, vector<16xf32>, vector<16xf32>
    }
    %scan3A_155 = arith.constant 164 : i32
    %swap3A_156 = arith.constant 0 : index
    %swap3A_157 = tpu.vector_load %arg8[%swap3A_156] {strides = array<i32>} : memref<64xf32, #tpu.memory_space<vmem>>, vector<16xf32>,
    %swap3A_158 = vector.shape_cast %swap3A_157 : vector<16xf32> to vector<16xf32>
    %swap3A_159 = vector.shape_cast %scan3A_154#0 : vector<16xf32> to vector<16xf32>
    tpu.vector_store %arg8[%swap3A_156], %swap3A_159 {strides = array<i32>} : memref<64xf32, #tpu.memory_space<vmem>>, vector<16xf32>,
    %swap3A_160 = arith.constant 16 : index
    %swap3A_161 = tpu.vector_load %arg8[%swap3A_160] {strides = array<i32>} : memref<64xf32, #tpu.memory_space<vmem>>, vector<16xf32>,
    %swap3A_162 = vector.shape_cast %swap3A_161 : vector<16xf32> to vector<16xf32>
    %swap3A_163 = vector.shape_cast %scan3A_154#1 : vector<16xf32> to vector<16xf32>
    tpu.vector_store %arg8[%swap3A_160], %swap3A_163 {strides = array<i32>} : memref<64xf32, #tpu.memory_space<vmem>>, vector<16xf32>,
    %swap3A_164 = arith.constant 32 : index
    %swap3A_165 = tpu.vector_load %arg8[%swap3A_164] {strides = array<i32>} : memref<64xf32, #tpu.memory_space<vmem>>, vector<16xf32>,
    %swap3A_166 = vector.shape_cast %swap3A_165 : vector<16xf32> to vector<16xf32>
    %swap3A_167 = vector.shape_cast %scan3A_154#2 : vector<16xf32> to vector<16xf32>
    tpu.vector_store %arg8[%swap3A_164], %swap3A_167 {strides = array<i32>} : memref<64xf32, #tpu.memory_space<vmem>>, vector<16xf32>,
    %swap3A_168 = arith.constant 48 : index
    %swap3A_169 = tpu.vector_load %arg8[%swap3A_168] {strides = array<i32>} : memref<64xf32, #tpu.memory_space<vmem>>, vector<16xf32>,
    %swap3A_170 = vector.shape_cast %swap3A_169 : vector<16xf32> to vector<16xf32>
    %swap3A_171 = vector.shape_cast %scan3A_154#3 : vector<16xf32> to vector<16xf32>
    tpu.vector_store %arg8[%swap3A_168], %swap3A_171 {strides = array<i32>} : memref<64xf32, #tpu.memory_space<vmem>>, vector<16xf32>,
    "tpu.region"() ({
      %run_scoped3A_703 = tpu.sem_alloc : memref<!tpu.dma_semaphore, #tpu.memory_space<semaphore_mem>>
      %dma_start3A_704 = tpu.memref_slice %arg4[%add3A_7] : memref<8192xf32, #tpu.memory_space<hbm>> -> memref<64xf32, #tpu.memory_space<hbm>>
      %dma_start3A_705 = tpu.memref_slice %arg4[%add3A_7] : memref<8192xf32, #tpu.memory_space<hbm>> -> memref<64xf32, #tpu.memory_space<hbm>>
      tpu.enqueue_dma source(%arg8 : memref<64xf32, #tpu.memory_space<vmem>>) target(%dma_start3A_705 : memref<64xf32, #tpu.memory_space<hbm>>) target_semaphore(%run_scoped3A_703 : memref<!tpu.dma_semaphore, #tpu.memory_space<semaphore_mem>>)
      %dma_wait3A_706 = tpu.memref_slice %arg4[%add3A_7] : memref<8192xf32, #tpu.memory_space<hbm>> -> memref<64xf32, #tpu.memory_space<hbm>>
      %dma_wait3A_707 = tpu.memref_slice %arg4[%add3A_7] : memref<8192xf32, #tpu.memory_space<hbm>> -> memref<64xf32, #tpu.memory_space<hbm>>
      tpu.wait_dma2 semaphore(%run_scoped3A_703 : memref<!tpu.dma_semaphore, #tpu.memory_space<semaphore_mem>>) src(%arg8 : memref<64xf32, #tpu.memory_space<vmem>>) dst(%dma_wait3A_707 : memref<64xf32, #tpu.memory_space<hbm>>)
      tpu.yield
    }) : () -> ()
    %mul3A_172 = arith.constant 64 : i32
    %mul3A_173 = arith.muli %add3A, %mul3A_172 : i32
    %add3A_174 = arith.constant 2048 : i32
    %add3A_175 = arith.addi %add3A_174, %mul3A_173 : i32
    %mul3A_176 = arith.constant 8192 : i32
    %mul3A_177 = arith.muli %add3A_175, %mul3A_176 : i32
    %run_scoped3A_178 = arith.constant 1 : i32
    "tpu.region"() ({
      %run_scoped3A_703 = tpu.sem_alloc : memref<!tpu.dma_semaphore, #tpu.memory_space<semaphore_mem>>
      %dma_start3A_704 = arith.constant 0 : i32
      %dma_start3A_705 = tpu.memref_slice %arg3[%run_scoped3A_178, %dma_start3A_704] : memref<4x256xi32, #tpu.memory_space<hbm>> -> memref<1x256xi32, #tpu.memory_space<hbm>>
      %dma_start3A_706 = tpu.memref_squeeze %dma_start3A_705 : memref<1x256xi32, #tpu.memory_space<hbm>> -> memref<256xi32, #tpu.memory_space<hbm>>
      %dma_start3A_707 = arith.constant 0 : i32
      %dma_start3A_708 = tpu.memref_slice %arg3[%run_scoped3A_178, %dma_start3A_707] : memref<4x256xi32, #tpu.memory_space<hbm>> -> memref<1x256xi32, #tpu.memory_space<hbm>>
      %dma_start3A_709 = tpu.memref_squeeze %dma_start3A_708 : memref<1x256xi32, #tpu.memory_space<hbm>> -> memref<256xi32, #tpu.memory_space<hbm>>
      tpu.enqueue_dma source(%dma_start3A_709 : memref<256xi32, #tpu.memory_space<hbm>>) target(%arg5 : memref<256xi32, #tpu.memory_space<vmem>>) target_semaphore(%run_scoped3A_703 : memref<!tpu.dma_semaphore, #tpu.memory_space<semaphore_mem>>)
      %dma_wait3A_710 = arith.constant 0 : i32
      %dma_wait3A_711 = tpu.memref_slice %arg3[%run_scoped3A_178, %dma_wait3A_710] : memref<4x256xi32, #tpu.memory_space<hbm>> -> memref<1x256xi32, #tpu.memory_space<hbm>>
      %dma_wait3A_712 = tpu.memref_squeeze %dma_wait3A_711 : memref<1x256xi32, #tpu.memory_space<hbm>> -> memref<256xi32, #tpu.memory_space<hbm>>
      %dma_wait3A_713 = arith.constant 0 : i32
      %dma_wait3A_714 = tpu.memref_slice %arg3[%run_scoped3A_178, %dma_wait3A_713] : memref<4x256xi32, #tpu.memory_space<hbm>> -> memref<1x256xi32, #tpu.memory_space<hbm>>
      %dma_wait3A_715 = tpu.memref_squeeze %dma_wait3A_714 : memref<1x256xi32, #tpu.memory_space<hbm>> -> memref<256xi32, #tpu.memory_space<hbm>>
      tpu.wait_dma2 semaphore(%run_scoped3A_703 : memref<!tpu.dma_semaphore, #tpu.memory_space<semaphore_mem>>) src(%dma_wait3A_715 : memref<256xi32, #tpu.memory_space<hbm>>) dst(%arg5 : memref<256xi32, #tpu.memory_space<vmem>>)
      tpu.yield
    }) : () -> ()
    %scan3A_179 = arith.constant 0 : i32
    %scan3A_180 = arith.constant 0 : i32
    %scan3A_181 = arith.constant 10 : i32
    %scan3A_182 = arith.addi %scan3A_180, %scan3A_181 : i32
    %scan3A_183 = arith.constant 1 : i32
    %scan3A_184 = scf.for %scan3A_703 = %scan3A_180 to %scan3A_182 step %scan3A_183 iter_args(%scan3A_704 = %scan3A_179) -> (i32)  : i32 {
      %mul3A_705 = arith.constant 16 : i32
      %mul3A_706 = arith.muli %scan3A_703, %mul3A_705 : i32
      %multiple_of3A = tpu.assume_multiple %mul3A_706, 16 : i32
      %get3A_707 = arith.index_cast %multiple_of3A : i32 to index
      %get3A_708 = tpu.vector_load %arg5[%get3A_707] {strides = array<i32>} : memref<256xi32, #tpu.memory_space<vmem>>, vector<16xi32>,
      %get3A_709 = vector.shape_cast %get3A_708 : vector<16xi32> to vector<16xi32>
      %mul3A_710 = arith.constant 16 : i32
      %mul3A_711 = arith.muli %scan3A_703, %mul3A_710 : i32
      %add3A_712 = arith.constant 0 : i32
      %add3A_713 = arith.addi %mul3A_711, %add3A_712 : i32
      %slice3A_714 = vector.extract_strided_slice %get3A_709 {offsets = [0], sizes = [1], strides = [1]} : vector<16xi32> to vector<1xi32>
      %squeeze3A_715 = vector.extract %slice3A_714[0] : i32 from vector<1xi32>
      %add3A_716 = arith.addi %mul3A_177, %squeeze3A_715 : i32
      %add3A_717 = vector.broadcast %add3A_716 : i32 to vector<16xi32>
      %add3A_718 = arith.addi %mul3A_3, %add3A_717 : vector<16xi32>
      %mul3A_719 = arith.constant 4 : i32
      %mul3A_720 = arith.muli %add3A_713, %mul3A_719 : i32
      %add3A_721 = arith.constant 0 : i32
      %add3A_722 = arith.addi %mul3A_720, %add3A_721 : i32
      %add3A_723 = arith.constant 0 : i32
      %add3A_724 = vector.broadcast %add3A_723 : i32 to vector<16xi32>
      %add3A_725 = arith.addi %add3A_718, %add3A_724 : vector<16xi32>
      %mul3A_726 = arith.constant 16 : i32
      %mul3A_727 = arith.muli %add3A_722, %mul3A_726 : i32
      %swap3A_728 = arith.index_cast %mul3A_727 : i32 to index
      %swap3A_729 = tpu.vector_load %arg6[%swap3A_728] {strides = array<i32>} : memref<10496xi32, #tpu.memory_space<vmem>>, vector<16xi32>,
      %swap3A_730 = vector.shape_cast %swap3A_729 : vector<16xi32> to vector<16xi32>
      %swap3A_731 = vector.shape_cast %add3A_725 : vector<16xi32> to vector<16xi32>
      tpu.vector_store %arg6[%swap3A_728], %swap3A_731 {strides = array<i32>} : memref<10496xi32, #tpu.memory_space<vmem>>, vector<16xi32>,
      %mul3A_732 = arith.constant 4 : i32
      %mul3A_733 = arith.muli %add3A_713, %mul3A_732 : i32
      %add3A_734 = arith.constant 1 : i32
      %add3A_735 = arith.addi %mul3A_733, %add3A_734 : i32
      %add3A_736 = arith.constant 131072 : i32
      %add3A_737 = vector.broadcast %add3A_736 : i32 to vector<16xi32>
      %add3A_738 = arith.addi %add3A_718, %add3A_737 : vector<16xi32>
      %mul3A_739 = arith.constant 16 : i32
      %mul3A_740 = arith.muli %add3A_735, %mul3A_739 : i32
      %swap3A_741 = arith.index_cast %mul3A_740 : i32 to index
      %swap3A_742 = tpu.vector_load %arg6[%swap3A_741] {strides = array<i32>} : memref<10496xi32, #tpu.memory_space<vmem>>, vector<16xi32>,
      %swap3A_743 = vector.shape_cast %swap3A_742 : vector<16xi32> to vector<16xi32>
      %swap3A_744 = vector.shape_cast %add3A_738 : vector<16xi32> to vector<16xi32>
      tpu.vector_store %arg6[%swap3A_741], %swap3A_744 {strides = array<i32>} : memref<10496xi32, #tpu.memory_space<vmem>>, vector<16xi32>,
      %mul3A_745 = arith.constant 4 : i32
      %mul3A_746 = arith.muli %add3A_713, %mul3A_745 : i32
      %add3A_747 = arith.constant 2 : i32
      %add3A_748 = arith.addi %mul3A_746, %add3A_747 : i32
      %add3A_749 = arith.constant 262144 : i32
      %add3A_750 = vector.broadcast %add3A_749 : i32 to vector<16xi32>
      %add3A_751 = arith.addi %add3A_718, %add3A_750 : vector<16xi32>
      %mul3A_752 = arith.constant 16 : i32
      %mul3A_753 = arith.muli %add3A_748, %mul3A_752 : i32
      %swap3A_754 = arith.index_cast %mul3A_753 : i32 to index
      %swap3A_755 = tpu.vector_load %arg6[%swap3A_754] {strides = array<i32>} : memref<10496xi32, #tpu.memory_space<vmem>>, vector<16xi32>,
      %swap3A_756 = vector.shape_cast %swap3A_755 : vector<16xi32> to vector<16xi32>
      %swap3A_757 = vector.shape_cast %add3A_751 : vector<16xi32> to vector<16xi32>
      tpu.vector_store %arg6[%swap3A_754], %swap3A_757 {strides = array<i32>} : memref<10496xi32, #tpu.memory_space<vmem>>, vector<16xi32>,
      %mul3A_758 = arith.constant 4 : i32
      %mul3A_759 = arith.muli %add3A_713, %mul3A_758 : i32
      %add3A_760 = arith.constant 3 : i32
      %add3A_761 = arith.addi %mul3A_759, %add3A_760 : i32
      %add3A_762 = arith.constant 393216 : i32
      %add3A_763 = vector.broadcast %add3A_762 : i32 to vector<16xi32>
      %add3A_764 = arith.addi %add3A_718, %add3A_763 : vector<16xi32>
      %mul3A_765 = arith.constant 16 : i32
      %mul3A_766 = arith.muli %add3A_761, %mul3A_765 : i32
      %swap3A_767 = arith.index_cast %mul3A_766 : i32 to index
      %swap3A_768 = tpu.vector_load %arg6[%swap3A_767] {strides = array<i32>} : memref<10496xi32, #tpu.memory_space<vmem>>, vector<16xi32>,
      %swap3A_769 = vector.shape_cast %swap3A_768 : vector<16xi32> to vector<16xi32>
      %swap3A_770 = vector.shape_cast %add3A_764 : vector<16xi32> to vector<16xi32>
      tpu.vector_store %arg6[%swap3A_767], %swap3A_770 {strides = array<i32>} : memref<10496xi32, #tpu.memory_space<vmem>>, vector<16xi32>,
      %mul3A_771 = arith.constant 16 : i32
      %mul3A_772 = arith.muli %scan3A_703, %mul3A_771 : i32
      %add3A_773 = arith.constant 1 : i32
      %add3A_774 = arith.addi %mul3A_772, %add3A_773 : i32
      %slice3A_775 = vector.extract_strided_slice %get3A_709 {offsets = [1], sizes = [1], strides = [1]} : vector<16xi32> to vector<1xi32>
      %squeeze3A_776 = vector.extract %slice3A_775[0] : i32 from vector<1xi32>
      %add3A_777 = arith.addi %mul3A_177, %squeeze3A_776 : i32
      %add3A_778 = vector.broadcast %add3A_777 : i32 to vector<16xi32>
      %add3A_779 = arith.addi %mul3A_3, %add3A_778 : vector<16xi32>
      %mul3A_780 = arith.constant 4 : i32
      %mul3A_781 = arith.muli %add3A_774, %mul3A_780 : i32
      %add3A_782 = arith.constant 0 : i32
      %add3A_783 = arith.addi %mul3A_781, %add3A_782 : i32
      %add3A_784 = arith.constant 0 : i32
      %add3A_785 = vector.broadcast %add3A_784 : i32 to vector<16xi32>
      %add3A_786 = arith.addi %add3A_779, %add3A_785 : vector<16xi32>
      %mul3A_787 = arith.constant 16 : i32
      %mul3A_788 = arith.muli %add3A_783, %mul3A_787 : i32
      %swap3A_789 = arith.index_cast %mul3A_788 : i32 to index
      %swap3A_790 = tpu.vector_load %arg6[%swap3A_789] {strides = array<i32>} : memref<10496xi32, #tpu.memory_space<vmem>>, vector<16xi32>,
      %swap3A_791 = vector.shape_cast %swap3A_790 : vector<16xi32> to vector<16xi32>
      %swap3A_792 = vector.shape_cast %add3A_786 : vector<16xi32> to vector<16xi32>
      tpu.vector_store %arg6[%swap3A_789], %swap3A_792 {strides = array<i32>} : memref<10496xi32, #tpu.memory_space<vmem>>, vector<16xi32>,
      %mul3A_793 = arith.constant 4 : i32
      %mul3A_794 = arith.muli %add3A_774, %mul3A_793 : i32
      %add3A_795 = arith.constant 1 : i32
      %add3A_796 = arith.addi %mul3A_794, %add3A_795 : i32
      %add3A_797 = arith.constant 131072 : i32
      %add3A_798 = vector.broadcast %add3A_797 : i32 to vector<16xi32>
      %add3A_799 = arith.addi %add3A_779, %add3A_798 : vector<16xi32>
      %mul3A_800 = arith.constant 16 : i32
      %mul3A_801 = arith.muli %add3A_796, %mul3A_800 : i32
      %swap3A_802 = arith.index_cast %mul3A_801 : i32 to index
      %swap3A_803 = tpu.vector_load %arg6[%swap3A_802] {strides = array<i32>} : memref<10496xi32, #tpu.memory_space<vmem>>, vector<16xi32>,
      %swap3A_804 = vector.shape_cast %swap3A_803 : vector<16xi32> to vector<16xi32>
      %swap3A_805 = vector.shape_cast %add3A_799 : vector<16xi32> to vector<16xi32>
      tpu.vector_store %arg6[%swap3A_802], %swap3A_805 {strides = array<i32>} : memref<10496xi32, #tpu.memory_space<vmem>>, vector<16xi32>,
      %mul3A_806 = arith.constant 4 : i32
      %mul3A_807 = arith.muli %add3A_774, %mul3A_806 : i32
      %add3A_808 = arith.constant 2 : i32
      %add3A_809 = arith.addi %mul3A_807, %add3A_808 : i32
      %add3A_810 = arith.constant 262144 : i32
      %add3A_811 = vector.broadcast %add3A_810 : i32 to vector<16xi32>
      %add3A_812 = arith.addi %add3A_779, %add3A_811 : vector<16xi32>
      %mul3A_813 = arith.constant 16 : i32
      %mul3A_814 = arith.muli %add3A_809, %mul3A_813 : i32
      %swap3A_815 = arith.index_cast %mul3A_814 : i32 to index
      %swap3A_816 = tpu.vector_load %arg6[%swap3A_815] {strides = array<i32>} : memref<10496xi32, #tpu.memory_space<vmem>>, vector<16xi32>,
      %swap3A_817 = vector.shape_cast %swap3A_816 : vector<16xi32> to vector<16xi32>
      %swap3A_818 = vector.shape_cast %add3A_812 : vector<16xi32> to vector<16xi32>
      tpu.vector_store %arg6[%swap3A_815], %swap3A_818 {strides = array<i32>} : memref<10496xi32, #tpu.memory_space<vmem>>, vector<16xi32>,
      %mul3A_819 = arith.constant 4 : i32
      %mul3A_820 = arith.muli %add3A_774, %mul3A_819 : i32
      %add3A_821 = arith.constant 3 : i32
      %add3A_822 = arith.addi %mul3A_820, %add3A_821 : i32
      %add3A_823 = arith.constant 393216 : i32
      %add3A_824 = vector.broadcast %add3A_823 : i32 to vector<16xi32>
      %add3A_825 = arith.addi %add3A_779, %add3A_824 : vector<16xi32>
      %mul3A_826 = arith.constant 16 : i32
      %mul3A_827 = arith.muli %add3A_822, %mul3A_826 : i32
      %swap3A_828 = arith.index_cast %mul3A_827 : i32 to index
      %swap3A_829 = tpu.vector_load %arg6[%swap3A_828] {strides = array<i32>} : memref<10496xi32, #tpu.memory_space<vmem>>, vector<16xi32>,
      %swap3A_830 = vector.shape_cast %swap3A_829 : vector<16xi32> to vector<16xi32>
      %swap3A_831 = vector.shape_cast %add3A_825 : vector<16xi32> to vector<16xi32>
      tpu.vector_store %arg6[%swap3A_828], %swap3A_831 {strides = array<i32>} : memref<10496xi32, #tpu.memory_space<vmem>>, vector<16xi32>,
      %mul3A_832 = arith.constant 16 : i32
      %mul3A_833 = arith.muli %scan3A_703, %mul3A_832 : i32
      %add3A_834 = arith.constant 2 : i32
      %add3A_835 = arith.addi %mul3A_833, %add3A_834 : i32
      %slice3A_836 = vector.extract_strided_slice %get3A_709 {offsets = [2], sizes = [1], strides = [1]} : vector<16xi32> to vector<1xi32>
      %squeeze3A_837 = vector.extract %slice3A_836[0] : i32 from vector<1xi32>
      %add3A_838 = arith.addi %mul3A_177, %squeeze3A_837 : i32
      %add3A_839 = vector.broadcast %add3A_838 : i32 to vector<16xi32>
      %add3A_840 = arith.addi %mul3A_3, %add3A_839 : vector<16xi32>
      %mul3A_841 = arith.constant 4 : i32
      %mul3A_842 = arith.muli %add3A_835, %mul3A_841 : i32
      %add3A_843 = arith.constant 0 : i32
      %add3A_844 = arith.addi %mul3A_842, %add3A_843 : i32
      %add3A_845 = arith.constant 0 : i32
      %add3A_846 = vector.broadcast %add3A_845 : i32 to vector<16xi32>
      %add3A_847 = arith.addi %add3A_840, %add3A_846 : vector<16xi32>
      %mul3A_848 = arith.constant 16 : i32
      %mul3A_849 = arith.muli %add3A_844, %mul3A_848 : i32
      %swap3A_850 = arith.index_cast %mul3A_849 : i32 to index
      %swap3A_851 = tpu.vector_load %arg6[%swap3A_850] {strides = array<i32>} : memref<10496xi32, #tpu.memory_space<vmem>>, vector<16xi32>,
      %swap3A_852 = vector.shape_cast %swap3A_851 : vector<16xi32> to vector<16xi32>
      %swap3A_853 = vector.shape_cast %add3A_847 : vector<16xi32> to vector<16xi32>
      tpu.vector_store %arg6[%swap3A_850], %swap3A_853 {strides = array<i32>} : memref<10496xi32, #tpu.memory_space<vmem>>, vector<16xi32>,
      %mul3A_854 = arith.constant 4 : i32
      %mul3A_855 = arith.muli %add3A_835, %mul3A_854 : i32
      %add3A_856 = arith.constant 1 : i32
      %add3A_857 = arith.addi %mul3A_855, %add3A_856 : i32
      %add3A_858 = arith.constant 131072 : i32
      %add3A_859 = vector.broadcast %add3A_858 : i32 to vector<16xi32>
      %add3A_860 = arith.addi %add3A_840, %add3A_859 : vector<16xi32>
      %mul3A_861 = arith.constant 16 : i32
      %mul3A_862 = arith.muli %add3A_857, %mul3A_861 : i32
      %swap3A_863 = arith.index_cast %mul3A_862 : i32 to index
      %swap3A_864 = tpu.vector_load %arg6[%swap3A_863] {strides = array<i32>} : memref<10496xi32, #tpu.memory_space<vmem>>, vector<16xi32>,
      %swap3A_865 = vector.shape_cast %swap3A_864 : vector<16xi32> to vector<16xi32>
      %swap3A_866 = vector.shape_cast %add3A_860 : vector<16xi32> to vector<16xi32>
      tpu.vector_store %arg6[%swap3A_863], %swap3A_866 {strides = array<i32>} : memref<10496xi32, #tpu.memory_space<vmem>>, vector<16xi32>,
      %mul3A_867 = arith.constant 4 : i32
      %mul3A_868 = arith.muli %add3A_835, %mul3A_867 : i32
      %add3A_869 = arith.constant 2 : i32
      %add3A_870 = arith.addi %mul3A_868, %add3A_869 : i32
      %add3A_871 = arith.constant 262144 : i32
      %add3A_872 = vector.broadcast %add3A_871 : i32 to vector<16xi32>
      %add3A_873 = arith.addi %add3A_840, %add3A_872 : vector<16xi32>
      %mul3A_874 = arith.constant 16 : i32
      %mul3A_875 = arith.muli %add3A_870, %mul3A_874 : i32
      %swap3A_876 = arith.index_cast %mul3A_875 : i32 to index
      %swap3A_877 = tpu.vector_load %arg6[%swap3A_876] {strides = array<i32>} : memref<10496xi32, #tpu.memory_space<vmem>>, vector<16xi32>,
      %swap3A_878 = vector.shape_cast %swap3A_877 : vector<16xi32> to vector<16xi32>
      %swap3A_879 = vector.shape_cast %add3A_873 : vector<16xi32> to vector<16xi32>
      tpu.vector_store %arg6[%swap3A_876], %swap3A_879 {strides = array<i32>} : memref<10496xi32, #tpu.memory_space<vmem>>, vector<16xi32>,
      %mul3A_880 = arith.constant 4 : i32
      %mul3A_881 = arith.muli %add3A_835, %mul3A_880 : i32
      %add3A_882 = arith.constant 3 : i32
      %add3A_883 = arith.addi %mul3A_881, %add3A_882 : i32
      %add3A_884 = arith.constant 393216 : i32
      %add3A_885 = vector.broadcast %add3A_884 : i32 to vector<16xi32>
      %add3A_886 = arith.addi %add3A_840, %add3A_885 : vector<16xi32>
      %mul3A_887 = arith.constant 16 : i32
      %mul3A_888 = arith.muli %add3A_883, %mul3A_887 : i32
      %swap3A_889 = arith.index_cast %mul3A_888 : i32 to index
      %swap3A_890 = tpu.vector_load %arg6[%swap3A_889] {strides = array<i32>} : memref<10496xi32, #tpu.memory_space<vmem>>, vector<16xi32>,
      %swap3A_891 = vector.shape_cast %swap3A_890 : vector<16xi32> to vector<16xi32>
      %swap3A_892 = vector.shape_cast %add3A_886 : vector<16xi32> to vector<16xi32>
      tpu.vector_store %arg6[%swap3A_889], %swap3A_892 {strides = array<i32>} : memref<10496xi32, #tpu.memory_space<vmem>>, vector<16xi32>,
      %mul3A_893 = arith.constant 16 : i32
      %mul3A_894 = arith.muli %scan3A_703, %mul3A_893 : i32
      %add3A_895 = arith.constant 3 : i32
      %add3A_896 = arith.addi %mul3A_894, %add3A_895 : i32
      %slice3A_897 = vector.extract_strided_slice %get3A_709 {offsets = [3], sizes = [1], strides = [1]} : vector<16xi32> to vector<1xi32>
      %squeeze3A_898 = vector.extract %slice3A_897[0] : i32 from vector<1xi32>
      %add3A_899 = arith.addi %mul3A_177, %squeeze3A_898 : i32
      %add3A_900 = vector.broadcast %add3A_899 : i32 to vector<16xi32>
      %add3A_901 = arith.addi %mul3A_3, %add3A_900 : vector<16xi32>
      %mul3A_902 = arith.constant 4 : i32
      %mul3A_903 = arith.muli %add3A_896, %mul3A_902 : i32
      %add3A_904 = arith.constant 0 : i32
      %add3A_905 = arith.addi %mul3A_903, %add3A_904 : i32
      %add3A_906 = arith.constant 0 : i32
      %add3A_907 = vector.broadcast %add3A_906 : i32 to vector<16xi32>
      %add3A_908 = arith.addi %add3A_901, %add3A_907 : vector<16xi32>
      %mul3A_909 = arith.constant 16 : i32
      %mul3A_910 = arith.muli %add3A_905, %mul3A_909 : i32
      %swap3A_911 = arith.index_cast %mul3A_910 : i32 to index
      %swap3A_912 = tpu.vector_load %arg6[%swap3A_911] {strides = array<i32>} : memref<10496xi32, #tpu.memory_space<vmem>>, vector<16xi32>,
      %swap3A_913 = vector.shape_cast %swap3A_912 : vector<16xi32> to vector<16xi32>
      %swap3A_914 = vector.shape_cast %add3A_908 : vector<16xi32> to vector<16xi32>
      tpu.vector_store %arg6[%swap3A_911], %swap3A_914 {strides = array<i32>} : memref<10496xi32, #tpu.memory_space<vmem>>, vector<16xi32>,
      %mul3A_915 = arith.constant 4 : i32
      %mul3A_916 = arith.muli %add3A_896, %mul3A_915 : i32
      %add3A_917 = arith.constant 1 : i32
      %add3A_918 = arith.addi %mul3A_916, %add3A_917 : i32
      %add3A_919 = arith.constant 131072 : i32
      %add3A_920 = vector.broadcast %add3A_919 : i32 to vector<16xi32>
      %add3A_921 = arith.addi %add3A_901, %add3A_920 : vector<16xi32>
      %mul3A_922 = arith.constant 16 : i32
      %mul3A_923 = arith.muli %add3A_918, %mul3A_922 : i32
      %swap3A_924 = arith.index_cast %mul3A_923 : i32 to index
      %swap3A_925 = tpu.vector_load %arg6[%swap3A_924] {strides = array<i32>} : memref<10496xi32, #tpu.memory_space<vmem>>, vector<16xi32>,
      %swap3A_926 = vector.shape_cast %swap3A_925 : vector<16xi32> to vector<16xi32>
      %swap3A_927 = vector.shape_cast %add3A_921 : vector<16xi32> to vector<16xi32>
      tpu.vector_store %arg6[%swap3A_924], %swap3A_927 {strides = array<i32>} : memref<10496xi32, #tpu.memory_space<vmem>>, vector<16xi32>,
      %mul3A_928 = arith.constant 4 : i32
      %mul3A_929 = arith.muli %add3A_896, %mul3A_928 : i32
      %add3A_930 = arith.constant 2 : i32
      %add3A_931 = arith.addi %mul3A_929, %add3A_930 : i32
      %add3A_932 = arith.constant 262144 : i32
      %add3A_933 = vector.broadcast %add3A_932 : i32 to vector<16xi32>
      %add3A_934 = arith.addi %add3A_901, %add3A_933 : vector<16xi32>
      %mul3A_935 = arith.constant 16 : i32
      %mul3A_936 = arith.muli %add3A_931, %mul3A_935 : i32
      %swap3A_937 = arith.index_cast %mul3A_936 : i32 to index
      %swap3A_938 = tpu.vector_load %arg6[%swap3A_937] {strides = array<i32>} : memref<10496xi32, #tpu.memory_space<vmem>>, vector<16xi32>,
      %swap3A_939 = vector.shape_cast %swap3A_938 : vector<16xi32> to vector<16xi32>
      %swap3A_940 = vector.shape_cast %add3A_934 : vector<16xi32> to vector<16xi32>
      tpu.vector_store %arg6[%swap3A_937], %swap3A_940 {strides = array<i32>} : memref<10496xi32, #tpu.memory_space<vmem>>, vector<16xi32>,
      %mul3A_941 = arith.constant 4 : i32
      %mul3A_942 = arith.muli %add3A_896, %mul3A_941 : i32
      %add3A_943 = arith.constant 3 : i32
      %add3A_944 = arith.addi %mul3A_942, %add3A_943 : i32
      %add3A_945 = arith.constant 393216 : i32
      %add3A_946 = vector.broadcast %add3A_945 : i32 to vector<16xi32>
      %add3A_947 = arith.addi %add3A_901, %add3A_946 : vector<16xi32>
      %mul3A_948 = arith.constant 16 : i32
      %mul3A_949 = arith.muli %add3A_944, %mul3A_948 : i32
      %swap3A_950 = arith.index_cast %mul3A_949 : i32 to index
      %swap3A_951 = tpu.vector_load %arg6[%swap3A_950] {strides = array<i32>} : memref<10496xi32, #tpu.memory_space<vmem>>, vector<16xi32>,
      %swap3A_952 = vector.shape_cast %swap3A_951 : vector<16xi32> to vector<16xi32>
      %swap3A_953 = vector.shape_cast %add3A_947 : vector<16xi32> to vector<16xi32>
      tpu.vector_store %arg6[%swap3A_950], %swap3A_953 {strides = array<i32>} : memref<10496xi32, #tpu.memory_space<vmem>>, vector<16xi32>,
      %mul3A_954 = arith.constant 16 : i32
      %mul3A_955 = arith.muli %scan3A_703, %mul3A_954 : i32
      %add3A_956 = arith.constant 4 : i32
      %add3A_957 = arith.addi %mul3A_955, %add3A_956 : i32
      %slice3A_958 = vector.extract_strided_slice %get3A_709 {offsets = [4], sizes = [1], strides = [1]} : vector<16xi32> to vector<1xi32>
      %squeeze3A_959 = vector.extract %slice3A_958[0] : i32 from vector<1xi32>
      %add3A_960 = arith.addi %mul3A_177, %squeeze3A_959 : i32
      %add3A_961 = vector.broadcast %add3A_960 : i32 to vector<16xi32>
      %add3A_962 = arith.addi %mul3A_3, %add3A_961 : vector<16xi32>
      %mul3A_963 = arith.constant 4 : i32
      %mul3A_964 = arith.muli %add3A_957, %mul3A_963 : i32
      %add3A_965 = arith.constant 0 : i32
      %add3A_966 = arith.addi %mul3A_964, %add3A_965 : i32
      %add3A_967 = arith.constant 0 : i32
      %add3A_968 = vector.broadcast %add3A_967 : i32 to vector<16xi32>
      %add3A_969 = arith.addi %add3A_962, %add3A_968 : vector<16xi32>
      %mul3A_970 = arith.constant 16 : i32
      %mul3A_971 = arith.muli %add3A_966, %mul3A_970 : i32
      %swap3A_972 = arith.index_cast %mul3A_971 : i32 to index
      %swap3A_973 = tpu.vector_load %arg6[%swap3A_972] {strides = array<i32>} : memref<10496xi32, #tpu.memory_space<vmem>>, vector<16xi32>,
      %swap3A_974 = vector.shape_cast %swap3A_973 : vector<16xi32> to vector<16xi32>
      %swap3A_975 = vector.shape_cast %add3A_969 : vector<16xi32> to vector<16xi32>
      tpu.vector_store %arg6[%swap3A_972], %swap3A_975 {strides = array<i32>} : memref<10496xi32, #tpu.memory_space<vmem>>, vector<16xi32>,
      %mul3A_976 = arith.constant 4 : i32
      %mul3A_977 = arith.muli %add3A_957, %mul3A_976 : i32
      %add3A_978 = arith.constant 1 : i32
      %add3A_979 = arith.addi %mul3A_977, %add3A_978 : i32
      %add3A_980 = arith.constant 131072 : i32
      %add3A_981 = vector.broadcast %add3A_980 : i32 to vector<16xi32>
      %add3A_982 = arith.addi %add3A_962, %add3A_981 : vector<16xi32>
      %mul3A_983 = arith.constant 16 : i32
      %mul3A_984 = arith.muli %add3A_979, %mul3A_983 : i32
      %swap3A_985 = arith.index_cast %mul3A_984 : i32 to index
      %swap3A_986 = tpu.vector_load %arg6[%swap3A_985] {strides = array<i32>} : memref<10496xi32, #tpu.memory_space<vmem>>, vector<16xi32>,
      %swap3A_987 = vector.shape_cast %swap3A_986 : vector<16xi32> to vector<16xi32>
      %swap3A_988 = vector.shape_cast %add3A_982 : vector<16xi32> to vector<16xi32>
      tpu.vector_store %arg6[%swap3A_985], %swap3A_988 {strides = array<i32>} : memref<10496xi32, #tpu.memory_space<vmem>>, vector<16xi32>,
      %mul3A_989 = arith.constant 4 : i32
      %mul3A_990 = arith.muli %add3A_957, %mul3A_989 : i32
      %add3A_991 = arith.constant 2 : i32
      %add3A_992 = arith.addi %mul3A_990, %add3A_991 : i32
      %add3A_993 = arith.constant 262144 : i32
      %add3A_994 = vector.broadcast %add3A_993 : i32 to vector<16xi32>
      %add3A_995 = arith.addi %add3A_962, %add3A_994 : vector<16xi32>
      %mul3A_996 = arith.constant 16 : i32
      %mul3A_997 = arith.muli %add3A_992, %mul3A_996 : i32
      %swap3A_998 = arith.index_cast %mul3A_997 : i32 to index
      %swap3A_999 = tpu.vector_load %arg6[%swap3A_998] {strides = array<i32>} : memref<10496xi32, #tpu.memory_space<vmem>>, vector<16xi32>,
      %swap3A_1000 = vector.shape_cast %swap3A_999 : vector<16xi32> to vector<16xi32>
      %swap3A_1001 = vector.shape_cast %add3A_995 : vector<16xi32> to vector<16xi32>
      tpu.vector_store %arg6[%swap3A_998], %swap3A_1001 {strides = array<i32>} : memref<10496xi32, #tpu.memory_space<vmem>>, vector<16xi32>,
      %mul3A_1002 = arith.constant 4 : i32
      %mul3A_1003 = arith.muli %add3A_957, %mul3A_1002 : i32
      %add3A_1004 = arith.constant 3 : i32
      %add3A_1005 = arith.addi %mul3A_1003, %add3A_1004 : i32
      %add3A_1006 = arith.constant 393216 : i32
      %add3A_1007 = vector.broadcast %add3A_1006 : i32 to vector<16xi32>
      %add3A_1008 = arith.addi %add3A_962, %add3A_1007 : vector<16xi32>
      %mul3A_1009 = arith.constant 16 : i32
      %mul3A_1010 = arith.muli %add3A_1005, %mul3A_1009 : i32
      %swap3A_1011 = arith.index_cast %mul3A_1010 : i32 to index
      %swap3A_1012 = tpu.vector_load %arg6[%swap3A_1011] {strides = array<i32>} : memref<10496xi32, #tpu.memory_space<vmem>>, vector<16xi32>,
      %swap3A_1013 = vector.shape_cast %swap3A_1012 : vector<16xi32> to vector<16xi32>
      %swap3A_1014 = vector.shape_cast %add3A_1008 : vector<16xi32> to vector<16xi32>
      tpu.vector_store %arg6[%swap3A_1011], %swap3A_1014 {strides = array<i32>} : memref<10496xi32, #tpu.memory_space<vmem>>, vector<16xi32>,
      %mul3A_1015 = arith.constant 16 : i32
      %mul3A_1016 = arith.muli %scan3A_703, %mul3A_1015 : i32
      %add3A_1017 = arith.constant 5 : i32
      %add3A_1018 = arith.addi %mul3A_1016, %add3A_1017 : i32
      %slice3A_1019 = vector.extract_strided_slice %get3A_709 {offsets = [5], sizes = [1], strides = [1]} : vector<16xi32> to vector<1xi32>
      %squeeze3A_1020 = vector.extract %slice3A_1019[0] : i32 from vector<1xi32>
      %add3A_1021 = arith.addi %mul3A_177, %squeeze3A_1020 : i32
      %add3A_1022 = vector.broadcast %add3A_1021 : i32 to vector<16xi32>
      %add3A_1023 = arith.addi %mul3A_3, %add3A_1022 : vector<16xi32>
      %mul3A_1024 = arith.constant 4 : i32
      %mul3A_1025 = arith.muli %add3A_1018, %mul3A_1024 : i32
      %add3A_1026 = arith.constant 0 : i32
      %add3A_1027 = arith.addi %mul3A_1025, %add3A_1026 : i32
      %add3A_1028 = arith.constant 0 : i32
      %add3A_1029 = vector.broadcast %add3A_1028 : i32 to vector<16xi32>
      %add3A_1030 = arith.addi %add3A_1023, %add3A_1029 : vector<16xi32>
      %mul3A_1031 = arith.constant 16 : i32
      %mul3A_1032 = arith.muli %add3A_1027, %mul3A_1031 : i32
      %swap3A_1033 = arith.index_cast %mul3A_1032 : i32 to index
      %swap3A_1034 = tpu.vector_load %arg6[%swap3A_1033] {strides = array<i32>} : memref<10496xi32, #tpu.memory_space<vmem>>, vector<16xi32>,
      %swap3A_1035 = vector.shape_cast %swap3A_1034 : vector<16xi32> to vector<16xi32>
      %swap3A_1036 = vector.shape_cast %add3A_1030 : vector<16xi32> to vector<16xi32>
      tpu.vector_store %arg6[%swap3A_1033], %swap3A_1036 {strides = array<i32>} : memref<10496xi32, #tpu.memory_space<vmem>>, vector<16xi32>,
      %mul3A_1037 = arith.constant 4 : i32
      %mul3A_1038 = arith.muli %add3A_1018, %mul3A_1037 : i32
      %add3A_1039 = arith.constant 1 : i32
      %add3A_1040 = arith.addi %mul3A_1038, %add3A_1039 : i32
      %add3A_1041 = arith.constant 131072 : i32
      %add3A_1042 = vector.broadcast %add3A_1041 : i32 to vector<16xi32>
      %add3A_1043 = arith.addi %add3A_1023, %add3A_1042 : vector<16xi32>
      %mul3A_1044 = arith.constant 16 : i32
      %mul3A_1045 = arith.muli %add3A_1040, %mul3A_1044 : i32
      %swap3A_1046 = arith.index_cast %mul3A_1045 : i32 to index
      %swap3A_1047 = tpu.vector_load %arg6[%swap3A_1046] {strides = array<i32>} : memref<10496xi32, #tpu.memory_space<vmem>>, vector<16xi32>,
      %swap3A_1048 = vector.shape_cast %swap3A_1047 : vector<16xi32> to vector<16xi32>
      %swap3A_1049 = vector.shape_cast %add3A_1043 : vector<16xi32> to vector<16xi32>
      tpu.vector_store %arg6[%swap3A_1046], %swap3A_1049 {strides = array<i32>} : memref<10496xi32, #tpu.memory_space<vmem>>, vector<16xi32>,
      %mul3A_1050 = arith.constant 4 : i32
      %mul3A_1051 = arith.muli %add3A_1018, %mul3A_1050 : i32
      %add3A_1052 = arith.constant 2 : i32
      %add3A_1053 = arith.addi %mul3A_1051, %add3A_1052 : i32
      %add3A_1054 = arith.constant 262144 : i32
      %add3A_1055 = vector.broadcast %add3A_1054 : i32 to vector<16xi32>
      %add3A_1056 = arith.addi %add3A_1023, %add3A_1055 : vector<16xi32>
      %mul3A_1057 = arith.constant 16 : i32
      %mul3A_1058 = arith.muli %add3A_1053, %mul3A_1057 : i32
      %swap3A_1059 = arith.index_cast %mul3A_1058 : i32 to index
      %swap3A_1060 = tpu.vector_load %arg6[%swap3A_1059] {strides = array<i32>} : memref<10496xi32, #tpu.memory_space<vmem>>, vector<16xi32>,
      %swap3A_1061 = vector.shape_cast %swap3A_1060 : vector<16xi32> to vector<16xi32>
      %swap3A_1062 = vector.shape_cast %add3A_1056 : vector<16xi32> to vector<16xi32>
      tpu.vector_store %arg6[%swap3A_1059], %swap3A_1062 {strides = array<i32>} : memref<10496xi32, #tpu.memory_space<vmem>>, vector<16xi32>,
      %mul3A_1063 = arith.constant 4 : i32
      %mul3A_1064 = arith.muli %add3A_1018, %mul3A_1063 : i32
      %add3A_1065 = arith.constant 3 : i32
      %add3A_1066 = arith.addi %mul3A_1064, %add3A_1065 : i32
      %add3A_1067 = arith.constant 393216 : i32
      %add3A_1068 = vector.broadcast %add3A_1067 : i32 to vector<16xi32>
      %add3A_1069 = arith.addi %add3A_1023, %add3A_1068 : vector<16xi32>
      %mul3A_1070 = arith.constant 16 : i32
      %mul3A_1071 = arith.muli %add3A_1066, %mul3A_1070 : i32
      %swap3A_1072 = arith.index_cast %mul3A_1071 : i32 to index
      %swap3A_1073 = tpu.vector_load %arg6[%swap3A_1072] {strides = array<i32>} : memref<10496xi32, #tpu.memory_space<vmem>>, vector<16xi32>,
      %swap3A_1074 = vector.shape_cast %swap3A_1073 : vector<16xi32> to vector<16xi32>
      %swap3A_1075 = vector.shape_cast %add3A_1069 : vector<16xi32> to vector<16xi32>
      tpu.vector_store %arg6[%swap3A_1072], %swap3A_1075 {strides = array<i32>} : memref<10496xi32, #tpu.memory_space<vmem>>, vector<16xi32>,
      %mul3A_1076 = arith.constant 16 : i32
      %mul3A_1077 = arith.muli %scan3A_703, %mul3A_1076 : i32
      %add3A_1078 = arith.constant 6 : i32
      %add3A_1079 = arith.addi %mul3A_1077, %add3A_1078 : i32
      %slice3A_1080 = vector.extract_strided_slice %get3A_709 {offsets = [6], sizes = [1], strides = [1]} : vector<16xi32> to vector<1xi32>
      %squeeze3A_1081 = vector.extract %slice3A_1080[0] : i32 from vector<1xi32>
      %add3A_1082 = arith.addi %mul3A_177, %squeeze3A_1081 : i32
      %add3A_1083 = vector.broadcast %add3A_1082 : i32 to vector<16xi32>
      %add3A_1084 = arith.addi %mul3A_3, %add3A_1083 : vector<16xi32>
      %mul3A_1085 = arith.constant 4 : i32
      %mul3A_1086 = arith.muli %add3A_1079, %mul3A_1085 : i32
      %add3A_1087 = arith.constant 0 : i32
      %add3A_1088 = arith.addi %mul3A_1086, %add3A_1087 : i32
      %add3A_1089 = arith.constant 0 : i32
      %add3A_1090 = vector.broadcast %add3A_1089 : i32 to vector<16xi32>
      %add3A_1091 = arith.addi %add3A_1084, %add3A_1090 : vector<16xi32>
      %mul3A_1092 = arith.constant 16 : i32
      %mul3A_1093 = arith.muli %add3A_1088, %mul3A_1092 : i32
      %swap3A_1094 = arith.index_cast %mul3A_1093 : i32 to index
      %swap3A_1095 = tpu.vector_load %arg6[%swap3A_1094] {strides = array<i32>} : memref<10496xi32, #tpu.memory_space<vmem>>, vector<16xi32>,
      %swap3A_1096 = vector.shape_cast %swap3A_1095 : vector<16xi32> to vector<16xi32>
      %swap3A_1097 = vector.shape_cast %add3A_1091 : vector<16xi32> to vector<16xi32>
      tpu.vector_store %arg6[%swap3A_1094], %swap3A_1097 {strides = array<i32>} : memref<10496xi32, #tpu.memory_space<vmem>>, vector<16xi32>,
      %mul3A_1098 = arith.constant 4 : i32
      %mul3A_1099 = arith.muli %add3A_1079, %mul3A_1098 : i32
      %add3A_1100 = arith.constant 1 : i32
      %add3A_1101 = arith.addi %mul3A_1099, %add3A_1100 : i32
      %add3A_1102 = arith.constant 131072 : i32
      %add3A_1103 = vector.broadcast %add3A_1102 : i32 to vector<16xi32>
      %add3A_1104 = arith.addi %add3A_1084, %add3A_1103 : vector<16xi32>
      %mul3A_1105 = arith.constant 16 : i32
      %mul3A_1106 = arith.muli %add3A_1101, %mul3A_1105 : i32
      %swap3A_1107 = arith.index_cast %mul3A_1106 : i32 to index
      %swap3A_1108 = tpu.vector_load %arg6[%swap3A_1107] {strides = array<i32>} : memref<10496xi32, #tpu.memory_space<vmem>>, vector<16xi32>,
      %swap3A_1109 = vector.shape_cast %swap3A_1108 : vector<16xi32> to vector<16xi32>
      %swap3A_1110 = vector.shape_cast %add3A_1104 : vector<16xi32> to vector<16xi32>
      tpu.vector_store %arg6[%swap3A_1107], %swap3A_1110 {strides = array<i32>} : memref<10496xi32, #tpu.memory_space<vmem>>, vector<16xi32>,
      %mul3A_1111 = arith.constant 4 : i32
      %mul3A_1112 = arith.muli %add3A_1079, %mul3A_1111 : i32
      %add3A_1113 = arith.constant 2 : i32
      %add3A_1114 = arith.addi %mul3A_1112, %add3A_1113 : i32
      %add3A_1115 = arith.constant 262144 : i32
      %add3A_1116 = vector.broadcast %add3A_1115 : i32 to vector<16xi32>
      %add3A_1117 = arith.addi %add3A_1084, %add3A_1116 : vector<16xi32>
      %mul3A_1118 = arith.constant 16 : i32
      %mul3A_1119 = arith.muli %add3A_1114, %mul3A_1118 : i32
      %swap3A_1120 = arith.index_cast %mul3A_1119 : i32 to index
      %swap3A_1121 = tpu.vector_load %arg6[%swap3A_1120] {strides = array<i32>} : memref<10496xi32, #tpu.memory_space<vmem>>, vector<16xi32>,
      %swap3A_1122 = vector.shape_cast %swap3A_1121 : vector<16xi32> to vector<16xi32>
      %swap3A_1123 = vector.shape_cast %add3A_1117 : vector<16xi32> to vector<16xi32>
      tpu.vector_store %arg6[%swap3A_1120], %swap3A_1123 {strides = array<i32>} : memref<10496xi32, #tpu.memory_space<vmem>>, vector<16xi32>,
      %mul3A_1124 = arith.constant 4 : i32
      %mul3A_1125 = arith.muli %add3A_1079, %mul3A_1124 : i32
      %add3A_1126 = arith.constant 3 : i32
      %add3A_1127 = arith.addi %mul3A_1125, %add3A_1126 : i32
      %add3A_1128 = arith.constant 393216 : i32
      %add3A_1129 = vector.broadcast %add3A_1128 : i32 to vector<16xi32>
      %add3A_1130 = arith.addi %add3A_1084, %add3A_1129 : vector<16xi32>
      %mul3A_1131 = arith.constant 16 : i32
      %mul3A_1132 = arith.muli %add3A_1127, %mul3A_1131 : i32
      %swap3A_1133 = arith.index_cast %mul3A_1132 : i32 to index
      %swap3A_1134 = tpu.vector_load %arg6[%swap3A_1133] {strides = array<i32>} : memref<10496xi32, #tpu.memory_space<vmem>>, vector<16xi32>,
      %swap3A_1135 = vector.shape_cast %swap3A_1134 : vector<16xi32> to vector<16xi32>
      %swap3A_1136 = vector.shape_cast %add3A_1130 : vector<16xi32> to vector<16xi32>
      tpu.vector_store %arg6[%swap3A_1133], %swap3A_1136 {strides = array<i32>} : memref<10496xi32, #tpu.memory_space<vmem>>, vector<16xi32>,
      %mul3A_1137 = arith.constant 16 : i32
      %mul3A_1138 = arith.muli %scan3A_703, %mul3A_1137 : i32
      %add3A_1139 = arith.constant 7 : i32
      %add3A_1140 = arith.addi %mul3A_1138, %add3A_1139 : i32
      %slice3A_1141 = vector.extract_strided_slice %get3A_709 {offsets = [7], sizes = [1], strides = [1]} : vector<16xi32> to vector<1xi32>
      %squeeze3A_1142 = vector.extract %slice3A_1141[0] : i32 from vector<1xi32>
      %add3A_1143 = arith.addi %mul3A_177, %squeeze3A_1142 : i32
      %add3A_1144 = vector.broadcast %add3A_1143 : i32 to vector<16xi32>
      %add3A_1145 = arith.addi %mul3A_3, %add3A_1144 : vector<16xi32>
      %mul3A_1146 = arith.constant 4 : i32
      %mul3A_1147 = arith.muli %add3A_1140, %mul3A_1146 : i32
      %add3A_1148 = arith.constant 0 : i32
      %add3A_1149 = arith.addi %mul3A_1147, %add3A_1148 : i32
      %add3A_1150 = arith.constant 0 : i32
      %add3A_1151 = vector.broadcast %add3A_1150 : i32 to vector<16xi32>
      %add3A_1152 = arith.addi %add3A_1145, %add3A_1151 : vector<16xi32>
      %mul3A_1153 = arith.constant 16 : i32
      %mul3A_1154 = arith.muli %add3A_1149, %mul3A_1153 : i32
      %swap3A_1155 = arith.index_cast %mul3A_1154 : i32 to index
      %swap3A_1156 = tpu.vector_load %arg6[%swap3A_1155] {strides = array<i32>} : memref<10496xi32, #tpu.memory_space<vmem>>, vector<16xi32>,
      %swap3A_1157 = vector.shape_cast %swap3A_1156 : vector<16xi32> to vector<16xi32>
      %swap3A_1158 = vector.shape_cast %add3A_1152 : vector<16xi32> to vector<16xi32>
      tpu.vector_store %arg6[%swap3A_1155], %swap3A_1158 {strides = array<i32>} : memref<10496xi32, #tpu.memory_space<vmem>>, vector<16xi32>,
      %mul3A_1159 = arith.constant 4 : i32
      %mul3A_1160 = arith.muli %add3A_1140, %mul3A_1159 : i32
      %add3A_1161 = arith.constant 1 : i32
      %add3A_1162 = arith.addi %mul3A_1160, %add3A_1161 : i32
      %add3A_1163 = arith.constant 131072 : i32
      %add3A_1164 = vector.broadcast %add3A_1163 : i32 to vector<16xi32>
      %add3A_1165 = arith.addi %add3A_1145, %add3A_1164 : vector<16xi32>
      %mul3A_1166 = arith.constant 16 : i32
      %mul3A_1167 = arith.muli %add3A_1162, %mul3A_1166 : i32
      %swap3A_1168 = arith.index_cast %mul3A_1167 : i32 to index
      %swap3A_1169 = tpu.vector_load %arg6[%swap3A_1168] {strides = array<i32>} : memref<10496xi32, #tpu.memory_space<vmem>>, vector<16xi32>,
      %swap3A_1170 = vector.shape_cast %swap3A_1169 : vector<16xi32> to vector<16xi32>
      %swap3A_1171 = vector.shape_cast %add3A_1165 : vector<16xi32> to vector<16xi32>
      tpu.vector_store %arg6[%swap3A_1168], %swap3A_1171 {strides = array<i32>} : memref<10496xi32, #tpu.memory_space<vmem>>, vector<16xi32>,
      %mul3A_1172 = arith.constant 4 : i32
      %mul3A_1173 = arith.muli %add3A_1140, %mul3A_1172 : i32
      %add3A_1174 = arith.constant 2 : i32
      %add3A_1175 = arith.addi %mul3A_1173, %add3A_1174 : i32
      %add3A_1176 = arith.constant 262144 : i32
      %add3A_1177 = vector.broadcast %add3A_1176 : i32 to vector<16xi32>
      %add3A_1178 = arith.addi %add3A_1145, %add3A_1177 : vector<16xi32>
      %mul3A_1179 = arith.constant 16 : i32
      %mul3A_1180 = arith.muli %add3A_1175, %mul3A_1179 : i32
      %swap3A_1181 = arith.index_cast %mul3A_1180 : i32 to index
      %swap3A_1182 = tpu.vector_load %arg6[%swap3A_1181] {strides = array<i32>} : memref<10496xi32, #tpu.memory_space<vmem>>, vector<16xi32>,
      %swap3A_1183 = vector.shape_cast %swap3A_1182 : vector<16xi32> to vector<16xi32>
      %swap3A_1184 = vector.shape_cast %add3A_1178 : vector<16xi32> to vector<16xi32>
      tpu.vector_store %arg6[%swap3A_1181], %swap3A_1184 {strides = array<i32>} : memref<10496xi32, #tpu.memory_space<vmem>>, vector<16xi32>,
      %mul3A_1185 = arith.constant 4 : i32
      %mul3A_1186 = arith.muli %add3A_1140, %mul3A_1185 : i32
      %add3A_1187 = arith.constant 3 : i32
      %add3A_1188 = arith.addi %mul3A_1186, %add3A_1187 : i32
      %add3A_1189 = arith.constant 393216 : i32
      %add3A_1190 = vector.broadcast %add3A_1189 : i32 to vector<16xi32>
      %add3A_1191 = arith.addi %add3A_1145, %add3A_1190 : vector<16xi32>
      %mul3A_1192 = arith.constant 16 : i32
      %mul3A_1193 = arith.muli %add3A_1188, %mul3A_1192 : i32
      %swap3A_1194 = arith.index_cast %mul3A_1193 : i32 to index
      %swap3A_1195 = tpu.vector_load %arg6[%swap3A_1194] {strides = array<i32>} : memref<10496xi32, #tpu.memory_space<vmem>>, vector<16xi32>,
      %swap3A_1196 = vector.shape_cast %swap3A_1195 : vector<16xi32> to vector<16xi32>
      %swap3A_1197 = vector.shape_cast %add3A_1191 : vector<16xi32> to vector<16xi32>
      tpu.vector_store %arg6[%swap3A_1194], %swap3A_1197 {strides = array<i32>} : memref<10496xi32, #tpu.memory_space<vmem>>, vector<16xi32>,
      %mul3A_1198 = arith.constant 16 : i32
      %mul3A_1199 = arith.muli %scan3A_703, %mul3A_1198 : i32
      %add3A_1200 = arith.constant 8 : i32
      %add3A_1201 = arith.addi %mul3A_1199, %add3A_1200 : i32
      %slice3A_1202 = vector.extract_strided_slice %get3A_709 {offsets = [8], sizes = [1], strides = [1]} : vector<16xi32> to vector<1xi32>
      %squeeze3A_1203 = vector.extract %slice3A_1202[0] : i32 from vector<1xi32>
      %add3A_1204 = arith.addi %mul3A_177, %squeeze3A_1203 : i32
      %add3A_1205 = vector.broadcast %add3A_1204 : i32 to vector<16xi32>
      %add3A_1206 = arith.addi %mul3A_3, %add3A_1205 : vector<16xi32>
      %mul3A_1207 = arith.constant 4 : i32
      %mul3A_1208 = arith.muli %add3A_1201, %mul3A_1207 : i32
      %add3A_1209 = arith.constant 0 : i32
      %add3A_1210 = arith.addi %mul3A_1208, %add3A_1209 : i32
      %add3A_1211 = arith.constant 0 : i32
      %add3A_1212 = vector.broadcast %add3A_1211 : i32 to vector<16xi32>
      %add3A_1213 = arith.addi %add3A_1206, %add3A_1212 : vector<16xi32>
      %mul3A_1214 = arith.constant 16 : i32
      %mul3A_1215 = arith.muli %add3A_1210, %mul3A_1214 : i32
      %swap3A_1216 = arith.index_cast %mul3A_1215 : i32 to index
      %swap3A_1217 = tpu.vector_load %arg6[%swap3A_1216] {strides = array<i32>} : memref<10496xi32, #tpu.memory_space<vmem>>, vector<16xi32>,
      %swap3A_1218 = vector.shape_cast %swap3A_1217 : vector<16xi32> to vector<16xi32>
      %swap3A_1219 = vector.shape_cast %add3A_1213 : vector<16xi32> to vector<16xi32>
      tpu.vector_store %arg6[%swap3A_1216], %swap3A_1219 {strides = array<i32>} : memref<10496xi32, #tpu.memory_space<vmem>>, vector<16xi32>,
      %mul3A_1220 = arith.constant 4 : i32
      %mul3A_1221 = arith.muli %add3A_1201, %mul3A_1220 : i32
      %add3A_1222 = arith.constant 1 : i32
      %add3A_1223 = arith.addi %mul3A_1221, %add3A_1222 : i32
      %add3A_1224 = arith.constant 131072 : i32
      %add3A_1225 = vector.broadcast %add3A_1224 : i32 to vector<16xi32>
      %add3A_1226 = arith.addi %add3A_1206, %add3A_1225 : vector<16xi32>
      %mul3A_1227 = arith.constant 16 : i32
      %mul3A_1228 = arith.muli %add3A_1223, %mul3A_1227 : i32
      %swap3A_1229 = arith.index_cast %mul3A_1228 : i32 to index
      %swap3A_1230 = tpu.vector_load %arg6[%swap3A_1229] {strides = array<i32>} : memref<10496xi32, #tpu.memory_space<vmem>>, vector<16xi32>,
      %swap3A_1231 = vector.shape_cast %swap3A_1230 : vector<16xi32> to vector<16xi32>
      %swap3A_1232 = vector.shape_cast %add3A_1226 : vector<16xi32> to vector<16xi32>
      tpu.vector_store %arg6[%swap3A_1229], %swap3A_1232 {strides = array<i32>} : memref<10496xi32, #tpu.memory_space<vmem>>, vector<16xi32>,
      %mul3A_1233 = arith.constant 4 : i32
      %mul3A_1234 = arith.muli %add3A_1201, %mul3A_1233 : i32
      %add3A_1235 = arith.constant 2 : i32
      %add3A_1236 = arith.addi %mul3A_1234, %add3A_1235 : i32
      %add3A_1237 = arith.constant 262144 : i32
      %add3A_1238 = vector.broadcast %add3A_1237 : i32 to vector<16xi32>
      %add3A_1239 = arith.addi %add3A_1206, %add3A_1238 : vector<16xi32>
      %mul3A_1240 = arith.constant 16 : i32
      %mul3A_1241 = arith.muli %add3A_1236, %mul3A_1240 : i32
      %swap3A_1242 = arith.index_cast %mul3A_1241 : i32 to index
      %swap3A_1243 = tpu.vector_load %arg6[%swap3A_1242] {strides = array<i32>} : memref<10496xi32, #tpu.memory_space<vmem>>, vector<16xi32>,
      %swap3A_1244 = vector.shape_cast %swap3A_1243 : vector<16xi32> to vector<16xi32>
      %swap3A_1245 = vector.shape_cast %add3A_1239 : vector<16xi32> to vector<16xi32>
      tpu.vector_store %arg6[%swap3A_1242], %swap3A_1245 {strides = array<i32>} : memref<10496xi32, #tpu.memory_space<vmem>>, vector<16xi32>,
      %mul3A_1246 = arith.constant 4 : i32
      %mul3A_1247 = arith.muli %add3A_1201, %mul3A_1246 : i32
      %add3A_1248 = arith.constant 3 : i32
      %add3A_1249 = arith.addi %mul3A_1247, %add3A_1248 : i32
      %add3A_1250 = arith.constant 393216 : i32
      %add3A_1251 = vector.broadcast %add3A_1250 : i32 to vector<16xi32>
      %add3A_1252 = arith.addi %add3A_1206, %add3A_1251 : vector<16xi32>
      %mul3A_1253 = arith.constant 16 : i32
      %mul3A_1254 = arith.muli %add3A_1249, %mul3A_1253 : i32
      %swap3A_1255 = arith.index_cast %mul3A_1254 : i32 to index
      %swap3A_1256 = tpu.vector_load %arg6[%swap3A_1255] {strides = array<i32>} : memref<10496xi32, #tpu.memory_space<vmem>>, vector<16xi32>,
      %swap3A_1257 = vector.shape_cast %swap3A_1256 : vector<16xi32> to vector<16xi32>
      %swap3A_1258 = vector.shape_cast %add3A_1252 : vector<16xi32> to vector<16xi32>
      tpu.vector_store %arg6[%swap3A_1255], %swap3A_1258 {strides = array<i32>} : memref<10496xi32, #tpu.memory_space<vmem>>, vector<16xi32>,
      %mul3A_1259 = arith.constant 16 : i32
      %mul3A_1260 = arith.muli %scan3A_703, %mul3A_1259 : i32
      %add3A_1261 = arith.constant 9 : i32
      %add3A_1262 = arith.addi %mul3A_1260, %add3A_1261 : i32
      %slice3A_1263 = vector.extract_strided_slice %get3A_709 {offsets = [9], sizes = [1], strides = [1]} : vector<16xi32> to vector<1xi32>
      %squeeze3A_1264 = vector.extract %slice3A_1263[0] : i32 from vector<1xi32>
      %add3A_1265 = arith.addi %mul3A_177, %squeeze3A_1264 : i32
      %add3A_1266 = vector.broadcast %add3A_1265 : i32 to vector<16xi32>
      %add3A_1267 = arith.addi %mul3A_3, %add3A_1266 : vector<16xi32>
      %mul3A_1268 = arith.constant 4 : i32
      %mul3A_1269 = arith.muli %add3A_1262, %mul3A_1268 : i32
      %add3A_1270 = arith.constant 0 : i32
      %add3A_1271 = arith.addi %mul3A_1269, %add3A_1270 : i32
      %add3A_1272 = arith.constant 0 : i32
      %add3A_1273 = vector.broadcast %add3A_1272 : i32 to vector<16xi32>
      %add3A_1274 = arith.addi %add3A_1267, %add3A_1273 : vector<16xi32>
      %mul3A_1275 = arith.constant 16 : i32
      %mul3A_1276 = arith.muli %add3A_1271, %mul3A_1275 : i32
      %swap3A_1277 = arith.index_cast %mul3A_1276 : i32 to index
      %swap3A_1278 = tpu.vector_load %arg6[%swap3A_1277] {strides = array<i32>} : memref<10496xi32, #tpu.memory_space<vmem>>, vector<16xi32>,
      %swap3A_1279 = vector.shape_cast %swap3A_1278 : vector<16xi32> to vector<16xi32>
      %swap3A_1280 = vector.shape_cast %add3A_1274 : vector<16xi32> to vector<16xi32>
      tpu.vector_store %arg6[%swap3A_1277], %swap3A_1280 {strides = array<i32>} : memref<10496xi32, #tpu.memory_space<vmem>>, vector<16xi32>,
      %mul3A_1281 = arith.constant 4 : i32
      %mul3A_1282 = arith.muli %add3A_1262, %mul3A_1281 : i32
      %add3A_1283 = arith.constant 1 : i32
      %add3A_1284 = arith.addi %mul3A_1282, %add3A_1283 : i32
      %add3A_1285 = arith.constant 131072 : i32
      %add3A_1286 = vector.broadcast %add3A_1285 : i32 to vector<16xi32>
      %add3A_1287 = arith.addi %add3A_1267, %add3A_1286 : vector<16xi32>
      %mul3A_1288 = arith.constant 16 : i32
      %mul3A_1289 = arith.muli %add3A_1284, %mul3A_1288 : i32
      %swap3A_1290 = arith.index_cast %mul3A_1289 : i32 to index
      %swap3A_1291 = tpu.vector_load %arg6[%swap3A_1290] {strides = array<i32>} : memref<10496xi32, #tpu.memory_space<vmem>>, vector<16xi32>,
      %swap3A_1292 = vector.shape_cast %swap3A_1291 : vector<16xi32> to vector<16xi32>
      %swap3A_1293 = vector.shape_cast %add3A_1287 : vector<16xi32> to vector<16xi32>
      tpu.vector_store %arg6[%swap3A_1290], %swap3A_1293 {strides = array<i32>} : memref<10496xi32, #tpu.memory_space<vmem>>, vector<16xi32>,
      %mul3A_1294 = arith.constant 4 : i32
      %mul3A_1295 = arith.muli %add3A_1262, %mul3A_1294 : i32
      %add3A_1296 = arith.constant 2 : i32
      %add3A_1297 = arith.addi %mul3A_1295, %add3A_1296 : i32
      %add3A_1298 = arith.constant 262144 : i32
      %add3A_1299 = vector.broadcast %add3A_1298 : i32 to vector<16xi32>
      %add3A_1300 = arith.addi %add3A_1267, %add3A_1299 : vector<16xi32>
      %mul3A_1301 = arith.constant 16 : i32
      %mul3A_1302 = arith.muli %add3A_1297, %mul3A_1301 : i32
      %swap3A_1303 = arith.index_cast %mul3A_1302 : i32 to index
      %swap3A_1304 = tpu.vector_load %arg6[%swap3A_1303] {strides = array<i32>} : memref<10496xi32, #tpu.memory_space<vmem>>, vector<16xi32>,
      %swap3A_1305 = vector.shape_cast %swap3A_1304 : vector<16xi32> to vector<16xi32>
      %swap3A_1306 = vector.shape_cast %add3A_1300 : vector<16xi32> to vector<16xi32>
      tpu.vector_store %arg6[%swap3A_1303], %swap3A_1306 {strides = array<i32>} : memref<10496xi32, #tpu.memory_space<vmem>>, vector<16xi32>,
      %mul3A_1307 = arith.constant 4 : i32
      %mul3A_1308 = arith.muli %add3A_1262, %mul3A_1307 : i32
      %add3A_1309 = arith.constant 3 : i32
      %add3A_1310 = arith.addi %mul3A_1308, %add3A_1309 : i32
      %add3A_1311 = arith.constant 393216 : i32
      %add3A_1312 = vector.broadcast %add3A_1311 : i32 to vector<16xi32>
      %add3A_1313 = arith.addi %add3A_1267, %add3A_1312 : vector<16xi32>
      %mul3A_1314 = arith.constant 16 : i32
      %mul3A_1315 = arith.muli %add3A_1310, %mul3A_1314 : i32
      %swap3A_1316 = arith.index_cast %mul3A_1315 : i32 to index
      %swap3A_1317 = tpu.vector_load %arg6[%swap3A_1316] {strides = array<i32>} : memref<10496xi32, #tpu.memory_space<vmem>>, vector<16xi32>,
      %swap3A_1318 = vector.shape_cast %swap3A_1317 : vector<16xi32> to vector<16xi32>
      %swap3A_1319 = vector.shape_cast %add3A_1313 : vector<16xi32> to vector<16xi32>
      tpu.vector_store %arg6[%swap3A_1316], %swap3A_1319 {strides = array<i32>} : memref<10496xi32, #tpu.memory_space<vmem>>, vector<16xi32>,
      %mul3A_1320 = arith.constant 16 : i32
      %mul3A_1321 = arith.muli %scan3A_703, %mul3A_1320 : i32
      %add3A_1322 = arith.constant 10 : i32
      %add3A_1323 = arith.addi %mul3A_1321, %add3A_1322 : i32
      %slice3A_1324 = vector.extract_strided_slice %get3A_709 {offsets = [10], sizes = [1], strides = [1]} : vector<16xi32> to vector<1xi32>
      %squeeze3A_1325 = vector.extract %slice3A_1324[0] : i32 from vector<1xi32>
      %add3A_1326 = arith.addi %mul3A_177, %squeeze3A_1325 : i32
      %add3A_1327 = vector.broadcast %add3A_1326 : i32 to vector<16xi32>
      %add3A_1328 = arith.addi %mul3A_3, %add3A_1327 : vector<16xi32>
      %mul3A_1329 = arith.constant 4 : i32
      %mul3A_1330 = arith.muli %add3A_1323, %mul3A_1329 : i32
      %add3A_1331 = arith.constant 0 : i32
      %add3A_1332 = arith.addi %mul3A_1330, %add3A_1331 : i32
      %add3A_1333 = arith.constant 0 : i32
      %add3A_1334 = vector.broadcast %add3A_1333 : i32 to vector<16xi32>
      %add3A_1335 = arith.addi %add3A_1328, %add3A_1334 : vector<16xi32>
      %mul3A_1336 = arith.constant 16 : i32
      %mul3A_1337 = arith.muli %add3A_1332, %mul3A_1336 : i32
      %swap3A_1338 = arith.index_cast %mul3A_1337 : i32 to index
      %swap3A_1339 = tpu.vector_load %arg6[%swap3A_1338] {strides = array<i32>} : memref<10496xi32, #tpu.memory_space<vmem>>, vector<16xi32>,
      %swap3A_1340 = vector.shape_cast %swap3A_1339 : vector<16xi32> to vector<16xi32>
      %swap3A_1341 = vector.shape_cast %add3A_1335 : vector<16xi32> to vector<16xi32>
      tpu.vector_store %arg6[%swap3A_1338], %swap3A_1341 {strides = array<i32>} : memref<10496xi32, #tpu.memory_space<vmem>>, vector<16xi32>,
      %mul3A_1342 = arith.constant 4 : i32
      %mul3A_1343 = arith.muli %add3A_1323, %mul3A_1342 : i32
      %add3A_1344 = arith.constant 1 : i32
      %add3A_1345 = arith.addi %mul3A_1343, %add3A_1344 : i32
      %add3A_1346 = arith.constant 131072 : i32
      %add3A_1347 = vector.broadcast %add3A_1346 : i32 to vector<16xi32>
      %add3A_1348 = arith.addi %add3A_1328, %add3A_1347 : vector<16xi32>
      %mul3A_1349 = arith.constant 16 : i32
      %mul3A_1350 = arith.muli %add3A_1345, %mul3A_1349 : i32
      %swap3A_1351 = arith.index_cast %mul3A_1350 : i32 to index
      %swap3A_1352 = tpu.vector_load %arg6[%swap3A_1351] {strides = array<i32>} : memref<10496xi32, #tpu.memory_space<vmem>>, vector<16xi32>,
      %swap3A_1353 = vector.shape_cast %swap3A_1352 : vector<16xi32> to vector<16xi32>
      %swap3A_1354 = vector.shape_cast %add3A_1348 : vector<16xi32> to vector<16xi32>
      tpu.vector_store %arg6[%swap3A_1351], %swap3A_1354 {strides = array<i32>} : memref<10496xi32, #tpu.memory_space<vmem>>, vector<16xi32>,
      %mul3A_1355 = arith.constant 4 : i32
      %mul3A_1356 = arith.muli %add3A_1323, %mul3A_1355 : i32
      %add3A_1357 = arith.constant 2 : i32
      %add3A_1358 = arith.addi %mul3A_1356, %add3A_1357 : i32
      %add3A_1359 = arith.constant 262144 : i32
      %add3A_1360 = vector.broadcast %add3A_1359 : i32 to vector<16xi32>
      %add3A_1361 = arith.addi %add3A_1328, %add3A_1360 : vector<16xi32>
      %mul3A_1362 = arith.constant 16 : i32
      %mul3A_1363 = arith.muli %add3A_1358, %mul3A_1362 : i32
      %swap3A_1364 = arith.index_cast %mul3A_1363 : i32 to index
      %swap3A_1365 = tpu.vector_load %arg6[%swap3A_1364] {strides = array<i32>} : memref<10496xi32, #tpu.memory_space<vmem>>, vector<16xi32>,
      %swap3A_1366 = vector.shape_cast %swap3A_1365 : vector<16xi32> to vector<16xi32>
      %swap3A_1367 = vector.shape_cast %add3A_1361 : vector<16xi32> to vector<16xi32>
      tpu.vector_store %arg6[%swap3A_1364], %swap3A_1367 {strides = array<i32>} : memref<10496xi32, #tpu.memory_space<vmem>>, vector<16xi32>,
      %mul3A_1368 = arith.constant 4 : i32
      %mul3A_1369 = arith.muli %add3A_1323, %mul3A_1368 : i32
      %add3A_1370 = arith.constant 3 : i32
      %add3A_1371 = arith.addi %mul3A_1369, %add3A_1370 : i32
      %add3A_1372 = arith.constant 393216 : i32
      %add3A_1373 = vector.broadcast %add3A_1372 : i32 to vector<16xi32>
      %add3A_1374 = arith.addi %add3A_1328, %add3A_1373 : vector<16xi32>
      %mul3A_1375 = arith.constant 16 : i32
      %mul3A_1376 = arith.muli %add3A_1371, %mul3A_1375 : i32
      %swap3A_1377 = arith.index_cast %mul3A_1376 : i32 to index
      %swap3A_1378 = tpu.vector_load %arg6[%swap3A_1377] {strides = array<i32>} : memref<10496xi32, #tpu.memory_space<vmem>>, vector<16xi32>,
      %swap3A_1379 = vector.shape_cast %swap3A_1378 : vector<16xi32> to vector<16xi32>
      %swap3A_1380 = vector.shape_cast %add3A_1374 : vector<16xi32> to vector<16xi32>
      tpu.vector_store %arg6[%swap3A_1377], %swap3A_1380 {strides = array<i32>} : memref<10496xi32, #tpu.memory_space<vmem>>, vector<16xi32>,
      %mul3A_1381 = arith.constant 16 : i32
      %mul3A_1382 = arith.muli %scan3A_703, %mul3A_1381 : i32
      %add3A_1383 = arith.constant 11 : i32
      %add3A_1384 = arith.addi %mul3A_1382, %add3A_1383 : i32
      %slice3A_1385 = vector.extract_strided_slice %get3A_709 {offsets = [11], sizes = [1], strides = [1]} : vector<16xi32> to vector<1xi32>
      %squeeze3A_1386 = vector.extract %slice3A_1385[0] : i32 from vector<1xi32>
      %add3A_1387 = arith.addi %mul3A_177, %squeeze3A_1386 : i32
      %add3A_1388 = vector.broadcast %add3A_1387 : i32 to vector<16xi32>
      %add3A_1389 = arith.addi %mul3A_3, %add3A_1388 : vector<16xi32>
      %mul3A_1390 = arith.constant 4 : i32
      %mul3A_1391 = arith.muli %add3A_1384, %mul3A_1390 : i32
      %add3A_1392 = arith.constant 0 : i32
      %add3A_1393 = arith.addi %mul3A_1391, %add3A_1392 : i32
      %add3A_1394 = arith.constant 0 : i32
      %add3A_1395 = vector.broadcast %add3A_1394 : i32 to vector<16xi32>
      %add3A_1396 = arith.addi %add3A_1389, %add3A_1395 : vector<16xi32>
      %mul3A_1397 = arith.constant 16 : i32
      %mul3A_1398 = arith.muli %add3A_1393, %mul3A_1397 : i32
      %swap3A_1399 = arith.index_cast %mul3A_1398 : i32 to index
      %swap3A_1400 = tpu.vector_load %arg6[%swap3A_1399] {strides = array<i32>} : memref<10496xi32, #tpu.memory_space<vmem>>, vector<16xi32>,
      %swap3A_1401 = vector.shape_cast %swap3A_1400 : vector<16xi32> to vector<16xi32>
      %swap3A_1402 = vector.shape_cast %add3A_1396 : vector<16xi32> to vector<16xi32>
      tpu.vector_store %arg6[%swap3A_1399], %swap3A_1402 {strides = array<i32>} : memref<10496xi32, #tpu.memory_space<vmem>>, vector<16xi32>,
      %mul3A_1403 = arith.constant 4 : i32
      %mul3A_1404 = arith.muli %add3A_1384, %mul3A_1403 : i32
      %add3A_1405 = arith.constant 1 : i32
      %add3A_1406 = arith.addi %mul3A_1404, %add3A_1405 : i32
      %add3A_1407 = arith.constant 131072 : i32
      %add3A_1408 = vector.broadcast %add3A_1407 : i32 to vector<16xi32>
      %add3A_1409 = arith.addi %add3A_1389, %add3A_1408 : vector<16xi32>
      %mul3A_1410 = arith.constant 16 : i32
      %mul3A_1411 = arith.muli %add3A_1406, %mul3A_1410 : i32
      %swap3A_1412 = arith.index_cast %mul3A_1411 : i32 to index
      %swap3A_1413 = tpu.vector_load %arg6[%swap3A_1412] {strides = array<i32>} : memref<10496xi32, #tpu.memory_space<vmem>>, vector<16xi32>,
      %swap3A_1414 = vector.shape_cast %swap3A_1413 : vector<16xi32> to vector<16xi32>
      %swap3A_1415 = vector.shape_cast %add3A_1409 : vector<16xi32> to vector<16xi32>
      tpu.vector_store %arg6[%swap3A_1412], %swap3A_1415 {strides = array<i32>} : memref<10496xi32, #tpu.memory_space<vmem>>, vector<16xi32>,
      %mul3A_1416 = arith.constant 4 : i32
      %mul3A_1417 = arith.muli %add3A_1384, %mul3A_1416 : i32
      %add3A_1418 = arith.constant 2 : i32
      %add3A_1419 = arith.addi %mul3A_1417, %add3A_1418 : i32
      %add3A_1420 = arith.constant 262144 : i32
      %add3A_1421 = vector.broadcast %add3A_1420 : i32 to vector<16xi32>
      %add3A_1422 = arith.addi %add3A_1389, %add3A_1421 : vector<16xi32>
      %mul3A_1423 = arith.constant 16 : i32
      %mul3A_1424 = arith.muli %add3A_1419, %mul3A_1423 : i32
      %swap3A_1425 = arith.index_cast %mul3A_1424 : i32 to index
      %swap3A_1426 = tpu.vector_load %arg6[%swap3A_1425] {strides = array<i32>} : memref<10496xi32, #tpu.memory_space<vmem>>, vector<16xi32>,
      %swap3A_1427 = vector.shape_cast %swap3A_1426 : vector<16xi32> to vector<16xi32>
      %swap3A_1428 = vector.shape_cast %add3A_1422 : vector<16xi32> to vector<16xi32>
      tpu.vector_store %arg6[%swap3A_1425], %swap3A_1428 {strides = array<i32>} : memref<10496xi32, #tpu.memory_space<vmem>>, vector<16xi32>,
      %mul3A_1429 = arith.constant 4 : i32
      %mul3A_1430 = arith.muli %add3A_1384, %mul3A_1429 : i32
      %add3A_1431 = arith.constant 3 : i32
      %add3A_1432 = arith.addi %mul3A_1430, %add3A_1431 : i32
      %add3A_1433 = arith.constant 393216 : i32
      %add3A_1434 = vector.broadcast %add3A_1433 : i32 to vector<16xi32>
      %add3A_1435 = arith.addi %add3A_1389, %add3A_1434 : vector<16xi32>
      %mul3A_1436 = arith.constant 16 : i32
      %mul3A_1437 = arith.muli %add3A_1432, %mul3A_1436 : i32
      %swap3A_1438 = arith.index_cast %mul3A_1437 : i32 to index
      %swap3A_1439 = tpu.vector_load %arg6[%swap3A_1438] {strides = array<i32>} : memref<10496xi32, #tpu.memory_space<vmem>>, vector<16xi32>,
      %swap3A_1440 = vector.shape_cast %swap3A_1439 : vector<16xi32> to vector<16xi32>
      %swap3A_1441 = vector.shape_cast %add3A_1435 : vector<16xi32> to vector<16xi32>
      tpu.vector_store %arg6[%swap3A_1438], %swap3A_1441 {strides = array<i32>} : memref<10496xi32, #tpu.memory_space<vmem>>, vector<16xi32>,
      %mul3A_1442 = arith.constant 16 : i32
      %mul3A_1443 = arith.muli %scan3A_703, %mul3A_1442 : i32
      %add3A_1444 = arith.constant 12 : i32
      %add3A_1445 = arith.addi %mul3A_1443, %add3A_1444 : i32
      %slice3A_1446 = vector.extract_strided_slice %get3A_709 {offsets = [12], sizes = [1], strides = [1]} : vector<16xi32> to vector<1xi32>
      %squeeze3A_1447 = vector.extract %slice3A_1446[0] : i32 from vector<1xi32>
      %add3A_1448 = arith.addi %mul3A_177, %squeeze3A_1447 : i32
      %add3A_1449 = vector.broadcast %add3A_1448 : i32 to vector<16xi32>
      %add3A_1450 = arith.addi %mul3A_3, %add3A_1449 : vector<16xi32>
      %mul3A_1451 = arith.constant 4 : i32
      %mul3A_1452 = arith.muli %add3A_1445, %mul3A_1451 : i32
      %add3A_1453 = arith.constant 0 : i32
      %add3A_1454 = arith.addi %mul3A_1452, %add3A_1453 : i32
      %add3A_1455 = arith.constant 0 : i32
      %add3A_1456 = vector.broadcast %add3A_1455 : i32 to vector<16xi32>
      %add3A_1457 = arith.addi %add3A_1450, %add3A_1456 : vector<16xi32>
      %mul3A_1458 = arith.constant 16 : i32
      %mul3A_1459 = arith.muli %add3A_1454, %mul3A_1458 : i32
      %swap3A_1460 = arith.index_cast %mul3A_1459 : i32 to index
      %swap3A_1461 = tpu.vector_load %arg6[%swap3A_1460] {strides = array<i32>} : memref<10496xi32, #tpu.memory_space<vmem>>, vector<16xi32>,
      %swap3A_1462 = vector.shape_cast %swap3A_1461 : vector<16xi32> to vector<16xi32>
      %swap3A_1463 = vector.shape_cast %add3A_1457 : vector<16xi32> to vector<16xi32>
      tpu.vector_store %arg6[%swap3A_1460], %swap3A_1463 {strides = array<i32>} : memref<10496xi32, #tpu.memory_space<vmem>>, vector<16xi32>,
      %mul3A_1464 = arith.constant 4 : i32
      %mul3A_1465 = arith.muli %add3A_1445, %mul3A_1464 : i32
      %add3A_1466 = arith.constant 1 : i32
      %add3A_1467 = arith.addi %mul3A_1465, %add3A_1466 : i32
      %add3A_1468 = arith.constant 131072 : i32
      %add3A_1469 = vector.broadcast %add3A_1468 : i32 to vector<16xi32>
      %add3A_1470 = arith.addi %add3A_1450, %add3A_1469 : vector<16xi32>
      %mul3A_1471 = arith.constant 16 : i32
      %mul3A_1472 = arith.muli %add3A_1467, %mul3A_1471 : i32
      %swap3A_1473 = arith.index_cast %mul3A_1472 : i32 to index
      %swap3A_1474 = tpu.vector_load %arg6[%swap3A_1473] {strides = array<i32>} : memref<10496xi32, #tpu.memory_space<vmem>>, vector<16xi32>,
      %swap3A_1475 = vector.shape_cast %swap3A_1474 : vector<16xi32> to vector<16xi32>
      %swap3A_1476 = vector.shape_cast %add3A_1470 : vector<16xi32> to vector<16xi32>
      tpu.vector_store %arg6[%swap3A_1473], %swap3A_1476 {strides = array<i32>} : memref<10496xi32, #tpu.memory_space<vmem>>, vector<16xi32>,
      %mul3A_1477 = arith.constant 4 : i32
      %mul3A_1478 = arith.muli %add3A_1445, %mul3A_1477 : i32
      %add3A_1479 = arith.constant 2 : i32
      %add3A_1480 = arith.addi %mul3A_1478, %add3A_1479 : i32
      %add3A_1481 = arith.constant 262144 : i32
      %add3A_1482 = vector.broadcast %add3A_1481 : i32 to vector<16xi32>
      %add3A_1483 = arith.addi %add3A_1450, %add3A_1482 : vector<16xi32>
      %mul3A_1484 = arith.constant 16 : i32
      %mul3A_1485 = arith.muli %add3A_1480, %mul3A_1484 : i32
      %swap3A_1486 = arith.index_cast %mul3A_1485 : i32 to index
      %swap3A_1487 = tpu.vector_load %arg6[%swap3A_1486] {strides = array<i32>} : memref<10496xi32, #tpu.memory_space<vmem>>, vector<16xi32>,
      %swap3A_1488 = vector.shape_cast %swap3A_1487 : vector<16xi32> to vector<16xi32>
      %swap3A_1489 = vector.shape_cast %add3A_1483 : vector<16xi32> to vector<16xi32>
      tpu.vector_store %arg6[%swap3A_1486], %swap3A_1489 {strides = array<i32>} : memref<10496xi32, #tpu.memory_space<vmem>>, vector<16xi32>,
      %mul3A_1490 = arith.constant 4 : i32
      %mul3A_1491 = arith.muli %add3A_1445, %mul3A_1490 : i32
      %add3A_1492 = arith.constant 3 : i32
      %add3A_1493 = arith.addi %mul3A_1491, %add3A_1492 : i32
      %add3A_1494 = arith.constant 393216 : i32
      %add3A_1495 = vector.broadcast %add3A_1494 : i32 to vector<16xi32>
      %add3A_1496 = arith.addi %add3A_1450, %add3A_1495 : vector<16xi32>
      %mul3A_1497 = arith.constant 16 : i32
      %mul3A_1498 = arith.muli %add3A_1493, %mul3A_1497 : i32
      %swap3A_1499 = arith.index_cast %mul3A_1498 : i32 to index
      %swap3A_1500 = tpu.vector_load %arg6[%swap3A_1499] {strides = array<i32>} : memref<10496xi32, #tpu.memory_space<vmem>>, vector<16xi32>,
      %swap3A_1501 = vector.shape_cast %swap3A_1500 : vector<16xi32> to vector<16xi32>
      %swap3A_1502 = vector.shape_cast %add3A_1496 : vector<16xi32> to vector<16xi32>
      tpu.vector_store %arg6[%swap3A_1499], %swap3A_1502 {strides = array<i32>} : memref<10496xi32, #tpu.memory_space<vmem>>, vector<16xi32>,
      %mul3A_1503 = arith.constant 16 : i32
      %mul3A_1504 = arith.muli %scan3A_703, %mul3A_1503 : i32
      %add3A_1505 = arith.constant 13 : i32
      %add3A_1506 = arith.addi %mul3A_1504, %add3A_1505 : i32
      %slice3A_1507 = vector.extract_strided_slice %get3A_709 {offsets = [13], sizes = [1], strides = [1]} : vector<16xi32> to vector<1xi32>
      %squeeze3A_1508 = vector.extract %slice3A_1507[0] : i32 from vector<1xi32>
      %add3A_1509 = arith.addi %mul3A_177, %squeeze3A_1508 : i32
      %add3A_1510 = vector.broadcast %add3A_1509 : i32 to vector<16xi32>
      %add3A_1511 = arith.addi %mul3A_3, %add3A_1510 : vector<16xi32>
      %mul3A_1512 = arith.constant 4 : i32
      %mul3A_1513 = arith.muli %add3A_1506, %mul3A_1512 : i32
      %add3A_1514 = arith.constant 0 : i32
      %add3A_1515 = arith.addi %mul3A_1513, %add3A_1514 : i32
      %add3A_1516 = arith.constant 0 : i32
      %add3A_1517 = vector.broadcast %add3A_1516 : i32 to vector<16xi32>
      %add3A_1518 = arith.addi %add3A_1511, %add3A_1517 : vector<16xi32>
      %mul3A_1519 = arith.constant 16 : i32
      %mul3A_1520 = arith.muli %add3A_1515, %mul3A_1519 : i32
      %swap3A_1521 = arith.index_cast %mul3A_1520 : i32 to index
      %swap3A_1522 = tpu.vector_load %arg6[%swap3A_1521] {strides = array<i32>} : memref<10496xi32, #tpu.memory_space<vmem>>, vector<16xi32>,
      %swap3A_1523 = vector.shape_cast %swap3A_1522 : vector<16xi32> to vector<16xi32>
      %swap3A_1524 = vector.shape_cast %add3A_1518 : vector<16xi32> to vector<16xi32>
      tpu.vector_store %arg6[%swap3A_1521], %swap3A_1524 {strides = array<i32>} : memref<10496xi32, #tpu.memory_space<vmem>>, vector<16xi32>,
      %mul3A_1525 = arith.constant 4 : i32
      %mul3A_1526 = arith.muli %add3A_1506, %mul3A_1525 : i32
      %add3A_1527 = arith.constant 1 : i32
      %add3A_1528 = arith.addi %mul3A_1526, %add3A_1527 : i32
      %add3A_1529 = arith.constant 131072 : i32
      %add3A_1530 = vector.broadcast %add3A_1529 : i32 to vector<16xi32>
      %add3A_1531 = arith.addi %add3A_1511, %add3A_1530 : vector<16xi32>
      %mul3A_1532 = arith.constant 16 : i32
      %mul3A_1533 = arith.muli %add3A_1528, %mul3A_1532 : i32
      %swap3A_1534 = arith.index_cast %mul3A_1533 : i32 to index
      %swap3A_1535 = tpu.vector_load %arg6[%swap3A_1534] {strides = array<i32>} : memref<10496xi32, #tpu.memory_space<vmem>>, vector<16xi32>,
      %swap3A_1536 = vector.shape_cast %swap3A_1535 : vector<16xi32> to vector<16xi32>
      %swap3A_1537 = vector.shape_cast %add3A_1531 : vector<16xi32> to vector<16xi32>
      tpu.vector_store %arg6[%swap3A_1534], %swap3A_1537 {strides = array<i32>} : memref<10496xi32, #tpu.memory_space<vmem>>, vector<16xi32>,
      %mul3A_1538 = arith.constant 4 : i32
      %mul3A_1539 = arith.muli %add3A_1506, %mul3A_1538 : i32
      %add3A_1540 = arith.constant 2 : i32
      %add3A_1541 = arith.addi %mul3A_1539, %add3A_1540 : i32
      %add3A_1542 = arith.constant 262144 : i32
      %add3A_1543 = vector.broadcast %add3A_1542 : i32 to vector<16xi32>
      %add3A_1544 = arith.addi %add3A_1511, %add3A_1543 : vector<16xi32>
      %mul3A_1545 = arith.constant 16 : i32
      %mul3A_1546 = arith.muli %add3A_1541, %mul3A_1545 : i32
      %swap3A_1547 = arith.index_cast %mul3A_1546 : i32 to index
      %swap3A_1548 = tpu.vector_load %arg6[%swap3A_1547] {strides = array<i32>} : memref<10496xi32, #tpu.memory_space<vmem>>, vector<16xi32>,
      %swap3A_1549 = vector.shape_cast %swap3A_1548 : vector<16xi32> to vector<16xi32>
      %swap3A_1550 = vector.shape_cast %add3A_1544 : vector<16xi32> to vector<16xi32>
      tpu.vector_store %arg6[%swap3A_1547], %swap3A_1550 {strides = array<i32>} : memref<10496xi32, #tpu.memory_space<vmem>>, vector<16xi32>,
      %mul3A_1551 = arith.constant 4 : i32
      %mul3A_1552 = arith.muli %add3A_1506, %mul3A_1551 : i32
      %add3A_1553 = arith.constant 3 : i32
      %add3A_1554 = arith.addi %mul3A_1552, %add3A_1553 : i32
      %add3A_1555 = arith.constant 393216 : i32
      %add3A_1556 = vector.broadcast %add3A_1555 : i32 to vector<16xi32>
      %add3A_1557 = arith.addi %add3A_1511, %add3A_1556 : vector<16xi32>
      %mul3A_1558 = arith.constant 16 : i32
      %mul3A_1559 = arith.muli %add3A_1554, %mul3A_1558 : i32
      %swap3A_1560 = arith.index_cast %mul3A_1559 : i32 to index
      %swap3A_1561 = tpu.vector_load %arg6[%swap3A_1560] {strides = array<i32>} : memref<10496xi32, #tpu.memory_space<vmem>>, vector<16xi32>,
      %swap3A_1562 = vector.shape_cast %swap3A_1561 : vector<16xi32> to vector<16xi32>
      %swap3A_1563 = vector.shape_cast %add3A_1557 : vector<16xi32> to vector<16xi32>
      tpu.vector_store %arg6[%swap3A_1560], %swap3A_1563 {strides = array<i32>} : memref<10496xi32, #tpu.memory_space<vmem>>, vector<16xi32>,
      %mul3A_1564 = arith.constant 16 : i32
      %mul3A_1565 = arith.muli %scan3A_703, %mul3A_1564 : i32
      %add3A_1566 = arith.constant 14 : i32
      %add3A_1567 = arith.addi %mul3A_1565, %add3A_1566 : i32
      %slice3A_1568 = vector.extract_strided_slice %get3A_709 {offsets = [14], sizes = [1], strides = [1]} : vector<16xi32> to vector<1xi32>
      %squeeze3A_1569 = vector.extract %slice3A_1568[0] : i32 from vector<1xi32>
      %add3A_1570 = arith.addi %mul3A_177, %squeeze3A_1569 : i32
      %add3A_1571 = vector.broadcast %add3A_1570 : i32 to vector<16xi32>
      %add3A_1572 = arith.addi %mul3A_3, %add3A_1571 : vector<16xi32>
      %mul3A_1573 = arith.constant 4 : i32
      %mul3A_1574 = arith.muli %add3A_1567, %mul3A_1573 : i32
      %add3A_1575 = arith.constant 0 : i32
      %add3A_1576 = arith.addi %mul3A_1574, %add3A_1575 : i32
      %add3A_1577 = arith.constant 0 : i32
      %add3A_1578 = vector.broadcast %add3A_1577 : i32 to vector<16xi32>
      %add3A_1579 = arith.addi %add3A_1572, %add3A_1578 : vector<16xi32>
      %mul3A_1580 = arith.constant 16 : i32
      %mul3A_1581 = arith.muli %add3A_1576, %mul3A_1580 : i32
      %swap3A_1582 = arith.index_cast %mul3A_1581 : i32 to index
      %swap3A_1583 = tpu.vector_load %arg6[%swap3A_1582] {strides = array<i32>} : memref<10496xi32, #tpu.memory_space<vmem>>, vector<16xi32>,
      %swap3A_1584 = vector.shape_cast %swap3A_1583 : vector<16xi32> to vector<16xi32>
      %swap3A_1585 = vector.shape_cast %add3A_1579 : vector<16xi32> to vector<16xi32>
      tpu.vector_store %arg6[%swap3A_1582], %swap3A_1585 {strides = array<i32>} : memref<10496xi32, #tpu.memory_space<vmem>>, vector<16xi32>,
      %mul3A_1586 = arith.constant 4 : i32
      %mul3A_1587 = arith.muli %add3A_1567, %mul3A_1586 : i32
      %add3A_1588 = arith.constant 1 : i32
      %add3A_1589 = arith.addi %mul3A_1587, %add3A_1588 : i32
      %add3A_1590 = arith.constant 131072 : i32
      %add3A_1591 = vector.broadcast %add3A_1590 : i32 to vector<16xi32>
      %add3A_1592 = arith.addi %add3A_1572, %add3A_1591 : vector<16xi32>
      %mul3A_1593 = arith.constant 16 : i32
      %mul3A_1594 = arith.muli %add3A_1589, %mul3A_1593 : i32
      %swap3A_1595 = arith.index_cast %mul3A_1594 : i32 to index
      %swap3A_1596 = tpu.vector_load %arg6[%swap3A_1595] {strides = array<i32>} : memref<10496xi32, #tpu.memory_space<vmem>>, vector<16xi32>,
      %swap3A_1597 = vector.shape_cast %swap3A_1596 : vector<16xi32> to vector<16xi32>
      %swap3A_1598 = vector.shape_cast %add3A_1592 : vector<16xi32> to vector<16xi32>
      tpu.vector_store %arg6[%swap3A_1595], %swap3A_1598 {strides = array<i32>} : memref<10496xi32, #tpu.memory_space<vmem>>, vector<16xi32>,
      %mul3A_1599 = arith.constant 4 : i32
      %mul3A_1600 = arith.muli %add3A_1567, %mul3A_1599 : i32
      %add3A_1601 = arith.constant 2 : i32
      %add3A_1602 = arith.addi %mul3A_1600, %add3A_1601 : i32
      %add3A_1603 = arith.constant 262144 : i32
      %add3A_1604 = vector.broadcast %add3A_1603 : i32 to vector<16xi32>
      %add3A_1605 = arith.addi %add3A_1572, %add3A_1604 : vector<16xi32>
      %mul3A_1606 = arith.constant 16 : i32
      %mul3A_1607 = arith.muli %add3A_1602, %mul3A_1606 : i32
      %swap3A_1608 = arith.index_cast %mul3A_1607 : i32 to index
      %swap3A_1609 = tpu.vector_load %arg6[%swap3A_1608] {strides = array<i32>} : memref<10496xi32, #tpu.memory_space<vmem>>, vector<16xi32>,
      %swap3A_1610 = vector.shape_cast %swap3A_1609 : vector<16xi32> to vector<16xi32>
      %swap3A_1611 = vector.shape_cast %add3A_1605 : vector<16xi32> to vector<16xi32>
      tpu.vector_store %arg6[%swap3A_1608], %swap3A_1611 {strides = array<i32>} : memref<10496xi32, #tpu.memory_space<vmem>>, vector<16xi32>,
      %mul3A_1612 = arith.constant 4 : i32
      %mul3A_1613 = arith.muli %add3A_1567, %mul3A_1612 : i32
      %add3A_1614 = arith.constant 3 : i32
      %add3A_1615 = arith.addi %mul3A_1613, %add3A_1614 : i32
      %add3A_1616 = arith.constant 393216 : i32
      %add3A_1617 = vector.broadcast %add3A_1616 : i32 to vector<16xi32>
      %add3A_1618 = arith.addi %add3A_1572, %add3A_1617 : vector<16xi32>
      %mul3A_1619 = arith.constant 16 : i32
      %mul3A_1620 = arith.muli %add3A_1615, %mul3A_1619 : i32
      %swap3A_1621 = arith.index_cast %mul3A_1620 : i32 to index
      %swap3A_1622 = tpu.vector_load %arg6[%swap3A_1621] {strides = array<i32>} : memref<10496xi32, #tpu.memory_space<vmem>>, vector<16xi32>,
      %swap3A_1623 = vector.shape_cast %swap3A_1622 : vector<16xi32> to vector<16xi32>
      %swap3A_1624 = vector.shape_cast %add3A_1618 : vector<16xi32> to vector<16xi32>
      tpu.vector_store %arg6[%swap3A_1621], %swap3A_1624 {strides = array<i32>} : memref<10496xi32, #tpu.memory_space<vmem>>, vector<16xi32>,
      %mul3A_1625 = arith.constant 16 : i32
      %mul3A_1626 = arith.muli %scan3A_703, %mul3A_1625 : i32
      %add3A_1627 = arith.constant 15 : i32
      %add3A_1628 = arith.addi %mul3A_1626, %add3A_1627 : i32
      %slice3A_1629 = vector.extract_strided_slice %get3A_709 {offsets = [15], sizes = [1], strides = [1]} : vector<16xi32> to vector<1xi32>
      %squeeze3A_1630 = vector.extract %slice3A_1629[0] : i32 from vector<1xi32>
      %add3A_1631 = arith.addi %mul3A_177, %squeeze3A_1630 : i32
      %add3A_1632 = vector.broadcast %add3A_1631 : i32 to vector<16xi32>
      %add3A_1633 = arith.addi %mul3A_3, %add3A_1632 : vector<16xi32>
      %mul3A_1634 = arith.constant 4 : i32
      %mul3A_1635 = arith.muli %add3A_1628, %mul3A_1634 : i32
      %add3A_1636 = arith.constant 0 : i32
      %add3A_1637 = arith.addi %mul3A_1635, %add3A_1636 : i32
      %add3A_1638 = arith.constant 0 : i32
      %add3A_1639 = vector.broadcast %add3A_1638 : i32 to vector<16xi32>
      %add3A_1640 = arith.addi %add3A_1633, %add3A_1639 : vector<16xi32>
      %mul3A_1641 = arith.constant 16 : i32
      %mul3A_1642 = arith.muli %add3A_1637, %mul3A_1641 : i32
      %swap3A_1643 = arith.index_cast %mul3A_1642 : i32 to index
      %swap3A_1644 = tpu.vector_load %arg6[%swap3A_1643] {strides = array<i32>} : memref<10496xi32, #tpu.memory_space<vmem>>, vector<16xi32>,
      %swap3A_1645 = vector.shape_cast %swap3A_1644 : vector<16xi32> to vector<16xi32>
      %swap3A_1646 = vector.shape_cast %add3A_1640 : vector<16xi32> to vector<16xi32>
      tpu.vector_store %arg6[%swap3A_1643], %swap3A_1646 {strides = array<i32>} : memref<10496xi32, #tpu.memory_space<vmem>>, vector<16xi32>,
      %mul3A_1647 = arith.constant 4 : i32
      %mul3A_1648 = arith.muli %add3A_1628, %mul3A_1647 : i32
      %add3A_1649 = arith.constant 1 : i32
      %add3A_1650 = arith.addi %mul3A_1648, %add3A_1649 : i32
      %add3A_1651 = arith.constant 131072 : i32
      %add3A_1652 = vector.broadcast %add3A_1651 : i32 to vector<16xi32>
      %add3A_1653 = arith.addi %add3A_1633, %add3A_1652 : vector<16xi32>
      %mul3A_1654 = arith.constant 16 : i32
      %mul3A_1655 = arith.muli %add3A_1650, %mul3A_1654 : i32
      %swap3A_1656 = arith.index_cast %mul3A_1655 : i32 to index
      %swap3A_1657 = tpu.vector_load %arg6[%swap3A_1656] {strides = array<i32>} : memref<10496xi32, #tpu.memory_space<vmem>>, vector<16xi32>,
      %swap3A_1658 = vector.shape_cast %swap3A_1657 : vector<16xi32> to vector<16xi32>
      %swap3A_1659 = vector.shape_cast %add3A_1653 : vector<16xi32> to vector<16xi32>
      tpu.vector_store %arg6[%swap3A_1656], %swap3A_1659 {strides = array<i32>} : memref<10496xi32, #tpu.memory_space<vmem>>, vector<16xi32>,
      %mul3A_1660 = arith.constant 4 : i32
      %mul3A_1661 = arith.muli %add3A_1628, %mul3A_1660 : i32
      %add3A_1662 = arith.constant 2 : i32
      %add3A_1663 = arith.addi %mul3A_1661, %add3A_1662 : i32
      %add3A_1664 = arith.constant 262144 : i32
      %add3A_1665 = vector.broadcast %add3A_1664 : i32 to vector<16xi32>
      %add3A_1666 = arith.addi %add3A_1633, %add3A_1665 : vector<16xi32>
      %mul3A_1667 = arith.constant 16 : i32
      %mul3A_1668 = arith.muli %add3A_1663, %mul3A_1667 : i32
      %swap3A_1669 = arith.index_cast %mul3A_1668 : i32 to index
      %swap3A_1670 = tpu.vector_load %arg6[%swap3A_1669] {strides = array<i32>} : memref<10496xi32, #tpu.memory_space<vmem>>, vector<16xi32>,
      %swap3A_1671 = vector.shape_cast %swap3A_1670 : vector<16xi32> to vector<16xi32>
      %swap3A_1672 = vector.shape_cast %add3A_1666 : vector<16xi32> to vector<16xi32>
      tpu.vector_store %arg6[%swap3A_1669], %swap3A_1672 {strides = array<i32>} : memref<10496xi32, #tpu.memory_space<vmem>>, vector<16xi32>,
      %mul3A_1673 = arith.constant 4 : i32
      %mul3A_1674 = arith.muli %add3A_1628, %mul3A_1673 : i32
      %add3A_1675 = arith.constant 3 : i32
      %add3A_1676 = arith.addi %mul3A_1674, %add3A_1675 : i32
      %add3A_1677 = arith.constant 393216 : i32
      %add3A_1678 = vector.broadcast %add3A_1677 : i32 to vector<16xi32>
      %add3A_1679 = arith.addi %add3A_1633, %add3A_1678 : vector<16xi32>
      %mul3A_1680 = arith.constant 16 : i32
      %mul3A_1681 = arith.muli %add3A_1676, %mul3A_1680 : i32
      %swap3A_1682 = arith.index_cast %mul3A_1681 : i32 to index
      %swap3A_1683 = tpu.vector_load %arg6[%swap3A_1682] {strides = array<i32>} : memref<10496xi32, #tpu.memory_space<vmem>>, vector<16xi32>,
      %swap3A_1684 = vector.shape_cast %swap3A_1683 : vector<16xi32> to vector<16xi32>
      %swap3A_1685 = vector.shape_cast %add3A_1679 : vector<16xi32> to vector<16xi32>
      tpu.vector_store %arg6[%swap3A_1682], %swap3A_1685 {strides = array<i32>} : memref<10496xi32, #tpu.memory_space<vmem>>, vector<16xi32>,
      %scan3A_1686 = arith.constant 0 : i32
      scf.yield %scan3A_1686 : i32
    }
    %scan3A_185 = arith.constant 10 : i32
    %get3A_186 = arith.constant 160 : index
    %get3A_187 = tpu.vector_load %arg5[%get3A_186] {strides = array<i32>} : memref<256xi32, #tpu.memory_space<vmem>>, vector<16xi32>,
    %get3A_188 = vector.shape_cast %get3A_187 : vector<16xi32> to vector<16xi32>
    %slice3A_189 = vector.extract_strided_slice %get3A_188 {offsets = [0], sizes = [1], strides = [1]} : vector<16xi32> to vector<1xi32>
    %squeeze3A_190 = vector.extract %slice3A_189[0] : i32 from vector<1xi32>
    %add3A_191 = arith.addi %mul3A_177, %squeeze3A_190 : i32
    %add3A_192 = vector.broadcast %add3A_191 : i32 to vector<16xi32>
    %add3A_193 = arith.addi %mul3A_3, %add3A_192 : vector<16xi32>
    %add3A_194 = arith.constant 0 : i32
    %add3A_195 = vector.broadcast %add3A_194 : i32 to vector<16xi32>
    %add3A_196 = arith.addi %add3A_193, %add3A_195 : vector<16xi32>
    %swap3A_197 = arith.constant 10240 : index
    %swap3A_198 = tpu.vector_load %arg6[%swap3A_197] {strides = array<i32>} : memref<10496xi32, #tpu.memory_space<vmem>>, vector<16xi32>,
    %swap3A_199 = vector.shape_cast %swap3A_198 : vector<16xi32> to vector<16xi32>
    %swap3A_200 = vector.shape_cast %add3A_196 : vector<16xi32> to vector<16xi32>
    tpu.vector_store %arg6[%swap3A_197], %swap3A_200 {strides = array<i32>} : memref<10496xi32, #tpu.memory_space<vmem>>, vector<16xi32>,
    %add3A_201 = arith.constant 131072 : i32
    %add3A_202 = vector.broadcast %add3A_201 : i32 to vector<16xi32>
    %add3A_203 = arith.addi %add3A_193, %add3A_202 : vector<16xi32>
    %swap3A_204 = arith.constant 10256 : index
    %swap3A_205 = tpu.vector_load %arg6[%swap3A_204] {strides = array<i32>} : memref<10496xi32, #tpu.memory_space<vmem>>, vector<16xi32>,
    %swap3A_206 = vector.shape_cast %swap3A_205 : vector<16xi32> to vector<16xi32>
    %swap3A_207 = vector.shape_cast %add3A_203 : vector<16xi32> to vector<16xi32>
    tpu.vector_store %arg6[%swap3A_204], %swap3A_207 {strides = array<i32>} : memref<10496xi32, #tpu.memory_space<vmem>>, vector<16xi32>,
    %add3A_208 = arith.constant 262144 : i32
    %add3A_209 = vector.broadcast %add3A_208 : i32 to vector<16xi32>
    %add3A_210 = arith.addi %add3A_193, %add3A_209 : vector<16xi32>
    %swap3A_211 = arith.constant 10272 : index
    %swap3A_212 = tpu.vector_load %arg6[%swap3A_211] {strides = array<i32>} : memref<10496xi32, #tpu.memory_space<vmem>>, vector<16xi32>,
    %swap3A_213 = vector.shape_cast %swap3A_212 : vector<16xi32> to vector<16xi32>
    %swap3A_214 = vector.shape_cast %add3A_210 : vector<16xi32> to vector<16xi32>
    tpu.vector_store %arg6[%swap3A_211], %swap3A_214 {strides = array<i32>} : memref<10496xi32, #tpu.memory_space<vmem>>, vector<16xi32>,
    %add3A_215 = arith.constant 393216 : i32
    %add3A_216 = vector.broadcast %add3A_215 : i32 to vector<16xi32>
    %add3A_217 = arith.addi %add3A_193, %add3A_216 : vector<16xi32>
    %swap3A_218 = arith.constant 10288 : index
    %swap3A_219 = tpu.vector_load %arg6[%swap3A_218] {strides = array<i32>} : memref<10496xi32, #tpu.memory_space<vmem>>, vector<16xi32>,
    %swap3A_220 = vector.shape_cast %swap3A_219 : vector<16xi32> to vector<16xi32>
    %swap3A_221 = vector.shape_cast %add3A_217 : vector<16xi32> to vector<16xi32>
    tpu.vector_store %arg6[%swap3A_218], %swap3A_221 {strides = array<i32>} : memref<10496xi32, #tpu.memory_space<vmem>>, vector<16xi32>,
    %slice3A_222 = vector.extract_strided_slice %get3A_188 {offsets = [1], sizes = [1], strides = [1]} : vector<16xi32> to vector<1xi32>
    %squeeze3A_223 = vector.extract %slice3A_222[0] : i32 from vector<1xi32>
    %add3A_224 = arith.addi %mul3A_177, %squeeze3A_223 : i32
    %add3A_225 = vector.broadcast %add3A_224 : i32 to vector<16xi32>
    %add3A_226 = arith.addi %mul3A_3, %add3A_225 : vector<16xi32>
    %add3A_227 = arith.constant 0 : i32
    %add3A_228 = vector.broadcast %add3A_227 : i32 to vector<16xi32>
    %add3A_229 = arith.addi %add3A_226, %add3A_228 : vector<16xi32>
    %swap3A_230 = arith.constant 10304 : index
    %swap3A_231 = tpu.vector_load %arg6[%swap3A_230] {strides = array<i32>} : memref<10496xi32, #tpu.memory_space<vmem>>, vector<16xi32>,
    %swap3A_232 = vector.shape_cast %swap3A_231 : vector<16xi32> to vector<16xi32>
    %swap3A_233 = vector.shape_cast %add3A_229 : vector<16xi32> to vector<16xi32>
    tpu.vector_store %arg6[%swap3A_230], %swap3A_233 {strides = array<i32>} : memref<10496xi32, #tpu.memory_space<vmem>>, vector<16xi32>,
    %add3A_234 = arith.constant 131072 : i32
    %add3A_235 = vector.broadcast %add3A_234 : i32 to vector<16xi32>
    %add3A_236 = arith.addi %add3A_226, %add3A_235 : vector<16xi32>
    %swap3A_237 = arith.constant 10320 : index
    %swap3A_238 = tpu.vector_load %arg6[%swap3A_237] {strides = array<i32>} : memref<10496xi32, #tpu.memory_space<vmem>>, vector<16xi32>,
    %swap3A_239 = vector.shape_cast %swap3A_238 : vector<16xi32> to vector<16xi32>
    %swap3A_240 = vector.shape_cast %add3A_236 : vector<16xi32> to vector<16xi32>
    tpu.vector_store %arg6[%swap3A_237], %swap3A_240 {strides = array<i32>} : memref<10496xi32, #tpu.memory_space<vmem>>, vector<16xi32>,
    %add3A_241 = arith.constant 262144 : i32
    %add3A_242 = vector.broadcast %add3A_241 : i32 to vector<16xi32>
    %add3A_243 = arith.addi %add3A_226, %add3A_242 : vector<16xi32>
    %swap3A_244 = arith.constant 10336 : index
    %swap3A_245 = tpu.vector_load %arg6[%swap3A_244] {strides = array<i32>} : memref<10496xi32, #tpu.memory_space<vmem>>, vector<16xi32>,
    %swap3A_246 = vector.shape_cast %swap3A_245 : vector<16xi32> to vector<16xi32>
    %swap3A_247 = vector.shape_cast %add3A_243 : vector<16xi32> to vector<16xi32>
    tpu.vector_store %arg6[%swap3A_244], %swap3A_247 {strides = array<i32>} : memref<10496xi32, #tpu.memory_space<vmem>>, vector<16xi32>,
    %add3A_248 = arith.constant 393216 : i32
    %add3A_249 = vector.broadcast %add3A_248 : i32 to vector<16xi32>
    %add3A_250 = arith.addi %add3A_226, %add3A_249 : vector<16xi32>
    %swap3A_251 = arith.constant 10352 : index
    %swap3A_252 = tpu.vector_load %arg6[%swap3A_251] {strides = array<i32>} : memref<10496xi32, #tpu.memory_space<vmem>>, vector<16xi32>,
    %swap3A_253 = vector.shape_cast %swap3A_252 : vector<16xi32> to vector<16xi32>
    %swap3A_254 = vector.shape_cast %add3A_250 : vector<16xi32> to vector<16xi32>
    tpu.vector_store %arg6[%swap3A_251], %swap3A_254 {strides = array<i32>} : memref<10496xi32, #tpu.memory_space<vmem>>, vector<16xi32>,
    %slice3A_255 = vector.extract_strided_slice %get3A_188 {offsets = [2], sizes = [1], strides = [1]} : vector<16xi32> to vector<1xi32>
    %squeeze3A_256 = vector.extract %slice3A_255[0] : i32 from vector<1xi32>
    %add3A_257 = arith.addi %mul3A_177, %squeeze3A_256 : i32
    %add3A_258 = vector.broadcast %add3A_257 : i32 to vector<16xi32>
    %add3A_259 = arith.addi %mul3A_3, %add3A_258 : vector<16xi32>
    %add3A_260 = arith.constant 0 : i32
    %add3A_261 = vector.broadcast %add3A_260 : i32 to vector<16xi32>
    %add3A_262 = arith.addi %add3A_259, %add3A_261 : vector<16xi32>
    %swap3A_263 = arith.constant 10368 : index
    %swap3A_264 = tpu.vector_load %arg6[%swap3A_263] {strides = array<i32>} : memref<10496xi32, #tpu.memory_space<vmem>>, vector<16xi32>,
    %swap3A_265 = vector.shape_cast %swap3A_264 : vector<16xi32> to vector<16xi32>
    %swap3A_266 = vector.shape_cast %add3A_262 : vector<16xi32> to vector<16xi32>
    tpu.vector_store %arg6[%swap3A_263], %swap3A_266 {strides = array<i32>} : memref<10496xi32, #tpu.memory_space<vmem>>, vector<16xi32>,
    %add3A_267 = arith.constant 131072 : i32
    %add3A_268 = vector.broadcast %add3A_267 : i32 to vector<16xi32>
    %add3A_269 = arith.addi %add3A_259, %add3A_268 : vector<16xi32>
    %swap3A_270 = arith.constant 10384 : index
    %swap3A_271 = tpu.vector_load %arg6[%swap3A_270] {strides = array<i32>} : memref<10496xi32, #tpu.memory_space<vmem>>, vector<16xi32>,
    %swap3A_272 = vector.shape_cast %swap3A_271 : vector<16xi32> to vector<16xi32>
    %swap3A_273 = vector.shape_cast %add3A_269 : vector<16xi32> to vector<16xi32>
    tpu.vector_store %arg6[%swap3A_270], %swap3A_273 {strides = array<i32>} : memref<10496xi32, #tpu.memory_space<vmem>>, vector<16xi32>,
    %add3A_274 = arith.constant 262144 : i32
    %add3A_275 = vector.broadcast %add3A_274 : i32 to vector<16xi32>
    %add3A_276 = arith.addi %add3A_259, %add3A_275 : vector<16xi32>
    %swap3A_277 = arith.constant 10400 : index
    %swap3A_278 = tpu.vector_load %arg6[%swap3A_277] {strides = array<i32>} : memref<10496xi32, #tpu.memory_space<vmem>>, vector<16xi32>,
    %swap3A_279 = vector.shape_cast %swap3A_278 : vector<16xi32> to vector<16xi32>
    %swap3A_280 = vector.shape_cast %add3A_276 : vector<16xi32> to vector<16xi32>
    tpu.vector_store %arg6[%swap3A_277], %swap3A_280 {strides = array<i32>} : memref<10496xi32, #tpu.memory_space<vmem>>, vector<16xi32>,
    %add3A_281 = arith.constant 393216 : i32
    %add3A_282 = vector.broadcast %add3A_281 : i32 to vector<16xi32>
    %add3A_283 = arith.addi %add3A_259, %add3A_282 : vector<16xi32>
    %swap3A_284 = arith.constant 10416 : index
    %swap3A_285 = tpu.vector_load %arg6[%swap3A_284] {strides = array<i32>} : memref<10496xi32, #tpu.memory_space<vmem>>, vector<16xi32>,
    %swap3A_286 = vector.shape_cast %swap3A_285 : vector<16xi32> to vector<16xi32>
    %swap3A_287 = vector.shape_cast %add3A_283 : vector<16xi32> to vector<16xi32>
    tpu.vector_store %arg6[%swap3A_284], %swap3A_287 {strides = array<i32>} : memref<10496xi32, #tpu.memory_space<vmem>>, vector<16xi32>,
    %slice3A_288 = vector.extract_strided_slice %get3A_188 {offsets = [3], sizes = [1], strides = [1]} : vector<16xi32> to vector<1xi32>
    %squeeze3A_289 = vector.extract %slice3A_288[0] : i32 from vector<1xi32>
    %add3A_290 = arith.addi %mul3A_177, %squeeze3A_289 : i32
    %add3A_291 = vector.broadcast %add3A_290 : i32 to vector<16xi32>
    %add3A_292 = arith.addi %mul3A_3, %add3A_291 : vector<16xi32>
    %add3A_293 = arith.constant 0 : i32
    %add3A_294 = vector.broadcast %add3A_293 : i32 to vector<16xi32>
    %add3A_295 = arith.addi %add3A_292, %add3A_294 : vector<16xi32>
    %swap3A_296 = arith.constant 10432 : index
    %swap3A_297 = tpu.vector_load %arg6[%swap3A_296] {strides = array<i32>} : memref<10496xi32, #tpu.memory_space<vmem>>, vector<16xi32>,
    %swap3A_298 = vector.shape_cast %swap3A_297 : vector<16xi32> to vector<16xi32>
    %swap3A_299 = vector.shape_cast %add3A_295 : vector<16xi32> to vector<16xi32>
    tpu.vector_store %arg6[%swap3A_296], %swap3A_299 {strides = array<i32>} : memref<10496xi32, #tpu.memory_space<vmem>>, vector<16xi32>,
    %add3A_300 = arith.constant 131072 : i32
    %add3A_301 = vector.broadcast %add3A_300 : i32 to vector<16xi32>
    %add3A_302 = arith.addi %add3A_292, %add3A_301 : vector<16xi32>
    %swap3A_303 = arith.constant 10448 : index
    %swap3A_304 = tpu.vector_load %arg6[%swap3A_303] {strides = array<i32>} : memref<10496xi32, #tpu.memory_space<vmem>>, vector<16xi32>,
    %swap3A_305 = vector.shape_cast %swap3A_304 : vector<16xi32> to vector<16xi32>
    %swap3A_306 = vector.shape_cast %add3A_302 : vector<16xi32> to vector<16xi32>
    tpu.vector_store %arg6[%swap3A_303], %swap3A_306 {strides = array<i32>} : memref<10496xi32, #tpu.memory_space<vmem>>, vector<16xi32>,
    %add3A_307 = arith.constant 262144 : i32
    %add3A_308 = vector.broadcast %add3A_307 : i32 to vector<16xi32>
    %add3A_309 = arith.addi %add3A_292, %add3A_308 : vector<16xi32>
    %swap3A_310 = arith.constant 10464 : index
    %swap3A_311 = tpu.vector_load %arg6[%swap3A_310] {strides = array<i32>} : memref<10496xi32, #tpu.memory_space<vmem>>, vector<16xi32>,
    %swap3A_312 = vector.shape_cast %swap3A_311 : vector<16xi32> to vector<16xi32>
    %swap3A_313 = vector.shape_cast %add3A_309 : vector<16xi32> to vector<16xi32>
    tpu.vector_store %arg6[%swap3A_310], %swap3A_313 {strides = array<i32>} : memref<10496xi32, #tpu.memory_space<vmem>>, vector<16xi32>,
    %add3A_314 = arith.constant 393216 : i32
    %add3A_315 = vector.broadcast %add3A_314 : i32 to vector<16xi32>
    %add3A_316 = arith.addi %add3A_292, %add3A_315 : vector<16xi32>
    %swap3A_317 = arith.constant 10480 : index
    %swap3A_318 = tpu.vector_load %arg6[%swap3A_317] {strides = array<i32>} : memref<10496xi32, #tpu.memory_space<vmem>>, vector<16xi32>,
    %swap3A_319 = vector.shape_cast %swap3A_318 : vector<16xi32> to vector<16xi32>
    %swap3A_320 = vector.shape_cast %add3A_316 : vector<16xi32> to vector<16xi32>
    tpu.vector_store %arg6[%swap3A_317], %swap3A_320 {strides = array<i32>} : memref<10496xi32, #tpu.memory_space<vmem>>, vector<16xi32>,
    %dma_start3A_321 = arith.constant 0 : i32
    %dma_start3A_322 = tpu.memref_slice %arg2[%dma_start3A_321] : memref<67108864xf32, #tpu.memory_space<hbm>> -> memref<67108864xf32, #tpu.memory_space<hbm>>
    tpu.enqueue_indirect_dma source(%dma_start3A_322 : memref<67108864xf32, #tpu.memory_space<hbm>>) target(%arg7 : memref<10496xf32, #tpu.memory_space<vmem>>) offsets(%arg6 : memref<10496xi32, #tpu.memory_space<vmem>>) semaphore(%arg9 : memref<!tpu.dma_semaphore, #tpu.memory_space<semaphore_mem>>)
    %dma_wait3A_323 = arith.constant 0 : i32
    %dma_wait3A_324 = tpu.memref_slice %arg2[%dma_wait3A_323] : memref<67108864xf32, #tpu.memory_space<hbm>> -> memref<67108864xf32, #tpu.memory_space<hbm>>
    tpu.wait_indirect_dma semaphore(%arg9 : memref<!tpu.dma_semaphore, #tpu.memory_space<semaphore_mem>>) src(%dma_wait3A_324 : memref<67108864xf32, #tpu.memory_space<hbm>>) dst(%arg7 : memref<10496xf32, #tpu.memory_space<vmem>>)
    %broadcast_in_dim3A_325 = arith.constant 0.000000e+00 : f32
    %broadcast_in_dim3A_326 = vector.broadcast %broadcast_in_dim3A_325 : f32 to vector<16xf32>
    %scan3A_327 = arith.constant 0 : i32
    %scan3A_328 = arith.constant 164 : i32
    %scan3A_329 = arith.addi %scan3A_327, %scan3A_328 : i32
    %scan3A_330 = arith.constant 1 : i32
    %scan3A_331:4 = scf.for %scan3A_703 = %scan3A_327 to %scan3A_329 step %scan3A_330 iter_args(%scan3A_704 = %broadcast_in_dim3A_326, %scan3A_705 = %broadcast_in_dim3A_326, %scan3A_706 = %broadcast_in_dim3A_326, %scan3A_707 = %broadcast_in_dim3A_326) -> (vector<16xf32>, vector<16xf32>, vector<16xf32>, vector<16xf32>)  : i32 {
      %mul3A_708 = arith.constant 4 : i32
      %mul3A_709 = arith.muli %scan3A_703, %mul3A_708 : i32
      %add3A_710 = arith.constant 0 : i32
      %add3A_711 = arith.addi %mul3A_709, %add3A_710 : i32
      %mul3A_712 = arith.constant 16 : i32
      %mul3A_713 = arith.muli %add3A_711, %mul3A_712 : i32
      %get3A_714 = arith.index_cast %mul3A_713 : i32 to index
      %get3A_715 = tpu.vector_load %arg7[%get3A_714] {strides = array<i32>} : memref<10496xf32, #tpu.memory_space<vmem>>, vector<16xf32>,
      %get3A_716 = vector.shape_cast %get3A_715 : vector<16xf32> to vector<16xf32>
      %ge3A = arith.constant 5.000000e-01 : f32
      %ge3A_717 = vector.broadcast %ge3A : f32 to vector<16xf32>
      %ge3A_718 = arith.cmpf oge, %get3A_716, %ge3A_717 : vector<16xf32>
      %jit3A = arith.constant 1.000000e+00 : f32
      %jit3A_719 = arith.constant 0.000000e+00 : f32
      %broadcast_in_dim3A_720 = vector.broadcast %jit3A : f32 to vector<16xf32>
      %broadcast_in_dim3A_721 = vector.broadcast %jit3A_719 : f32 to vector<16xf32>
      %select_n3A = arith.select %ge3A_718, %broadcast_in_dim3A_720, %broadcast_in_dim3A_721 : vector<16xi1>, vector<16xf32>
      %add3A_722 = arith.addf %scan3A_704, %select_n3A : vector<16xf32>
      %mul3A_723 = arith.constant 4 : i32
      %mul3A_724 = arith.muli %scan3A_703, %mul3A_723 : i32
      %add3A_725 = arith.constant 1 : i32
      %add3A_726 = arith.addi %mul3A_724, %add3A_725 : i32
      %mul3A_727 = arith.constant 16 : i32
      %mul3A_728 = arith.muli %add3A_726, %mul3A_727 : i32
      %get3A_729 = arith.index_cast %mul3A_728 : i32 to index
      %get3A_730 = tpu.vector_load %arg7[%get3A_729] {strides = array<i32>} : memref<10496xf32, #tpu.memory_space<vmem>>, vector<16xf32>,
      %get3A_731 = vector.shape_cast %get3A_730 : vector<16xf32> to vector<16xf32>
      %ge3A_732 = arith.constant 5.000000e-01 : f32
      %ge3A_733 = vector.broadcast %ge3A_732 : f32 to vector<16xf32>
      %ge3A_734 = arith.cmpf oge, %get3A_731, %ge3A_733 : vector<16xf32>
      %jit3A_735 = arith.constant 1.000000e+00 : f32
      %jit3A_736 = arith.constant 0.000000e+00 : f32
      %broadcast_in_dim3A_737 = vector.broadcast %jit3A_735 : f32 to vector<16xf32>
      %broadcast_in_dim3A_738 = vector.broadcast %jit3A_736 : f32 to vector<16xf32>
      %select_n3A_739 = arith.select %ge3A_734, %broadcast_in_dim3A_737, %broadcast_in_dim3A_738 : vector<16xi1>, vector<16xf32>
      %add3A_740 = arith.addf %scan3A_705, %select_n3A_739 : vector<16xf32>
      %mul3A_741 = arith.constant 4 : i32
      %mul3A_742 = arith.muli %scan3A_703, %mul3A_741 : i32
      %add3A_743 = arith.constant 2 : i32
      %add3A_744 = arith.addi %mul3A_742, %add3A_743 : i32
      %mul3A_745 = arith.constant 16 : i32
      %mul3A_746 = arith.muli %add3A_744, %mul3A_745 : i32
      %get3A_747 = arith.index_cast %mul3A_746 : i32 to index
      %get3A_748 = tpu.vector_load %arg7[%get3A_747] {strides = array<i32>} : memref<10496xf32, #tpu.memory_space<vmem>>, vector<16xf32>,
      %get3A_749 = vector.shape_cast %get3A_748 : vector<16xf32> to vector<16xf32>
      %ge3A_750 = arith.constant 5.000000e-01 : f32
      %ge3A_751 = vector.broadcast %ge3A_750 : f32 to vector<16xf32>
      %ge3A_752 = arith.cmpf oge, %get3A_749, %ge3A_751 : vector<16xf32>
      %jit3A_753 = arith.constant 1.000000e+00 : f32
      %jit3A_754 = arith.constant 0.000000e+00 : f32
      %broadcast_in_dim3A_755 = vector.broadcast %jit3A_753 : f32 to vector<16xf32>
      %broadcast_in_dim3A_756 = vector.broadcast %jit3A_754 : f32 to vector<16xf32>
      %select_n3A_757 = arith.select %ge3A_752, %broadcast_in_dim3A_755, %broadcast_in_dim3A_756 : vector<16xi1>, vector<16xf32>
      %add3A_758 = arith.addf %scan3A_706, %select_n3A_757 : vector<16xf32>
      %mul3A_759 = arith.constant 4 : i32
      %mul3A_760 = arith.muli %scan3A_703, %mul3A_759 : i32
      %add3A_761 = arith.constant 3 : i32
      %add3A_762 = arith.addi %mul3A_760, %add3A_761 : i32
      %mul3A_763 = arith.constant 16 : i32
      %mul3A_764 = arith.muli %add3A_762, %mul3A_763 : i32
      %get3A_765 = arith.index_cast %mul3A_764 : i32 to index
      %get3A_766 = tpu.vector_load %arg7[%get3A_765] {strides = array<i32>} : memref<10496xf32, #tpu.memory_space<vmem>>, vector<16xf32>,
      %get3A_767 = vector.shape_cast %get3A_766 : vector<16xf32> to vector<16xf32>
      %ge3A_768 = arith.constant 5.000000e-01 : f32
      %ge3A_769 = vector.broadcast %ge3A_768 : f32 to vector<16xf32>
      %ge3A_770 = arith.cmpf oge, %get3A_767, %ge3A_769 : vector<16xf32>
      %jit3A_771 = arith.constant 1.000000e+00 : f32
      %jit3A_772 = arith.constant 0.000000e+00 : f32
      %broadcast_in_dim3A_773 = vector.broadcast %jit3A_771 : f32 to vector<16xf32>
      %broadcast_in_dim3A_774 = vector.broadcast %jit3A_772 : f32 to vector<16xf32>
      %select_n3A_775 = arith.select %ge3A_770, %broadcast_in_dim3A_773, %broadcast_in_dim3A_774 : vector<16xi1>, vector<16xf32>
      %add3A_776 = arith.addf %scan3A_707, %select_n3A_775 : vector<16xf32>
      scf.yield %add3A_722, %add3A_740, %add3A_758, %add3A_776 : vector<16xf32>, vector<16xf32>, vector<16xf32>, vector<16xf32>
    }
    %scan3A_332 = arith.constant 164 : i32
    %swap3A_333 = arith.constant 0 : index
    %swap3A_334 = tpu.vector_load %arg8[%swap3A_333] {strides = array<i32>} : memref<64xf32, #tpu.memory_space<vmem>>, vector<16xf32>,
    %swap3A_335 = vector.shape_cast %swap3A_334 : vector<16xf32> to vector<16xf32>
    %swap3A_336 = vector.shape_cast %scan3A_331#0 : vector<16xf32> to vector<16xf32>
    tpu.vector_store %arg8[%swap3A_333], %swap3A_336 {strides = array<i32>} : memref<64xf32, #tpu.memory_space<vmem>>, vector<16xf32>,
    %swap3A_337 = arith.constant 16 : index
    %swap3A_338 = tpu.vector_load %arg8[%swap3A_337] {strides = array<i32>} : memref<64xf32, #tpu.memory_space<vmem>>, vector<16xf32>,
    %swap3A_339 = vector.shape_cast %swap3A_338 : vector<16xf32> to vector<16xf32>
    %swap3A_340 = vector.shape_cast %scan3A_331#1 : vector<16xf32> to vector<16xf32>
    tpu.vector_store %arg8[%swap3A_337], %swap3A_340 {strides = array<i32>} : memref<64xf32, #tpu.memory_space<vmem>>, vector<16xf32>,
    %swap3A_341 = arith.constant 32 : index
    %swap3A_342 = tpu.vector_load %arg8[%swap3A_341] {strides = array<i32>} : memref<64xf32, #tpu.memory_space<vmem>>, vector<16xf32>,
    %swap3A_343 = vector.shape_cast %swap3A_342 : vector<16xf32> to vector<16xf32>
    %swap3A_344 = vector.shape_cast %scan3A_331#2 : vector<16xf32> to vector<16xf32>
    tpu.vector_store %arg8[%swap3A_341], %swap3A_344 {strides = array<i32>} : memref<64xf32, #tpu.memory_space<vmem>>, vector<16xf32>,
    %swap3A_345 = arith.constant 48 : index
    %swap3A_346 = tpu.vector_load %arg8[%swap3A_345] {strides = array<i32>} : memref<64xf32, #tpu.memory_space<vmem>>, vector<16xf32>,
    %swap3A_347 = vector.shape_cast %swap3A_346 : vector<16xf32> to vector<16xf32>
    %swap3A_348 = vector.shape_cast %scan3A_331#3 : vector<16xf32> to vector<16xf32>
    tpu.vector_store %arg8[%swap3A_345], %swap3A_348 {strides = array<i32>} : memref<64xf32, #tpu.memory_space<vmem>>, vector<16xf32>,
    "tpu.region"() ({
      %run_scoped3A_703 = tpu.sem_alloc : memref<!tpu.dma_semaphore, #tpu.memory_space<semaphore_mem>>
      %dma_start3A_704 = tpu.memref_slice %arg4[%add3A_175] : memref<8192xf32, #tpu.memory_space<hbm>> -> memref<64xf32, #tpu.memory_space<hbm>>
      %dma_start3A_705 = tpu.memref_slice %arg4[%add3A_175] : memref<8192xf32, #tpu.memory_space<hbm>> -> memref<64xf32, #tpu.memory_space<hbm>>
      tpu.enqueue_dma source(%arg8 : memref<64xf32, #tpu.memory_space<vmem>>) target(%dma_start3A_705 : memref<64xf32, #tpu.memory_space<hbm>>) target_semaphore(%run_scoped3A_703 : memref<!tpu.dma_semaphore, #tpu.memory_space<semaphore_mem>>)
      %dma_wait3A_706 = tpu.memref_slice %arg4[%add3A_175] : memref<8192xf32, #tpu.memory_space<hbm>> -> memref<64xf32, #tpu.memory_space<hbm>>
      %dma_wait3A_707 = tpu.memref_slice %arg4[%add3A_175] : memref<8192xf32, #tpu.memory_space<hbm>> -> memref<64xf32, #tpu.memory_space<hbm>>
      tpu.wait_dma2 semaphore(%run_scoped3A_703 : memref<!tpu.dma_semaphore, #tpu.memory_space<semaphore_mem>>) src(%arg8 : memref<64xf32, #tpu.memory_space<vmem>>) dst(%dma_wait3A_707 : memref<64xf32, #tpu.memory_space<hbm>>)
      tpu.yield
    }) : () -> ()
    %mul3A_349 = arith.constant 64 : i32
    %mul3A_350 = arith.muli %add3A, %mul3A_349 : i32
    %add3A_351 = arith.constant 4096 : i32
    %add3A_352 = arith.addi %add3A_351, %mul3A_350 : i32
    %mul3A_353 = arith.constant 8192 : i32
    %mul3A_354 = arith.muli %add3A_352, %mul3A_353 : i32
    %run_scoped3A_355 = arith.constant 2 : i32
    "tpu.region"() ({
      %run_scoped3A_703 = tpu.sem_alloc : memref<!tpu.dma_semaphore, #tpu.memory_space<semaphore_mem>>
      %dma_start3A_704 = arith.constant 0 : i32
      %dma_start3A_705 = tpu.memref_slice %arg3[%run_scoped3A_355, %dma_start3A_704] : memref<4x256xi32, #tpu.memory_space<hbm>> -> memref<1x256xi32, #tpu.memory_space<hbm>>
      %dma_start3A_706 = tpu.memref_squeeze %dma_start3A_705 : memref<1x256xi32, #tpu.memory_space<hbm>> -> memref<256xi32, #tpu.memory_space<hbm>>
      %dma_start3A_707 = arith.constant 0 : i32
      %dma_start3A_708 = tpu.memref_slice %arg3[%run_scoped3A_355, %dma_start3A_707] : memref<4x256xi32, #tpu.memory_space<hbm>> -> memref<1x256xi32, #tpu.memory_space<hbm>>
      %dma_start3A_709 = tpu.memref_squeeze %dma_start3A_708 : memref<1x256xi32, #tpu.memory_space<hbm>> -> memref<256xi32, #tpu.memory_space<hbm>>
      tpu.enqueue_dma source(%dma_start3A_709 : memref<256xi32, #tpu.memory_space<hbm>>) target(%arg5 : memref<256xi32, #tpu.memory_space<vmem>>) target_semaphore(%run_scoped3A_703 : memref<!tpu.dma_semaphore, #tpu.memory_space<semaphore_mem>>)
      %dma_wait3A_710 = arith.constant 0 : i32
      %dma_wait3A_711 = tpu.memref_slice %arg3[%run_scoped3A_355, %dma_wait3A_710] : memref<4x256xi32, #tpu.memory_space<hbm>> -> memref<1x256xi32, #tpu.memory_space<hbm>>
      %dma_wait3A_712 = tpu.memref_squeeze %dma_wait3A_711 : memref<1x256xi32, #tpu.memory_space<hbm>> -> memref<256xi32, #tpu.memory_space<hbm>>
      %dma_wait3A_713 = arith.constant 0 : i32
      %dma_wait3A_714 = tpu.memref_slice %arg3[%run_scoped3A_355, %dma_wait3A_713] : memref<4x256xi32, #tpu.memory_space<hbm>> -> memref<1x256xi32, #tpu.memory_space<hbm>>
      %dma_wait3A_715 = tpu.memref_squeeze %dma_wait3A_714 : memref<1x256xi32, #tpu.memory_space<hbm>> -> memref<256xi32, #tpu.memory_space<hbm>>
      tpu.wait_dma2 semaphore(%run_scoped3A_703 : memref<!tpu.dma_semaphore, #tpu.memory_space<semaphore_mem>>) src(%dma_wait3A_715 : memref<256xi32, #tpu.memory_space<hbm>>) dst(%arg5 : memref<256xi32, #tpu.memory_space<vmem>>)
      tpu.yield
    }) : () -> ()
    %scan3A_356 = arith.constant 0 : i32
    %scan3A_357 = arith.constant 0 : i32
    %scan3A_358 = arith.constant 10 : i32
    %scan3A_359 = arith.addi %scan3A_357, %scan3A_358 : i32
    %scan3A_360 = arith.constant 1 : i32
    %scan3A_361 = scf.for %scan3A_703 = %scan3A_357 to %scan3A_359 step %scan3A_360 iter_args(%scan3A_704 = %scan3A_356) -> (i32)  : i32 {
      %mul3A_705 = arith.constant 16 : i32
      %mul3A_706 = arith.muli %scan3A_703, %mul3A_705 : i32
      %multiple_of3A = tpu.assume_multiple %mul3A_706, 16 : i32
      %get3A_707 = arith.index_cast %multiple_of3A : i32 to index
      %get3A_708 = tpu.vector_load %arg5[%get3A_707] {strides = array<i32>} : memref<256xi32, #tpu.memory_space<vmem>>, vector<16xi32>,
      %get3A_709 = vector.shape_cast %get3A_708 : vector<16xi32> to vector<16xi32>
      %mul3A_710 = arith.constant 16 : i32
      %mul3A_711 = arith.muli %scan3A_703, %mul3A_710 : i32
      %add3A_712 = arith.constant 0 : i32
      %add3A_713 = arith.addi %mul3A_711, %add3A_712 : i32
      %slice3A_714 = vector.extract_strided_slice %get3A_709 {offsets = [0], sizes = [1], strides = [1]} : vector<16xi32> to vector<1xi32>
      %squeeze3A_715 = vector.extract %slice3A_714[0] : i32 from vector<1xi32>
      %add3A_716 = arith.addi %mul3A_354, %squeeze3A_715 : i32
      %add3A_717 = vector.broadcast %add3A_716 : i32 to vector<16xi32>
      %add3A_718 = arith.addi %mul3A_3, %add3A_717 : vector<16xi32>
      %mul3A_719 = arith.constant 4 : i32
      %mul3A_720 = arith.muli %add3A_713, %mul3A_719 : i32
      %add3A_721 = arith.constant 0 : i32
      %add3A_722 = arith.addi %mul3A_720, %add3A_721 : i32
      %add3A_723 = arith.constant 0 : i32
      %add3A_724 = vector.broadcast %add3A_723 : i32 to vector<16xi32>
      %add3A_725 = arith.addi %add3A_718, %add3A_724 : vector<16xi32>
      %mul3A_726 = arith.constant 16 : i32
      %mul3A_727 = arith.muli %add3A_722, %mul3A_726 : i32
      %swap3A_728 = arith.index_cast %mul3A_727 : i32 to index
      %swap3A_729 = tpu.vector_load %arg6[%swap3A_728] {strides = array<i32>} : memref<10496xi32, #tpu.memory_space<vmem>>, vector<16xi32>,
      %swap3A_730 = vector.shape_cast %swap3A_729 : vector<16xi32> to vector<16xi32>
      %swap3A_731 = vector.shape_cast %add3A_725 : vector<16xi32> to vector<16xi32>
      tpu.vector_store %arg6[%swap3A_728], %swap3A_731 {strides = array<i32>} : memref<10496xi32, #tpu.memory_space<vmem>>, vector<16xi32>,
      %mul3A_732 = arith.constant 4 : i32
      %mul3A_733 = arith.muli %add3A_713, %mul3A_732 : i32
      %add3A_734 = arith.constant 1 : i32
      %add3A_735 = arith.addi %mul3A_733, %add3A_734 : i32
      %add3A_736 = arith.constant 131072 : i32
      %add3A_737 = vector.broadcast %add3A_736 : i32 to vector<16xi32>
      %add3A_738 = arith.addi %add3A_718, %add3A_737 : vector<16xi32>
      %mul3A_739 = arith.constant 16 : i32
      %mul3A_740 = arith.muli %add3A_735, %mul3A_739 : i32
      %swap3A_741 = arith.index_cast %mul3A_740 : i32 to index
      %swap3A_742 = tpu.vector_load %arg6[%swap3A_741] {strides = array<i32>} : memref<10496xi32, #tpu.memory_space<vmem>>, vector<16xi32>,
      %swap3A_743 = vector.shape_cast %swap3A_742 : vector<16xi32> to vector<16xi32>
      %swap3A_744 = vector.shape_cast %add3A_738 : vector<16xi32> to vector<16xi32>
      tpu.vector_store %arg6[%swap3A_741], %swap3A_744 {strides = array<i32>} : memref<10496xi32, #tpu.memory_space<vmem>>, vector<16xi32>,
      %mul3A_745 = arith.constant 4 : i32
      %mul3A_746 = arith.muli %add3A_713, %mul3A_745 : i32
      %add3A_747 = arith.constant 2 : i32
      %add3A_748 = arith.addi %mul3A_746, %add3A_747 : i32
      %add3A_749 = arith.constant 262144 : i32
      %add3A_750 = vector.broadcast %add3A_749 : i32 to vector<16xi32>
      %add3A_751 = arith.addi %add3A_718, %add3A_750 : vector<16xi32>
      %mul3A_752 = arith.constant 16 : i32
      %mul3A_753 = arith.muli %add3A_748, %mul3A_752 : i32
      %swap3A_754 = arith.index_cast %mul3A_753 : i32 to index
      %swap3A_755 = tpu.vector_load %arg6[%swap3A_754] {strides = array<i32>} : memref<10496xi32, #tpu.memory_space<vmem>>, vector<16xi32>,
      %swap3A_756 = vector.shape_cast %swap3A_755 : vector<16xi32> to vector<16xi32>
      %swap3A_757 = vector.shape_cast %add3A_751 : vector<16xi32> to vector<16xi32>
      tpu.vector_store %arg6[%swap3A_754], %swap3A_757 {strides = array<i32>} : memref<10496xi32, #tpu.memory_space<vmem>>, vector<16xi32>,
      %mul3A_758 = arith.constant 4 : i32
      %mul3A_759 = arith.muli %add3A_713, %mul3A_758 : i32
      %add3A_760 = arith.constant 3 : i32
      %add3A_761 = arith.addi %mul3A_759, %add3A_760 : i32
      %add3A_762 = arith.constant 393216 : i32
      %add3A_763 = vector.broadcast %add3A_762 : i32 to vector<16xi32>
      %add3A_764 = arith.addi %add3A_718, %add3A_763 : vector<16xi32>
      %mul3A_765 = arith.constant 16 : i32
      %mul3A_766 = arith.muli %add3A_761, %mul3A_765 : i32
      %swap3A_767 = arith.index_cast %mul3A_766 : i32 to index
      %swap3A_768 = tpu.vector_load %arg6[%swap3A_767] {strides = array<i32>} : memref<10496xi32, #tpu.memory_space<vmem>>, vector<16xi32>,
      %swap3A_769 = vector.shape_cast %swap3A_768 : vector<16xi32> to vector<16xi32>
      %swap3A_770 = vector.shape_cast %add3A_764 : vector<16xi32> to vector<16xi32>
      tpu.vector_store %arg6[%swap3A_767], %swap3A_770 {strides = array<i32>} : memref<10496xi32, #tpu.memory_space<vmem>>, vector<16xi32>,
      %mul3A_771 = arith.constant 16 : i32
      %mul3A_772 = arith.muli %scan3A_703, %mul3A_771 : i32
      %add3A_773 = arith.constant 1 : i32
      %add3A_774 = arith.addi %mul3A_772, %add3A_773 : i32
      %slice3A_775 = vector.extract_strided_slice %get3A_709 {offsets = [1], sizes = [1], strides = [1]} : vector<16xi32> to vector<1xi32>
      %squeeze3A_776 = vector.extract %slice3A_775[0] : i32 from vector<1xi32>
      %add3A_777 = arith.addi %mul3A_354, %squeeze3A_776 : i32
      %add3A_778 = vector.broadcast %add3A_777 : i32 to vector<16xi32>
      %add3A_779 = arith.addi %mul3A_3, %add3A_778 : vector<16xi32>
      %mul3A_780 = arith.constant 4 : i32
      %mul3A_781 = arith.muli %add3A_774, %mul3A_780 : i32
      %add3A_782 = arith.constant 0 : i32
      %add3A_783 = arith.addi %mul3A_781, %add3A_782 : i32
      %add3A_784 = arith.constant 0 : i32
      %add3A_785 = vector.broadcast %add3A_784 : i32 to vector<16xi32>
      %add3A_786 = arith.addi %add3A_779, %add3A_785 : vector<16xi32>
      %mul3A_787 = arith.constant 16 : i32
      %mul3A_788 = arith.muli %add3A_783, %mul3A_787 : i32
      %swap3A_789 = arith.index_cast %mul3A_788 : i32 to index
      %swap3A_790 = tpu.vector_load %arg6[%swap3A_789] {strides = array<i32>} : memref<10496xi32, #tpu.memory_space<vmem>>, vector<16xi32>,
      %swap3A_791 = vector.shape_cast %swap3A_790 : vector<16xi32> to vector<16xi32>
      %swap3A_792 = vector.shape_cast %add3A_786 : vector<16xi32> to vector<16xi32>
      tpu.vector_store %arg6[%swap3A_789], %swap3A_792 {strides = array<i32>} : memref<10496xi32, #tpu.memory_space<vmem>>, vector<16xi32>,
      %mul3A_793 = arith.constant 4 : i32
      %mul3A_794 = arith.muli %add3A_774, %mul3A_793 : i32
      %add3A_795 = arith.constant 1 : i32
      %add3A_796 = arith.addi %mul3A_794, %add3A_795 : i32
      %add3A_797 = arith.constant 131072 : i32
      %add3A_798 = vector.broadcast %add3A_797 : i32 to vector<16xi32>
      %add3A_799 = arith.addi %add3A_779, %add3A_798 : vector<16xi32>
      %mul3A_800 = arith.constant 16 : i32
      %mul3A_801 = arith.muli %add3A_796, %mul3A_800 : i32
      %swap3A_802 = arith.index_cast %mul3A_801 : i32 to index
      %swap3A_803 = tpu.vector_load %arg6[%swap3A_802] {strides = array<i32>} : memref<10496xi32, #tpu.memory_space<vmem>>, vector<16xi32>,
      %swap3A_804 = vector.shape_cast %swap3A_803 : vector<16xi32> to vector<16xi32>
      %swap3A_805 = vector.shape_cast %add3A_799 : vector<16xi32> to vector<16xi32>
      tpu.vector_store %arg6[%swap3A_802], %swap3A_805 {strides = array<i32>} : memref<10496xi32, #tpu.memory_space<vmem>>, vector<16xi32>,
      %mul3A_806 = arith.constant 4 : i32
      %mul3A_807 = arith.muli %add3A_774, %mul3A_806 : i32
      %add3A_808 = arith.constant 2 : i32
      %add3A_809 = arith.addi %mul3A_807, %add3A_808 : i32
      %add3A_810 = arith.constant 262144 : i32
      %add3A_811 = vector.broadcast %add3A_810 : i32 to vector<16xi32>
      %add3A_812 = arith.addi %add3A_779, %add3A_811 : vector<16xi32>
      %mul3A_813 = arith.constant 16 : i32
      %mul3A_814 = arith.muli %add3A_809, %mul3A_813 : i32
      %swap3A_815 = arith.index_cast %mul3A_814 : i32 to index
      %swap3A_816 = tpu.vector_load %arg6[%swap3A_815] {strides = array<i32>} : memref<10496xi32, #tpu.memory_space<vmem>>, vector<16xi32>,
      %swap3A_817 = vector.shape_cast %swap3A_816 : vector<16xi32> to vector<16xi32>
      %swap3A_818 = vector.shape_cast %add3A_812 : vector<16xi32> to vector<16xi32>
      tpu.vector_store %arg6[%swap3A_815], %swap3A_818 {strides = array<i32>} : memref<10496xi32, #tpu.memory_space<vmem>>, vector<16xi32>,
      %mul3A_819 = arith.constant 4 : i32
      %mul3A_820 = arith.muli %add3A_774, %mul3A_819 : i32
      %add3A_821 = arith.constant 3 : i32
      %add3A_822 = arith.addi %mul3A_820, %add3A_821 : i32
      %add3A_823 = arith.constant 393216 : i32
      %add3A_824 = vector.broadcast %add3A_823 : i32 to vector<16xi32>
      %add3A_825 = arith.addi %add3A_779, %add3A_824 : vector<16xi32>
      %mul3A_826 = arith.constant 16 : i32
      %mul3A_827 = arith.muli %add3A_822, %mul3A_826 : i32
      %swap3A_828 = arith.index_cast %mul3A_827 : i32 to index
      %swap3A_829 = tpu.vector_load %arg6[%swap3A_828] {strides = array<i32>} : memref<10496xi32, #tpu.memory_space<vmem>>, vector<16xi32>,
      %swap3A_830 = vector.shape_cast %swap3A_829 : vector<16xi32> to vector<16xi32>
      %swap3A_831 = vector.shape_cast %add3A_825 : vector<16xi32> to vector<16xi32>
      tpu.vector_store %arg6[%swap3A_828], %swap3A_831 {strides = array<i32>} : memref<10496xi32, #tpu.memory_space<vmem>>, vector<16xi32>,
      %mul3A_832 = arith.constant 16 : i32
      %mul3A_833 = arith.muli %scan3A_703, %mul3A_832 : i32
      %add3A_834 = arith.constant 2 : i32
      %add3A_835 = arith.addi %mul3A_833, %add3A_834 : i32
      %slice3A_836 = vector.extract_strided_slice %get3A_709 {offsets = [2], sizes = [1], strides = [1]} : vector<16xi32> to vector<1xi32>
      %squeeze3A_837 = vector.extract %slice3A_836[0] : i32 from vector<1xi32>
      %add3A_838 = arith.addi %mul3A_354, %squeeze3A_837 : i32
      %add3A_839 = vector.broadcast %add3A_838 : i32 to vector<16xi32>
      %add3A_840 = arith.addi %mul3A_3, %add3A_839 : vector<16xi32>
      %mul3A_841 = arith.constant 4 : i32
      %mul3A_842 = arith.muli %add3A_835, %mul3A_841 : i32
      %add3A_843 = arith.constant 0 : i32
      %add3A_844 = arith.addi %mul3A_842, %add3A_843 : i32
      %add3A_845 = arith.constant 0 : i32
      %add3A_846 = vector.broadcast %add3A_845 : i32 to vector<16xi32>
      %add3A_847 = arith.addi %add3A_840, %add3A_846 : vector<16xi32>
      %mul3A_848 = arith.constant 16 : i32
      %mul3A_849 = arith.muli %add3A_844, %mul3A_848 : i32
      %swap3A_850 = arith.index_cast %mul3A_849 : i32 to index
      %swap3A_851 = tpu.vector_load %arg6[%swap3A_850] {strides = array<i32>} : memref<10496xi32, #tpu.memory_space<vmem>>, vector<16xi32>,
      %swap3A_852 = vector.shape_cast %swap3A_851 : vector<16xi32> to vector<16xi32>
      %swap3A_853 = vector.shape_cast %add3A_847 : vector<16xi32> to vector<16xi32>
      tpu.vector_store %arg6[%swap3A_850], %swap3A_853 {strides = array<i32>} : memref<10496xi32, #tpu.memory_space<vmem>>, vector<16xi32>,
      %mul3A_854 = arith.constant 4 : i32
      %mul3A_855 = arith.muli %add3A_835, %mul3A_854 : i32
      %add3A_856 = arith.constant 1 : i32
      %add3A_857 = arith.addi %mul3A_855, %add3A_856 : i32
      %add3A_858 = arith.constant 131072 : i32
      %add3A_859 = vector.broadcast %add3A_858 : i32 to vector<16xi32>
      %add3A_860 = arith.addi %add3A_840, %add3A_859 : vector<16xi32>
      %mul3A_861 = arith.constant 16 : i32
      %mul3A_862 = arith.muli %add3A_857, %mul3A_861 : i32
      %swap3A_863 = arith.index_cast %mul3A_862 : i32 to index
      %swap3A_864 = tpu.vector_load %arg6[%swap3A_863] {strides = array<i32>} : memref<10496xi32, #tpu.memory_space<vmem>>, vector<16xi32>,
      %swap3A_865 = vector.shape_cast %swap3A_864 : vector<16xi32> to vector<16xi32>
      %swap3A_866 = vector.shape_cast %add3A_860 : vector<16xi32> to vector<16xi32>
      tpu.vector_store %arg6[%swap3A_863], %swap3A_866 {strides = array<i32>} : memref<10496xi32, #tpu.memory_space<vmem>>, vector<16xi32>,
      %mul3A_867 = arith.constant 4 : i32
      %mul3A_868 = arith.muli %add3A_835, %mul3A_867 : i32
      %add3A_869 = arith.constant 2 : i32
      %add3A_870 = arith.addi %mul3A_868, %add3A_869 : i32
      %add3A_871 = arith.constant 262144 : i32
      %add3A_872 = vector.broadcast %add3A_871 : i32 to vector<16xi32>
      %add3A_873 = arith.addi %add3A_840, %add3A_872 : vector<16xi32>
      %mul3A_874 = arith.constant 16 : i32
      %mul3A_875 = arith.muli %add3A_870, %mul3A_874 : i32
      %swap3A_876 = arith.index_cast %mul3A_875 : i32 to index
      %swap3A_877 = tpu.vector_load %arg6[%swap3A_876] {strides = array<i32>} : memref<10496xi32, #tpu.memory_space<vmem>>, vector<16xi32>,
      %swap3A_878 = vector.shape_cast %swap3A_877 : vector<16xi32> to vector<16xi32>
      %swap3A_879 = vector.shape_cast %add3A_873 : vector<16xi32> to vector<16xi32>
      tpu.vector_store %arg6[%swap3A_876], %swap3A_879 {strides = array<i32>} : memref<10496xi32, #tpu.memory_space<vmem>>, vector<16xi32>,
      %mul3A_880 = arith.constant 4 : i32
      %mul3A_881 = arith.muli %add3A_835, %mul3A_880 : i32
      %add3A_882 = arith.constant 3 : i32
      %add3A_883 = arith.addi %mul3A_881, %add3A_882 : i32
      %add3A_884 = arith.constant 393216 : i32
      %add3A_885 = vector.broadcast %add3A_884 : i32 to vector<16xi32>
      %add3A_886 = arith.addi %add3A_840, %add3A_885 : vector<16xi32>
      %mul3A_887 = arith.constant 16 : i32
      %mul3A_888 = arith.muli %add3A_883, %mul3A_887 : i32
      %swap3A_889 = arith.index_cast %mul3A_888 : i32 to index
      %swap3A_890 = tpu.vector_load %arg6[%swap3A_889] {strides = array<i32>} : memref<10496xi32, #tpu.memory_space<vmem>>, vector<16xi32>,
      %swap3A_891 = vector.shape_cast %swap3A_890 : vector<16xi32> to vector<16xi32>
      %swap3A_892 = vector.shape_cast %add3A_886 : vector<16xi32> to vector<16xi32>
      tpu.vector_store %arg6[%swap3A_889], %swap3A_892 {strides = array<i32>} : memref<10496xi32, #tpu.memory_space<vmem>>, vector<16xi32>,
      %mul3A_893 = arith.constant 16 : i32
      %mul3A_894 = arith.muli %scan3A_703, %mul3A_893 : i32
      %add3A_895 = arith.constant 3 : i32
      %add3A_896 = arith.addi %mul3A_894, %add3A_895 : i32
      %slice3A_897 = vector.extract_strided_slice %get3A_709 {offsets = [3], sizes = [1], strides = [1]} : vector<16xi32> to vector<1xi32>
      %squeeze3A_898 = vector.extract %slice3A_897[0] : i32 from vector<1xi32>
      %add3A_899 = arith.addi %mul3A_354, %squeeze3A_898 : i32
      %add3A_900 = vector.broadcast %add3A_899 : i32 to vector<16xi32>
      %add3A_901 = arith.addi %mul3A_3, %add3A_900 : vector<16xi32>
      %mul3A_902 = arith.constant 4 : i32
      %mul3A_903 = arith.muli %add3A_896, %mul3A_902 : i32
      %add3A_904 = arith.constant 0 : i32
      %add3A_905 = arith.addi %mul3A_903, %add3A_904 : i32
      %add3A_906 = arith.constant 0 : i32
      %add3A_907 = vector.broadcast %add3A_906 : i32 to vector<16xi32>
      %add3A_908 = arith.addi %add3A_901, %add3A_907 : vector<16xi32>
      %mul3A_909 = arith.constant 16 : i32
      %mul3A_910 = arith.muli %add3A_905, %mul3A_909 : i32
      %swap3A_911 = arith.index_cast %mul3A_910 : i32 to index
      %swap3A_912 = tpu.vector_load %arg6[%swap3A_911] {strides = array<i32>} : memref<10496xi32, #tpu.memory_space<vmem>>, vector<16xi32>,
      %swap3A_913 = vector.shape_cast %swap3A_912 : vector<16xi32> to vector<16xi32>
      %swap3A_914 = vector.shape_cast %add3A_908 : vector<16xi32> to vector<16xi32>
      tpu.vector_store %arg6[%swap3A_911], %swap3A_914 {strides = array<i32>} : memref<10496xi32, #tpu.memory_space<vmem>>, vector<16xi32>,
      %mul3A_915 = arith.constant 4 : i32
      %mul3A_916 = arith.muli %add3A_896, %mul3A_915 : i32
      %add3A_917 = arith.constant 1 : i32
      %add3A_918 = arith.addi %mul3A_916, %add3A_917 : i32
      %add3A_919 = arith.constant 131072 : i32
      %add3A_920 = vector.broadcast %add3A_919 : i32 to vector<16xi32>
      %add3A_921 = arith.addi %add3A_901, %add3A_920 : vector<16xi32>
      %mul3A_922 = arith.constant 16 : i32
      %mul3A_923 = arith.muli %add3A_918, %mul3A_922 : i32
      %swap3A_924 = arith.index_cast %mul3A_923 : i32 to index
      %swap3A_925 = tpu.vector_load %arg6[%swap3A_924] {strides = array<i32>} : memref<10496xi32, #tpu.memory_space<vmem>>, vector<16xi32>,
      %swap3A_926 = vector.shape_cast %swap3A_925 : vector<16xi32> to vector<16xi32>
      %swap3A_927 = vector.shape_cast %add3A_921 : vector<16xi32> to vector<16xi32>
      tpu.vector_store %arg6[%swap3A_924], %swap3A_927 {strides = array<i32>} : memref<10496xi32, #tpu.memory_space<vmem>>, vector<16xi32>,
      %mul3A_928 = arith.constant 4 : i32
      %mul3A_929 = arith.muli %add3A_896, %mul3A_928 : i32
      %add3A_930 = arith.constant 2 : i32
      %add3A_931 = arith.addi %mul3A_929, %add3A_930 : i32
      %add3A_932 = arith.constant 262144 : i32
      %add3A_933 = vector.broadcast %add3A_932 : i32 to vector<16xi32>
      %add3A_934 = arith.addi %add3A_901, %add3A_933 : vector<16xi32>
      %mul3A_935 = arith.constant 16 : i32
      %mul3A_936 = arith.muli %add3A_931, %mul3A_935 : i32
      %swap3A_937 = arith.index_cast %mul3A_936 : i32 to index
      %swap3A_938 = tpu.vector_load %arg6[%swap3A_937] {strides = array<i32>} : memref<10496xi32, #tpu.memory_space<vmem>>, vector<16xi32>,
      %swap3A_939 = vector.shape_cast %swap3A_938 : vector<16xi32> to vector<16xi32>
      %swap3A_940 = vector.shape_cast %add3A_934 : vector<16xi32> to vector<16xi32>
      tpu.vector_store %arg6[%swap3A_937], %swap3A_940 {strides = array<i32>} : memref<10496xi32, #tpu.memory_space<vmem>>, vector<16xi32>,
      %mul3A_941 = arith.constant 4 : i32
      %mul3A_942 = arith.muli %add3A_896, %mul3A_941 : i32
      %add3A_943 = arith.constant 3 : i32
      %add3A_944 = arith.addi %mul3A_942, %add3A_943 : i32
      %add3A_945 = arith.constant 393216 : i32
      %add3A_946 = vector.broadcast %add3A_945 : i32 to vector<16xi32>
      %add3A_947 = arith.addi %add3A_901, %add3A_946 : vector<16xi32>
      %mul3A_948 = arith.constant 16 : i32
      %mul3A_949 = arith.muli %add3A_944, %mul3A_948 : i32
      %swap3A_950 = arith.index_cast %mul3A_949 : i32 to index
      %swap3A_951 = tpu.vector_load %arg6[%swap3A_950] {strides = array<i32>} : memref<10496xi32, #tpu.memory_space<vmem>>, vector<16xi32>,
      %swap3A_952 = vector.shape_cast %swap3A_951 : vector<16xi32> to vector<16xi32>
      %swap3A_953 = vector.shape_cast %add3A_947 : vector<16xi32> to vector<16xi32>
      tpu.vector_store %arg6[%swap3A_950], %swap3A_953 {strides = array<i32>} : memref<10496xi32, #tpu.memory_space<vmem>>, vector<16xi32>,
      %mul3A_954 = arith.constant 16 : i32
      %mul3A_955 = arith.muli %scan3A_703, %mul3A_954 : i32
      %add3A_956 = arith.constant 4 : i32
      %add3A_957 = arith.addi %mul3A_955, %add3A_956 : i32
      %slice3A_958 = vector.extract_strided_slice %get3A_709 {offsets = [4], sizes = [1], strides = [1]} : vector<16xi32> to vector<1xi32>
      %squeeze3A_959 = vector.extract %slice3A_958[0] : i32 from vector<1xi32>
      %add3A_960 = arith.addi %mul3A_354, %squeeze3A_959 : i32
      %add3A_961 = vector.broadcast %add3A_960 : i32 to vector<16xi32>
      %add3A_962 = arith.addi %mul3A_3, %add3A_961 : vector<16xi32>
      %mul3A_963 = arith.constant 4 : i32
      %mul3A_964 = arith.muli %add3A_957, %mul3A_963 : i32
      %add3A_965 = arith.constant 0 : i32
      %add3A_966 = arith.addi %mul3A_964, %add3A_965 : i32
      %add3A_967 = arith.constant 0 : i32
      %add3A_968 = vector.broadcast %add3A_967 : i32 to vector<16xi32>
      %add3A_969 = arith.addi %add3A_962, %add3A_968 : vector<16xi32>
      %mul3A_970 = arith.constant 16 : i32
      %mul3A_971 = arith.muli %add3A_966, %mul3A_970 : i32
      %swap3A_972 = arith.index_cast %mul3A_971 : i32 to index
      %swap3A_973 = tpu.vector_load %arg6[%swap3A_972] {strides = array<i32>} : memref<10496xi32, #tpu.memory_space<vmem>>, vector<16xi32>,
      %swap3A_974 = vector.shape_cast %swap3A_973 : vector<16xi32> to vector<16xi32>
      %swap3A_975 = vector.shape_cast %add3A_969 : vector<16xi32> to vector<16xi32>
      tpu.vector_store %arg6[%swap3A_972], %swap3A_975 {strides = array<i32>} : memref<10496xi32, #tpu.memory_space<vmem>>, vector<16xi32>,
      %mul3A_976 = arith.constant 4 : i32
      %mul3A_977 = arith.muli %add3A_957, %mul3A_976 : i32
      %add3A_978 = arith.constant 1 : i32
      %add3A_979 = arith.addi %mul3A_977, %add3A_978 : i32
      %add3A_980 = arith.constant 131072 : i32
      %add3A_981 = vector.broadcast %add3A_980 : i32 to vector<16xi32>
      %add3A_982 = arith.addi %add3A_962, %add3A_981 : vector<16xi32>
      %mul3A_983 = arith.constant 16 : i32
      %mul3A_984 = arith.muli %add3A_979, %mul3A_983 : i32
      %swap3A_985 = arith.index_cast %mul3A_984 : i32 to index
      %swap3A_986 = tpu.vector_load %arg6[%swap3A_985] {strides = array<i32>} : memref<10496xi32, #tpu.memory_space<vmem>>, vector<16xi32>,
      %swap3A_987 = vector.shape_cast %swap3A_986 : vector<16xi32> to vector<16xi32>
      %swap3A_988 = vector.shape_cast %add3A_982 : vector<16xi32> to vector<16xi32>
      tpu.vector_store %arg6[%swap3A_985], %swap3A_988 {strides = array<i32>} : memref<10496xi32, #tpu.memory_space<vmem>>, vector<16xi32>,
      %mul3A_989 = arith.constant 4 : i32
      %mul3A_990 = arith.muli %add3A_957, %mul3A_989 : i32
      %add3A_991 = arith.constant 2 : i32
      %add3A_992 = arith.addi %mul3A_990, %add3A_991 : i32
      %add3A_993 = arith.constant 262144 : i32
      %add3A_994 = vector.broadcast %add3A_993 : i32 to vector<16xi32>
      %add3A_995 = arith.addi %add3A_962, %add3A_994 : vector<16xi32>
      %mul3A_996 = arith.constant 16 : i32
      %mul3A_997 = arith.muli %add3A_992, %mul3A_996 : i32
      %swap3A_998 = arith.index_cast %mul3A_997 : i32 to index
      %swap3A_999 = tpu.vector_load %arg6[%swap3A_998] {strides = array<i32>} : memref<10496xi32, #tpu.memory_space<vmem>>, vector<16xi32>,
      %swap3A_1000 = vector.shape_cast %swap3A_999 : vector<16xi32> to vector<16xi32>
      %swap3A_1001 = vector.shape_cast %add3A_995 : vector<16xi32> to vector<16xi32>
      tpu.vector_store %arg6[%swap3A_998], %swap3A_1001 {strides = array<i32>} : memref<10496xi32, #tpu.memory_space<vmem>>, vector<16xi32>,
      %mul3A_1002 = arith.constant 4 : i32
      %mul3A_1003 = arith.muli %add3A_957, %mul3A_1002 : i32
      %add3A_1004 = arith.constant 3 : i32
      %add3A_1005 = arith.addi %mul3A_1003, %add3A_1004 : i32
      %add3A_1006 = arith.constant 393216 : i32
      %add3A_1007 = vector.broadcast %add3A_1006 : i32 to vector<16xi32>
      %add3A_1008 = arith.addi %add3A_962, %add3A_1007 : vector<16xi32>
      %mul3A_1009 = arith.constant 16 : i32
      %mul3A_1010 = arith.muli %add3A_1005, %mul3A_1009 : i32
      %swap3A_1011 = arith.index_cast %mul3A_1010 : i32 to index
      %swap3A_1012 = tpu.vector_load %arg6[%swap3A_1011] {strides = array<i32>} : memref<10496xi32, #tpu.memory_space<vmem>>, vector<16xi32>,
      %swap3A_1013 = vector.shape_cast %swap3A_1012 : vector<16xi32> to vector<16xi32>
      %swap3A_1014 = vector.shape_cast %add3A_1008 : vector<16xi32> to vector<16xi32>
      tpu.vector_store %arg6[%swap3A_1011], %swap3A_1014 {strides = array<i32>} : memref<10496xi32, #tpu.memory_space<vmem>>, vector<16xi32>,
      %mul3A_1015 = arith.constant 16 : i32
      %mul3A_1016 = arith.muli %scan3A_703, %mul3A_1015 : i32
      %add3A_1017 = arith.constant 5 : i32
      %add3A_1018 = arith.addi %mul3A_1016, %add3A_1017 : i32
      %slice3A_1019 = vector.extract_strided_slice %get3A_709 {offsets = [5], sizes = [1], strides = [1]} : vector<16xi32> to vector<1xi32>
      %squeeze3A_1020 = vector.extract %slice3A_1019[0] : i32 from vector<1xi32>
      %add3A_1021 = arith.addi %mul3A_354, %squeeze3A_1020 : i32
      %add3A_1022 = vector.broadcast %add3A_1021 : i32 to vector<16xi32>
      %add3A_1023 = arith.addi %mul3A_3, %add3A_1022 : vector<16xi32>
      %mul3A_1024 = arith.constant 4 : i32
      %mul3A_1025 = arith.muli %add3A_1018, %mul3A_1024 : i32
      %add3A_1026 = arith.constant 0 : i32
      %add3A_1027 = arith.addi %mul3A_1025, %add3A_1026 : i32
      %add3A_1028 = arith.constant 0 : i32
      %add3A_1029 = vector.broadcast %add3A_1028 : i32 to vector<16xi32>
      %add3A_1030 = arith.addi %add3A_1023, %add3A_1029 : vector<16xi32>
      %mul3A_1031 = arith.constant 16 : i32
      %mul3A_1032 = arith.muli %add3A_1027, %mul3A_1031 : i32
      %swap3A_1033 = arith.index_cast %mul3A_1032 : i32 to index
      %swap3A_1034 = tpu.vector_load %arg6[%swap3A_1033] {strides = array<i32>} : memref<10496xi32, #tpu.memory_space<vmem>>, vector<16xi32>,
      %swap3A_1035 = vector.shape_cast %swap3A_1034 : vector<16xi32> to vector<16xi32>
      %swap3A_1036 = vector.shape_cast %add3A_1030 : vector<16xi32> to vector<16xi32>
      tpu.vector_store %arg6[%swap3A_1033], %swap3A_1036 {strides = array<i32>} : memref<10496xi32, #tpu.memory_space<vmem>>, vector<16xi32>,
      %mul3A_1037 = arith.constant 4 : i32
      %mul3A_1038 = arith.muli %add3A_1018, %mul3A_1037 : i32
      %add3A_1039 = arith.constant 1 : i32
      %add3A_1040 = arith.addi %mul3A_1038, %add3A_1039 : i32
      %add3A_1041 = arith.constant 131072 : i32
      %add3A_1042 = vector.broadcast %add3A_1041 : i32 to vector<16xi32>
      %add3A_1043 = arith.addi %add3A_1023, %add3A_1042 : vector<16xi32>
      %mul3A_1044 = arith.constant 16 : i32
      %mul3A_1045 = arith.muli %add3A_1040, %mul3A_1044 : i32
      %swap3A_1046 = arith.index_cast %mul3A_1045 : i32 to index
      %swap3A_1047 = tpu.vector_load %arg6[%swap3A_1046] {strides = array<i32>} : memref<10496xi32, #tpu.memory_space<vmem>>, vector<16xi32>,
      %swap3A_1048 = vector.shape_cast %swap3A_1047 : vector<16xi32> to vector<16xi32>
      %swap3A_1049 = vector.shape_cast %add3A_1043 : vector<16xi32> to vector<16xi32>
      tpu.vector_store %arg6[%swap3A_1046], %swap3A_1049 {strides = array<i32>} : memref<10496xi32, #tpu.memory_space<vmem>>, vector<16xi32>,
      %mul3A_1050 = arith.constant 4 : i32
      %mul3A_1051 = arith.muli %add3A_1018, %mul3A_1050 : i32
      %add3A_1052 = arith.constant 2 : i32
      %add3A_1053 = arith.addi %mul3A_1051, %add3A_1052 : i32
      %add3A_1054 = arith.constant 262144 : i32
      %add3A_1055 = vector.broadcast %add3A_1054 : i32 to vector<16xi32>
      %add3A_1056 = arith.addi %add3A_1023, %add3A_1055 : vector<16xi32>
      %mul3A_1057 = arith.constant 16 : i32
      %mul3A_1058 = arith.muli %add3A_1053, %mul3A_1057 : i32
      %swap3A_1059 = arith.index_cast %mul3A_1058 : i32 to index
      %swap3A_1060 = tpu.vector_load %arg6[%swap3A_1059] {strides = array<i32>} : memref<10496xi32, #tpu.memory_space<vmem>>, vector<16xi32>,
      %swap3A_1061 = vector.shape_cast %swap3A_1060 : vector<16xi32> to vector<16xi32>
      %swap3A_1062 = vector.shape_cast %add3A_1056 : vector<16xi32> to vector<16xi32>
      tpu.vector_store %arg6[%swap3A_1059], %swap3A_1062 {strides = array<i32>} : memref<10496xi32, #tpu.memory_space<vmem>>, vector<16xi32>,
      %mul3A_1063 = arith.constant 4 : i32
      %mul3A_1064 = arith.muli %add3A_1018, %mul3A_1063 : i32
      %add3A_1065 = arith.constant 3 : i32
      %add3A_1066 = arith.addi %mul3A_1064, %add3A_1065 : i32
      %add3A_1067 = arith.constant 393216 : i32
      %add3A_1068 = vector.broadcast %add3A_1067 : i32 to vector<16xi32>
      %add3A_1069 = arith.addi %add3A_1023, %add3A_1068 : vector<16xi32>
      %mul3A_1070 = arith.constant 16 : i32
      %mul3A_1071 = arith.muli %add3A_1066, %mul3A_1070 : i32
      %swap3A_1072 = arith.index_cast %mul3A_1071 : i32 to index
      %swap3A_1073 = tpu.vector_load %arg6[%swap3A_1072] {strides = array<i32>} : memref<10496xi32, #tpu.memory_space<vmem>>, vector<16xi32>,
      %swap3A_1074 = vector.shape_cast %swap3A_1073 : vector<16xi32> to vector<16xi32>
      %swap3A_1075 = vector.shape_cast %add3A_1069 : vector<16xi32> to vector<16xi32>
      tpu.vector_store %arg6[%swap3A_1072], %swap3A_1075 {strides = array<i32>} : memref<10496xi32, #tpu.memory_space<vmem>>, vector<16xi32>,
      %mul3A_1076 = arith.constant 16 : i32
      %mul3A_1077 = arith.muli %scan3A_703, %mul3A_1076 : i32
      %add3A_1078 = arith.constant 6 : i32
      %add3A_1079 = arith.addi %mul3A_1077, %add3A_1078 : i32
      %slice3A_1080 = vector.extract_strided_slice %get3A_709 {offsets = [6], sizes = [1], strides = [1]} : vector<16xi32> to vector<1xi32>
      %squeeze3A_1081 = vector.extract %slice3A_1080[0] : i32 from vector<1xi32>
      %add3A_1082 = arith.addi %mul3A_354, %squeeze3A_1081 : i32
      %add3A_1083 = vector.broadcast %add3A_1082 : i32 to vector<16xi32>
      %add3A_1084 = arith.addi %mul3A_3, %add3A_1083 : vector<16xi32>
      %mul3A_1085 = arith.constant 4 : i32
      %mul3A_1086 = arith.muli %add3A_1079, %mul3A_1085 : i32
      %add3A_1087 = arith.constant 0 : i32
      %add3A_1088 = arith.addi %mul3A_1086, %add3A_1087 : i32
      %add3A_1089 = arith.constant 0 : i32
      %add3A_1090 = vector.broadcast %add3A_1089 : i32 to vector<16xi32>
      %add3A_1091 = arith.addi %add3A_1084, %add3A_1090 : vector<16xi32>
      %mul3A_1092 = arith.constant 16 : i32
      %mul3A_1093 = arith.muli %add3A_1088, %mul3A_1092 : i32
      %swap3A_1094 = arith.index_cast %mul3A_1093 : i32 to index
      %swap3A_1095 = tpu.vector_load %arg6[%swap3A_1094] {strides = array<i32>} : memref<10496xi32, #tpu.memory_space<vmem>>, vector<16xi32>,
      %swap3A_1096 = vector.shape_cast %swap3A_1095 : vector<16xi32> to vector<16xi32>
      %swap3A_1097 = vector.shape_cast %add3A_1091 : vector<16xi32> to vector<16xi32>
      tpu.vector_store %arg6[%swap3A_1094], %swap3A_1097 {strides = array<i32>} : memref<10496xi32, #tpu.memory_space<vmem>>, vector<16xi32>,
      %mul3A_1098 = arith.constant 4 : i32
      %mul3A_1099 = arith.muli %add3A_1079, %mul3A_1098 : i32
      %add3A_1100 = arith.constant 1 : i32
      %add3A_1101 = arith.addi %mul3A_1099, %add3A_1100 : i32
      %add3A_1102 = arith.constant 131072 : i32
      %add3A_1103 = vector.broadcast %add3A_1102 : i32 to vector<16xi32>
      %add3A_1104 = arith.addi %add3A_1084, %add3A_1103 : vector<16xi32>
      %mul3A_1105 = arith.constant 16 : i32
      %mul3A_1106 = arith.muli %add3A_1101, %mul3A_1105 : i32
      %swap3A_1107 = arith.index_cast %mul3A_1106 : i32 to index
      %swap3A_1108 = tpu.vector_load %arg6[%swap3A_1107] {strides = array<i32>} : memref<10496xi32, #tpu.memory_space<vmem>>, vector<16xi32>,
      %swap3A_1109 = vector.shape_cast %swap3A_1108 : vector<16xi32> to vector<16xi32>
      %swap3A_1110 = vector.shape_cast %add3A_1104 : vector<16xi32> to vector<16xi32>
      tpu.vector_store %arg6[%swap3A_1107], %swap3A_1110 {strides = array<i32>} : memref<10496xi32, #tpu.memory_space<vmem>>, vector<16xi32>,
      %mul3A_1111 = arith.constant 4 : i32
      %mul3A_1112 = arith.muli %add3A_1079, %mul3A_1111 : i32
      %add3A_1113 = arith.constant 2 : i32
      %add3A_1114 = arith.addi %mul3A_1112, %add3A_1113 : i32
      %add3A_1115 = arith.constant 262144 : i32
      %add3A_1116 = vector.broadcast %add3A_1115 : i32 to vector<16xi32>
      %add3A_1117 = arith.addi %add3A_1084, %add3A_1116 : vector<16xi32>
      %mul3A_1118 = arith.constant 16 : i32
      %mul3A_1119 = arith.muli %add3A_1114, %mul3A_1118 : i32
      %swap3A_1120 = arith.index_cast %mul3A_1119 : i32 to index
      %swap3A_1121 = tpu.vector_load %arg6[%swap3A_1120] {strides = array<i32>} : memref<10496xi32, #tpu.memory_space<vmem>>, vector<16xi32>,
      %swap3A_1122 = vector.shape_cast %swap3A_1121 : vector<16xi32> to vector<16xi32>
      %swap3A_1123 = vector.shape_cast %add3A_1117 : vector<16xi32> to vector<16xi32>
      tpu.vector_store %arg6[%swap3A_1120], %swap3A_1123 {strides = array<i32>} : memref<10496xi32, #tpu.memory_space<vmem>>, vector<16xi32>,
      %mul3A_1124 = arith.constant 4 : i32
      %mul3A_1125 = arith.muli %add3A_1079, %mul3A_1124 : i32
      %add3A_1126 = arith.constant 3 : i32
      %add3A_1127 = arith.addi %mul3A_1125, %add3A_1126 : i32
      %add3A_1128 = arith.constant 393216 : i32
      %add3A_1129 = vector.broadcast %add3A_1128 : i32 to vector<16xi32>
      %add3A_1130 = arith.addi %add3A_1084, %add3A_1129 : vector<16xi32>
      %mul3A_1131 = arith.constant 16 : i32
      %mul3A_1132 = arith.muli %add3A_1127, %mul3A_1131 : i32
      %swap3A_1133 = arith.index_cast %mul3A_1132 : i32 to index
      %swap3A_1134 = tpu.vector_load %arg6[%swap3A_1133] {strides = array<i32>} : memref<10496xi32, #tpu.memory_space<vmem>>, vector<16xi32>,
      %swap3A_1135 = vector.shape_cast %swap3A_1134 : vector<16xi32> to vector<16xi32>
      %swap3A_1136 = vector.shape_cast %add3A_1130 : vector<16xi32> to vector<16xi32>
      tpu.vector_store %arg6[%swap3A_1133], %swap3A_1136 {strides = array<i32>} : memref<10496xi32, #tpu.memory_space<vmem>>, vector<16xi32>,
      %mul3A_1137 = arith.constant 16 : i32
      %mul3A_1138 = arith.muli %scan3A_703, %mul3A_1137 : i32
      %add3A_1139 = arith.constant 7 : i32
      %add3A_1140 = arith.addi %mul3A_1138, %add3A_1139 : i32
      %slice3A_1141 = vector.extract_strided_slice %get3A_709 {offsets = [7], sizes = [1], strides = [1]} : vector<16xi32> to vector<1xi32>
      %squeeze3A_1142 = vector.extract %slice3A_1141[0] : i32 from vector<1xi32>
      %add3A_1143 = arith.addi %mul3A_354, %squeeze3A_1142 : i32
      %add3A_1144 = vector.broadcast %add3A_1143 : i32 to vector<16xi32>
      %add3A_1145 = arith.addi %mul3A_3, %add3A_1144 : vector<16xi32>
      %mul3A_1146 = arith.constant 4 : i32
      %mul3A_1147 = arith.muli %add3A_1140, %mul3A_1146 : i32
      %add3A_1148 = arith.constant 0 : i32
      %add3A_1149 = arith.addi %mul3A_1147, %add3A_1148 : i32
      %add3A_1150 = arith.constant 0 : i32
      %add3A_1151 = vector.broadcast %add3A_1150 : i32 to vector<16xi32>
      %add3A_1152 = arith.addi %add3A_1145, %add3A_1151 : vector<16xi32>
      %mul3A_1153 = arith.constant 16 : i32
      %mul3A_1154 = arith.muli %add3A_1149, %mul3A_1153 : i32
      %swap3A_1155 = arith.index_cast %mul3A_1154 : i32 to index
      %swap3A_1156 = tpu.vector_load %arg6[%swap3A_1155] {strides = array<i32>} : memref<10496xi32, #tpu.memory_space<vmem>>, vector<16xi32>,
      %swap3A_1157 = vector.shape_cast %swap3A_1156 : vector<16xi32> to vector<16xi32>
      %swap3A_1158 = vector.shape_cast %add3A_1152 : vector<16xi32> to vector<16xi32>
      tpu.vector_store %arg6[%swap3A_1155], %swap3A_1158 {strides = array<i32>} : memref<10496xi32, #tpu.memory_space<vmem>>, vector<16xi32>,
      %mul3A_1159 = arith.constant 4 : i32
      %mul3A_1160 = arith.muli %add3A_1140, %mul3A_1159 : i32
      %add3A_1161 = arith.constant 1 : i32
      %add3A_1162 = arith.addi %mul3A_1160, %add3A_1161 : i32
      %add3A_1163 = arith.constant 131072 : i32
      %add3A_1164 = vector.broadcast %add3A_1163 : i32 to vector<16xi32>
      %add3A_1165 = arith.addi %add3A_1145, %add3A_1164 : vector<16xi32>
      %mul3A_1166 = arith.constant 16 : i32
      %mul3A_1167 = arith.muli %add3A_1162, %mul3A_1166 : i32
      %swap3A_1168 = arith.index_cast %mul3A_1167 : i32 to index
      %swap3A_1169 = tpu.vector_load %arg6[%swap3A_1168] {strides = array<i32>} : memref<10496xi32, #tpu.memory_space<vmem>>, vector<16xi32>,
      %swap3A_1170 = vector.shape_cast %swap3A_1169 : vector<16xi32> to vector<16xi32>
      %swap3A_1171 = vector.shape_cast %add3A_1165 : vector<16xi32> to vector<16xi32>
      tpu.vector_store %arg6[%swap3A_1168], %swap3A_1171 {strides = array<i32>} : memref<10496xi32, #tpu.memory_space<vmem>>, vector<16xi32>,
      %mul3A_1172 = arith.constant 4 : i32
      %mul3A_1173 = arith.muli %add3A_1140, %mul3A_1172 : i32
      %add3A_1174 = arith.constant 2 : i32
      %add3A_1175 = arith.addi %mul3A_1173, %add3A_1174 : i32
      %add3A_1176 = arith.constant 262144 : i32
      %add3A_1177 = vector.broadcast %add3A_1176 : i32 to vector<16xi32>
      %add3A_1178 = arith.addi %add3A_1145, %add3A_1177 : vector<16xi32>
      %mul3A_1179 = arith.constant 16 : i32
      %mul3A_1180 = arith.muli %add3A_1175, %mul3A_1179 : i32
      %swap3A_1181 = arith.index_cast %mul3A_1180 : i32 to index
      %swap3A_1182 = tpu.vector_load %arg6[%swap3A_1181] {strides = array<i32>} : memref<10496xi32, #tpu.memory_space<vmem>>, vector<16xi32>,
      %swap3A_1183 = vector.shape_cast %swap3A_1182 : vector<16xi32> to vector<16xi32>
      %swap3A_1184 = vector.shape_cast %add3A_1178 : vector<16xi32> to vector<16xi32>
      tpu.vector_store %arg6[%swap3A_1181], %swap3A_1184 {strides = array<i32>} : memref<10496xi32, #tpu.memory_space<vmem>>, vector<16xi32>,
      %mul3A_1185 = arith.constant 4 : i32
      %mul3A_1186 = arith.muli %add3A_1140, %mul3A_1185 : i32
      %add3A_1187 = arith.constant 3 : i32
      %add3A_1188 = arith.addi %mul3A_1186, %add3A_1187 : i32
      %add3A_1189 = arith.constant 393216 : i32
      %add3A_1190 = vector.broadcast %add3A_1189 : i32 to vector<16xi32>
      %add3A_1191 = arith.addi %add3A_1145, %add3A_1190 : vector<16xi32>
      %mul3A_1192 = arith.constant 16 : i32
      %mul3A_1193 = arith.muli %add3A_1188, %mul3A_1192 : i32
      %swap3A_1194 = arith.index_cast %mul3A_1193 : i32 to index
      %swap3A_1195 = tpu.vector_load %arg6[%swap3A_1194] {strides = array<i32>} : memref<10496xi32, #tpu.memory_space<vmem>>, vector<16xi32>,
      %swap3A_1196 = vector.shape_cast %swap3A_1195 : vector<16xi32> to vector<16xi32>
      %swap3A_1197 = vector.shape_cast %add3A_1191 : vector<16xi32> to vector<16xi32>
      tpu.vector_store %arg6[%swap3A_1194], %swap3A_1197 {strides = array<i32>} : memref<10496xi32, #tpu.memory_space<vmem>>, vector<16xi32>,
      %mul3A_1198 = arith.constant 16 : i32
      %mul3A_1199 = arith.muli %scan3A_703, %mul3A_1198 : i32
      %add3A_1200 = arith.constant 8 : i32
      %add3A_1201 = arith.addi %mul3A_1199, %add3A_1200 : i32
      %slice3A_1202 = vector.extract_strided_slice %get3A_709 {offsets = [8], sizes = [1], strides = [1]} : vector<16xi32> to vector<1xi32>
      %squeeze3A_1203 = vector.extract %slice3A_1202[0] : i32 from vector<1xi32>
      %add3A_1204 = arith.addi %mul3A_354, %squeeze3A_1203 : i32
      %add3A_1205 = vector.broadcast %add3A_1204 : i32 to vector<16xi32>
      %add3A_1206 = arith.addi %mul3A_3, %add3A_1205 : vector<16xi32>
      %mul3A_1207 = arith.constant 4 : i32
      %mul3A_1208 = arith.muli %add3A_1201, %mul3A_1207 : i32
      %add3A_1209 = arith.constant 0 : i32
      %add3A_1210 = arith.addi %mul3A_1208, %add3A_1209 : i32
      %add3A_1211 = arith.constant 0 : i32
      %add3A_1212 = vector.broadcast %add3A_1211 : i32 to vector<16xi32>
      %add3A_1213 = arith.addi %add3A_1206, %add3A_1212 : vector<16xi32>
      %mul3A_1214 = arith.constant 16 : i32
      %mul3A_1215 = arith.muli %add3A_1210, %mul3A_1214 : i32
      %swap3A_1216 = arith.index_cast %mul3A_1215 : i32 to index
      %swap3A_1217 = tpu.vector_load %arg6[%swap3A_1216] {strides = array<i32>} : memref<10496xi32, #tpu.memory_space<vmem>>, vector<16xi32>,
      %swap3A_1218 = vector.shape_cast %swap3A_1217 : vector<16xi32> to vector<16xi32>
      %swap3A_1219 = vector.shape_cast %add3A_1213 : vector<16xi32> to vector<16xi32>
      tpu.vector_store %arg6[%swap3A_1216], %swap3A_1219 {strides = array<i32>} : memref<10496xi32, #tpu.memory_space<vmem>>, vector<16xi32>,
      %mul3A_1220 = arith.constant 4 : i32
      %mul3A_1221 = arith.muli %add3A_1201, %mul3A_1220 : i32
      %add3A_1222 = arith.constant 1 : i32
      %add3A_1223 = arith.addi %mul3A_1221, %add3A_1222 : i32
      %add3A_1224 = arith.constant 131072 : i32
      %add3A_1225 = vector.broadcast %add3A_1224 : i32 to vector<16xi32>
      %add3A_1226 = arith.addi %add3A_1206, %add3A_1225 : vector<16xi32>
      %mul3A_1227 = arith.constant 16 : i32
      %mul3A_1228 = arith.muli %add3A_1223, %mul3A_1227 : i32
      %swap3A_1229 = arith.index_cast %mul3A_1228 : i32 to index
      %swap3A_1230 = tpu.vector_load %arg6[%swap3A_1229] {strides = array<i32>} : memref<10496xi32, #tpu.memory_space<vmem>>, vector<16xi32>,
      %swap3A_1231 = vector.shape_cast %swap3A_1230 : vector<16xi32> to vector<16xi32>
      %swap3A_1232 = vector.shape_cast %add3A_1226 : vector<16xi32> to vector<16xi32>
      tpu.vector_store %arg6[%swap3A_1229], %swap3A_1232 {strides = array<i32>} : memref<10496xi32, #tpu.memory_space<vmem>>, vector<16xi32>,
      %mul3A_1233 = arith.constant 4 : i32
      %mul3A_1234 = arith.muli %add3A_1201, %mul3A_1233 : i32
      %add3A_1235 = arith.constant 2 : i32
      %add3A_1236 = arith.addi %mul3A_1234, %add3A_1235 : i32
      %add3A_1237 = arith.constant 262144 : i32
      %add3A_1238 = vector.broadcast %add3A_1237 : i32 to vector<16xi32>
      %add3A_1239 = arith.addi %add3A_1206, %add3A_1238 : vector<16xi32>
      %mul3A_1240 = arith.constant 16 : i32
      %mul3A_1241 = arith.muli %add3A_1236, %mul3A_1240 : i32
      %swap3A_1242 = arith.index_cast %mul3A_1241 : i32 to index
      %swap3A_1243 = tpu.vector_load %arg6[%swap3A_1242] {strides = array<i32>} : memref<10496xi32, #tpu.memory_space<vmem>>, vector<16xi32>,
      %swap3A_1244 = vector.shape_cast %swap3A_1243 : vector<16xi32> to vector<16xi32>
      %swap3A_1245 = vector.shape_cast %add3A_1239 : vector<16xi32> to vector<16xi32>
      tpu.vector_store %arg6[%swap3A_1242], %swap3A_1245 {strides = array<i32>} : memref<10496xi32, #tpu.memory_space<vmem>>, vector<16xi32>,
      %mul3A_1246 = arith.constant 4 : i32
      %mul3A_1247 = arith.muli %add3A_1201, %mul3A_1246 : i32
      %add3A_1248 = arith.constant 3 : i32
      %add3A_1249 = arith.addi %mul3A_1247, %add3A_1248 : i32
      %add3A_1250 = arith.constant 393216 : i32
      %add3A_1251 = vector.broadcast %add3A_1250 : i32 to vector<16xi32>
      %add3A_1252 = arith.addi %add3A_1206, %add3A_1251 : vector<16xi32>
      %mul3A_1253 = arith.constant 16 : i32
      %mul3A_1254 = arith.muli %add3A_1249, %mul3A_1253 : i32
      %swap3A_1255 = arith.index_cast %mul3A_1254 : i32 to index
      %swap3A_1256 = tpu.vector_load %arg6[%swap3A_1255] {strides = array<i32>} : memref<10496xi32, #tpu.memory_space<vmem>>, vector<16xi32>,
      %swap3A_1257 = vector.shape_cast %swap3A_1256 : vector<16xi32> to vector<16xi32>
      %swap3A_1258 = vector.shape_cast %add3A_1252 : vector<16xi32> to vector<16xi32>
      tpu.vector_store %arg6[%swap3A_1255], %swap3A_1258 {strides = array<i32>} : memref<10496xi32, #tpu.memory_space<vmem>>, vector<16xi32>,
      %mul3A_1259 = arith.constant 16 : i32
      %mul3A_1260 = arith.muli %scan3A_703, %mul3A_1259 : i32
      %add3A_1261 = arith.constant 9 : i32
      %add3A_1262 = arith.addi %mul3A_1260, %add3A_1261 : i32
      %slice3A_1263 = vector.extract_strided_slice %get3A_709 {offsets = [9], sizes = [1], strides = [1]} : vector<16xi32> to vector<1xi32>
      %squeeze3A_1264 = vector.extract %slice3A_1263[0] : i32 from vector<1xi32>
      %add3A_1265 = arith.addi %mul3A_354, %squeeze3A_1264 : i32
      %add3A_1266 = vector.broadcast %add3A_1265 : i32 to vector<16xi32>
      %add3A_1267 = arith.addi %mul3A_3, %add3A_1266 : vector<16xi32>
      %mul3A_1268 = arith.constant 4 : i32
      %mul3A_1269 = arith.muli %add3A_1262, %mul3A_1268 : i32
      %add3A_1270 = arith.constant 0 : i32
      %add3A_1271 = arith.addi %mul3A_1269, %add3A_1270 : i32
      %add3A_1272 = arith.constant 0 : i32
      %add3A_1273 = vector.broadcast %add3A_1272 : i32 to vector<16xi32>
      %add3A_1274 = arith.addi %add3A_1267, %add3A_1273 : vector<16xi32>
      %mul3A_1275 = arith.constant 16 : i32
      %mul3A_1276 = arith.muli %add3A_1271, %mul3A_1275 : i32
      %swap3A_1277 = arith.index_cast %mul3A_1276 : i32 to index
      %swap3A_1278 = tpu.vector_load %arg6[%swap3A_1277] {strides = array<i32>} : memref<10496xi32, #tpu.memory_space<vmem>>, vector<16xi32>,
      %swap3A_1279 = vector.shape_cast %swap3A_1278 : vector<16xi32> to vector<16xi32>
      %swap3A_1280 = vector.shape_cast %add3A_1274 : vector<16xi32> to vector<16xi32>
      tpu.vector_store %arg6[%swap3A_1277], %swap3A_1280 {strides = array<i32>} : memref<10496xi32, #tpu.memory_space<vmem>>, vector<16xi32>,
      %mul3A_1281 = arith.constant 4 : i32
      %mul3A_1282 = arith.muli %add3A_1262, %mul3A_1281 : i32
      %add3A_1283 = arith.constant 1 : i32
      %add3A_1284 = arith.addi %mul3A_1282, %add3A_1283 : i32
      %add3A_1285 = arith.constant 131072 : i32
      %add3A_1286 = vector.broadcast %add3A_1285 : i32 to vector<16xi32>
      %add3A_1287 = arith.addi %add3A_1267, %add3A_1286 : vector<16xi32>
      %mul3A_1288 = arith.constant 16 : i32
      %mul3A_1289 = arith.muli %add3A_1284, %mul3A_1288 : i32
      %swap3A_1290 = arith.index_cast %mul3A_1289 : i32 to index
      %swap3A_1291 = tpu.vector_load %arg6[%swap3A_1290] {strides = array<i32>} : memref<10496xi32, #tpu.memory_space<vmem>>, vector<16xi32>,
      %swap3A_1292 = vector.shape_cast %swap3A_1291 : vector<16xi32> to vector<16xi32>
      %swap3A_1293 = vector.shape_cast %add3A_1287 : vector<16xi32> to vector<16xi32>
      tpu.vector_store %arg6[%swap3A_1290], %swap3A_1293 {strides = array<i32>} : memref<10496xi32, #tpu.memory_space<vmem>>, vector<16xi32>,
      %mul3A_1294 = arith.constant 4 : i32
      %mul3A_1295 = arith.muli %add3A_1262, %mul3A_1294 : i32
      %add3A_1296 = arith.constant 2 : i32
      %add3A_1297 = arith.addi %mul3A_1295, %add3A_1296 : i32
      %add3A_1298 = arith.constant 262144 : i32
      %add3A_1299 = vector.broadcast %add3A_1298 : i32 to vector<16xi32>
      %add3A_1300 = arith.addi %add3A_1267, %add3A_1299 : vector<16xi32>
      %mul3A_1301 = arith.constant 16 : i32
      %mul3A_1302 = arith.muli %add3A_1297, %mul3A_1301 : i32
      %swap3A_1303 = arith.index_cast %mul3A_1302 : i32 to index
      %swap3A_1304 = tpu.vector_load %arg6[%swap3A_1303] {strides = array<i32>} : memref<10496xi32, #tpu.memory_space<vmem>>, vector<16xi32>,
      %swap3A_1305 = vector.shape_cast %swap3A_1304 : vector<16xi32> to vector<16xi32>
      %swap3A_1306 = vector.shape_cast %add3A_1300 : vector<16xi32> to vector<16xi32>
      tpu.vector_store %arg6[%swap3A_1303], %swap3A_1306 {strides = array<i32>} : memref<10496xi32, #tpu.memory_space<vmem>>, vector<16xi32>,
      %mul3A_1307 = arith.constant 4 : i32
      %mul3A_1308 = arith.muli %add3A_1262, %mul3A_1307 : i32
      %add3A_1309 = arith.constant 3 : i32
      %add3A_1310 = arith.addi %mul3A_1308, %add3A_1309 : i32
      %add3A_1311 = arith.constant 393216 : i32
      %add3A_1312 = vector.broadcast %add3A_1311 : i32 to vector<16xi32>
      %add3A_1313 = arith.addi %add3A_1267, %add3A_1312 : vector<16xi32>
      %mul3A_1314 = arith.constant 16 : i32
      %mul3A_1315 = arith.muli %add3A_1310, %mul3A_1314 : i32
      %swap3A_1316 = arith.index_cast %mul3A_1315 : i32 to index
      %swap3A_1317 = tpu.vector_load %arg6[%swap3A_1316] {strides = array<i32>} : memref<10496xi32, #tpu.memory_space<vmem>>, vector<16xi32>,
      %swap3A_1318 = vector.shape_cast %swap3A_1317 : vector<16xi32> to vector<16xi32>
      %swap3A_1319 = vector.shape_cast %add3A_1313 : vector<16xi32> to vector<16xi32>
      tpu.vector_store %arg6[%swap3A_1316], %swap3A_1319 {strides = array<i32>} : memref<10496xi32, #tpu.memory_space<vmem>>, vector<16xi32>,
      %mul3A_1320 = arith.constant 16 : i32
      %mul3A_1321 = arith.muli %scan3A_703, %mul3A_1320 : i32
      %add3A_1322 = arith.constant 10 : i32
      %add3A_1323 = arith.addi %mul3A_1321, %add3A_1322 : i32
      %slice3A_1324 = vector.extract_strided_slice %get3A_709 {offsets = [10], sizes = [1], strides = [1]} : vector<16xi32> to vector<1xi32>
      %squeeze3A_1325 = vector.extract %slice3A_1324[0] : i32 from vector<1xi32>
      %add3A_1326 = arith.addi %mul3A_354, %squeeze3A_1325 : i32
      %add3A_1327 = vector.broadcast %add3A_1326 : i32 to vector<16xi32>
      %add3A_1328 = arith.addi %mul3A_3, %add3A_1327 : vector<16xi32>
      %mul3A_1329 = arith.constant 4 : i32
      %mul3A_1330 = arith.muli %add3A_1323, %mul3A_1329 : i32
      %add3A_1331 = arith.constant 0 : i32
      %add3A_1332 = arith.addi %mul3A_1330, %add3A_1331 : i32
      %add3A_1333 = arith.constant 0 : i32
      %add3A_1334 = vector.broadcast %add3A_1333 : i32 to vector<16xi32>
      %add3A_1335 = arith.addi %add3A_1328, %add3A_1334 : vector<16xi32>
      %mul3A_1336 = arith.constant 16 : i32
      %mul3A_1337 = arith.muli %add3A_1332, %mul3A_1336 : i32
      %swap3A_1338 = arith.index_cast %mul3A_1337 : i32 to index
      %swap3A_1339 = tpu.vector_load %arg6[%swap3A_1338] {strides = array<i32>} : memref<10496xi32, #tpu.memory_space<vmem>>, vector<16xi32>,
      %swap3A_1340 = vector.shape_cast %swap3A_1339 : vector<16xi32> to vector<16xi32>
      %swap3A_1341 = vector.shape_cast %add3A_1335 : vector<16xi32> to vector<16xi32>
      tpu.vector_store %arg6[%swap3A_1338], %swap3A_1341 {strides = array<i32>} : memref<10496xi32, #tpu.memory_space<vmem>>, vector<16xi32>,
      %mul3A_1342 = arith.constant 4 : i32
      %mul3A_1343 = arith.muli %add3A_1323, %mul3A_1342 : i32
      %add3A_1344 = arith.constant 1 : i32
      %add3A_1345 = arith.addi %mul3A_1343, %add3A_1344 : i32
      %add3A_1346 = arith.constant 131072 : i32
      %add3A_1347 = vector.broadcast %add3A_1346 : i32 to vector<16xi32>
      %add3A_1348 = arith.addi %add3A_1328, %add3A_1347 : vector<16xi32>
      %mul3A_1349 = arith.constant 16 : i32
      %mul3A_1350 = arith.muli %add3A_1345, %mul3A_1349 : i32
      %swap3A_1351 = arith.index_cast %mul3A_1350 : i32 to index
      %swap3A_1352 = tpu.vector_load %arg6[%swap3A_1351] {strides = array<i32>} : memref<10496xi32, #tpu.memory_space<vmem>>, vector<16xi32>,
      %swap3A_1353 = vector.shape_cast %swap3A_1352 : vector<16xi32> to vector<16xi32>
      %swap3A_1354 = vector.shape_cast %add3A_1348 : vector<16xi32> to vector<16xi32>
      tpu.vector_store %arg6[%swap3A_1351], %swap3A_1354 {strides = array<i32>} : memref<10496xi32, #tpu.memory_space<vmem>>, vector<16xi32>,
      %mul3A_1355 = arith.constant 4 : i32
      %mul3A_1356 = arith.muli %add3A_1323, %mul3A_1355 : i32
      %add3A_1357 = arith.constant 2 : i32
      %add3A_1358 = arith.addi %mul3A_1356, %add3A_1357 : i32
      %add3A_1359 = arith.constant 262144 : i32
      %add3A_1360 = vector.broadcast %add3A_1359 : i32 to vector<16xi32>
      %add3A_1361 = arith.addi %add3A_1328, %add3A_1360 : vector<16xi32>
      %mul3A_1362 = arith.constant 16 : i32
      %mul3A_1363 = arith.muli %add3A_1358, %mul3A_1362 : i32
      %swap3A_1364 = arith.index_cast %mul3A_1363 : i32 to index
      %swap3A_1365 = tpu.vector_load %arg6[%swap3A_1364] {strides = array<i32>} : memref<10496xi32, #tpu.memory_space<vmem>>, vector<16xi32>,
      %swap3A_1366 = vector.shape_cast %swap3A_1365 : vector<16xi32> to vector<16xi32>
      %swap3A_1367 = vector.shape_cast %add3A_1361 : vector<16xi32> to vector<16xi32>
      tpu.vector_store %arg6[%swap3A_1364], %swap3A_1367 {strides = array<i32>} : memref<10496xi32, #tpu.memory_space<vmem>>, vector<16xi32>,
      %mul3A_1368 = arith.constant 4 : i32
      %mul3A_1369 = arith.muli %add3A_1323, %mul3A_1368 : i32
      %add3A_1370 = arith.constant 3 : i32
      %add3A_1371 = arith.addi %mul3A_1369, %add3A_1370 : i32
      %add3A_1372 = arith.constant 393216 : i32
      %add3A_1373 = vector.broadcast %add3A_1372 : i32 to vector<16xi32>
      %add3A_1374 = arith.addi %add3A_1328, %add3A_1373 : vector<16xi32>
      %mul3A_1375 = arith.constant 16 : i32
      %mul3A_1376 = arith.muli %add3A_1371, %mul3A_1375 : i32
      %swap3A_1377 = arith.index_cast %mul3A_1376 : i32 to index
      %swap3A_1378 = tpu.vector_load %arg6[%swap3A_1377] {strides = array<i32>} : memref<10496xi32, #tpu.memory_space<vmem>>, vector<16xi32>,
      %swap3A_1379 = vector.shape_cast %swap3A_1378 : vector<16xi32> to vector<16xi32>
      %swap3A_1380 = vector.shape_cast %add3A_1374 : vector<16xi32> to vector<16xi32>
      tpu.vector_store %arg6[%swap3A_1377], %swap3A_1380 {strides = array<i32>} : memref<10496xi32, #tpu.memory_space<vmem>>, vector<16xi32>,
      %mul3A_1381 = arith.constant 16 : i32
      %mul3A_1382 = arith.muli %scan3A_703, %mul3A_1381 : i32
      %add3A_1383 = arith.constant 11 : i32
      %add3A_1384 = arith.addi %mul3A_1382, %add3A_1383 : i32
      %slice3A_1385 = vector.extract_strided_slice %get3A_709 {offsets = [11], sizes = [1], strides = [1]} : vector<16xi32> to vector<1xi32>
      %squeeze3A_1386 = vector.extract %slice3A_1385[0] : i32 from vector<1xi32>
      %add3A_1387 = arith.addi %mul3A_354, %squeeze3A_1386 : i32
      %add3A_1388 = vector.broadcast %add3A_1387 : i32 to vector<16xi32>
      %add3A_1389 = arith.addi %mul3A_3, %add3A_1388 : vector<16xi32>
      %mul3A_1390 = arith.constant 4 : i32
      %mul3A_1391 = arith.muli %add3A_1384, %mul3A_1390 : i32
      %add3A_1392 = arith.constant 0 : i32
      %add3A_1393 = arith.addi %mul3A_1391, %add3A_1392 : i32
      %add3A_1394 = arith.constant 0 : i32
      %add3A_1395 = vector.broadcast %add3A_1394 : i32 to vector<16xi32>
      %add3A_1396 = arith.addi %add3A_1389, %add3A_1395 : vector<16xi32>
      %mul3A_1397 = arith.constant 16 : i32
      %mul3A_1398 = arith.muli %add3A_1393, %mul3A_1397 : i32
      %swap3A_1399 = arith.index_cast %mul3A_1398 : i32 to index
      %swap3A_1400 = tpu.vector_load %arg6[%swap3A_1399] {strides = array<i32>} : memref<10496xi32, #tpu.memory_space<vmem>>, vector<16xi32>,
      %swap3A_1401 = vector.shape_cast %swap3A_1400 : vector<16xi32> to vector<16xi32>
      %swap3A_1402 = vector.shape_cast %add3A_1396 : vector<16xi32> to vector<16xi32>
      tpu.vector_store %arg6[%swap3A_1399], %swap3A_1402 {strides = array<i32>} : memref<10496xi32, #tpu.memory_space<vmem>>, vector<16xi32>,
      %mul3A_1403 = arith.constant 4 : i32
      %mul3A_1404 = arith.muli %add3A_1384, %mul3A_1403 : i32
      %add3A_1405 = arith.constant 1 : i32
      %add3A_1406 = arith.addi %mul3A_1404, %add3A_1405 : i32
      %add3A_1407 = arith.constant 131072 : i32
      %add3A_1408 = vector.broadcast %add3A_1407 : i32 to vector<16xi32>
      %add3A_1409 = arith.addi %add3A_1389, %add3A_1408 : vector<16xi32>
      %mul3A_1410 = arith.constant 16 : i32
      %mul3A_1411 = arith.muli %add3A_1406, %mul3A_1410 : i32
      %swap3A_1412 = arith.index_cast %mul3A_1411 : i32 to index
      %swap3A_1413 = tpu.vector_load %arg6[%swap3A_1412] {strides = array<i32>} : memref<10496xi32, #tpu.memory_space<vmem>>, vector<16xi32>,
      %swap3A_1414 = vector.shape_cast %swap3A_1413 : vector<16xi32> to vector<16xi32>
      %swap3A_1415 = vector.shape_cast %add3A_1409 : vector<16xi32> to vector<16xi32>
      tpu.vector_store %arg6[%swap3A_1412], %swap3A_1415 {strides = array<i32>} : memref<10496xi32, #tpu.memory_space<vmem>>, vector<16xi32>,
      %mul3A_1416 = arith.constant 4 : i32
      %mul3A_1417 = arith.muli %add3A_1384, %mul3A_1416 : i32
      %add3A_1418 = arith.constant 2 : i32
      %add3A_1419 = arith.addi %mul3A_1417, %add3A_1418 : i32
      %add3A_1420 = arith.constant 262144 : i32
      %add3A_1421 = vector.broadcast %add3A_1420 : i32 to vector<16xi32>
      %add3A_1422 = arith.addi %add3A_1389, %add3A_1421 : vector<16xi32>
      %mul3A_1423 = arith.constant 16 : i32
      %mul3A_1424 = arith.muli %add3A_1419, %mul3A_1423 : i32
      %swap3A_1425 = arith.index_cast %mul3A_1424 : i32 to index
      %swap3A_1426 = tpu.vector_load %arg6[%swap3A_1425] {strides = array<i32>} : memref<10496xi32, #tpu.memory_space<vmem>>, vector<16xi32>,
      %swap3A_1427 = vector.shape_cast %swap3A_1426 : vector<16xi32> to vector<16xi32>
      %swap3A_1428 = vector.shape_cast %add3A_1422 : vector<16xi32> to vector<16xi32>
      tpu.vector_store %arg6[%swap3A_1425], %swap3A_1428 {strides = array<i32>} : memref<10496xi32, #tpu.memory_space<vmem>>, vector<16xi32>,
      %mul3A_1429 = arith.constant 4 : i32
      %mul3A_1430 = arith.muli %add3A_1384, %mul3A_1429 : i32
      %add3A_1431 = arith.constant 3 : i32
      %add3A_1432 = arith.addi %mul3A_1430, %add3A_1431 : i32
      %add3A_1433 = arith.constant 393216 : i32
      %add3A_1434 = vector.broadcast %add3A_1433 : i32 to vector<16xi32>
      %add3A_1435 = arith.addi %add3A_1389, %add3A_1434 : vector<16xi32>
      %mul3A_1436 = arith.constant 16 : i32
      %mul3A_1437 = arith.muli %add3A_1432, %mul3A_1436 : i32
      %swap3A_1438 = arith.index_cast %mul3A_1437 : i32 to index
      %swap3A_1439 = tpu.vector_load %arg6[%swap3A_1438] {strides = array<i32>} : memref<10496xi32, #tpu.memory_space<vmem>>, vector<16xi32>,
      %swap3A_1440 = vector.shape_cast %swap3A_1439 : vector<16xi32> to vector<16xi32>
      %swap3A_1441 = vector.shape_cast %add3A_1435 : vector<16xi32> to vector<16xi32>
      tpu.vector_store %arg6[%swap3A_1438], %swap3A_1441 {strides = array<i32>} : memref<10496xi32, #tpu.memory_space<vmem>>, vector<16xi32>,
      %mul3A_1442 = arith.constant 16 : i32
      %mul3A_1443 = arith.muli %scan3A_703, %mul3A_1442 : i32
      %add3A_1444 = arith.constant 12 : i32
      %add3A_1445 = arith.addi %mul3A_1443, %add3A_1444 : i32
      %slice3A_1446 = vector.extract_strided_slice %get3A_709 {offsets = [12], sizes = [1], strides = [1]} : vector<16xi32> to vector<1xi32>
      %squeeze3A_1447 = vector.extract %slice3A_1446[0] : i32 from vector<1xi32>
      %add3A_1448 = arith.addi %mul3A_354, %squeeze3A_1447 : i32
      %add3A_1449 = vector.broadcast %add3A_1448 : i32 to vector<16xi32>
      %add3A_1450 = arith.addi %mul3A_3, %add3A_1449 : vector<16xi32>
      %mul3A_1451 = arith.constant 4 : i32
      %mul3A_1452 = arith.muli %add3A_1445, %mul3A_1451 : i32
      %add3A_1453 = arith.constant 0 : i32
      %add3A_1454 = arith.addi %mul3A_1452, %add3A_1453 : i32
      %add3A_1455 = arith.constant 0 : i32
      %add3A_1456 = vector.broadcast %add3A_1455 : i32 to vector<16xi32>
      %add3A_1457 = arith.addi %add3A_1450, %add3A_1456 : vector<16xi32>
      %mul3A_1458 = arith.constant 16 : i32
      %mul3A_1459 = arith.muli %add3A_1454, %mul3A_1458 : i32
      %swap3A_1460 = arith.index_cast %mul3A_1459 : i32 to index
      %swap3A_1461 = tpu.vector_load %arg6[%swap3A_1460] {strides = array<i32>} : memref<10496xi32, #tpu.memory_space<vmem>>, vector<16xi32>,
      %swap3A_1462 = vector.shape_cast %swap3A_1461 : vector<16xi32> to vector<16xi32>
      %swap3A_1463 = vector.shape_cast %add3A_1457 : vector<16xi32> to vector<16xi32>
      tpu.vector_store %arg6[%swap3A_1460], %swap3A_1463 {strides = array<i32>} : memref<10496xi32, #tpu.memory_space<vmem>>, vector<16xi32>,
      %mul3A_1464 = arith.constant 4 : i32
      %mul3A_1465 = arith.muli %add3A_1445, %mul3A_1464 : i32
      %add3A_1466 = arith.constant 1 : i32
      %add3A_1467 = arith.addi %mul3A_1465, %add3A_1466 : i32
      %add3A_1468 = arith.constant 131072 : i32
      %add3A_1469 = vector.broadcast %add3A_1468 : i32 to vector<16xi32>
      %add3A_1470 = arith.addi %add3A_1450, %add3A_1469 : vector<16xi32>
      %mul3A_1471 = arith.constant 16 : i32
      %mul3A_1472 = arith.muli %add3A_1467, %mul3A_1471 : i32
      %swap3A_1473 = arith.index_cast %mul3A_1472 : i32 to index
      %swap3A_1474 = tpu.vector_load %arg6[%swap3A_1473] {strides = array<i32>} : memref<10496xi32, #tpu.memory_space<vmem>>, vector<16xi32>,
      %swap3A_1475 = vector.shape_cast %swap3A_1474 : vector<16xi32> to vector<16xi32>
      %swap3A_1476 = vector.shape_cast %add3A_1470 : vector<16xi32> to vector<16xi32>
      tpu.vector_store %arg6[%swap3A_1473], %swap3A_1476 {strides = array<i32>} : memref<10496xi32, #tpu.memory_space<vmem>>, vector<16xi32>,
      %mul3A_1477 = arith.constant 4 : i32
      %mul3A_1478 = arith.muli %add3A_1445, %mul3A_1477 : i32
      %add3A_1479 = arith.constant 2 : i32
      %add3A_1480 = arith.addi %mul3A_1478, %add3A_1479 : i32
      %add3A_1481 = arith.constant 262144 : i32
      %add3A_1482 = vector.broadcast %add3A_1481 : i32 to vector<16xi32>
      %add3A_1483 = arith.addi %add3A_1450, %add3A_1482 : vector<16xi32>
      %mul3A_1484 = arith.constant 16 : i32
      %mul3A_1485 = arith.muli %add3A_1480, %mul3A_1484 : i32
      %swap3A_1486 = arith.index_cast %mul3A_1485 : i32 to index
      %swap3A_1487 = tpu.vector_load %arg6[%swap3A_1486] {strides = array<i32>} : memref<10496xi32, #tpu.memory_space<vmem>>, vector<16xi32>,
      %swap3A_1488 = vector.shape_cast %swap3A_1487 : vector<16xi32> to vector<16xi32>
      %swap3A_1489 = vector.shape_cast %add3A_1483 : vector<16xi32> to vector<16xi32>
      tpu.vector_store %arg6[%swap3A_1486], %swap3A_1489 {strides = array<i32>} : memref<10496xi32, #tpu.memory_space<vmem>>, vector<16xi32>,
      %mul3A_1490 = arith.constant 4 : i32
      %mul3A_1491 = arith.muli %add3A_1445, %mul3A_1490 : i32
      %add3A_1492 = arith.constant 3 : i32
      %add3A_1493 = arith.addi %mul3A_1491, %add3A_1492 : i32
      %add3A_1494 = arith.constant 393216 : i32
      %add3A_1495 = vector.broadcast %add3A_1494 : i32 to vector<16xi32>
      %add3A_1496 = arith.addi %add3A_1450, %add3A_1495 : vector<16xi32>
      %mul3A_1497 = arith.constant 16 : i32
      %mul3A_1498 = arith.muli %add3A_1493, %mul3A_1497 : i32
      %swap3A_1499 = arith.index_cast %mul3A_1498 : i32 to index
      %swap3A_1500 = tpu.vector_load %arg6[%swap3A_1499] {strides = array<i32>} : memref<10496xi32, #tpu.memory_space<vmem>>, vector<16xi32>,
      %swap3A_1501 = vector.shape_cast %swap3A_1500 : vector<16xi32> to vector<16xi32>
      %swap3A_1502 = vector.shape_cast %add3A_1496 : vector<16xi32> to vector<16xi32>
      tpu.vector_store %arg6[%swap3A_1499], %swap3A_1502 {strides = array<i32>} : memref<10496xi32, #tpu.memory_space<vmem>>, vector<16xi32>,
      %mul3A_1503 = arith.constant 16 : i32
      %mul3A_1504 = arith.muli %scan3A_703, %mul3A_1503 : i32
      %add3A_1505 = arith.constant 13 : i32
      %add3A_1506 = arith.addi %mul3A_1504, %add3A_1505 : i32
      %slice3A_1507 = vector.extract_strided_slice %get3A_709 {offsets = [13], sizes = [1], strides = [1]} : vector<16xi32> to vector<1xi32>
      %squeeze3A_1508 = vector.extract %slice3A_1507[0] : i32 from vector<1xi32>
      %add3A_1509 = arith.addi %mul3A_354, %squeeze3A_1508 : i32
      %add3A_1510 = vector.broadcast %add3A_1509 : i32 to vector<16xi32>
      %add3A_1511 = arith.addi %mul3A_3, %add3A_1510 : vector<16xi32>
      %mul3A_1512 = arith.constant 4 : i32
      %mul3A_1513 = arith.muli %add3A_1506, %mul3A_1512 : i32
      %add3A_1514 = arith.constant 0 : i32
      %add3A_1515 = arith.addi %mul3A_1513, %add3A_1514 : i32
      %add3A_1516 = arith.constant 0 : i32
      %add3A_1517 = vector.broadcast %add3A_1516 : i32 to vector<16xi32>
      %add3A_1518 = arith.addi %add3A_1511, %add3A_1517 : vector<16xi32>
      %mul3A_1519 = arith.constant 16 : i32
      %mul3A_1520 = arith.muli %add3A_1515, %mul3A_1519 : i32
      %swap3A_1521 = arith.index_cast %mul3A_1520 : i32 to index
      %swap3A_1522 = tpu.vector_load %arg6[%swap3A_1521] {strides = array<i32>} : memref<10496xi32, #tpu.memory_space<vmem>>, vector<16xi32>,
      %swap3A_1523 = vector.shape_cast %swap3A_1522 : vector<16xi32> to vector<16xi32>
      %swap3A_1524 = vector.shape_cast %add3A_1518 : vector<16xi32> to vector<16xi32>
      tpu.vector_store %arg6[%swap3A_1521], %swap3A_1524 {strides = array<i32>} : memref<10496xi32, #tpu.memory_space<vmem>>, vector<16xi32>,
      %mul3A_1525 = arith.constant 4 : i32
      %mul3A_1526 = arith.muli %add3A_1506, %mul3A_1525 : i32
      %add3A_1527 = arith.constant 1 : i32
      %add3A_1528 = arith.addi %mul3A_1526, %add3A_1527 : i32
      %add3A_1529 = arith.constant 131072 : i32
      %add3A_1530 = vector.broadcast %add3A_1529 : i32 to vector<16xi32>
      %add3A_1531 = arith.addi %add3A_1511, %add3A_1530 : vector<16xi32>
      %mul3A_1532 = arith.constant 16 : i32
      %mul3A_1533 = arith.muli %add3A_1528, %mul3A_1532 : i32
      %swap3A_1534 = arith.index_cast %mul3A_1533 : i32 to index
      %swap3A_1535 = tpu.vector_load %arg6[%swap3A_1534] {strides = array<i32>} : memref<10496xi32, #tpu.memory_space<vmem>>, vector<16xi32>,
      %swap3A_1536 = vector.shape_cast %swap3A_1535 : vector<16xi32> to vector<16xi32>
      %swap3A_1537 = vector.shape_cast %add3A_1531 : vector<16xi32> to vector<16xi32>
      tpu.vector_store %arg6[%swap3A_1534], %swap3A_1537 {strides = array<i32>} : memref<10496xi32, #tpu.memory_space<vmem>>, vector<16xi32>,
      %mul3A_1538 = arith.constant 4 : i32
      %mul3A_1539 = arith.muli %add3A_1506, %mul3A_1538 : i32
      %add3A_1540 = arith.constant 2 : i32
      %add3A_1541 = arith.addi %mul3A_1539, %add3A_1540 : i32
      %add3A_1542 = arith.constant 262144 : i32
      %add3A_1543 = vector.broadcast %add3A_1542 : i32 to vector<16xi32>
      %add3A_1544 = arith.addi %add3A_1511, %add3A_1543 : vector<16xi32>
      %mul3A_1545 = arith.constant 16 : i32
      %mul3A_1546 = arith.muli %add3A_1541, %mul3A_1545 : i32
      %swap3A_1547 = arith.index_cast %mul3A_1546 : i32 to index
      %swap3A_1548 = tpu.vector_load %arg6[%swap3A_1547] {strides = array<i32>} : memref<10496xi32, #tpu.memory_space<vmem>>, vector<16xi32>,
      %swap3A_1549 = vector.shape_cast %swap3A_1548 : vector<16xi32> to vector<16xi32>
      %swap3A_1550 = vector.shape_cast %add3A_1544 : vector<16xi32> to vector<16xi32>
      tpu.vector_store %arg6[%swap3A_1547], %swap3A_1550 {strides = array<i32>} : memref<10496xi32, #tpu.memory_space<vmem>>, vector<16xi32>,
      %mul3A_1551 = arith.constant 4 : i32
      %mul3A_1552 = arith.muli %add3A_1506, %mul3A_1551 : i32
      %add3A_1553 = arith.constant 3 : i32
      %add3A_1554 = arith.addi %mul3A_1552, %add3A_1553 : i32
      %add3A_1555 = arith.constant 393216 : i32
      %add3A_1556 = vector.broadcast %add3A_1555 : i32 to vector<16xi32>
      %add3A_1557 = arith.addi %add3A_1511, %add3A_1556 : vector<16xi32>
      %mul3A_1558 = arith.constant 16 : i32
      %mul3A_1559 = arith.muli %add3A_1554, %mul3A_1558 : i32
      %swap3A_1560 = arith.index_cast %mul3A_1559 : i32 to index
      %swap3A_1561 = tpu.vector_load %arg6[%swap3A_1560] {strides = array<i32>} : memref<10496xi32, #tpu.memory_space<vmem>>, vector<16xi32>,
      %swap3A_1562 = vector.shape_cast %swap3A_1561 : vector<16xi32> to vector<16xi32>
      %swap3A_1563 = vector.shape_cast %add3A_1557 : vector<16xi32> to vector<16xi32>
      tpu.vector_store %arg6[%swap3A_1560], %swap3A_1563 {strides = array<i32>} : memref<10496xi32, #tpu.memory_space<vmem>>, vector<16xi32>,
      %mul3A_1564 = arith.constant 16 : i32
      %mul3A_1565 = arith.muli %scan3A_703, %mul3A_1564 : i32
      %add3A_1566 = arith.constant 14 : i32
      %add3A_1567 = arith.addi %mul3A_1565, %add3A_1566 : i32
      %slice3A_1568 = vector.extract_strided_slice %get3A_709 {offsets = [14], sizes = [1], strides = [1]} : vector<16xi32> to vector<1xi32>
      %squeeze3A_1569 = vector.extract %slice3A_1568[0] : i32 from vector<1xi32>
      %add3A_1570 = arith.addi %mul3A_354, %squeeze3A_1569 : i32
      %add3A_1571 = vector.broadcast %add3A_1570 : i32 to vector<16xi32>
      %add3A_1572 = arith.addi %mul3A_3, %add3A_1571 : vector<16xi32>
      %mul3A_1573 = arith.constant 4 : i32
      %mul3A_1574 = arith.muli %add3A_1567, %mul3A_1573 : i32
      %add3A_1575 = arith.constant 0 : i32
      %add3A_1576 = arith.addi %mul3A_1574, %add3A_1575 : i32
      %add3A_1577 = arith.constant 0 : i32
      %add3A_1578 = vector.broadcast %add3A_1577 : i32 to vector<16xi32>
      %add3A_1579 = arith.addi %add3A_1572, %add3A_1578 : vector<16xi32>
      %mul3A_1580 = arith.constant 16 : i32
      %mul3A_1581 = arith.muli %add3A_1576, %mul3A_1580 : i32
      %swap3A_1582 = arith.index_cast %mul3A_1581 : i32 to index
      %swap3A_1583 = tpu.vector_load %arg6[%swap3A_1582] {strides = array<i32>} : memref<10496xi32, #tpu.memory_space<vmem>>, vector<16xi32>,
      %swap3A_1584 = vector.shape_cast %swap3A_1583 : vector<16xi32> to vector<16xi32>
      %swap3A_1585 = vector.shape_cast %add3A_1579 : vector<16xi32> to vector<16xi32>
      tpu.vector_store %arg6[%swap3A_1582], %swap3A_1585 {strides = array<i32>} : memref<10496xi32, #tpu.memory_space<vmem>>, vector<16xi32>,
      %mul3A_1586 = arith.constant 4 : i32
      %mul3A_1587 = arith.muli %add3A_1567, %mul3A_1586 : i32
      %add3A_1588 = arith.constant 1 : i32
      %add3A_1589 = arith.addi %mul3A_1587, %add3A_1588 : i32
      %add3A_1590 = arith.constant 131072 : i32
      %add3A_1591 = vector.broadcast %add3A_1590 : i32 to vector<16xi32>
      %add3A_1592 = arith.addi %add3A_1572, %add3A_1591 : vector<16xi32>
      %mul3A_1593 = arith.constant 16 : i32
      %mul3A_1594 = arith.muli %add3A_1589, %mul3A_1593 : i32
      %swap3A_1595 = arith.index_cast %mul3A_1594 : i32 to index
      %swap3A_1596 = tpu.vector_load %arg6[%swap3A_1595] {strides = array<i32>} : memref<10496xi32, #tpu.memory_space<vmem>>, vector<16xi32>,
      %swap3A_1597 = vector.shape_cast %swap3A_1596 : vector<16xi32> to vector<16xi32>
      %swap3A_1598 = vector.shape_cast %add3A_1592 : vector<16xi32> to vector<16xi32>
      tpu.vector_store %arg6[%swap3A_1595], %swap3A_1598 {strides = array<i32>} : memref<10496xi32, #tpu.memory_space<vmem>>, vector<16xi32>,
      %mul3A_1599 = arith.constant 4 : i32
      %mul3A_1600 = arith.muli %add3A_1567, %mul3A_1599 : i32
      %add3A_1601 = arith.constant 2 : i32
      %add3A_1602 = arith.addi %mul3A_1600, %add3A_1601 : i32
      %add3A_1603 = arith.constant 262144 : i32
      %add3A_1604 = vector.broadcast %add3A_1603 : i32 to vector<16xi32>
      %add3A_1605 = arith.addi %add3A_1572, %add3A_1604 : vector<16xi32>
      %mul3A_1606 = arith.constant 16 : i32
      %mul3A_1607 = arith.muli %add3A_1602, %mul3A_1606 : i32
      %swap3A_1608 = arith.index_cast %mul3A_1607 : i32 to index
      %swap3A_1609 = tpu.vector_load %arg6[%swap3A_1608] {strides = array<i32>} : memref<10496xi32, #tpu.memory_space<vmem>>, vector<16xi32>,
      %swap3A_1610 = vector.shape_cast %swap3A_1609 : vector<16xi32> to vector<16xi32>
      %swap3A_1611 = vector.shape_cast %add3A_1605 : vector<16xi32> to vector<16xi32>
      tpu.vector_store %arg6[%swap3A_1608], %swap3A_1611 {strides = array<i32>} : memref<10496xi32, #tpu.memory_space<vmem>>, vector<16xi32>,
      %mul3A_1612 = arith.constant 4 : i32
      %mul3A_1613 = arith.muli %add3A_1567, %mul3A_1612 : i32
      %add3A_1614 = arith.constant 3 : i32
      %add3A_1615 = arith.addi %mul3A_1613, %add3A_1614 : i32
      %add3A_1616 = arith.constant 393216 : i32
      %add3A_1617 = vector.broadcast %add3A_1616 : i32 to vector<16xi32>
      %add3A_1618 = arith.addi %add3A_1572, %add3A_1617 : vector<16xi32>
      %mul3A_1619 = arith.constant 16 : i32
      %mul3A_1620 = arith.muli %add3A_1615, %mul3A_1619 : i32
      %swap3A_1621 = arith.index_cast %mul3A_1620 : i32 to index
      %swap3A_1622 = tpu.vector_load %arg6[%swap3A_1621] {strides = array<i32>} : memref<10496xi32, #tpu.memory_space<vmem>>, vector<16xi32>,
      %swap3A_1623 = vector.shape_cast %swap3A_1622 : vector<16xi32> to vector<16xi32>
      %swap3A_1624 = vector.shape_cast %add3A_1618 : vector<16xi32> to vector<16xi32>
      tpu.vector_store %arg6[%swap3A_1621], %swap3A_1624 {strides = array<i32>} : memref<10496xi32, #tpu.memory_space<vmem>>, vector<16xi32>,
      %mul3A_1625 = arith.constant 16 : i32
      %mul3A_1626 = arith.muli %scan3A_703, %mul3A_1625 : i32
      %add3A_1627 = arith.constant 15 : i32
      %add3A_1628 = arith.addi %mul3A_1626, %add3A_1627 : i32
      %slice3A_1629 = vector.extract_strided_slice %get3A_709 {offsets = [15], sizes = [1], strides = [1]} : vector<16xi32> to vector<1xi32>
      %squeeze3A_1630 = vector.extract %slice3A_1629[0] : i32 from vector<1xi32>
      %add3A_1631 = arith.addi %mul3A_354, %squeeze3A_1630 : i32
      %add3A_1632 = vector.broadcast %add3A_1631 : i32 to vector<16xi32>
      %add3A_1633 = arith.addi %mul3A_3, %add3A_1632 : vector<16xi32>
      %mul3A_1634 = arith.constant 4 : i32
      %mul3A_1635 = arith.muli %add3A_1628, %mul3A_1634 : i32
      %add3A_1636 = arith.constant 0 : i32
      %add3A_1637 = arith.addi %mul3A_1635, %add3A_1636 : i32
      %add3A_1638 = arith.constant 0 : i32
      %add3A_1639 = vector.broadcast %add3A_1638 : i32 to vector<16xi32>
      %add3A_1640 = arith.addi %add3A_1633, %add3A_1639 : vector<16xi32>
      %mul3A_1641 = arith.constant 16 : i32
      %mul3A_1642 = arith.muli %add3A_1637, %mul3A_1641 : i32
      %swap3A_1643 = arith.index_cast %mul3A_1642 : i32 to index
      %swap3A_1644 = tpu.vector_load %arg6[%swap3A_1643] {strides = array<i32>} : memref<10496xi32, #tpu.memory_space<vmem>>, vector<16xi32>,
      %swap3A_1645 = vector.shape_cast %swap3A_1644 : vector<16xi32> to vector<16xi32>
      %swap3A_1646 = vector.shape_cast %add3A_1640 : vector<16xi32> to vector<16xi32>
      tpu.vector_store %arg6[%swap3A_1643], %swap3A_1646 {strides = array<i32>} : memref<10496xi32, #tpu.memory_space<vmem>>, vector<16xi32>,
      %mul3A_1647 = arith.constant 4 : i32
      %mul3A_1648 = arith.muli %add3A_1628, %mul3A_1647 : i32
      %add3A_1649 = arith.constant 1 : i32
      %add3A_1650 = arith.addi %mul3A_1648, %add3A_1649 : i32
      %add3A_1651 = arith.constant 131072 : i32
      %add3A_1652 = vector.broadcast %add3A_1651 : i32 to vector<16xi32>
      %add3A_1653 = arith.addi %add3A_1633, %add3A_1652 : vector<16xi32>
      %mul3A_1654 = arith.constant 16 : i32
      %mul3A_1655 = arith.muli %add3A_1650, %mul3A_1654 : i32
      %swap3A_1656 = arith.index_cast %mul3A_1655 : i32 to index
      %swap3A_1657 = tpu.vector_load %arg6[%swap3A_1656] {strides = array<i32>} : memref<10496xi32, #tpu.memory_space<vmem>>, vector<16xi32>,
      %swap3A_1658 = vector.shape_cast %swap3A_1657 : vector<16xi32> to vector<16xi32>
      %swap3A_1659 = vector.shape_cast %add3A_1653 : vector<16xi32> to vector<16xi32>
      tpu.vector_store %arg6[%swap3A_1656], %swap3A_1659 {strides = array<i32>} : memref<10496xi32, #tpu.memory_space<vmem>>, vector<16xi32>,
      %mul3A_1660 = arith.constant 4 : i32
      %mul3A_1661 = arith.muli %add3A_1628, %mul3A_1660 : i32
      %add3A_1662 = arith.constant 2 : i32
      %add3A_1663 = arith.addi %mul3A_1661, %add3A_1662 : i32
      %add3A_1664 = arith.constant 262144 : i32
      %add3A_1665 = vector.broadcast %add3A_1664 : i32 to vector<16xi32>
      %add3A_1666 = arith.addi %add3A_1633, %add3A_1665 : vector<16xi32>
      %mul3A_1667 = arith.constant 16 : i32
      %mul3A_1668 = arith.muli %add3A_1663, %mul3A_1667 : i32
      %swap3A_1669 = arith.index_cast %mul3A_1668 : i32 to index
      %swap3A_1670 = tpu.vector_load %arg6[%swap3A_1669] {strides = array<i32>} : memref<10496xi32, #tpu.memory_space<vmem>>, vector<16xi32>,
      %swap3A_1671 = vector.shape_cast %swap3A_1670 : vector<16xi32> to vector<16xi32>
      %swap3A_1672 = vector.shape_cast %add3A_1666 : vector<16xi32> to vector<16xi32>
      tpu.vector_store %arg6[%swap3A_1669], %swap3A_1672 {strides = array<i32>} : memref<10496xi32, #tpu.memory_space<vmem>>, vector<16xi32>,
      %mul3A_1673 = arith.constant 4 : i32
      %mul3A_1674 = arith.muli %add3A_1628, %mul3A_1673 : i32
      %add3A_1675 = arith.constant 3 : i32
      %add3A_1676 = arith.addi %mul3A_1674, %add3A_1675 : i32
      %add3A_1677 = arith.constant 393216 : i32
      %add3A_1678 = vector.broadcast %add3A_1677 : i32 to vector<16xi32>
      %add3A_1679 = arith.addi %add3A_1633, %add3A_1678 : vector<16xi32>
      %mul3A_1680 = arith.constant 16 : i32
      %mul3A_1681 = arith.muli %add3A_1676, %mul3A_1680 : i32
      %swap3A_1682 = arith.index_cast %mul3A_1681 : i32 to index
      %swap3A_1683 = tpu.vector_load %arg6[%swap3A_1682] {strides = array<i32>} : memref<10496xi32, #tpu.memory_space<vmem>>, vector<16xi32>,
      %swap3A_1684 = vector.shape_cast %swap3A_1683 : vector<16xi32> to vector<16xi32>
      %swap3A_1685 = vector.shape_cast %add3A_1679 : vector<16xi32> to vector<16xi32>
      tpu.vector_store %arg6[%swap3A_1682], %swap3A_1685 {strides = array<i32>} : memref<10496xi32, #tpu.memory_space<vmem>>, vector<16xi32>,
      %scan3A_1686 = arith.constant 0 : i32
      scf.yield %scan3A_1686 : i32
    }
    %scan3A_362 = arith.constant 10 : i32
    %get3A_363 = arith.constant 160 : index
    %get3A_364 = tpu.vector_load %arg5[%get3A_363] {strides = array<i32>} : memref<256xi32, #tpu.memory_space<vmem>>, vector<16xi32>,
    %get3A_365 = vector.shape_cast %get3A_364 : vector<16xi32> to vector<16xi32>
    %slice3A_366 = vector.extract_strided_slice %get3A_365 {offsets = [0], sizes = [1], strides = [1]} : vector<16xi32> to vector<1xi32>
    %squeeze3A_367 = vector.extract %slice3A_366[0] : i32 from vector<1xi32>
    %add3A_368 = arith.addi %mul3A_354, %squeeze3A_367 : i32
    %add3A_369 = vector.broadcast %add3A_368 : i32 to vector<16xi32>
    %add3A_370 = arith.addi %mul3A_3, %add3A_369 : vector<16xi32>
    %add3A_371 = arith.constant 0 : i32
    %add3A_372 = vector.broadcast %add3A_371 : i32 to vector<16xi32>
    %add3A_373 = arith.addi %add3A_370, %add3A_372 : vector<16xi32>
    %swap3A_374 = arith.constant 10240 : index
    %swap3A_375 = tpu.vector_load %arg6[%swap3A_374] {strides = array<i32>} : memref<10496xi32, #tpu.memory_space<vmem>>, vector<16xi32>,
    %swap3A_376 = vector.shape_cast %swap3A_375 : vector<16xi32> to vector<16xi32>
    %swap3A_377 = vector.shape_cast %add3A_373 : vector<16xi32> to vector<16xi32>
    tpu.vector_store %arg6[%swap3A_374], %swap3A_377 {strides = array<i32>} : memref<10496xi32, #tpu.memory_space<vmem>>, vector<16xi32>,
    %add3A_378 = arith.constant 131072 : i32
    %add3A_379 = vector.broadcast %add3A_378 : i32 to vector<16xi32>
    %add3A_380 = arith.addi %add3A_370, %add3A_379 : vector<16xi32>
    %swap3A_381 = arith.constant 10256 : index
    %swap3A_382 = tpu.vector_load %arg6[%swap3A_381] {strides = array<i32>} : memref<10496xi32, #tpu.memory_space<vmem>>, vector<16xi32>,
    %swap3A_383 = vector.shape_cast %swap3A_382 : vector<16xi32> to vector<16xi32>
    %swap3A_384 = vector.shape_cast %add3A_380 : vector<16xi32> to vector<16xi32>
    tpu.vector_store %arg6[%swap3A_381], %swap3A_384 {strides = array<i32>} : memref<10496xi32, #tpu.memory_space<vmem>>, vector<16xi32>,
    %add3A_385 = arith.constant 262144 : i32
    %add3A_386 = vector.broadcast %add3A_385 : i32 to vector<16xi32>
    %add3A_387 = arith.addi %add3A_370, %add3A_386 : vector<16xi32>
    %swap3A_388 = arith.constant 10272 : index
    %swap3A_389 = tpu.vector_load %arg6[%swap3A_388] {strides = array<i32>} : memref<10496xi32, #tpu.memory_space<vmem>>, vector<16xi32>,
    %swap3A_390 = vector.shape_cast %swap3A_389 : vector<16xi32> to vector<16xi32>
    %swap3A_391 = vector.shape_cast %add3A_387 : vector<16xi32> to vector<16xi32>
    tpu.vector_store %arg6[%swap3A_388], %swap3A_391 {strides = array<i32>} : memref<10496xi32, #tpu.memory_space<vmem>>, vector<16xi32>,
    %add3A_392 = arith.constant 393216 : i32
    %add3A_393 = vector.broadcast %add3A_392 : i32 to vector<16xi32>
    %add3A_394 = arith.addi %add3A_370, %add3A_393 : vector<16xi32>
    %swap3A_395 = arith.constant 10288 : index
    %swap3A_396 = tpu.vector_load %arg6[%swap3A_395] {strides = array<i32>} : memref<10496xi32, #tpu.memory_space<vmem>>, vector<16xi32>,
    %swap3A_397 = vector.shape_cast %swap3A_396 : vector<16xi32> to vector<16xi32>
    %swap3A_398 = vector.shape_cast %add3A_394 : vector<16xi32> to vector<16xi32>
    tpu.vector_store %arg6[%swap3A_395], %swap3A_398 {strides = array<i32>} : memref<10496xi32, #tpu.memory_space<vmem>>, vector<16xi32>,
    %slice3A_399 = vector.extract_strided_slice %get3A_365 {offsets = [1], sizes = [1], strides = [1]} : vector<16xi32> to vector<1xi32>
    %squeeze3A_400 = vector.extract %slice3A_399[0] : i32 from vector<1xi32>
    %add3A_401 = arith.addi %mul3A_354, %squeeze3A_400 : i32
    %add3A_402 = vector.broadcast %add3A_401 : i32 to vector<16xi32>
    %add3A_403 = arith.addi %mul3A_3, %add3A_402 : vector<16xi32>
    %add3A_404 = arith.constant 0 : i32
    %add3A_405 = vector.broadcast %add3A_404 : i32 to vector<16xi32>
    %add3A_406 = arith.addi %add3A_403, %add3A_405 : vector<16xi32>
    %swap3A_407 = arith.constant 10304 : index
    %swap3A_408 = tpu.vector_load %arg6[%swap3A_407] {strides = array<i32>} : memref<10496xi32, #tpu.memory_space<vmem>>, vector<16xi32>,
    %swap3A_409 = vector.shape_cast %swap3A_408 : vector<16xi32> to vector<16xi32>
    %swap3A_410 = vector.shape_cast %add3A_406 : vector<16xi32> to vector<16xi32>
    tpu.vector_store %arg6[%swap3A_407], %swap3A_410 {strides = array<i32>} : memref<10496xi32, #tpu.memory_space<vmem>>, vector<16xi32>,
    %add3A_411 = arith.constant 131072 : i32
    %add3A_412 = vector.broadcast %add3A_411 : i32 to vector<16xi32>
    %add3A_413 = arith.addi %add3A_403, %add3A_412 : vector<16xi32>
    %swap3A_414 = arith.constant 10320 : index
    %swap3A_415 = tpu.vector_load %arg6[%swap3A_414] {strides = array<i32>} : memref<10496xi32, #tpu.memory_space<vmem>>, vector<16xi32>,
    %swap3A_416 = vector.shape_cast %swap3A_415 : vector<16xi32> to vector<16xi32>
    %swap3A_417 = vector.shape_cast %add3A_413 : vector<16xi32> to vector<16xi32>
    tpu.vector_store %arg6[%swap3A_414], %swap3A_417 {strides = array<i32>} : memref<10496xi32, #tpu.memory_space<vmem>>, vector<16xi32>,
    %add3A_418 = arith.constant 262144 : i32
    %add3A_419 = vector.broadcast %add3A_418 : i32 to vector<16xi32>
    %add3A_420 = arith.addi %add3A_403, %add3A_419 : vector<16xi32>
    %swap3A_421 = arith.constant 10336 : index
    %swap3A_422 = tpu.vector_load %arg6[%swap3A_421] {strides = array<i32>} : memref<10496xi32, #tpu.memory_space<vmem>>, vector<16xi32>,
    %swap3A_423 = vector.shape_cast %swap3A_422 : vector<16xi32> to vector<16xi32>
    %swap3A_424 = vector.shape_cast %add3A_420 : vector<16xi32> to vector<16xi32>
    tpu.vector_store %arg6[%swap3A_421], %swap3A_424 {strides = array<i32>} : memref<10496xi32, #tpu.memory_space<vmem>>, vector<16xi32>,
    %add3A_425 = arith.constant 393216 : i32
    %add3A_426 = vector.broadcast %add3A_425 : i32 to vector<16xi32>
    %add3A_427 = arith.addi %add3A_403, %add3A_426 : vector<16xi32>
    %swap3A_428 = arith.constant 10352 : index
    %swap3A_429 = tpu.vector_load %arg6[%swap3A_428] {strides = array<i32>} : memref<10496xi32, #tpu.memory_space<vmem>>, vector<16xi32>,
    %swap3A_430 = vector.shape_cast %swap3A_429 : vector<16xi32> to vector<16xi32>
    %swap3A_431 = vector.shape_cast %add3A_427 : vector<16xi32> to vector<16xi32>
    tpu.vector_store %arg6[%swap3A_428], %swap3A_431 {strides = array<i32>} : memref<10496xi32, #tpu.memory_space<vmem>>, vector<16xi32>,
    %slice3A_432 = vector.extract_strided_slice %get3A_365 {offsets = [2], sizes = [1], strides = [1]} : vector<16xi32> to vector<1xi32>
    %squeeze3A_433 = vector.extract %slice3A_432[0] : i32 from vector<1xi32>
    %add3A_434 = arith.addi %mul3A_354, %squeeze3A_433 : i32
    %add3A_435 = vector.broadcast %add3A_434 : i32 to vector<16xi32>
    %add3A_436 = arith.addi %mul3A_3, %add3A_435 : vector<16xi32>
    %add3A_437 = arith.constant 0 : i32
    %add3A_438 = vector.broadcast %add3A_437 : i32 to vector<16xi32>
    %add3A_439 = arith.addi %add3A_436, %add3A_438 : vector<16xi32>
    %swap3A_440 = arith.constant 10368 : index
    %swap3A_441 = tpu.vector_load %arg6[%swap3A_440] {strides = array<i32>} : memref<10496xi32, #tpu.memory_space<vmem>>, vector<16xi32>,
    %swap3A_442 = vector.shape_cast %swap3A_441 : vector<16xi32> to vector<16xi32>
    %swap3A_443 = vector.shape_cast %add3A_439 : vector<16xi32> to vector<16xi32>
    tpu.vector_store %arg6[%swap3A_440], %swap3A_443 {strides = array<i32>} : memref<10496xi32, #tpu.memory_space<vmem>>, vector<16xi32>,
    %add3A_444 = arith.constant 131072 : i32
    %add3A_445 = vector.broadcast %add3A_444 : i32 to vector<16xi32>
    %add3A_446 = arith.addi %add3A_436, %add3A_445 : vector<16xi32>
    %swap3A_447 = arith.constant 10384 : index
    %swap3A_448 = tpu.vector_load %arg6[%swap3A_447] {strides = array<i32>} : memref<10496xi32, #tpu.memory_space<vmem>>, vector<16xi32>,
    %swap3A_449 = vector.shape_cast %swap3A_448 : vector<16xi32> to vector<16xi32>
    %swap3A_450 = vector.shape_cast %add3A_446 : vector<16xi32> to vector<16xi32>
    tpu.vector_store %arg6[%swap3A_447], %swap3A_450 {strides = array<i32>} : memref<10496xi32, #tpu.memory_space<vmem>>, vector<16xi32>,
    %add3A_451 = arith.constant 262144 : i32
    %add3A_452 = vector.broadcast %add3A_451 : i32 to vector<16xi32>
    %add3A_453 = arith.addi %add3A_436, %add3A_452 : vector<16xi32>
    %swap3A_454 = arith.constant 10400 : index
    %swap3A_455 = tpu.vector_load %arg6[%swap3A_454] {strides = array<i32>} : memref<10496xi32, #tpu.memory_space<vmem>>, vector<16xi32>,
    %swap3A_456 = vector.shape_cast %swap3A_455 : vector<16xi32> to vector<16xi32>
    %swap3A_457 = vector.shape_cast %add3A_453 : vector<16xi32> to vector<16xi32>
    tpu.vector_store %arg6[%swap3A_454], %swap3A_457 {strides = array<i32>} : memref<10496xi32, #tpu.memory_space<vmem>>, vector<16xi32>,
    %add3A_458 = arith.constant 393216 : i32
    %add3A_459 = vector.broadcast %add3A_458 : i32 to vector<16xi32>
    %add3A_460 = arith.addi %add3A_436, %add3A_459 : vector<16xi32>
    %swap3A_461 = arith.constant 10416 : index
    %swap3A_462 = tpu.vector_load %arg6[%swap3A_461] {strides = array<i32>} : memref<10496xi32, #tpu.memory_space<vmem>>, vector<16xi32>,
    %swap3A_463 = vector.shape_cast %swap3A_462 : vector<16xi32> to vector<16xi32>
    %swap3A_464 = vector.shape_cast %add3A_460 : vector<16xi32> to vector<16xi32>
    tpu.vector_store %arg6[%swap3A_461], %swap3A_464 {strides = array<i32>} : memref<10496xi32, #tpu.memory_space<vmem>>, vector<16xi32>,
    %slice3A_465 = vector.extract_strided_slice %get3A_365 {offsets = [3], sizes = [1], strides = [1]} : vector<16xi32> to vector<1xi32>
    %squeeze3A_466 = vector.extract %slice3A_465[0] : i32 from vector<1xi32>
    %add3A_467 = arith.addi %mul3A_354, %squeeze3A_466 : i32
    %add3A_468 = vector.broadcast %add3A_467 : i32 to vector<16xi32>
    %add3A_469 = arith.addi %mul3A_3, %add3A_468 : vector<16xi32>
    %add3A_470 = arith.constant 0 : i32
    %add3A_471 = vector.broadcast %add3A_470 : i32 to vector<16xi32>
    %add3A_472 = arith.addi %add3A_469, %add3A_471 : vector<16xi32>
    %swap3A_473 = arith.constant 10432 : index
    %swap3A_474 = tpu.vector_load %arg6[%swap3A_473] {strides = array<i32>} : memref<10496xi32, #tpu.memory_space<vmem>>, vector<16xi32>,
    %swap3A_475 = vector.shape_cast %swap3A_474 : vector<16xi32> to vector<16xi32>
    %swap3A_476 = vector.shape_cast %add3A_472 : vector<16xi32> to vector<16xi32>
    tpu.vector_store %arg6[%swap3A_473], %swap3A_476 {strides = array<i32>} : memref<10496xi32, #tpu.memory_space<vmem>>, vector<16xi32>,
    %add3A_477 = arith.constant 131072 : i32
    %add3A_478 = vector.broadcast %add3A_477 : i32 to vector<16xi32>
    %add3A_479 = arith.addi %add3A_469, %add3A_478 : vector<16xi32>
    %swap3A_480 = arith.constant 10448 : index
    %swap3A_481 = tpu.vector_load %arg6[%swap3A_480] {strides = array<i32>} : memref<10496xi32, #tpu.memory_space<vmem>>, vector<16xi32>,
    %swap3A_482 = vector.shape_cast %swap3A_481 : vector<16xi32> to vector<16xi32>
    %swap3A_483 = vector.shape_cast %add3A_479 : vector<16xi32> to vector<16xi32>
    tpu.vector_store %arg6[%swap3A_480], %swap3A_483 {strides = array<i32>} : memref<10496xi32, #tpu.memory_space<vmem>>, vector<16xi32>,
    %add3A_484 = arith.constant 262144 : i32
    %add3A_485 = vector.broadcast %add3A_484 : i32 to vector<16xi32>
    %add3A_486 = arith.addi %add3A_469, %add3A_485 : vector<16xi32>
    %swap3A_487 = arith.constant 10464 : index
    %swap3A_488 = tpu.vector_load %arg6[%swap3A_487] {strides = array<i32>} : memref<10496xi32, #tpu.memory_space<vmem>>, vector<16xi32>,
    %swap3A_489 = vector.shape_cast %swap3A_488 : vector<16xi32> to vector<16xi32>
    %swap3A_490 = vector.shape_cast %add3A_486 : vector<16xi32> to vector<16xi32>
    tpu.vector_store %arg6[%swap3A_487], %swap3A_490 {strides = array<i32>} : memref<10496xi32, #tpu.memory_space<vmem>>, vector<16xi32>,
    %add3A_491 = arith.constant 393216 : i32
    %add3A_492 = vector.broadcast %add3A_491 : i32 to vector<16xi32>
    %add3A_493 = arith.addi %add3A_469, %add3A_492 : vector<16xi32>
    %swap3A_494 = arith.constant 10480 : index
    %swap3A_495 = tpu.vector_load %arg6[%swap3A_494] {strides = array<i32>} : memref<10496xi32, #tpu.memory_space<vmem>>, vector<16xi32>,
    %swap3A_496 = vector.shape_cast %swap3A_495 : vector<16xi32> to vector<16xi32>
    %swap3A_497 = vector.shape_cast %add3A_493 : vector<16xi32> to vector<16xi32>
    tpu.vector_store %arg6[%swap3A_494], %swap3A_497 {strides = array<i32>} : memref<10496xi32, #tpu.memory_space<vmem>>, vector<16xi32>,
    %dma_start3A_498 = arith.constant 0 : i32
    %dma_start3A_499 = tpu.memref_slice %arg2[%dma_start3A_498] : memref<67108864xf32, #tpu.memory_space<hbm>> -> memref<67108864xf32, #tpu.memory_space<hbm>>
    tpu.enqueue_indirect_dma source(%dma_start3A_499 : memref<67108864xf32, #tpu.memory_space<hbm>>) target(%arg7 : memref<10496xf32, #tpu.memory_space<vmem>>) offsets(%arg6 : memref<10496xi32, #tpu.memory_space<vmem>>) semaphore(%arg9 : memref<!tpu.dma_semaphore, #tpu.memory_space<semaphore_mem>>)
    %dma_wait3A_500 = arith.constant 0 : i32
    %dma_wait3A_501 = tpu.memref_slice %arg2[%dma_wait3A_500] : memref<67108864xf32, #tpu.memory_space<hbm>> -> memref<67108864xf32, #tpu.memory_space<hbm>>
    tpu.wait_indirect_dma semaphore(%arg9 : memref<!tpu.dma_semaphore, #tpu.memory_space<semaphore_mem>>) src(%dma_wait3A_501 : memref<67108864xf32, #tpu.memory_space<hbm>>) dst(%arg7 : memref<10496xf32, #tpu.memory_space<vmem>>)
    %broadcast_in_dim3A_502 = arith.constant 0.000000e+00 : f32
    %broadcast_in_dim3A_503 = vector.broadcast %broadcast_in_dim3A_502 : f32 to vector<16xf32>
    %scan3A_504 = arith.constant 0 : i32
    %scan3A_505 = arith.constant 164 : i32
    %scan3A_506 = arith.addi %scan3A_504, %scan3A_505 : i32
    %scan3A_507 = arith.constant 1 : i32
    %scan3A_508:4 = scf.for %scan3A_703 = %scan3A_504 to %scan3A_506 step %scan3A_507 iter_args(%scan3A_704 = %broadcast_in_dim3A_503, %scan3A_705 = %broadcast_in_dim3A_503, %scan3A_706 = %broadcast_in_dim3A_503, %scan3A_707 = %broadcast_in_dim3A_503) -> (vector<16xf32>, vector<16xf32>, vector<16xf32>, vector<16xf32>)  : i32 {
      %mul3A_708 = arith.constant 4 : i32
      %mul3A_709 = arith.muli %scan3A_703, %mul3A_708 : i32
      %add3A_710 = arith.constant 0 : i32
      %add3A_711 = arith.addi %mul3A_709, %add3A_710 : i32
      %mul3A_712 = arith.constant 16 : i32
      %mul3A_713 = arith.muli %add3A_711, %mul3A_712 : i32
      %get3A_714 = arith.index_cast %mul3A_713 : i32 to index
      %get3A_715 = tpu.vector_load %arg7[%get3A_714] {strides = array<i32>} : memref<10496xf32, #tpu.memory_space<vmem>>, vector<16xf32>,
      %get3A_716 = vector.shape_cast %get3A_715 : vector<16xf32> to vector<16xf32>
      %ge3A = arith.constant 5.000000e-01 : f32
      %ge3A_717 = vector.broadcast %ge3A : f32 to vector<16xf32>
      %ge3A_718 = arith.cmpf oge, %get3A_716, %ge3A_717 : vector<16xf32>
      %jit3A = arith.constant 1.000000e+00 : f32
      %jit3A_719 = arith.constant 0.000000e+00 : f32
      %broadcast_in_dim3A_720 = vector.broadcast %jit3A : f32 to vector<16xf32>
      %broadcast_in_dim3A_721 = vector.broadcast %jit3A_719 : f32 to vector<16xf32>
      %select_n3A = arith.select %ge3A_718, %broadcast_in_dim3A_720, %broadcast_in_dim3A_721 : vector<16xi1>, vector<16xf32>
      %add3A_722 = arith.addf %scan3A_704, %select_n3A : vector<16xf32>
      %mul3A_723 = arith.constant 4 : i32
      %mul3A_724 = arith.muli %scan3A_703, %mul3A_723 : i32
      %add3A_725 = arith.constant 1 : i32
      %add3A_726 = arith.addi %mul3A_724, %add3A_725 : i32
      %mul3A_727 = arith.constant 16 : i32
      %mul3A_728 = arith.muli %add3A_726, %mul3A_727 : i32
      %get3A_729 = arith.index_cast %mul3A_728 : i32 to index
      %get3A_730 = tpu.vector_load %arg7[%get3A_729] {strides = array<i32>} : memref<10496xf32, #tpu.memory_space<vmem>>, vector<16xf32>,
      %get3A_731 = vector.shape_cast %get3A_730 : vector<16xf32> to vector<16xf32>
      %ge3A_732 = arith.constant 5.000000e-01 : f32
      %ge3A_733 = vector.broadcast %ge3A_732 : f32 to vector<16xf32>
      %ge3A_734 = arith.cmpf oge, %get3A_731, %ge3A_733 : vector<16xf32>
      %jit3A_735 = arith.constant 1.000000e+00 : f32
      %jit3A_736 = arith.constant 0.000000e+00 : f32
      %broadcast_in_dim3A_737 = vector.broadcast %jit3A_735 : f32 to vector<16xf32>
      %broadcast_in_dim3A_738 = vector.broadcast %jit3A_736 : f32 to vector<16xf32>
      %select_n3A_739 = arith.select %ge3A_734, %broadcast_in_dim3A_737, %broadcast_in_dim3A_738 : vector<16xi1>, vector<16xf32>
      %add3A_740 = arith.addf %scan3A_705, %select_n3A_739 : vector<16xf32>
      %mul3A_741 = arith.constant 4 : i32
      %mul3A_742 = arith.muli %scan3A_703, %mul3A_741 : i32
      %add3A_743 = arith.constant 2 : i32
      %add3A_744 = arith.addi %mul3A_742, %add3A_743 : i32
      %mul3A_745 = arith.constant 16 : i32
      %mul3A_746 = arith.muli %add3A_744, %mul3A_745 : i32
      %get3A_747 = arith.index_cast %mul3A_746 : i32 to index
      %get3A_748 = tpu.vector_load %arg7[%get3A_747] {strides = array<i32>} : memref<10496xf32, #tpu.memory_space<vmem>>, vector<16xf32>,
      %get3A_749 = vector.shape_cast %get3A_748 : vector<16xf32> to vector<16xf32>
      %ge3A_750 = arith.constant 5.000000e-01 : f32
      %ge3A_751 = vector.broadcast %ge3A_750 : f32 to vector<16xf32>
      %ge3A_752 = arith.cmpf oge, %get3A_749, %ge3A_751 : vector<16xf32>
      %jit3A_753 = arith.constant 1.000000e+00 : f32
      %jit3A_754 = arith.constant 0.000000e+00 : f32
      %broadcast_in_dim3A_755 = vector.broadcast %jit3A_753 : f32 to vector<16xf32>
      %broadcast_in_dim3A_756 = vector.broadcast %jit3A_754 : f32 to vector<16xf32>
      %select_n3A_757 = arith.select %ge3A_752, %broadcast_in_dim3A_755, %broadcast_in_dim3A_756 : vector<16xi1>, vector<16xf32>
      %add3A_758 = arith.addf %scan3A_706, %select_n3A_757 : vector<16xf32>
      %mul3A_759 = arith.constant 4 : i32
      %mul3A_760 = arith.muli %scan3A_703, %mul3A_759 : i32
      %add3A_761 = arith.constant 3 : i32
      %add3A_762 = arith.addi %mul3A_760, %add3A_761 : i32
      %mul3A_763 = arith.constant 16 : i32
      %mul3A_764 = arith.muli %add3A_762, %mul3A_763 : i32
      %get3A_765 = arith.index_cast %mul3A_764 : i32 to index
      %get3A_766 = tpu.vector_load %arg7[%get3A_765] {strides = array<i32>} : memref<10496xf32, #tpu.memory_space<vmem>>, vector<16xf32>,
      %get3A_767 = vector.shape_cast %get3A_766 : vector<16xf32> to vector<16xf32>
      %ge3A_768 = arith.constant 5.000000e-01 : f32
      %ge3A_769 = vector.broadcast %ge3A_768 : f32 to vector<16xf32>
      %ge3A_770 = arith.cmpf oge, %get3A_767, %ge3A_769 : vector<16xf32>
      %jit3A_771 = arith.constant 1.000000e+00 : f32
      %jit3A_772 = arith.constant 0.000000e+00 : f32
      %broadcast_in_dim3A_773 = vector.broadcast %jit3A_771 : f32 to vector<16xf32>
      %broadcast_in_dim3A_774 = vector.broadcast %jit3A_772 : f32 to vector<16xf32>
      %select_n3A_775 = arith.select %ge3A_770, %broadcast_in_dim3A_773, %broadcast_in_dim3A_774 : vector<16xi1>, vector<16xf32>
      %add3A_776 = arith.addf %scan3A_707, %select_n3A_775 : vector<16xf32>
      scf.yield %add3A_722, %add3A_740, %add3A_758, %add3A_776 : vector<16xf32>, vector<16xf32>, vector<16xf32>, vector<16xf32>
    }
    %scan3A_509 = arith.constant 164 : i32
    %swap3A_510 = arith.constant 0 : index
    %swap3A_511 = tpu.vector_load %arg8[%swap3A_510] {strides = array<i32>} : memref<64xf32, #tpu.memory_space<vmem>>, vector<16xf32>,
    %swap3A_512 = vector.shape_cast %swap3A_511 : vector<16xf32> to vector<16xf32>
    %swap3A_513 = vector.shape_cast %scan3A_508#0 : vector<16xf32> to vector<16xf32>
    tpu.vector_store %arg8[%swap3A_510], %swap3A_513 {strides = array<i32>} : memref<64xf32, #tpu.memory_space<vmem>>, vector<16xf32>,
    %swap3A_514 = arith.constant 16 : index
    %swap3A_515 = tpu.vector_load %arg8[%swap3A_514] {strides = array<i32>} : memref<64xf32, #tpu.memory_space<vmem>>, vector<16xf32>,
    %swap3A_516 = vector.shape_cast %swap3A_515 : vector<16xf32> to vector<16xf32>
    %swap3A_517 = vector.shape_cast %scan3A_508#1 : vector<16xf32> to vector<16xf32>
    tpu.vector_store %arg8[%swap3A_514], %swap3A_517 {strides = array<i32>} : memref<64xf32, #tpu.memory_space<vmem>>, vector<16xf32>,
    %swap3A_518 = arith.constant 32 : index
    %swap3A_519 = tpu.vector_load %arg8[%swap3A_518] {strides = array<i32>} : memref<64xf32, #tpu.memory_space<vmem>>, vector<16xf32>,
    %swap3A_520 = vector.shape_cast %swap3A_519 : vector<16xf32> to vector<16xf32>
    %swap3A_521 = vector.shape_cast %scan3A_508#2 : vector<16xf32> to vector<16xf32>
    tpu.vector_store %arg8[%swap3A_518], %swap3A_521 {strides = array<i32>} : memref<64xf32, #tpu.memory_space<vmem>>, vector<16xf32>,
    %swap3A_522 = arith.constant 48 : index
    %swap3A_523 = tpu.vector_load %arg8[%swap3A_522] {strides = array<i32>} : memref<64xf32, #tpu.memory_space<vmem>>, vector<16xf32>,
    %swap3A_524 = vector.shape_cast %swap3A_523 : vector<16xf32> to vector<16xf32>
    %swap3A_525 = vector.shape_cast %scan3A_508#3 : vector<16xf32> to vector<16xf32>
    tpu.vector_store %arg8[%swap3A_522], %swap3A_525 {strides = array<i32>} : memref<64xf32, #tpu.memory_space<vmem>>, vector<16xf32>,
    "tpu.region"() ({
      %run_scoped3A_703 = tpu.sem_alloc : memref<!tpu.dma_semaphore, #tpu.memory_space<semaphore_mem>>
      %dma_start3A_704 = tpu.memref_slice %arg4[%add3A_352] : memref<8192xf32, #tpu.memory_space<hbm>> -> memref<64xf32, #tpu.memory_space<hbm>>
      %dma_start3A_705 = tpu.memref_slice %arg4[%add3A_352] : memref<8192xf32, #tpu.memory_space<hbm>> -> memref<64xf32, #tpu.memory_space<hbm>>
      tpu.enqueue_dma source(%arg8 : memref<64xf32, #tpu.memory_space<vmem>>) target(%dma_start3A_705 : memref<64xf32, #tpu.memory_space<hbm>>) target_semaphore(%run_scoped3A_703 : memref<!tpu.dma_semaphore, #tpu.memory_space<semaphore_mem>>)
      %dma_wait3A_706 = tpu.memref_slice %arg4[%add3A_352] : memref<8192xf32, #tpu.memory_space<hbm>> -> memref<64xf32, #tpu.memory_space<hbm>>
      %dma_wait3A_707 = tpu.memref_slice %arg4[%add3A_352] : memref<8192xf32, #tpu.memory_space<hbm>> -> memref<64xf32, #tpu.memory_space<hbm>>
      tpu.wait_dma2 semaphore(%run_scoped3A_703 : memref<!tpu.dma_semaphore, #tpu.memory_space<semaphore_mem>>) src(%arg8 : memref<64xf32, #tpu.memory_space<vmem>>) dst(%dma_wait3A_707 : memref<64xf32, #tpu.memory_space<hbm>>)
      tpu.yield
    }) : () -> ()
    %mul3A_526 = arith.constant 64 : i32
    %mul3A_527 = arith.muli %add3A, %mul3A_526 : i32
    %add3A_528 = arith.constant 6144 : i32
    %add3A_529 = arith.addi %add3A_528, %mul3A_527 : i32
    %mul3A_530 = arith.constant 8192 : i32
    %mul3A_531 = arith.muli %add3A_529, %mul3A_530 : i32
    %run_scoped3A_532 = arith.constant 3 : i32
    "tpu.region"() ({
      %run_scoped3A_703 = tpu.sem_alloc : memref<!tpu.dma_semaphore, #tpu.memory_space<semaphore_mem>>
      %dma_start3A_704 = arith.constant 0 : i32
      %dma_start3A_705 = tpu.memref_slice %arg3[%run_scoped3A_532, %dma_start3A_704] : memref<4x256xi32, #tpu.memory_space<hbm>> -> memref<1x256xi32, #tpu.memory_space<hbm>>
      %dma_start3A_706 = tpu.memref_squeeze %dma_start3A_705 : memref<1x256xi32, #tpu.memory_space<hbm>> -> memref<256xi32, #tpu.memory_space<hbm>>
      %dma_start3A_707 = arith.constant 0 : i32
      %dma_start3A_708 = tpu.memref_slice %arg3[%run_scoped3A_532, %dma_start3A_707] : memref<4x256xi32, #tpu.memory_space<hbm>> -> memref<1x256xi32, #tpu.memory_space<hbm>>
      %dma_start3A_709 = tpu.memref_squeeze %dma_start3A_708 : memref<1x256xi32, #tpu.memory_space<hbm>> -> memref<256xi32, #tpu.memory_space<hbm>>
      tpu.enqueue_dma source(%dma_start3A_709 : memref<256xi32, #tpu.memory_space<hbm>>) target(%arg5 : memref<256xi32, #tpu.memory_space<vmem>>) target_semaphore(%run_scoped3A_703 : memref<!tpu.dma_semaphore, #tpu.memory_space<semaphore_mem>>)
      %dma_wait3A_710 = arith.constant 0 : i32
      %dma_wait3A_711 = tpu.memref_slice %arg3[%run_scoped3A_532, %dma_wait3A_710] : memref<4x256xi32, #tpu.memory_space<hbm>> -> memref<1x256xi32, #tpu.memory_space<hbm>>
      %dma_wait3A_712 = tpu.memref_squeeze %dma_wait3A_711 : memref<1x256xi32, #tpu.memory_space<hbm>> -> memref<256xi32, #tpu.memory_space<hbm>>
      %dma_wait3A_713 = arith.constant 0 : i32
      %dma_wait3A_714 = tpu.memref_slice %arg3[%run_scoped3A_532, %dma_wait3A_713] : memref<4x256xi32, #tpu.memory_space<hbm>> -> memref<1x256xi32, #tpu.memory_space<hbm>>
      %dma_wait3A_715 = tpu.memref_squeeze %dma_wait3A_714 : memref<1x256xi32, #tpu.memory_space<hbm>> -> memref<256xi32, #tpu.memory_space<hbm>>
      tpu.wait_dma2 semaphore(%run_scoped3A_703 : memref<!tpu.dma_semaphore, #tpu.memory_space<semaphore_mem>>) src(%dma_wait3A_715 : memref<256xi32, #tpu.memory_space<hbm>>) dst(%arg5 : memref<256xi32, #tpu.memory_space<vmem>>)
      tpu.yield
    }) : () -> ()
    %scan3A_533 = arith.constant 0 : i32
    %scan3A_534 = arith.constant 0 : i32
    %scan3A_535 = arith.constant 10 : i32
    %scan3A_536 = arith.addi %scan3A_534, %scan3A_535 : i32
    %scan3A_537 = arith.constant 1 : i32
    %scan3A_538 = scf.for %scan3A_703 = %scan3A_534 to %scan3A_536 step %scan3A_537 iter_args(%scan3A_704 = %scan3A_533) -> (i32)  : i32 {
      %mul3A_705 = arith.constant 16 : i32
      %mul3A_706 = arith.muli %scan3A_703, %mul3A_705 : i32
      %multiple_of3A = tpu.assume_multiple %mul3A_706, 16 : i32
      %get3A_707 = arith.index_cast %multiple_of3A : i32 to index
      %get3A_708 = tpu.vector_load %arg5[%get3A_707] {strides = array<i32>} : memref<256xi32, #tpu.memory_space<vmem>>, vector<16xi32>,
      %get3A_709 = vector.shape_cast %get3A_708 : vector<16xi32> to vector<16xi32>
      %mul3A_710 = arith.constant 16 : i32
      %mul3A_711 = arith.muli %scan3A_703, %mul3A_710 : i32
      %add3A_712 = arith.constant 0 : i32
      %add3A_713 = arith.addi %mul3A_711, %add3A_712 : i32
      %slice3A_714 = vector.extract_strided_slice %get3A_709 {offsets = [0], sizes = [1], strides = [1]} : vector<16xi32> to vector<1xi32>
      %squeeze3A_715 = vector.extract %slice3A_714[0] : i32 from vector<1xi32>
      %add3A_716 = arith.addi %mul3A_531, %squeeze3A_715 : i32
      %add3A_717 = vector.broadcast %add3A_716 : i32 to vector<16xi32>
      %add3A_718 = arith.addi %mul3A_3, %add3A_717 : vector<16xi32>
      %mul3A_719 = arith.constant 4 : i32
      %mul3A_720 = arith.muli %add3A_713, %mul3A_719 : i32
      %add3A_721 = arith.constant 0 : i32
      %add3A_722 = arith.addi %mul3A_720, %add3A_721 : i32
      %add3A_723 = arith.constant 0 : i32
      %add3A_724 = vector.broadcast %add3A_723 : i32 to vector<16xi32>
      %add3A_725 = arith.addi %add3A_718, %add3A_724 : vector<16xi32>
      %mul3A_726 = arith.constant 16 : i32
      %mul3A_727 = arith.muli %add3A_722, %mul3A_726 : i32
      %swap3A_728 = arith.index_cast %mul3A_727 : i32 to index
      %swap3A_729 = tpu.vector_load %arg6[%swap3A_728] {strides = array<i32>} : memref<10496xi32, #tpu.memory_space<vmem>>, vector<16xi32>,
      %swap3A_730 = vector.shape_cast %swap3A_729 : vector<16xi32> to vector<16xi32>
      %swap3A_731 = vector.shape_cast %add3A_725 : vector<16xi32> to vector<16xi32>
      tpu.vector_store %arg6[%swap3A_728], %swap3A_731 {strides = array<i32>} : memref<10496xi32, #tpu.memory_space<vmem>>, vector<16xi32>,
      %mul3A_732 = arith.constant 4 : i32
      %mul3A_733 = arith.muli %add3A_713, %mul3A_732 : i32
      %add3A_734 = arith.constant 1 : i32
      %add3A_735 = arith.addi %mul3A_733, %add3A_734 : i32
      %add3A_736 = arith.constant 131072 : i32
      %add3A_737 = vector.broadcast %add3A_736 : i32 to vector<16xi32>
      %add3A_738 = arith.addi %add3A_718, %add3A_737 : vector<16xi32>
      %mul3A_739 = arith.constant 16 : i32
      %mul3A_740 = arith.muli %add3A_735, %mul3A_739 : i32
      %swap3A_741 = arith.index_cast %mul3A_740 : i32 to index
      %swap3A_742 = tpu.vector_load %arg6[%swap3A_741] {strides = array<i32>} : memref<10496xi32, #tpu.memory_space<vmem>>, vector<16xi32>,
      %swap3A_743 = vector.shape_cast %swap3A_742 : vector<16xi32> to vector<16xi32>
      %swap3A_744 = vector.shape_cast %add3A_738 : vector<16xi32> to vector<16xi32>
      tpu.vector_store %arg6[%swap3A_741], %swap3A_744 {strides = array<i32>} : memref<10496xi32, #tpu.memory_space<vmem>>, vector<16xi32>,
      %mul3A_745 = arith.constant 4 : i32
      %mul3A_746 = arith.muli %add3A_713, %mul3A_745 : i32
      %add3A_747 = arith.constant 2 : i32
      %add3A_748 = arith.addi %mul3A_746, %add3A_747 : i32
      %add3A_749 = arith.constant 262144 : i32
      %add3A_750 = vector.broadcast %add3A_749 : i32 to vector<16xi32>
      %add3A_751 = arith.addi %add3A_718, %add3A_750 : vector<16xi32>
      %mul3A_752 = arith.constant 16 : i32
      %mul3A_753 = arith.muli %add3A_748, %mul3A_752 : i32
      %swap3A_754 = arith.index_cast %mul3A_753 : i32 to index
      %swap3A_755 = tpu.vector_load %arg6[%swap3A_754] {strides = array<i32>} : memref<10496xi32, #tpu.memory_space<vmem>>, vector<16xi32>,
      %swap3A_756 = vector.shape_cast %swap3A_755 : vector<16xi32> to vector<16xi32>
      %swap3A_757 = vector.shape_cast %add3A_751 : vector<16xi32> to vector<16xi32>
      tpu.vector_store %arg6[%swap3A_754], %swap3A_757 {strides = array<i32>} : memref<10496xi32, #tpu.memory_space<vmem>>, vector<16xi32>,
      %mul3A_758 = arith.constant 4 : i32
      %mul3A_759 = arith.muli %add3A_713, %mul3A_758 : i32
      %add3A_760 = arith.constant 3 : i32
      %add3A_761 = arith.addi %mul3A_759, %add3A_760 : i32
      %add3A_762 = arith.constant 393216 : i32
      %add3A_763 = vector.broadcast %add3A_762 : i32 to vector<16xi32>
      %add3A_764 = arith.addi %add3A_718, %add3A_763 : vector<16xi32>
      %mul3A_765 = arith.constant 16 : i32
      %mul3A_766 = arith.muli %add3A_761, %mul3A_765 : i32
      %swap3A_767 = arith.index_cast %mul3A_766 : i32 to index
      %swap3A_768 = tpu.vector_load %arg6[%swap3A_767] {strides = array<i32>} : memref<10496xi32, #tpu.memory_space<vmem>>, vector<16xi32>,
      %swap3A_769 = vector.shape_cast %swap3A_768 : vector<16xi32> to vector<16xi32>
      %swap3A_770 = vector.shape_cast %add3A_764 : vector<16xi32> to vector<16xi32>
      tpu.vector_store %arg6[%swap3A_767], %swap3A_770 {strides = array<i32>} : memref<10496xi32, #tpu.memory_space<vmem>>, vector<16xi32>,
      %mul3A_771 = arith.constant 16 : i32
      %mul3A_772 = arith.muli %scan3A_703, %mul3A_771 : i32
      %add3A_773 = arith.constant 1 : i32
      %add3A_774 = arith.addi %mul3A_772, %add3A_773 : i32
      %slice3A_775 = vector.extract_strided_slice %get3A_709 {offsets = [1], sizes = [1], strides = [1]} : vector<16xi32> to vector<1xi32>
      %squeeze3A_776 = vector.extract %slice3A_775[0] : i32 from vector<1xi32>
      %add3A_777 = arith.addi %mul3A_531, %squeeze3A_776 : i32
      %add3A_778 = vector.broadcast %add3A_777 : i32 to vector<16xi32>
      %add3A_779 = arith.addi %mul3A_3, %add3A_778 : vector<16xi32>
      %mul3A_780 = arith.constant 4 : i32
      %mul3A_781 = arith.muli %add3A_774, %mul3A_780 : i32
      %add3A_782 = arith.constant 0 : i32
      %add3A_783 = arith.addi %mul3A_781, %add3A_782 : i32
      %add3A_784 = arith.constant 0 : i32
      %add3A_785 = vector.broadcast %add3A_784 : i32 to vector<16xi32>
      %add3A_786 = arith.addi %add3A_779, %add3A_785 : vector<16xi32>
      %mul3A_787 = arith.constant 16 : i32
      %mul3A_788 = arith.muli %add3A_783, %mul3A_787 : i32
      %swap3A_789 = arith.index_cast %mul3A_788 : i32 to index
      %swap3A_790 = tpu.vector_load %arg6[%swap3A_789] {strides = array<i32>} : memref<10496xi32, #tpu.memory_space<vmem>>, vector<16xi32>,
      %swap3A_791 = vector.shape_cast %swap3A_790 : vector<16xi32> to vector<16xi32>
      %swap3A_792 = vector.shape_cast %add3A_786 : vector<16xi32> to vector<16xi32>
      tpu.vector_store %arg6[%swap3A_789], %swap3A_792 {strides = array<i32>} : memref<10496xi32, #tpu.memory_space<vmem>>, vector<16xi32>,
      %mul3A_793 = arith.constant 4 : i32
      %mul3A_794 = arith.muli %add3A_774, %mul3A_793 : i32
      %add3A_795 = arith.constant 1 : i32
      %add3A_796 = arith.addi %mul3A_794, %add3A_795 : i32
      %add3A_797 = arith.constant 131072 : i32
      %add3A_798 = vector.broadcast %add3A_797 : i32 to vector<16xi32>
      %add3A_799 = arith.addi %add3A_779, %add3A_798 : vector<16xi32>
      %mul3A_800 = arith.constant 16 : i32
      %mul3A_801 = arith.muli %add3A_796, %mul3A_800 : i32
      %swap3A_802 = arith.index_cast %mul3A_801 : i32 to index
      %swap3A_803 = tpu.vector_load %arg6[%swap3A_802] {strides = array<i32>} : memref<10496xi32, #tpu.memory_space<vmem>>, vector<16xi32>,
      %swap3A_804 = vector.shape_cast %swap3A_803 : vector<16xi32> to vector<16xi32>
      %swap3A_805 = vector.shape_cast %add3A_799 : vector<16xi32> to vector<16xi32>
      tpu.vector_store %arg6[%swap3A_802], %swap3A_805 {strides = array<i32>} : memref<10496xi32, #tpu.memory_space<vmem>>, vector<16xi32>,
      %mul3A_806 = arith.constant 4 : i32
      %mul3A_807 = arith.muli %add3A_774, %mul3A_806 : i32
      %add3A_808 = arith.constant 2 : i32
      %add3A_809 = arith.addi %mul3A_807, %add3A_808 : i32
      %add3A_810 = arith.constant 262144 : i32
      %add3A_811 = vector.broadcast %add3A_810 : i32 to vector<16xi32>
      %add3A_812 = arith.addi %add3A_779, %add3A_811 : vector<16xi32>
      %mul3A_813 = arith.constant 16 : i32
      %mul3A_814 = arith.muli %add3A_809, %mul3A_813 : i32
      %swap3A_815 = arith.index_cast %mul3A_814 : i32 to index
      %swap3A_816 = tpu.vector_load %arg6[%swap3A_815] {strides = array<i32>} : memref<10496xi32, #tpu.memory_space<vmem>>, vector<16xi32>,
      %swap3A_817 = vector.shape_cast %swap3A_816 : vector<16xi32> to vector<16xi32>
      %swap3A_818 = vector.shape_cast %add3A_812 : vector<16xi32> to vector<16xi32>
      tpu.vector_store %arg6[%swap3A_815], %swap3A_818 {strides = array<i32>} : memref<10496xi32, #tpu.memory_space<vmem>>, vector<16xi32>,
      %mul3A_819 = arith.constant 4 : i32
      %mul3A_820 = arith.muli %add3A_774, %mul3A_819 : i32
      %add3A_821 = arith.constant 3 : i32
      %add3A_822 = arith.addi %mul3A_820, %add3A_821 : i32
      %add3A_823 = arith.constant 393216 : i32
      %add3A_824 = vector.broadcast %add3A_823 : i32 to vector<16xi32>
      %add3A_825 = arith.addi %add3A_779, %add3A_824 : vector<16xi32>
      %mul3A_826 = arith.constant 16 : i32
      %mul3A_827 = arith.muli %add3A_822, %mul3A_826 : i32
      %swap3A_828 = arith.index_cast %mul3A_827 : i32 to index
      %swap3A_829 = tpu.vector_load %arg6[%swap3A_828] {strides = array<i32>} : memref<10496xi32, #tpu.memory_space<vmem>>, vector<16xi32>,
      %swap3A_830 = vector.shape_cast %swap3A_829 : vector<16xi32> to vector<16xi32>
      %swap3A_831 = vector.shape_cast %add3A_825 : vector<16xi32> to vector<16xi32>
      tpu.vector_store %arg6[%swap3A_828], %swap3A_831 {strides = array<i32>} : memref<10496xi32, #tpu.memory_space<vmem>>, vector<16xi32>,
      %mul3A_832 = arith.constant 16 : i32
      %mul3A_833 = arith.muli %scan3A_703, %mul3A_832 : i32
      %add3A_834 = arith.constant 2 : i32
      %add3A_835 = arith.addi %mul3A_833, %add3A_834 : i32
      %slice3A_836 = vector.extract_strided_slice %get3A_709 {offsets = [2], sizes = [1], strides = [1]} : vector<16xi32> to vector<1xi32>
      %squeeze3A_837 = vector.extract %slice3A_836[0] : i32 from vector<1xi32>
      %add3A_838 = arith.addi %mul3A_531, %squeeze3A_837 : i32
      %add3A_839 = vector.broadcast %add3A_838 : i32 to vector<16xi32>
      %add3A_840 = arith.addi %mul3A_3, %add3A_839 : vector<16xi32>
      %mul3A_841 = arith.constant 4 : i32
      %mul3A_842 = arith.muli %add3A_835, %mul3A_841 : i32
      %add3A_843 = arith.constant 0 : i32
      %add3A_844 = arith.addi %mul3A_842, %add3A_843 : i32
      %add3A_845 = arith.constant 0 : i32
      %add3A_846 = vector.broadcast %add3A_845 : i32 to vector<16xi32>
      %add3A_847 = arith.addi %add3A_840, %add3A_846 : vector<16xi32>
      %mul3A_848 = arith.constant 16 : i32
      %mul3A_849 = arith.muli %add3A_844, %mul3A_848 : i32
      %swap3A_850 = arith.index_cast %mul3A_849 : i32 to index
      %swap3A_851 = tpu.vector_load %arg6[%swap3A_850] {strides = array<i32>} : memref<10496xi32, #tpu.memory_space<vmem>>, vector<16xi32>,
      %swap3A_852 = vector.shape_cast %swap3A_851 : vector<16xi32> to vector<16xi32>
      %swap3A_853 = vector.shape_cast %add3A_847 : vector<16xi32> to vector<16xi32>
      tpu.vector_store %arg6[%swap3A_850], %swap3A_853 {strides = array<i32>} : memref<10496xi32, #tpu.memory_space<vmem>>, vector<16xi32>,
      %mul3A_854 = arith.constant 4 : i32
      %mul3A_855 = arith.muli %add3A_835, %mul3A_854 : i32
      %add3A_856 = arith.constant 1 : i32
      %add3A_857 = arith.addi %mul3A_855, %add3A_856 : i32
      %add3A_858 = arith.constant 131072 : i32
      %add3A_859 = vector.broadcast %add3A_858 : i32 to vector<16xi32>
      %add3A_860 = arith.addi %add3A_840, %add3A_859 : vector<16xi32>
      %mul3A_861 = arith.constant 16 : i32
      %mul3A_862 = arith.muli %add3A_857, %mul3A_861 : i32
      %swap3A_863 = arith.index_cast %mul3A_862 : i32 to index
      %swap3A_864 = tpu.vector_load %arg6[%swap3A_863] {strides = array<i32>} : memref<10496xi32, #tpu.memory_space<vmem>>, vector<16xi32>,
      %swap3A_865 = vector.shape_cast %swap3A_864 : vector<16xi32> to vector<16xi32>
      %swap3A_866 = vector.shape_cast %add3A_860 : vector<16xi32> to vector<16xi32>
      tpu.vector_store %arg6[%swap3A_863], %swap3A_866 {strides = array<i32>} : memref<10496xi32, #tpu.memory_space<vmem>>, vector<16xi32>,
      %mul3A_867 = arith.constant 4 : i32
      %mul3A_868 = arith.muli %add3A_835, %mul3A_867 : i32
      %add3A_869 = arith.constant 2 : i32
      %add3A_870 = arith.addi %mul3A_868, %add3A_869 : i32
      %add3A_871 = arith.constant 262144 : i32
      %add3A_872 = vector.broadcast %add3A_871 : i32 to vector<16xi32>
      %add3A_873 = arith.addi %add3A_840, %add3A_872 : vector<16xi32>
      %mul3A_874 = arith.constant 16 : i32
      %mul3A_875 = arith.muli %add3A_870, %mul3A_874 : i32
      %swap3A_876 = arith.index_cast %mul3A_875 : i32 to index
      %swap3A_877 = tpu.vector_load %arg6[%swap3A_876] {strides = array<i32>} : memref<10496xi32, #tpu.memory_space<vmem>>, vector<16xi32>,
      %swap3A_878 = vector.shape_cast %swap3A_877 : vector<16xi32> to vector<16xi32>
      %swap3A_879 = vector.shape_cast %add3A_873 : vector<16xi32> to vector<16xi32>
      tpu.vector_store %arg6[%swap3A_876], %swap3A_879 {strides = array<i32>} : memref<10496xi32, #tpu.memory_space<vmem>>, vector<16xi32>,
      %mul3A_880 = arith.constant 4 : i32
      %mul3A_881 = arith.muli %add3A_835, %mul3A_880 : i32
      %add3A_882 = arith.constant 3 : i32
      %add3A_883 = arith.addi %mul3A_881, %add3A_882 : i32
      %add3A_884 = arith.constant 393216 : i32
      %add3A_885 = vector.broadcast %add3A_884 : i32 to vector<16xi32>
      %add3A_886 = arith.addi %add3A_840, %add3A_885 : vector<16xi32>
      %mul3A_887 = arith.constant 16 : i32
      %mul3A_888 = arith.muli %add3A_883, %mul3A_887 : i32
      %swap3A_889 = arith.index_cast %mul3A_888 : i32 to index
      %swap3A_890 = tpu.vector_load %arg6[%swap3A_889] {strides = array<i32>} : memref<10496xi32, #tpu.memory_space<vmem>>, vector<16xi32>,
      %swap3A_891 = vector.shape_cast %swap3A_890 : vector<16xi32> to vector<16xi32>
      %swap3A_892 = vector.shape_cast %add3A_886 : vector<16xi32> to vector<16xi32>
      tpu.vector_store %arg6[%swap3A_889], %swap3A_892 {strides = array<i32>} : memref<10496xi32, #tpu.memory_space<vmem>>, vector<16xi32>,
      %mul3A_893 = arith.constant 16 : i32
      %mul3A_894 = arith.muli %scan3A_703, %mul3A_893 : i32
      %add3A_895 = arith.constant 3 : i32
      %add3A_896 = arith.addi %mul3A_894, %add3A_895 : i32
      %slice3A_897 = vector.extract_strided_slice %get3A_709 {offsets = [3], sizes = [1], strides = [1]} : vector<16xi32> to vector<1xi32>
      %squeeze3A_898 = vector.extract %slice3A_897[0] : i32 from vector<1xi32>
      %add3A_899 = arith.addi %mul3A_531, %squeeze3A_898 : i32
      %add3A_900 = vector.broadcast %add3A_899 : i32 to vector<16xi32>
      %add3A_901 = arith.addi %mul3A_3, %add3A_900 : vector<16xi32>
      %mul3A_902 = arith.constant 4 : i32
      %mul3A_903 = arith.muli %add3A_896, %mul3A_902 : i32
      %add3A_904 = arith.constant 0 : i32
      %add3A_905 = arith.addi %mul3A_903, %add3A_904 : i32
      %add3A_906 = arith.constant 0 : i32
      %add3A_907 = vector.broadcast %add3A_906 : i32 to vector<16xi32>
      %add3A_908 = arith.addi %add3A_901, %add3A_907 : vector<16xi32>
      %mul3A_909 = arith.constant 16 : i32
      %mul3A_910 = arith.muli %add3A_905, %mul3A_909 : i32
      %swap3A_911 = arith.index_cast %mul3A_910 : i32 to index
      %swap3A_912 = tpu.vector_load %arg6[%swap3A_911] {strides = array<i32>} : memref<10496xi32, #tpu.memory_space<vmem>>, vector<16xi32>,
      %swap3A_913 = vector.shape_cast %swap3A_912 : vector<16xi32> to vector<16xi32>
      %swap3A_914 = vector.shape_cast %add3A_908 : vector<16xi32> to vector<16xi32>
      tpu.vector_store %arg6[%swap3A_911], %swap3A_914 {strides = array<i32>} : memref<10496xi32, #tpu.memory_space<vmem>>, vector<16xi32>,
      %mul3A_915 = arith.constant 4 : i32
      %mul3A_916 = arith.muli %add3A_896, %mul3A_915 : i32
      %add3A_917 = arith.constant 1 : i32
      %add3A_918 = arith.addi %mul3A_916, %add3A_917 : i32
      %add3A_919 = arith.constant 131072 : i32
      %add3A_920 = vector.broadcast %add3A_919 : i32 to vector<16xi32>
      %add3A_921 = arith.addi %add3A_901, %add3A_920 : vector<16xi32>
      %mul3A_922 = arith.constant 16 : i32
      %mul3A_923 = arith.muli %add3A_918, %mul3A_922 : i32
      %swap3A_924 = arith.index_cast %mul3A_923 : i32 to index
      %swap3A_925 = tpu.vector_load %arg6[%swap3A_924] {strides = array<i32>} : memref<10496xi32, #tpu.memory_space<vmem>>, vector<16xi32>,
      %swap3A_926 = vector.shape_cast %swap3A_925 : vector<16xi32> to vector<16xi32>
      %swap3A_927 = vector.shape_cast %add3A_921 : vector<16xi32> to vector<16xi32>
      tpu.vector_store %arg6[%swap3A_924], %swap3A_927 {strides = array<i32>} : memref<10496xi32, #tpu.memory_space<vmem>>, vector<16xi32>,
      %mul3A_928 = arith.constant 4 : i32
      %mul3A_929 = arith.muli %add3A_896, %mul3A_928 : i32
      %add3A_930 = arith.constant 2 : i32
      %add3A_931 = arith.addi %mul3A_929, %add3A_930 : i32
      %add3A_932 = arith.constant 262144 : i32
      %add3A_933 = vector.broadcast %add3A_932 : i32 to vector<16xi32>
      %add3A_934 = arith.addi %add3A_901, %add3A_933 : vector<16xi32>
      %mul3A_935 = arith.constant 16 : i32
      %mul3A_936 = arith.muli %add3A_931, %mul3A_935 : i32
      %swap3A_937 = arith.index_cast %mul3A_936 : i32 to index
      %swap3A_938 = tpu.vector_load %arg6[%swap3A_937] {strides = array<i32>} : memref<10496xi32, #tpu.memory_space<vmem>>, vector<16xi32>,
      %swap3A_939 = vector.shape_cast %swap3A_938 : vector<16xi32> to vector<16xi32>
      %swap3A_940 = vector.shape_cast %add3A_934 : vector<16xi32> to vector<16xi32>
      tpu.vector_store %arg6[%swap3A_937], %swap3A_940 {strides = array<i32>} : memref<10496xi32, #tpu.memory_space<vmem>>, vector<16xi32>,
      %mul3A_941 = arith.constant 4 : i32
      %mul3A_942 = arith.muli %add3A_896, %mul3A_941 : i32
      %add3A_943 = arith.constant 3 : i32
      %add3A_944 = arith.addi %mul3A_942, %add3A_943 : i32
      %add3A_945 = arith.constant 393216 : i32
      %add3A_946 = vector.broadcast %add3A_945 : i32 to vector<16xi32>
      %add3A_947 = arith.addi %add3A_901, %add3A_946 : vector<16xi32>
      %mul3A_948 = arith.constant 16 : i32
      %mul3A_949 = arith.muli %add3A_944, %mul3A_948 : i32
      %swap3A_950 = arith.index_cast %mul3A_949 : i32 to index
      %swap3A_951 = tpu.vector_load %arg6[%swap3A_950] {strides = array<i32>} : memref<10496xi32, #tpu.memory_space<vmem>>, vector<16xi32>,
      %swap3A_952 = vector.shape_cast %swap3A_951 : vector<16xi32> to vector<16xi32>
      %swap3A_953 = vector.shape_cast %add3A_947 : vector<16xi32> to vector<16xi32>
      tpu.vector_store %arg6[%swap3A_950], %swap3A_953 {strides = array<i32>} : memref<10496xi32, #tpu.memory_space<vmem>>, vector<16xi32>,
      %mul3A_954 = arith.constant 16 : i32
      %mul3A_955 = arith.muli %scan3A_703, %mul3A_954 : i32
      %add3A_956 = arith.constant 4 : i32
      %add3A_957 = arith.addi %mul3A_955, %add3A_956 : i32
      %slice3A_958 = vector.extract_strided_slice %get3A_709 {offsets = [4], sizes = [1], strides = [1]} : vector<16xi32> to vector<1xi32>
      %squeeze3A_959 = vector.extract %slice3A_958[0] : i32 from vector<1xi32>
      %add3A_960 = arith.addi %mul3A_531, %squeeze3A_959 : i32
      %add3A_961 = vector.broadcast %add3A_960 : i32 to vector<16xi32>
      %add3A_962 = arith.addi %mul3A_3, %add3A_961 : vector<16xi32>
      %mul3A_963 = arith.constant 4 : i32
      %mul3A_964 = arith.muli %add3A_957, %mul3A_963 : i32
      %add3A_965 = arith.constant 0 : i32
      %add3A_966 = arith.addi %mul3A_964, %add3A_965 : i32
      %add3A_967 = arith.constant 0 : i32
      %add3A_968 = vector.broadcast %add3A_967 : i32 to vector<16xi32>
      %add3A_969 = arith.addi %add3A_962, %add3A_968 : vector<16xi32>
      %mul3A_970 = arith.constant 16 : i32
      %mul3A_971 = arith.muli %add3A_966, %mul3A_970 : i32
      %swap3A_972 = arith.index_cast %mul3A_971 : i32 to index
      %swap3A_973 = tpu.vector_load %arg6[%swap3A_972] {strides = array<i32>} : memref<10496xi32, #tpu.memory_space<vmem>>, vector<16xi32>,
      %swap3A_974 = vector.shape_cast %swap3A_973 : vector<16xi32> to vector<16xi32>
      %swap3A_975 = vector.shape_cast %add3A_969 : vector<16xi32> to vector<16xi32>
      tpu.vector_store %arg6[%swap3A_972], %swap3A_975 {strides = array<i32>} : memref<10496xi32, #tpu.memory_space<vmem>>, vector<16xi32>,
      %mul3A_976 = arith.constant 4 : i32
      %mul3A_977 = arith.muli %add3A_957, %mul3A_976 : i32
      %add3A_978 = arith.constant 1 : i32
      %add3A_979 = arith.addi %mul3A_977, %add3A_978 : i32
      %add3A_980 = arith.constant 131072 : i32
      %add3A_981 = vector.broadcast %add3A_980 : i32 to vector<16xi32>
      %add3A_982 = arith.addi %add3A_962, %add3A_981 : vector<16xi32>
      %mul3A_983 = arith.constant 16 : i32
      %mul3A_984 = arith.muli %add3A_979, %mul3A_983 : i32
      %swap3A_985 = arith.index_cast %mul3A_984 : i32 to index
      %swap3A_986 = tpu.vector_load %arg6[%swap3A_985] {strides = array<i32>} : memref<10496xi32, #tpu.memory_space<vmem>>, vector<16xi32>,
      %swap3A_987 = vector.shape_cast %swap3A_986 : vector<16xi32> to vector<16xi32>
      %swap3A_988 = vector.shape_cast %add3A_982 : vector<16xi32> to vector<16xi32>
      tpu.vector_store %arg6[%swap3A_985], %swap3A_988 {strides = array<i32>} : memref<10496xi32, #tpu.memory_space<vmem>>, vector<16xi32>,
      %mul3A_989 = arith.constant 4 : i32
      %mul3A_990 = arith.muli %add3A_957, %mul3A_989 : i32
      %add3A_991 = arith.constant 2 : i32
      %add3A_992 = arith.addi %mul3A_990, %add3A_991 : i32
      %add3A_993 = arith.constant 262144 : i32
      %add3A_994 = vector.broadcast %add3A_993 : i32 to vector<16xi32>
      %add3A_995 = arith.addi %add3A_962, %add3A_994 : vector<16xi32>
      %mul3A_996 = arith.constant 16 : i32
      %mul3A_997 = arith.muli %add3A_992, %mul3A_996 : i32
      %swap3A_998 = arith.index_cast %mul3A_997 : i32 to index
      %swap3A_999 = tpu.vector_load %arg6[%swap3A_998] {strides = array<i32>} : memref<10496xi32, #tpu.memory_space<vmem>>, vector<16xi32>,
      %swap3A_1000 = vector.shape_cast %swap3A_999 : vector<16xi32> to vector<16xi32>
      %swap3A_1001 = vector.shape_cast %add3A_995 : vector<16xi32> to vector<16xi32>
      tpu.vector_store %arg6[%swap3A_998], %swap3A_1001 {strides = array<i32>} : memref<10496xi32, #tpu.memory_space<vmem>>, vector<16xi32>,
      %mul3A_1002 = arith.constant 4 : i32
      %mul3A_1003 = arith.muli %add3A_957, %mul3A_1002 : i32
      %add3A_1004 = arith.constant 3 : i32
      %add3A_1005 = arith.addi %mul3A_1003, %add3A_1004 : i32
      %add3A_1006 = arith.constant 393216 : i32
      %add3A_1007 = vector.broadcast %add3A_1006 : i32 to vector<16xi32>
      %add3A_1008 = arith.addi %add3A_962, %add3A_1007 : vector<16xi32>
      %mul3A_1009 = arith.constant 16 : i32
      %mul3A_1010 = arith.muli %add3A_1005, %mul3A_1009 : i32
      %swap3A_1011 = arith.index_cast %mul3A_1010 : i32 to index
      %swap3A_1012 = tpu.vector_load %arg6[%swap3A_1011] {strides = array<i32>} : memref<10496xi32, #tpu.memory_space<vmem>>, vector<16xi32>,
      %swap3A_1013 = vector.shape_cast %swap3A_1012 : vector<16xi32> to vector<16xi32>
      %swap3A_1014 = vector.shape_cast %add3A_1008 : vector<16xi32> to vector<16xi32>
      tpu.vector_store %arg6[%swap3A_1011], %swap3A_1014 {strides = array<i32>} : memref<10496xi32, #tpu.memory_space<vmem>>, vector<16xi32>,
      %mul3A_1015 = arith.constant 16 : i32
      %mul3A_1016 = arith.muli %scan3A_703, %mul3A_1015 : i32
      %add3A_1017 = arith.constant 5 : i32
      %add3A_1018 = arith.addi %mul3A_1016, %add3A_1017 : i32
      %slice3A_1019 = vector.extract_strided_slice %get3A_709 {offsets = [5], sizes = [1], strides = [1]} : vector<16xi32> to vector<1xi32>
      %squeeze3A_1020 = vector.extract %slice3A_1019[0] : i32 from vector<1xi32>
      %add3A_1021 = arith.addi %mul3A_531, %squeeze3A_1020 : i32
      %add3A_1022 = vector.broadcast %add3A_1021 : i32 to vector<16xi32>
      %add3A_1023 = arith.addi %mul3A_3, %add3A_1022 : vector<16xi32>
      %mul3A_1024 = arith.constant 4 : i32
      %mul3A_1025 = arith.muli %add3A_1018, %mul3A_1024 : i32
      %add3A_1026 = arith.constant 0 : i32
      %add3A_1027 = arith.addi %mul3A_1025, %add3A_1026 : i32
      %add3A_1028 = arith.constant 0 : i32
      %add3A_1029 = vector.broadcast %add3A_1028 : i32 to vector<16xi32>
      %add3A_1030 = arith.addi %add3A_1023, %add3A_1029 : vector<16xi32>
      %mul3A_1031 = arith.constant 16 : i32
      %mul3A_1032 = arith.muli %add3A_1027, %mul3A_1031 : i32
      %swap3A_1033 = arith.index_cast %mul3A_1032 : i32 to index
      %swap3A_1034 = tpu.vector_load %arg6[%swap3A_1033] {strides = array<i32>} : memref<10496xi32, #tpu.memory_space<vmem>>, vector<16xi32>,
      %swap3A_1035 = vector.shape_cast %swap3A_1034 : vector<16xi32> to vector<16xi32>
      %swap3A_1036 = vector.shape_cast %add3A_1030 : vector<16xi32> to vector<16xi32>
      tpu.vector_store %arg6[%swap3A_1033], %swap3A_1036 {strides = array<i32>} : memref<10496xi32, #tpu.memory_space<vmem>>, vector<16xi32>,
      %mul3A_1037 = arith.constant 4 : i32
      %mul3A_1038 = arith.muli %add3A_1018, %mul3A_1037 : i32
      %add3A_1039 = arith.constant 1 : i32
      %add3A_1040 = arith.addi %mul3A_1038, %add3A_1039 : i32
      %add3A_1041 = arith.constant 131072 : i32
      %add3A_1042 = vector.broadcast %add3A_1041 : i32 to vector<16xi32>
      %add3A_1043 = arith.addi %add3A_1023, %add3A_1042 : vector<16xi32>
      %mul3A_1044 = arith.constant 16 : i32
      %mul3A_1045 = arith.muli %add3A_1040, %mul3A_1044 : i32
      %swap3A_1046 = arith.index_cast %mul3A_1045 : i32 to index
      %swap3A_1047 = tpu.vector_load %arg6[%swap3A_1046] {strides = array<i32>} : memref<10496xi32, #tpu.memory_space<vmem>>, vector<16xi32>,
      %swap3A_1048 = vector.shape_cast %swap3A_1047 : vector<16xi32> to vector<16xi32>
      %swap3A_1049 = vector.shape_cast %add3A_1043 : vector<16xi32> to vector<16xi32>
      tpu.vector_store %arg6[%swap3A_1046], %swap3A_1049 {strides = array<i32>} : memref<10496xi32, #tpu.memory_space<vmem>>, vector<16xi32>,
      %mul3A_1050 = arith.constant 4 : i32
      %mul3A_1051 = arith.muli %add3A_1018, %mul3A_1050 : i32
      %add3A_1052 = arith.constant 2 : i32
      %add3A_1053 = arith.addi %mul3A_1051, %add3A_1052 : i32
      %add3A_1054 = arith.constant 262144 : i32
      %add3A_1055 = vector.broadcast %add3A_1054 : i32 to vector<16xi32>
      %add3A_1056 = arith.addi %add3A_1023, %add3A_1055 : vector<16xi32>
      %mul3A_1057 = arith.constant 16 : i32
      %mul3A_1058 = arith.muli %add3A_1053, %mul3A_1057 : i32
      %swap3A_1059 = arith.index_cast %mul3A_1058 : i32 to index
      %swap3A_1060 = tpu.vector_load %arg6[%swap3A_1059] {strides = array<i32>} : memref<10496xi32, #tpu.memory_space<vmem>>, vector<16xi32>,
      %swap3A_1061 = vector.shape_cast %swap3A_1060 : vector<16xi32> to vector<16xi32>
      %swap3A_1062 = vector.shape_cast %add3A_1056 : vector<16xi32> to vector<16xi32>
      tpu.vector_store %arg6[%swap3A_1059], %swap3A_1062 {strides = array<i32>} : memref<10496xi32, #tpu.memory_space<vmem>>, vector<16xi32>,
      %mul3A_1063 = arith.constant 4 : i32
      %mul3A_1064 = arith.muli %add3A_1018, %mul3A_1063 : i32
      %add3A_1065 = arith.constant 3 : i32
      %add3A_1066 = arith.addi %mul3A_1064, %add3A_1065 : i32
      %add3A_1067 = arith.constant 393216 : i32
      %add3A_1068 = vector.broadcast %add3A_1067 : i32 to vector<16xi32>
      %add3A_1069 = arith.addi %add3A_1023, %add3A_1068 : vector<16xi32>
      %mul3A_1070 = arith.constant 16 : i32
      %mul3A_1071 = arith.muli %add3A_1066, %mul3A_1070 : i32
      %swap3A_1072 = arith.index_cast %mul3A_1071 : i32 to index
      %swap3A_1073 = tpu.vector_load %arg6[%swap3A_1072] {strides = array<i32>} : memref<10496xi32, #tpu.memory_space<vmem>>, vector<16xi32>,
      %swap3A_1074 = vector.shape_cast %swap3A_1073 : vector<16xi32> to vector<16xi32>
      %swap3A_1075 = vector.shape_cast %add3A_1069 : vector<16xi32> to vector<16xi32>
      tpu.vector_store %arg6[%swap3A_1072], %swap3A_1075 {strides = array<i32>} : memref<10496xi32, #tpu.memory_space<vmem>>, vector<16xi32>,
      %mul3A_1076 = arith.constant 16 : i32
      %mul3A_1077 = arith.muli %scan3A_703, %mul3A_1076 : i32
      %add3A_1078 = arith.constant 6 : i32
      %add3A_1079 = arith.addi %mul3A_1077, %add3A_1078 : i32
      %slice3A_1080 = vector.extract_strided_slice %get3A_709 {offsets = [6], sizes = [1], strides = [1]} : vector<16xi32> to vector<1xi32>
      %squeeze3A_1081 = vector.extract %slice3A_1080[0] : i32 from vector<1xi32>
      %add3A_1082 = arith.addi %mul3A_531, %squeeze3A_1081 : i32
      %add3A_1083 = vector.broadcast %add3A_1082 : i32 to vector<16xi32>
      %add3A_1084 = arith.addi %mul3A_3, %add3A_1083 : vector<16xi32>
      %mul3A_1085 = arith.constant 4 : i32
      %mul3A_1086 = arith.muli %add3A_1079, %mul3A_1085 : i32
      %add3A_1087 = arith.constant 0 : i32
      %add3A_1088 = arith.addi %mul3A_1086, %add3A_1087 : i32
      %add3A_1089 = arith.constant 0 : i32
      %add3A_1090 = vector.broadcast %add3A_1089 : i32 to vector<16xi32>
      %add3A_1091 = arith.addi %add3A_1084, %add3A_1090 : vector<16xi32>
      %mul3A_1092 = arith.constant 16 : i32
      %mul3A_1093 = arith.muli %add3A_1088, %mul3A_1092 : i32
      %swap3A_1094 = arith.index_cast %mul3A_1093 : i32 to index
      %swap3A_1095 = tpu.vector_load %arg6[%swap3A_1094] {strides = array<i32>} : memref<10496xi32, #tpu.memory_space<vmem>>, vector<16xi32>,
      %swap3A_1096 = vector.shape_cast %swap3A_1095 : vector<16xi32> to vector<16xi32>
      %swap3A_1097 = vector.shape_cast %add3A_1091 : vector<16xi32> to vector<16xi32>
      tpu.vector_store %arg6[%swap3A_1094], %swap3A_1097 {strides = array<i32>} : memref<10496xi32, #tpu.memory_space<vmem>>, vector<16xi32>,
      %mul3A_1098 = arith.constant 4 : i32
      %mul3A_1099 = arith.muli %add3A_1079, %mul3A_1098 : i32
      %add3A_1100 = arith.constant 1 : i32
      %add3A_1101 = arith.addi %mul3A_1099, %add3A_1100 : i32
      %add3A_1102 = arith.constant 131072 : i32
      %add3A_1103 = vector.broadcast %add3A_1102 : i32 to vector<16xi32>
      %add3A_1104 = arith.addi %add3A_1084, %add3A_1103 : vector<16xi32>
      %mul3A_1105 = arith.constant 16 : i32
      %mul3A_1106 = arith.muli %add3A_1101, %mul3A_1105 : i32
      %swap3A_1107 = arith.index_cast %mul3A_1106 : i32 to index
      %swap3A_1108 = tpu.vector_load %arg6[%swap3A_1107] {strides = array<i32>} : memref<10496xi32, #tpu.memory_space<vmem>>, vector<16xi32>,
      %swap3A_1109 = vector.shape_cast %swap3A_1108 : vector<16xi32> to vector<16xi32>
      %swap3A_1110 = vector.shape_cast %add3A_1104 : vector<16xi32> to vector<16xi32>
      tpu.vector_store %arg6[%swap3A_1107], %swap3A_1110 {strides = array<i32>} : memref<10496xi32, #tpu.memory_space<vmem>>, vector<16xi32>,
      %mul3A_1111 = arith.constant 4 : i32
      %mul3A_1112 = arith.muli %add3A_1079, %mul3A_1111 : i32
      %add3A_1113 = arith.constant 2 : i32
      %add3A_1114 = arith.addi %mul3A_1112, %add3A_1113 : i32
      %add3A_1115 = arith.constant 262144 : i32
      %add3A_1116 = vector.broadcast %add3A_1115 : i32 to vector<16xi32>
      %add3A_1117 = arith.addi %add3A_1084, %add3A_1116 : vector<16xi32>
      %mul3A_1118 = arith.constant 16 : i32
      %mul3A_1119 = arith.muli %add3A_1114, %mul3A_1118 : i32
      %swap3A_1120 = arith.index_cast %mul3A_1119 : i32 to index
      %swap3A_1121 = tpu.vector_load %arg6[%swap3A_1120] {strides = array<i32>} : memref<10496xi32, #tpu.memory_space<vmem>>, vector<16xi32>,
      %swap3A_1122 = vector.shape_cast %swap3A_1121 : vector<16xi32> to vector<16xi32>
      %swap3A_1123 = vector.shape_cast %add3A_1117 : vector<16xi32> to vector<16xi32>
      tpu.vector_store %arg6[%swap3A_1120], %swap3A_1123 {strides = array<i32>} : memref<10496xi32, #tpu.memory_space<vmem>>, vector<16xi32>,
      %mul3A_1124 = arith.constant 4 : i32
      %mul3A_1125 = arith.muli %add3A_1079, %mul3A_1124 : i32
      %add3A_1126 = arith.constant 3 : i32
      %add3A_1127 = arith.addi %mul3A_1125, %add3A_1126 : i32
      %add3A_1128 = arith.constant 393216 : i32
      %add3A_1129 = vector.broadcast %add3A_1128 : i32 to vector<16xi32>
      %add3A_1130 = arith.addi %add3A_1084, %add3A_1129 : vector<16xi32>
      %mul3A_1131 = arith.constant 16 : i32
      %mul3A_1132 = arith.muli %add3A_1127, %mul3A_1131 : i32
      %swap3A_1133 = arith.index_cast %mul3A_1132 : i32 to index
      %swap3A_1134 = tpu.vector_load %arg6[%swap3A_1133] {strides = array<i32>} : memref<10496xi32, #tpu.memory_space<vmem>>, vector<16xi32>,
      %swap3A_1135 = vector.shape_cast %swap3A_1134 : vector<16xi32> to vector<16xi32>
      %swap3A_1136 = vector.shape_cast %add3A_1130 : vector<16xi32> to vector<16xi32>
      tpu.vector_store %arg6[%swap3A_1133], %swap3A_1136 {strides = array<i32>} : memref<10496xi32, #tpu.memory_space<vmem>>, vector<16xi32>,
      %mul3A_1137 = arith.constant 16 : i32
      %mul3A_1138 = arith.muli %scan3A_703, %mul3A_1137 : i32
      %add3A_1139 = arith.constant 7 : i32
      %add3A_1140 = arith.addi %mul3A_1138, %add3A_1139 : i32
      %slice3A_1141 = vector.extract_strided_slice %get3A_709 {offsets = [7], sizes = [1], strides = [1]} : vector<16xi32> to vector<1xi32>
      %squeeze3A_1142 = vector.extract %slice3A_1141[0] : i32 from vector<1xi32>
      %add3A_1143 = arith.addi %mul3A_531, %squeeze3A_1142 : i32
      %add3A_1144 = vector.broadcast %add3A_1143 : i32 to vector<16xi32>
      %add3A_1145 = arith.addi %mul3A_3, %add3A_1144 : vector<16xi32>
      %mul3A_1146 = arith.constant 4 : i32
      %mul3A_1147 = arith.muli %add3A_1140, %mul3A_1146 : i32
      %add3A_1148 = arith.constant 0 : i32
      %add3A_1149 = arith.addi %mul3A_1147, %add3A_1148 : i32
      %add3A_1150 = arith.constant 0 : i32
      %add3A_1151 = vector.broadcast %add3A_1150 : i32 to vector<16xi32>
      %add3A_1152 = arith.addi %add3A_1145, %add3A_1151 : vector<16xi32>
      %mul3A_1153 = arith.constant 16 : i32
      %mul3A_1154 = arith.muli %add3A_1149, %mul3A_1153 : i32
      %swap3A_1155 = arith.index_cast %mul3A_1154 : i32 to index
      %swap3A_1156 = tpu.vector_load %arg6[%swap3A_1155] {strides = array<i32>} : memref<10496xi32, #tpu.memory_space<vmem>>, vector<16xi32>,
      %swap3A_1157 = vector.shape_cast %swap3A_1156 : vector<16xi32> to vector<16xi32>
      %swap3A_1158 = vector.shape_cast %add3A_1152 : vector<16xi32> to vector<16xi32>
      tpu.vector_store %arg6[%swap3A_1155], %swap3A_1158 {strides = array<i32>} : memref<10496xi32, #tpu.memory_space<vmem>>, vector<16xi32>,
      %mul3A_1159 = arith.constant 4 : i32
      %mul3A_1160 = arith.muli %add3A_1140, %mul3A_1159 : i32
      %add3A_1161 = arith.constant 1 : i32
      %add3A_1162 = arith.addi %mul3A_1160, %add3A_1161 : i32
      %add3A_1163 = arith.constant 131072 : i32
      %add3A_1164 = vector.broadcast %add3A_1163 : i32 to vector<16xi32>
      %add3A_1165 = arith.addi %add3A_1145, %add3A_1164 : vector<16xi32>
      %mul3A_1166 = arith.constant 16 : i32
      %mul3A_1167 = arith.muli %add3A_1162, %mul3A_1166 : i32
      %swap3A_1168 = arith.index_cast %mul3A_1167 : i32 to index
      %swap3A_1169 = tpu.vector_load %arg6[%swap3A_1168] {strides = array<i32>} : memref<10496xi32, #tpu.memory_space<vmem>>, vector<16xi32>,
      %swap3A_1170 = vector.shape_cast %swap3A_1169 : vector<16xi32> to vector<16xi32>
      %swap3A_1171 = vector.shape_cast %add3A_1165 : vector<16xi32> to vector<16xi32>
      tpu.vector_store %arg6[%swap3A_1168], %swap3A_1171 {strides = array<i32>} : memref<10496xi32, #tpu.memory_space<vmem>>, vector<16xi32>,
      %mul3A_1172 = arith.constant 4 : i32
      %mul3A_1173 = arith.muli %add3A_1140, %mul3A_1172 : i32
      %add3A_1174 = arith.constant 2 : i32
      %add3A_1175 = arith.addi %mul3A_1173, %add3A_1174 : i32
      %add3A_1176 = arith.constant 262144 : i32
      %add3A_1177 = vector.broadcast %add3A_1176 : i32 to vector<16xi32>
      %add3A_1178 = arith.addi %add3A_1145, %add3A_1177 : vector<16xi32>
      %mul3A_1179 = arith.constant 16 : i32
      %mul3A_1180 = arith.muli %add3A_1175, %mul3A_1179 : i32
      %swap3A_1181 = arith.index_cast %mul3A_1180 : i32 to index
      %swap3A_1182 = tpu.vector_load %arg6[%swap3A_1181] {strides = array<i32>} : memref<10496xi32, #tpu.memory_space<vmem>>, vector<16xi32>,
      %swap3A_1183 = vector.shape_cast %swap3A_1182 : vector<16xi32> to vector<16xi32>
      %swap3A_1184 = vector.shape_cast %add3A_1178 : vector<16xi32> to vector<16xi32>
      tpu.vector_store %arg6[%swap3A_1181], %swap3A_1184 {strides = array<i32>} : memref<10496xi32, #tpu.memory_space<vmem>>, vector<16xi32>,
      %mul3A_1185 = arith.constant 4 : i32
      %mul3A_1186 = arith.muli %add3A_1140, %mul3A_1185 : i32
      %add3A_1187 = arith.constant 3 : i32
      %add3A_1188 = arith.addi %mul3A_1186, %add3A_1187 : i32
      %add3A_1189 = arith.constant 393216 : i32
      %add3A_1190 = vector.broadcast %add3A_1189 : i32 to vector<16xi32>
      %add3A_1191 = arith.addi %add3A_1145, %add3A_1190 : vector<16xi32>
      %mul3A_1192 = arith.constant 16 : i32
      %mul3A_1193 = arith.muli %add3A_1188, %mul3A_1192 : i32
      %swap3A_1194 = arith.index_cast %mul3A_1193 : i32 to index
      %swap3A_1195 = tpu.vector_load %arg6[%swap3A_1194] {strides = array<i32>} : memref<10496xi32, #tpu.memory_space<vmem>>, vector<16xi32>,
      %swap3A_1196 = vector.shape_cast %swap3A_1195 : vector<16xi32> to vector<16xi32>
      %swap3A_1197 = vector.shape_cast %add3A_1191 : vector<16xi32> to vector<16xi32>
      tpu.vector_store %arg6[%swap3A_1194], %swap3A_1197 {strides = array<i32>} : memref<10496xi32, #tpu.memory_space<vmem>>, vector<16xi32>,
      %mul3A_1198 = arith.constant 16 : i32
      %mul3A_1199 = arith.muli %scan3A_703, %mul3A_1198 : i32
      %add3A_1200 = arith.constant 8 : i32
      %add3A_1201 = arith.addi %mul3A_1199, %add3A_1200 : i32
      %slice3A_1202 = vector.extract_strided_slice %get3A_709 {offsets = [8], sizes = [1], strides = [1]} : vector<16xi32> to vector<1xi32>
      %squeeze3A_1203 = vector.extract %slice3A_1202[0] : i32 from vector<1xi32>
      %add3A_1204 = arith.addi %mul3A_531, %squeeze3A_1203 : i32
      %add3A_1205 = vector.broadcast %add3A_1204 : i32 to vector<16xi32>
      %add3A_1206 = arith.addi %mul3A_3, %add3A_1205 : vector<16xi32>
      %mul3A_1207 = arith.constant 4 : i32
      %mul3A_1208 = arith.muli %add3A_1201, %mul3A_1207 : i32
      %add3A_1209 = arith.constant 0 : i32
      %add3A_1210 = arith.addi %mul3A_1208, %add3A_1209 : i32
      %add3A_1211 = arith.constant 0 : i32
      %add3A_1212 = vector.broadcast %add3A_1211 : i32 to vector<16xi32>
      %add3A_1213 = arith.addi %add3A_1206, %add3A_1212 : vector<16xi32>
      %mul3A_1214 = arith.constant 16 : i32
      %mul3A_1215 = arith.muli %add3A_1210, %mul3A_1214 : i32
      %swap3A_1216 = arith.index_cast %mul3A_1215 : i32 to index
      %swap3A_1217 = tpu.vector_load %arg6[%swap3A_1216] {strides = array<i32>} : memref<10496xi32, #tpu.memory_space<vmem>>, vector<16xi32>,
      %swap3A_1218 = vector.shape_cast %swap3A_1217 : vector<16xi32> to vector<16xi32>
      %swap3A_1219 = vector.shape_cast %add3A_1213 : vector<16xi32> to vector<16xi32>
      tpu.vector_store %arg6[%swap3A_1216], %swap3A_1219 {strides = array<i32>} : memref<10496xi32, #tpu.memory_space<vmem>>, vector<16xi32>,
      %mul3A_1220 = arith.constant 4 : i32
      %mul3A_1221 = arith.muli %add3A_1201, %mul3A_1220 : i32
      %add3A_1222 = arith.constant 1 : i32
      %add3A_1223 = arith.addi %mul3A_1221, %add3A_1222 : i32
      %add3A_1224 = arith.constant 131072 : i32
      %add3A_1225 = vector.broadcast %add3A_1224 : i32 to vector<16xi32>
      %add3A_1226 = arith.addi %add3A_1206, %add3A_1225 : vector<16xi32>
      %mul3A_1227 = arith.constant 16 : i32
      %mul3A_1228 = arith.muli %add3A_1223, %mul3A_1227 : i32
      %swap3A_1229 = arith.index_cast %mul3A_1228 : i32 to index
      %swap3A_1230 = tpu.vector_load %arg6[%swap3A_1229] {strides = array<i32>} : memref<10496xi32, #tpu.memory_space<vmem>>, vector<16xi32>,
      %swap3A_1231 = vector.shape_cast %swap3A_1230 : vector<16xi32> to vector<16xi32>
      %swap3A_1232 = vector.shape_cast %add3A_1226 : vector<16xi32> to vector<16xi32>
      tpu.vector_store %arg6[%swap3A_1229], %swap3A_1232 {strides = array<i32>} : memref<10496xi32, #tpu.memory_space<vmem>>, vector<16xi32>,
      %mul3A_1233 = arith.constant 4 : i32
      %mul3A_1234 = arith.muli %add3A_1201, %mul3A_1233 : i32
      %add3A_1235 = arith.constant 2 : i32
      %add3A_1236 = arith.addi %mul3A_1234, %add3A_1235 : i32
      %add3A_1237 = arith.constant 262144 : i32
      %add3A_1238 = vector.broadcast %add3A_1237 : i32 to vector<16xi32>
      %add3A_1239 = arith.addi %add3A_1206, %add3A_1238 : vector<16xi32>
      %mul3A_1240 = arith.constant 16 : i32
      %mul3A_1241 = arith.muli %add3A_1236, %mul3A_1240 : i32
      %swap3A_1242 = arith.index_cast %mul3A_1241 : i32 to index
      %swap3A_1243 = tpu.vector_load %arg6[%swap3A_1242] {strides = array<i32>} : memref<10496xi32, #tpu.memory_space<vmem>>, vector<16xi32>,
      %swap3A_1244 = vector.shape_cast %swap3A_1243 : vector<16xi32> to vector<16xi32>
      %swap3A_1245 = vector.shape_cast %add3A_1239 : vector<16xi32> to vector<16xi32>
      tpu.vector_store %arg6[%swap3A_1242], %swap3A_1245 {strides = array<i32>} : memref<10496xi32, #tpu.memory_space<vmem>>, vector<16xi32>,
      %mul3A_1246 = arith.constant 4 : i32
      %mul3A_1247 = arith.muli %add3A_1201, %mul3A_1246 : i32
      %add3A_1248 = arith.constant 3 : i32
      %add3A_1249 = arith.addi %mul3A_1247, %add3A_1248 : i32
      %add3A_1250 = arith.constant 393216 : i32
      %add3A_1251 = vector.broadcast %add3A_1250 : i32 to vector<16xi32>
      %add3A_1252 = arith.addi %add3A_1206, %add3A_1251 : vector<16xi32>
      %mul3A_1253 = arith.constant 16 : i32
      %mul3A_1254 = arith.muli %add3A_1249, %mul3A_1253 : i32
      %swap3A_1255 = arith.index_cast %mul3A_1254 : i32 to index
      %swap3A_1256 = tpu.vector_load %arg6[%swap3A_1255] {strides = array<i32>} : memref<10496xi32, #tpu.memory_space<vmem>>, vector<16xi32>,
      %swap3A_1257 = vector.shape_cast %swap3A_1256 : vector<16xi32> to vector<16xi32>
      %swap3A_1258 = vector.shape_cast %add3A_1252 : vector<16xi32> to vector<16xi32>
      tpu.vector_store %arg6[%swap3A_1255], %swap3A_1258 {strides = array<i32>} : memref<10496xi32, #tpu.memory_space<vmem>>, vector<16xi32>,
      %mul3A_1259 = arith.constant 16 : i32
      %mul3A_1260 = arith.muli %scan3A_703, %mul3A_1259 : i32
      %add3A_1261 = arith.constant 9 : i32
      %add3A_1262 = arith.addi %mul3A_1260, %add3A_1261 : i32
      %slice3A_1263 = vector.extract_strided_slice %get3A_709 {offsets = [9], sizes = [1], strides = [1]} : vector<16xi32> to vector<1xi32>
      %squeeze3A_1264 = vector.extract %slice3A_1263[0] : i32 from vector<1xi32>
      %add3A_1265 = arith.addi %mul3A_531, %squeeze3A_1264 : i32
      %add3A_1266 = vector.broadcast %add3A_1265 : i32 to vector<16xi32>
      %add3A_1267 = arith.addi %mul3A_3, %add3A_1266 : vector<16xi32>
      %mul3A_1268 = arith.constant 4 : i32
      %mul3A_1269 = arith.muli %add3A_1262, %mul3A_1268 : i32
      %add3A_1270 = arith.constant 0 : i32
      %add3A_1271 = arith.addi %mul3A_1269, %add3A_1270 : i32
      %add3A_1272 = arith.constant 0 : i32
      %add3A_1273 = vector.broadcast %add3A_1272 : i32 to vector<16xi32>
      %add3A_1274 = arith.addi %add3A_1267, %add3A_1273 : vector<16xi32>
      %mul3A_1275 = arith.constant 16 : i32
      %mul3A_1276 = arith.muli %add3A_1271, %mul3A_1275 : i32
      %swap3A_1277 = arith.index_cast %mul3A_1276 : i32 to index
      %swap3A_1278 = tpu.vector_load %arg6[%swap3A_1277] {strides = array<i32>} : memref<10496xi32, #tpu.memory_space<vmem>>, vector<16xi32>,
      %swap3A_1279 = vector.shape_cast %swap3A_1278 : vector<16xi32> to vector<16xi32>
      %swap3A_1280 = vector.shape_cast %add3A_1274 : vector<16xi32> to vector<16xi32>
      tpu.vector_store %arg6[%swap3A_1277], %swap3A_1280 {strides = array<i32>} : memref<10496xi32, #tpu.memory_space<vmem>>, vector<16xi32>,
      %mul3A_1281 = arith.constant 4 : i32
      %mul3A_1282 = arith.muli %add3A_1262, %mul3A_1281 : i32
      %add3A_1283 = arith.constant 1 : i32
      %add3A_1284 = arith.addi %mul3A_1282, %add3A_1283 : i32
      %add3A_1285 = arith.constant 131072 : i32
      %add3A_1286 = vector.broadcast %add3A_1285 : i32 to vector<16xi32>
      %add3A_1287 = arith.addi %add3A_1267, %add3A_1286 : vector<16xi32>
      %mul3A_1288 = arith.constant 16 : i32
      %mul3A_1289 = arith.muli %add3A_1284, %mul3A_1288 : i32
      %swap3A_1290 = arith.index_cast %mul3A_1289 : i32 to index
      %swap3A_1291 = tpu.vector_load %arg6[%swap3A_1290] {strides = array<i32>} : memref<10496xi32, #tpu.memory_space<vmem>>, vector<16xi32>,
      %swap3A_1292 = vector.shape_cast %swap3A_1291 : vector<16xi32> to vector<16xi32>
      %swap3A_1293 = vector.shape_cast %add3A_1287 : vector<16xi32> to vector<16xi32>
      tpu.vector_store %arg6[%swap3A_1290], %swap3A_1293 {strides = array<i32>} : memref<10496xi32, #tpu.memory_space<vmem>>, vector<16xi32>,
      %mul3A_1294 = arith.constant 4 : i32
      %mul3A_1295 = arith.muli %add3A_1262, %mul3A_1294 : i32
      %add3A_1296 = arith.constant 2 : i32
      %add3A_1297 = arith.addi %mul3A_1295, %add3A_1296 : i32
      %add3A_1298 = arith.constant 262144 : i32
      %add3A_1299 = vector.broadcast %add3A_1298 : i32 to vector<16xi32>
      %add3A_1300 = arith.addi %add3A_1267, %add3A_1299 : vector<16xi32>
      %mul3A_1301 = arith.constant 16 : i32
      %mul3A_1302 = arith.muli %add3A_1297, %mul3A_1301 : i32
      %swap3A_1303 = arith.index_cast %mul3A_1302 : i32 to index
      %swap3A_1304 = tpu.vector_load %arg6[%swap3A_1303] {strides = array<i32>} : memref<10496xi32, #tpu.memory_space<vmem>>, vector<16xi32>,
      %swap3A_1305 = vector.shape_cast %swap3A_1304 : vector<16xi32> to vector<16xi32>
      %swap3A_1306 = vector.shape_cast %add3A_1300 : vector<16xi32> to vector<16xi32>
      tpu.vector_store %arg6[%swap3A_1303], %swap3A_1306 {strides = array<i32>} : memref<10496xi32, #tpu.memory_space<vmem>>, vector<16xi32>,
      %mul3A_1307 = arith.constant 4 : i32
      %mul3A_1308 = arith.muli %add3A_1262, %mul3A_1307 : i32
      %add3A_1309 = arith.constant 3 : i32
      %add3A_1310 = arith.addi %mul3A_1308, %add3A_1309 : i32
      %add3A_1311 = arith.constant 393216 : i32
      %add3A_1312 = vector.broadcast %add3A_1311 : i32 to vector<16xi32>
      %add3A_1313 = arith.addi %add3A_1267, %add3A_1312 : vector<16xi32>
      %mul3A_1314 = arith.constant 16 : i32
      %mul3A_1315 = arith.muli %add3A_1310, %mul3A_1314 : i32
      %swap3A_1316 = arith.index_cast %mul3A_1315 : i32 to index
      %swap3A_1317 = tpu.vector_load %arg6[%swap3A_1316] {strides = array<i32>} : memref<10496xi32, #tpu.memory_space<vmem>>, vector<16xi32>,
      %swap3A_1318 = vector.shape_cast %swap3A_1317 : vector<16xi32> to vector<16xi32>
      %swap3A_1319 = vector.shape_cast %add3A_1313 : vector<16xi32> to vector<16xi32>
      tpu.vector_store %arg6[%swap3A_1316], %swap3A_1319 {strides = array<i32>} : memref<10496xi32, #tpu.memory_space<vmem>>, vector<16xi32>,
      %mul3A_1320 = arith.constant 16 : i32
      %mul3A_1321 = arith.muli %scan3A_703, %mul3A_1320 : i32
      %add3A_1322 = arith.constant 10 : i32
      %add3A_1323 = arith.addi %mul3A_1321, %add3A_1322 : i32
      %slice3A_1324 = vector.extract_strided_slice %get3A_709 {offsets = [10], sizes = [1], strides = [1]} : vector<16xi32> to vector<1xi32>
      %squeeze3A_1325 = vector.extract %slice3A_1324[0] : i32 from vector<1xi32>
      %add3A_1326 = arith.addi %mul3A_531, %squeeze3A_1325 : i32
      %add3A_1327 = vector.broadcast %add3A_1326 : i32 to vector<16xi32>
      %add3A_1328 = arith.addi %mul3A_3, %add3A_1327 : vector<16xi32>
      %mul3A_1329 = arith.constant 4 : i32
      %mul3A_1330 = arith.muli %add3A_1323, %mul3A_1329 : i32
      %add3A_1331 = arith.constant 0 : i32
      %add3A_1332 = arith.addi %mul3A_1330, %add3A_1331 : i32
      %add3A_1333 = arith.constant 0 : i32
      %add3A_1334 = vector.broadcast %add3A_1333 : i32 to vector<16xi32>
      %add3A_1335 = arith.addi %add3A_1328, %add3A_1334 : vector<16xi32>
      %mul3A_1336 = arith.constant 16 : i32
      %mul3A_1337 = arith.muli %add3A_1332, %mul3A_1336 : i32
      %swap3A_1338 = arith.index_cast %mul3A_1337 : i32 to index
      %swap3A_1339 = tpu.vector_load %arg6[%swap3A_1338] {strides = array<i32>} : memref<10496xi32, #tpu.memory_space<vmem>>, vector<16xi32>,
      %swap3A_1340 = vector.shape_cast %swap3A_1339 : vector<16xi32> to vector<16xi32>
      %swap3A_1341 = vector.shape_cast %add3A_1335 : vector<16xi32> to vector<16xi32>
      tpu.vector_store %arg6[%swap3A_1338], %swap3A_1341 {strides = array<i32>} : memref<10496xi32, #tpu.memory_space<vmem>>, vector<16xi32>,
      %mul3A_1342 = arith.constant 4 : i32
      %mul3A_1343 = arith.muli %add3A_1323, %mul3A_1342 : i32
      %add3A_1344 = arith.constant 1 : i32
      %add3A_1345 = arith.addi %mul3A_1343, %add3A_1344 : i32
      %add3A_1346 = arith.constant 131072 : i32
      %add3A_1347 = vector.broadcast %add3A_1346 : i32 to vector<16xi32>
      %add3A_1348 = arith.addi %add3A_1328, %add3A_1347 : vector<16xi32>
      %mul3A_1349 = arith.constant 16 : i32
      %mul3A_1350 = arith.muli %add3A_1345, %mul3A_1349 : i32
      %swap3A_1351 = arith.index_cast %mul3A_1350 : i32 to index
      %swap3A_1352 = tpu.vector_load %arg6[%swap3A_1351] {strides = array<i32>} : memref<10496xi32, #tpu.memory_space<vmem>>, vector<16xi32>,
      %swap3A_1353 = vector.shape_cast %swap3A_1352 : vector<16xi32> to vector<16xi32>
      %swap3A_1354 = vector.shape_cast %add3A_1348 : vector<16xi32> to vector<16xi32>
      tpu.vector_store %arg6[%swap3A_1351], %swap3A_1354 {strides = array<i32>} : memref<10496xi32, #tpu.memory_space<vmem>>, vector<16xi32>,
      %mul3A_1355 = arith.constant 4 : i32
      %mul3A_1356 = arith.muli %add3A_1323, %mul3A_1355 : i32
      %add3A_1357 = arith.constant 2 : i32
      %add3A_1358 = arith.addi %mul3A_1356, %add3A_1357 : i32
      %add3A_1359 = arith.constant 262144 : i32
      %add3A_1360 = vector.broadcast %add3A_1359 : i32 to vector<16xi32>
      %add3A_1361 = arith.addi %add3A_1328, %add3A_1360 : vector<16xi32>
      %mul3A_1362 = arith.constant 16 : i32
      %mul3A_1363 = arith.muli %add3A_1358, %mul3A_1362 : i32
      %swap3A_1364 = arith.index_cast %mul3A_1363 : i32 to index
      %swap3A_1365 = tpu.vector_load %arg6[%swap3A_1364] {strides = array<i32>} : memref<10496xi32, #tpu.memory_space<vmem>>, vector<16xi32>,
      %swap3A_1366 = vector.shape_cast %swap3A_1365 : vector<16xi32> to vector<16xi32>
      %swap3A_1367 = vector.shape_cast %add3A_1361 : vector<16xi32> to vector<16xi32>
      tpu.vector_store %arg6[%swap3A_1364], %swap3A_1367 {strides = array<i32>} : memref<10496xi32, #tpu.memory_space<vmem>>, vector<16xi32>,
      %mul3A_1368 = arith.constant 4 : i32
      %mul3A_1369 = arith.muli %add3A_1323, %mul3A_1368 : i32
      %add3A_1370 = arith.constant 3 : i32
      %add3A_1371 = arith.addi %mul3A_1369, %add3A_1370 : i32
      %add3A_1372 = arith.constant 393216 : i32
      %add3A_1373 = vector.broadcast %add3A_1372 : i32 to vector<16xi32>
      %add3A_1374 = arith.addi %add3A_1328, %add3A_1373 : vector<16xi32>
      %mul3A_1375 = arith.constant 16 : i32
      %mul3A_1376 = arith.muli %add3A_1371, %mul3A_1375 : i32
      %swap3A_1377 = arith.index_cast %mul3A_1376 : i32 to index
      %swap3A_1378 = tpu.vector_load %arg6[%swap3A_1377] {strides = array<i32>} : memref<10496xi32, #tpu.memory_space<vmem>>, vector<16xi32>,
      %swap3A_1379 = vector.shape_cast %swap3A_1378 : vector<16xi32> to vector<16xi32>
      %swap3A_1380 = vector.shape_cast %add3A_1374 : vector<16xi32> to vector<16xi32>
      tpu.vector_store %arg6[%swap3A_1377], %swap3A_1380 {strides = array<i32>} : memref<10496xi32, #tpu.memory_space<vmem>>, vector<16xi32>,
      %mul3A_1381 = arith.constant 16 : i32
      %mul3A_1382 = arith.muli %scan3A_703, %mul3A_1381 : i32
      %add3A_1383 = arith.constant 11 : i32
      %add3A_1384 = arith.addi %mul3A_1382, %add3A_1383 : i32
      %slice3A_1385 = vector.extract_strided_slice %get3A_709 {offsets = [11], sizes = [1], strides = [1]} : vector<16xi32> to vector<1xi32>
      %squeeze3A_1386 = vector.extract %slice3A_1385[0] : i32 from vector<1xi32>
      %add3A_1387 = arith.addi %mul3A_531, %squeeze3A_1386 : i32
      %add3A_1388 = vector.broadcast %add3A_1387 : i32 to vector<16xi32>
      %add3A_1389 = arith.addi %mul3A_3, %add3A_1388 : vector<16xi32>
      %mul3A_1390 = arith.constant 4 : i32
      %mul3A_1391 = arith.muli %add3A_1384, %mul3A_1390 : i32
      %add3A_1392 = arith.constant 0 : i32
      %add3A_1393 = arith.addi %mul3A_1391, %add3A_1392 : i32
      %add3A_1394 = arith.constant 0 : i32
      %add3A_1395 = vector.broadcast %add3A_1394 : i32 to vector<16xi32>
      %add3A_1396 = arith.addi %add3A_1389, %add3A_1395 : vector<16xi32>
      %mul3A_1397 = arith.constant 16 : i32
      %mul3A_1398 = arith.muli %add3A_1393, %mul3A_1397 : i32
      %swap3A_1399 = arith.index_cast %mul3A_1398 : i32 to index
      %swap3A_1400 = tpu.vector_load %arg6[%swap3A_1399] {strides = array<i32>} : memref<10496xi32, #tpu.memory_space<vmem>>, vector<16xi32>,
      %swap3A_1401 = vector.shape_cast %swap3A_1400 : vector<16xi32> to vector<16xi32>
      %swap3A_1402 = vector.shape_cast %add3A_1396 : vector<16xi32> to vector<16xi32>
      tpu.vector_store %arg6[%swap3A_1399], %swap3A_1402 {strides = array<i32>} : memref<10496xi32, #tpu.memory_space<vmem>>, vector<16xi32>,
      %mul3A_1403 = arith.constant 4 : i32
      %mul3A_1404 = arith.muli %add3A_1384, %mul3A_1403 : i32
      %add3A_1405 = arith.constant 1 : i32
      %add3A_1406 = arith.addi %mul3A_1404, %add3A_1405 : i32
      %add3A_1407 = arith.constant 131072 : i32
      %add3A_1408 = vector.broadcast %add3A_1407 : i32 to vector<16xi32>
      %add3A_1409 = arith.addi %add3A_1389, %add3A_1408 : vector<16xi32>
      %mul3A_1410 = arith.constant 16 : i32
      %mul3A_1411 = arith.muli %add3A_1406, %mul3A_1410 : i32
      %swap3A_1412 = arith.index_cast %mul3A_1411 : i32 to index
      %swap3A_1413 = tpu.vector_load %arg6[%swap3A_1412] {strides = array<i32>} : memref<10496xi32, #tpu.memory_space<vmem>>, vector<16xi32>,
      %swap3A_1414 = vector.shape_cast %swap3A_1413 : vector<16xi32> to vector<16xi32>
      %swap3A_1415 = vector.shape_cast %add3A_1409 : vector<16xi32> to vector<16xi32>
      tpu.vector_store %arg6[%swap3A_1412], %swap3A_1415 {strides = array<i32>} : memref<10496xi32, #tpu.memory_space<vmem>>, vector<16xi32>,
      %mul3A_1416 = arith.constant 4 : i32
      %mul3A_1417 = arith.muli %add3A_1384, %mul3A_1416 : i32
      %add3A_1418 = arith.constant 2 : i32
      %add3A_1419 = arith.addi %mul3A_1417, %add3A_1418 : i32
      %add3A_1420 = arith.constant 262144 : i32
      %add3A_1421 = vector.broadcast %add3A_1420 : i32 to vector<16xi32>
      %add3A_1422 = arith.addi %add3A_1389, %add3A_1421 : vector<16xi32>
      %mul3A_1423 = arith.constant 16 : i32
      %mul3A_1424 = arith.muli %add3A_1419, %mul3A_1423 : i32
      %swap3A_1425 = arith.index_cast %mul3A_1424 : i32 to index
      %swap3A_1426 = tpu.vector_load %arg6[%swap3A_1425] {strides = array<i32>} : memref<10496xi32, #tpu.memory_space<vmem>>, vector<16xi32>,
      %swap3A_1427 = vector.shape_cast %swap3A_1426 : vector<16xi32> to vector<16xi32>
      %swap3A_1428 = vector.shape_cast %add3A_1422 : vector<16xi32> to vector<16xi32>
      tpu.vector_store %arg6[%swap3A_1425], %swap3A_1428 {strides = array<i32>} : memref<10496xi32, #tpu.memory_space<vmem>>, vector<16xi32>,
      %mul3A_1429 = arith.constant 4 : i32
      %mul3A_1430 = arith.muli %add3A_1384, %mul3A_1429 : i32
      %add3A_1431 = arith.constant 3 : i32
      %add3A_1432 = arith.addi %mul3A_1430, %add3A_1431 : i32
      %add3A_1433 = arith.constant 393216 : i32
      %add3A_1434 = vector.broadcast %add3A_1433 : i32 to vector<16xi32>
      %add3A_1435 = arith.addi %add3A_1389, %add3A_1434 : vector<16xi32>
      %mul3A_1436 = arith.constant 16 : i32
      %mul3A_1437 = arith.muli %add3A_1432, %mul3A_1436 : i32
      %swap3A_1438 = arith.index_cast %mul3A_1437 : i32 to index
      %swap3A_1439 = tpu.vector_load %arg6[%swap3A_1438] {strides = array<i32>} : memref<10496xi32, #tpu.memory_space<vmem>>, vector<16xi32>,
      %swap3A_1440 = vector.shape_cast %swap3A_1439 : vector<16xi32> to vector<16xi32>
      %swap3A_1441 = vector.shape_cast %add3A_1435 : vector<16xi32> to vector<16xi32>
      tpu.vector_store %arg6[%swap3A_1438], %swap3A_1441 {strides = array<i32>} : memref<10496xi32, #tpu.memory_space<vmem>>, vector<16xi32>,
      %mul3A_1442 = arith.constant 16 : i32
      %mul3A_1443 = arith.muli %scan3A_703, %mul3A_1442 : i32
      %add3A_1444 = arith.constant 12 : i32
      %add3A_1445 = arith.addi %mul3A_1443, %add3A_1444 : i32
      %slice3A_1446 = vector.extract_strided_slice %get3A_709 {offsets = [12], sizes = [1], strides = [1]} : vector<16xi32> to vector<1xi32>
      %squeeze3A_1447 = vector.extract %slice3A_1446[0] : i32 from vector<1xi32>
      %add3A_1448 = arith.addi %mul3A_531, %squeeze3A_1447 : i32
      %add3A_1449 = vector.broadcast %add3A_1448 : i32 to vector<16xi32>
      %add3A_1450 = arith.addi %mul3A_3, %add3A_1449 : vector<16xi32>
      %mul3A_1451 = arith.constant 4 : i32
      %mul3A_1452 = arith.muli %add3A_1445, %mul3A_1451 : i32
      %add3A_1453 = arith.constant 0 : i32
      %add3A_1454 = arith.addi %mul3A_1452, %add3A_1453 : i32
      %add3A_1455 = arith.constant 0 : i32
      %add3A_1456 = vector.broadcast %add3A_1455 : i32 to vector<16xi32>
      %add3A_1457 = arith.addi %add3A_1450, %add3A_1456 : vector<16xi32>
      %mul3A_1458 = arith.constant 16 : i32
      %mul3A_1459 = arith.muli %add3A_1454, %mul3A_1458 : i32
      %swap3A_1460 = arith.index_cast %mul3A_1459 : i32 to index
      %swap3A_1461 = tpu.vector_load %arg6[%swap3A_1460] {strides = array<i32>} : memref<10496xi32, #tpu.memory_space<vmem>>, vector<16xi32>,
      %swap3A_1462 = vector.shape_cast %swap3A_1461 : vector<16xi32> to vector<16xi32>
      %swap3A_1463 = vector.shape_cast %add3A_1457 : vector<16xi32> to vector<16xi32>
      tpu.vector_store %arg6[%swap3A_1460], %swap3A_1463 {strides = array<i32>} : memref<10496xi32, #tpu.memory_space<vmem>>, vector<16xi32>,
      %mul3A_1464 = arith.constant 4 : i32
      %mul3A_1465 = arith.muli %add3A_1445, %mul3A_1464 : i32
      %add3A_1466 = arith.constant 1 : i32
      %add3A_1467 = arith.addi %mul3A_1465, %add3A_1466 : i32
      %add3A_1468 = arith.constant 131072 : i32
      %add3A_1469 = vector.broadcast %add3A_1468 : i32 to vector<16xi32>
      %add3A_1470 = arith.addi %add3A_1450, %add3A_1469 : vector<16xi32>
      %mul3A_1471 = arith.constant 16 : i32
      %mul3A_1472 = arith.muli %add3A_1467, %mul3A_1471 : i32
      %swap3A_1473 = arith.index_cast %mul3A_1472 : i32 to index
      %swap3A_1474 = tpu.vector_load %arg6[%swap3A_1473] {strides = array<i32>} : memref<10496xi32, #tpu.memory_space<vmem>>, vector<16xi32>,
      %swap3A_1475 = vector.shape_cast %swap3A_1474 : vector<16xi32> to vector<16xi32>
      %swap3A_1476 = vector.shape_cast %add3A_1470 : vector<16xi32> to vector<16xi32>
      tpu.vector_store %arg6[%swap3A_1473], %swap3A_1476 {strides = array<i32>} : memref<10496xi32, #tpu.memory_space<vmem>>, vector<16xi32>,
      %mul3A_1477 = arith.constant 4 : i32
      %mul3A_1478 = arith.muli %add3A_1445, %mul3A_1477 : i32
      %add3A_1479 = arith.constant 2 : i32
      %add3A_1480 = arith.addi %mul3A_1478, %add3A_1479 : i32
      %add3A_1481 = arith.constant 262144 : i32
      %add3A_1482 = vector.broadcast %add3A_1481 : i32 to vector<16xi32>
      %add3A_1483 = arith.addi %add3A_1450, %add3A_1482 : vector<16xi32>
      %mul3A_1484 = arith.constant 16 : i32
      %mul3A_1485 = arith.muli %add3A_1480, %mul3A_1484 : i32
      %swap3A_1486 = arith.index_cast %mul3A_1485 : i32 to index
      %swap3A_1487 = tpu.vector_load %arg6[%swap3A_1486] {strides = array<i32>} : memref<10496xi32, #tpu.memory_space<vmem>>, vector<16xi32>,
      %swap3A_1488 = vector.shape_cast %swap3A_1487 : vector<16xi32> to vector<16xi32>
      %swap3A_1489 = vector.shape_cast %add3A_1483 : vector<16xi32> to vector<16xi32>
      tpu.vector_store %arg6[%swap3A_1486], %swap3A_1489 {strides = array<i32>} : memref<10496xi32, #tpu.memory_space<vmem>>, vector<16xi32>,
      %mul3A_1490 = arith.constant 4 : i32
      %mul3A_1491 = arith.muli %add3A_1445, %mul3A_1490 : i32
      %add3A_1492 = arith.constant 3 : i32
      %add3A_1493 = arith.addi %mul3A_1491, %add3A_1492 : i32
      %add3A_1494 = arith.constant 393216 : i32
      %add3A_1495 = vector.broadcast %add3A_1494 : i32 to vector<16xi32>
      %add3A_1496 = arith.addi %add3A_1450, %add3A_1495 : vector<16xi32>
      %mul3A_1497 = arith.constant 16 : i32
      %mul3A_1498 = arith.muli %add3A_1493, %mul3A_1497 : i32
      %swap3A_1499 = arith.index_cast %mul3A_1498 : i32 to index
      %swap3A_1500 = tpu.vector_load %arg6[%swap3A_1499] {strides = array<i32>} : memref<10496xi32, #tpu.memory_space<vmem>>, vector<16xi32>,
      %swap3A_1501 = vector.shape_cast %swap3A_1500 : vector<16xi32> to vector<16xi32>
      %swap3A_1502 = vector.shape_cast %add3A_1496 : vector<16xi32> to vector<16xi32>
      tpu.vector_store %arg6[%swap3A_1499], %swap3A_1502 {strides = array<i32>} : memref<10496xi32, #tpu.memory_space<vmem>>, vector<16xi32>,
      %mul3A_1503 = arith.constant 16 : i32
      %mul3A_1504 = arith.muli %scan3A_703, %mul3A_1503 : i32
      %add3A_1505 = arith.constant 13 : i32
      %add3A_1506 = arith.addi %mul3A_1504, %add3A_1505 : i32
      %slice3A_1507 = vector.extract_strided_slice %get3A_709 {offsets = [13], sizes = [1], strides = [1]} : vector<16xi32> to vector<1xi32>
      %squeeze3A_1508 = vector.extract %slice3A_1507[0] : i32 from vector<1xi32>
      %add3A_1509 = arith.addi %mul3A_531, %squeeze3A_1508 : i32
      %add3A_1510 = vector.broadcast %add3A_1509 : i32 to vector<16xi32>
      %add3A_1511 = arith.addi %mul3A_3, %add3A_1510 : vector<16xi32>
      %mul3A_1512 = arith.constant 4 : i32
      %mul3A_1513 = arith.muli %add3A_1506, %mul3A_1512 : i32
      %add3A_1514 = arith.constant 0 : i32
      %add3A_1515 = arith.addi %mul3A_1513, %add3A_1514 : i32
      %add3A_1516 = arith.constant 0 : i32
      %add3A_1517 = vector.broadcast %add3A_1516 : i32 to vector<16xi32>
      %add3A_1518 = arith.addi %add3A_1511, %add3A_1517 : vector<16xi32>
      %mul3A_1519 = arith.constant 16 : i32
      %mul3A_1520 = arith.muli %add3A_1515, %mul3A_1519 : i32
      %swap3A_1521 = arith.index_cast %mul3A_1520 : i32 to index
      %swap3A_1522 = tpu.vector_load %arg6[%swap3A_1521] {strides = array<i32>} : memref<10496xi32, #tpu.memory_space<vmem>>, vector<16xi32>,
      %swap3A_1523 = vector.shape_cast %swap3A_1522 : vector<16xi32> to vector<16xi32>
      %swap3A_1524 = vector.shape_cast %add3A_1518 : vector<16xi32> to vector<16xi32>
      tpu.vector_store %arg6[%swap3A_1521], %swap3A_1524 {strides = array<i32>} : memref<10496xi32, #tpu.memory_space<vmem>>, vector<16xi32>,
      %mul3A_1525 = arith.constant 4 : i32
      %mul3A_1526 = arith.muli %add3A_1506, %mul3A_1525 : i32
      %add3A_1527 = arith.constant 1 : i32
      %add3A_1528 = arith.addi %mul3A_1526, %add3A_1527 : i32
      %add3A_1529 = arith.constant 131072 : i32
      %add3A_1530 = vector.broadcast %add3A_1529 : i32 to vector<16xi32>
      %add3A_1531 = arith.addi %add3A_1511, %add3A_1530 : vector<16xi32>
      %mul3A_1532 = arith.constant 16 : i32
      %mul3A_1533 = arith.muli %add3A_1528, %mul3A_1532 : i32
      %swap3A_1534 = arith.index_cast %mul3A_1533 : i32 to index
      %swap3A_1535 = tpu.vector_load %arg6[%swap3A_1534] {strides = array<i32>} : memref<10496xi32, #tpu.memory_space<vmem>>, vector<16xi32>,
      %swap3A_1536 = vector.shape_cast %swap3A_1535 : vector<16xi32> to vector<16xi32>
      %swap3A_1537 = vector.shape_cast %add3A_1531 : vector<16xi32> to vector<16xi32>
      tpu.vector_store %arg6[%swap3A_1534], %swap3A_1537 {strides = array<i32>} : memref<10496xi32, #tpu.memory_space<vmem>>, vector<16xi32>,
      %mul3A_1538 = arith.constant 4 : i32
      %mul3A_1539 = arith.muli %add3A_1506, %mul3A_1538 : i32
      %add3A_1540 = arith.constant 2 : i32
      %add3A_1541 = arith.addi %mul3A_1539, %add3A_1540 : i32
      %add3A_1542 = arith.constant 262144 : i32
      %add3A_1543 = vector.broadcast %add3A_1542 : i32 to vector<16xi32>
      %add3A_1544 = arith.addi %add3A_1511, %add3A_1543 : vector<16xi32>
      %mul3A_1545 = arith.constant 16 : i32
      %mul3A_1546 = arith.muli %add3A_1541, %mul3A_1545 : i32
      %swap3A_1547 = arith.index_cast %mul3A_1546 : i32 to index
      %swap3A_1548 = tpu.vector_load %arg6[%swap3A_1547] {strides = array<i32>} : memref<10496xi32, #tpu.memory_space<vmem>>, vector<16xi32>,
      %swap3A_1549 = vector.shape_cast %swap3A_1548 : vector<16xi32> to vector<16xi32>
      %swap3A_1550 = vector.shape_cast %add3A_1544 : vector<16xi32> to vector<16xi32>
      tpu.vector_store %arg6[%swap3A_1547], %swap3A_1550 {strides = array<i32>} : memref<10496xi32, #tpu.memory_space<vmem>>, vector<16xi32>,
      %mul3A_1551 = arith.constant 4 : i32
      %mul3A_1552 = arith.muli %add3A_1506, %mul3A_1551 : i32
      %add3A_1553 = arith.constant 3 : i32
      %add3A_1554 = arith.addi %mul3A_1552, %add3A_1553 : i32
      %add3A_1555 = arith.constant 393216 : i32
      %add3A_1556 = vector.broadcast %add3A_1555 : i32 to vector<16xi32>
      %add3A_1557 = arith.addi %add3A_1511, %add3A_1556 : vector<16xi32>
      %mul3A_1558 = arith.constant 16 : i32
      %mul3A_1559 = arith.muli %add3A_1554, %mul3A_1558 : i32
      %swap3A_1560 = arith.index_cast %mul3A_1559 : i32 to index
      %swap3A_1561 = tpu.vector_load %arg6[%swap3A_1560] {strides = array<i32>} : memref<10496xi32, #tpu.memory_space<vmem>>, vector<16xi32>,
      %swap3A_1562 = vector.shape_cast %swap3A_1561 : vector<16xi32> to vector<16xi32>
      %swap3A_1563 = vector.shape_cast %add3A_1557 : vector<16xi32> to vector<16xi32>
      tpu.vector_store %arg6[%swap3A_1560], %swap3A_1563 {strides = array<i32>} : memref<10496xi32, #tpu.memory_space<vmem>>, vector<16xi32>,
      %mul3A_1564 = arith.constant 16 : i32
      %mul3A_1565 = arith.muli %scan3A_703, %mul3A_1564 : i32
      %add3A_1566 = arith.constant 14 : i32
      %add3A_1567 = arith.addi %mul3A_1565, %add3A_1566 : i32
      %slice3A_1568 = vector.extract_strided_slice %get3A_709 {offsets = [14], sizes = [1], strides = [1]} : vector<16xi32> to vector<1xi32>
      %squeeze3A_1569 = vector.extract %slice3A_1568[0] : i32 from vector<1xi32>
      %add3A_1570 = arith.addi %mul3A_531, %squeeze3A_1569 : i32
      %add3A_1571 = vector.broadcast %add3A_1570 : i32 to vector<16xi32>
      %add3A_1572 = arith.addi %mul3A_3, %add3A_1571 : vector<16xi32>
      %mul3A_1573 = arith.constant 4 : i32
      %mul3A_1574 = arith.muli %add3A_1567, %mul3A_1573 : i32
      %add3A_1575 = arith.constant 0 : i32
      %add3A_1576 = arith.addi %mul3A_1574, %add3A_1575 : i32
      %add3A_1577 = arith.constant 0 : i32
      %add3A_1578 = vector.broadcast %add3A_1577 : i32 to vector<16xi32>
      %add3A_1579 = arith.addi %add3A_1572, %add3A_1578 : vector<16xi32>
      %mul3A_1580 = arith.constant 16 : i32
      %mul3A_1581 = arith.muli %add3A_1576, %mul3A_1580 : i32
      %swap3A_1582 = arith.index_cast %mul3A_1581 : i32 to index
      %swap3A_1583 = tpu.vector_load %arg6[%swap3A_1582] {strides = array<i32>} : memref<10496xi32, #tpu.memory_space<vmem>>, vector<16xi32>,
      %swap3A_1584 = vector.shape_cast %swap3A_1583 : vector<16xi32> to vector<16xi32>
      %swap3A_1585 = vector.shape_cast %add3A_1579 : vector<16xi32> to vector<16xi32>
      tpu.vector_store %arg6[%swap3A_1582], %swap3A_1585 {strides = array<i32>} : memref<10496xi32, #tpu.memory_space<vmem>>, vector<16xi32>,
      %mul3A_1586 = arith.constant 4 : i32
      %mul3A_1587 = arith.muli %add3A_1567, %mul3A_1586 : i32
      %add3A_1588 = arith.constant 1 : i32
      %add3A_1589 = arith.addi %mul3A_1587, %add3A_1588 : i32
      %add3A_1590 = arith.constant 131072 : i32
      %add3A_1591 = vector.broadcast %add3A_1590 : i32 to vector<16xi32>
      %add3A_1592 = arith.addi %add3A_1572, %add3A_1591 : vector<16xi32>
      %mul3A_1593 = arith.constant 16 : i32
      %mul3A_1594 = arith.muli %add3A_1589, %mul3A_1593 : i32
      %swap3A_1595 = arith.index_cast %mul3A_1594 : i32 to index
      %swap3A_1596 = tpu.vector_load %arg6[%swap3A_1595] {strides = array<i32>} : memref<10496xi32, #tpu.memory_space<vmem>>, vector<16xi32>,
      %swap3A_1597 = vector.shape_cast %swap3A_1596 : vector<16xi32> to vector<16xi32>
      %swap3A_1598 = vector.shape_cast %add3A_1592 : vector<16xi32> to vector<16xi32>
      tpu.vector_store %arg6[%swap3A_1595], %swap3A_1598 {strides = array<i32>} : memref<10496xi32, #tpu.memory_space<vmem>>, vector<16xi32>,
      %mul3A_1599 = arith.constant 4 : i32
      %mul3A_1600 = arith.muli %add3A_1567, %mul3A_1599 : i32
      %add3A_1601 = arith.constant 2 : i32
      %add3A_1602 = arith.addi %mul3A_1600, %add3A_1601 : i32
      %add3A_1603 = arith.constant 262144 : i32
      %add3A_1604 = vector.broadcast %add3A_1603 : i32 to vector<16xi32>
      %add3A_1605 = arith.addi %add3A_1572, %add3A_1604 : vector<16xi32>
      %mul3A_1606 = arith.constant 16 : i32
      %mul3A_1607 = arith.muli %add3A_1602, %mul3A_1606 : i32
      %swap3A_1608 = arith.index_cast %mul3A_1607 : i32 to index
      %swap3A_1609 = tpu.vector_load %arg6[%swap3A_1608] {strides = array<i32>} : memref<10496xi32, #tpu.memory_space<vmem>>, vector<16xi32>,
      %swap3A_1610 = vector.shape_cast %swap3A_1609 : vector<16xi32> to vector<16xi32>
      %swap3A_1611 = vector.shape_cast %add3A_1605 : vector<16xi32> to vector<16xi32>
      tpu.vector_store %arg6[%swap3A_1608], %swap3A_1611 {strides = array<i32>} : memref<10496xi32, #tpu.memory_space<vmem>>, vector<16xi32>,
      %mul3A_1612 = arith.constant 4 : i32
      %mul3A_1613 = arith.muli %add3A_1567, %mul3A_1612 : i32
      %add3A_1614 = arith.constant 3 : i32
      %add3A_1615 = arith.addi %mul3A_1613, %add3A_1614 : i32
      %add3A_1616 = arith.constant 393216 : i32
      %add3A_1617 = vector.broadcast %add3A_1616 : i32 to vector<16xi32>
      %add3A_1618 = arith.addi %add3A_1572, %add3A_1617 : vector<16xi32>
      %mul3A_1619 = arith.constant 16 : i32
      %mul3A_1620 = arith.muli %add3A_1615, %mul3A_1619 : i32
      %swap3A_1621 = arith.index_cast %mul3A_1620 : i32 to index
      %swap3A_1622 = tpu.vector_load %arg6[%swap3A_1621] {strides = array<i32>} : memref<10496xi32, #tpu.memory_space<vmem>>, vector<16xi32>,
      %swap3A_1623 = vector.shape_cast %swap3A_1622 : vector<16xi32> to vector<16xi32>
      %swap3A_1624 = vector.shape_cast %add3A_1618 : vector<16xi32> to vector<16xi32>
      tpu.vector_store %arg6[%swap3A_1621], %swap3A_1624 {strides = array<i32>} : memref<10496xi32, #tpu.memory_space<vmem>>, vector<16xi32>,
      %mul3A_1625 = arith.constant 16 : i32
      %mul3A_1626 = arith.muli %scan3A_703, %mul3A_1625 : i32
      %add3A_1627 = arith.constant 15 : i32
      %add3A_1628 = arith.addi %mul3A_1626, %add3A_1627 : i32
      %slice3A_1629 = vector.extract_strided_slice %get3A_709 {offsets = [15], sizes = [1], strides = [1]} : vector<16xi32> to vector<1xi32>
      %squeeze3A_1630 = vector.extract %slice3A_1629[0] : i32 from vector<1xi32>
      %add3A_1631 = arith.addi %mul3A_531, %squeeze3A_1630 : i32
      %add3A_1632 = vector.broadcast %add3A_1631 : i32 to vector<16xi32>
      %add3A_1633 = arith.addi %mul3A_3, %add3A_1632 : vector<16xi32>
      %mul3A_1634 = arith.constant 4 : i32
      %mul3A_1635 = arith.muli %add3A_1628, %mul3A_1634 : i32
      %add3A_1636 = arith.constant 0 : i32
      %add3A_1637 = arith.addi %mul3A_1635, %add3A_1636 : i32
      %add3A_1638 = arith.constant 0 : i32
      %add3A_1639 = vector.broadcast %add3A_1638 : i32 to vector<16xi32>
      %add3A_1640 = arith.addi %add3A_1633, %add3A_1639 : vector<16xi32>
      %mul3A_1641 = arith.constant 16 : i32
      %mul3A_1642 = arith.muli %add3A_1637, %mul3A_1641 : i32
      %swap3A_1643 = arith.index_cast %mul3A_1642 : i32 to index
      %swap3A_1644 = tpu.vector_load %arg6[%swap3A_1643] {strides = array<i32>} : memref<10496xi32, #tpu.memory_space<vmem>>, vector<16xi32>,
      %swap3A_1645 = vector.shape_cast %swap3A_1644 : vector<16xi32> to vector<16xi32>
      %swap3A_1646 = vector.shape_cast %add3A_1640 : vector<16xi32> to vector<16xi32>
      tpu.vector_store %arg6[%swap3A_1643], %swap3A_1646 {strides = array<i32>} : memref<10496xi32, #tpu.memory_space<vmem>>, vector<16xi32>,
      %mul3A_1647 = arith.constant 4 : i32
      %mul3A_1648 = arith.muli %add3A_1628, %mul3A_1647 : i32
      %add3A_1649 = arith.constant 1 : i32
      %add3A_1650 = arith.addi %mul3A_1648, %add3A_1649 : i32
      %add3A_1651 = arith.constant 131072 : i32
      %add3A_1652 = vector.broadcast %add3A_1651 : i32 to vector<16xi32>
      %add3A_1653 = arith.addi %add3A_1633, %add3A_1652 : vector<16xi32>
      %mul3A_1654 = arith.constant 16 : i32
      %mul3A_1655 = arith.muli %add3A_1650, %mul3A_1654 : i32
      %swap3A_1656 = arith.index_cast %mul3A_1655 : i32 to index
      %swap3A_1657 = tpu.vector_load %arg6[%swap3A_1656] {strides = array<i32>} : memref<10496xi32, #tpu.memory_space<vmem>>, vector<16xi32>,
      %swap3A_1658 = vector.shape_cast %swap3A_1657 : vector<16xi32> to vector<16xi32>
      %swap3A_1659 = vector.shape_cast %add3A_1653 : vector<16xi32> to vector<16xi32>
      tpu.vector_store %arg6[%swap3A_1656], %swap3A_1659 {strides = array<i32>} : memref<10496xi32, #tpu.memory_space<vmem>>, vector<16xi32>,
      %mul3A_1660 = arith.constant 4 : i32
      %mul3A_1661 = arith.muli %add3A_1628, %mul3A_1660 : i32
      %add3A_1662 = arith.constant 2 : i32
      %add3A_1663 = arith.addi %mul3A_1661, %add3A_1662 : i32
      %add3A_1664 = arith.constant 262144 : i32
      %add3A_1665 = vector.broadcast %add3A_1664 : i32 to vector<16xi32>
      %add3A_1666 = arith.addi %add3A_1633, %add3A_1665 : vector<16xi32>
      %mul3A_1667 = arith.constant 16 : i32
      %mul3A_1668 = arith.muli %add3A_1663, %mul3A_1667 : i32
      %swap3A_1669 = arith.index_cast %mul3A_1668 : i32 to index
      %swap3A_1670 = tpu.vector_load %arg6[%swap3A_1669] {strides = array<i32>} : memref<10496xi32, #tpu.memory_space<vmem>>, vector<16xi32>,
      %swap3A_1671 = vector.shape_cast %swap3A_1670 : vector<16xi32> to vector<16xi32>
      %swap3A_1672 = vector.shape_cast %add3A_1666 : vector<16xi32> to vector<16xi32>
      tpu.vector_store %arg6[%swap3A_1669], %swap3A_1672 {strides = array<i32>} : memref<10496xi32, #tpu.memory_space<vmem>>, vector<16xi32>,
      %mul3A_1673 = arith.constant 4 : i32
      %mul3A_1674 = arith.muli %add3A_1628, %mul3A_1673 : i32
      %add3A_1675 = arith.constant 3 : i32
      %add3A_1676 = arith.addi %mul3A_1674, %add3A_1675 : i32
      %add3A_1677 = arith.constant 393216 : i32
      %add3A_1678 = vector.broadcast %add3A_1677 : i32 to vector<16xi32>
      %add3A_1679 = arith.addi %add3A_1633, %add3A_1678 : vector<16xi32>
      %mul3A_1680 = arith.constant 16 : i32
      %mul3A_1681 = arith.muli %add3A_1676, %mul3A_1680 : i32
      %swap3A_1682 = arith.index_cast %mul3A_1681 : i32 to index
      %swap3A_1683 = tpu.vector_load %arg6[%swap3A_1682] {strides = array<i32>} : memref<10496xi32, #tpu.memory_space<vmem>>, vector<16xi32>,
      %swap3A_1684 = vector.shape_cast %swap3A_1683 : vector<16xi32> to vector<16xi32>
      %swap3A_1685 = vector.shape_cast %add3A_1679 : vector<16xi32> to vector<16xi32>
      tpu.vector_store %arg6[%swap3A_1682], %swap3A_1685 {strides = array<i32>} : memref<10496xi32, #tpu.memory_space<vmem>>, vector<16xi32>,
      %scan3A_1686 = arith.constant 0 : i32
      scf.yield %scan3A_1686 : i32
    }
    %scan3A_539 = arith.constant 10 : i32
    %get3A_540 = arith.constant 160 : index
    %get3A_541 = tpu.vector_load %arg5[%get3A_540] {strides = array<i32>} : memref<256xi32, #tpu.memory_space<vmem>>, vector<16xi32>,
    %get3A_542 = vector.shape_cast %get3A_541 : vector<16xi32> to vector<16xi32>
    %slice3A_543 = vector.extract_strided_slice %get3A_542 {offsets = [0], sizes = [1], strides = [1]} : vector<16xi32> to vector<1xi32>
    %squeeze3A_544 = vector.extract %slice3A_543[0] : i32 from vector<1xi32>
    %add3A_545 = arith.addi %mul3A_531, %squeeze3A_544 : i32
    %add3A_546 = vector.broadcast %add3A_545 : i32 to vector<16xi32>
    %add3A_547 = arith.addi %mul3A_3, %add3A_546 : vector<16xi32>
    %add3A_548 = arith.constant 0 : i32
    %add3A_549 = vector.broadcast %add3A_548 : i32 to vector<16xi32>
    %add3A_550 = arith.addi %add3A_547, %add3A_549 : vector<16xi32>
    %swap3A_551 = arith.constant 10240 : index
    %swap3A_552 = tpu.vector_load %arg6[%swap3A_551] {strides = array<i32>} : memref<10496xi32, #tpu.memory_space<vmem>>, vector<16xi32>,
    %swap3A_553 = vector.shape_cast %swap3A_552 : vector<16xi32> to vector<16xi32>
    %swap3A_554 = vector.shape_cast %add3A_550 : vector<16xi32> to vector<16xi32>
    tpu.vector_store %arg6[%swap3A_551], %swap3A_554 {strides = array<i32>} : memref<10496xi32, #tpu.memory_space<vmem>>, vector<16xi32>,
    %add3A_555 = arith.constant 131072 : i32
    %add3A_556 = vector.broadcast %add3A_555 : i32 to vector<16xi32>
    %add3A_557 = arith.addi %add3A_547, %add3A_556 : vector<16xi32>
    %swap3A_558 = arith.constant 10256 : index
    %swap3A_559 = tpu.vector_load %arg6[%swap3A_558] {strides = array<i32>} : memref<10496xi32, #tpu.memory_space<vmem>>, vector<16xi32>,
    %swap3A_560 = vector.shape_cast %swap3A_559 : vector<16xi32> to vector<16xi32>
    %swap3A_561 = vector.shape_cast %add3A_557 : vector<16xi32> to vector<16xi32>
    tpu.vector_store %arg6[%swap3A_558], %swap3A_561 {strides = array<i32>} : memref<10496xi32, #tpu.memory_space<vmem>>, vector<16xi32>,
    %add3A_562 = arith.constant 262144 : i32
    %add3A_563 = vector.broadcast %add3A_562 : i32 to vector<16xi32>
    %add3A_564 = arith.addi %add3A_547, %add3A_563 : vector<16xi32>
    %swap3A_565 = arith.constant 10272 : index
    %swap3A_566 = tpu.vector_load %arg6[%swap3A_565] {strides = array<i32>} : memref<10496xi32, #tpu.memory_space<vmem>>, vector<16xi32>,
    %swap3A_567 = vector.shape_cast %swap3A_566 : vector<16xi32> to vector<16xi32>
    %swap3A_568 = vector.shape_cast %add3A_564 : vector<16xi32> to vector<16xi32>
    tpu.vector_store %arg6[%swap3A_565], %swap3A_568 {strides = array<i32>} : memref<10496xi32, #tpu.memory_space<vmem>>, vector<16xi32>,
    %add3A_569 = arith.constant 393216 : i32
    %add3A_570 = vector.broadcast %add3A_569 : i32 to vector<16xi32>
    %add3A_571 = arith.addi %add3A_547, %add3A_570 : vector<16xi32>
    %swap3A_572 = arith.constant 10288 : index
    %swap3A_573 = tpu.vector_load %arg6[%swap3A_572] {strides = array<i32>} : memref<10496xi32, #tpu.memory_space<vmem>>, vector<16xi32>,
    %swap3A_574 = vector.shape_cast %swap3A_573 : vector<16xi32> to vector<16xi32>
    %swap3A_575 = vector.shape_cast %add3A_571 : vector<16xi32> to vector<16xi32>
    tpu.vector_store %arg6[%swap3A_572], %swap3A_575 {strides = array<i32>} : memref<10496xi32, #tpu.memory_space<vmem>>, vector<16xi32>,
    %slice3A_576 = vector.extract_strided_slice %get3A_542 {offsets = [1], sizes = [1], strides = [1]} : vector<16xi32> to vector<1xi32>
    %squeeze3A_577 = vector.extract %slice3A_576[0] : i32 from vector<1xi32>
    %add3A_578 = arith.addi %mul3A_531, %squeeze3A_577 : i32
    %add3A_579 = vector.broadcast %add3A_578 : i32 to vector<16xi32>
    %add3A_580 = arith.addi %mul3A_3, %add3A_579 : vector<16xi32>
    %add3A_581 = arith.constant 0 : i32
    %add3A_582 = vector.broadcast %add3A_581 : i32 to vector<16xi32>
    %add3A_583 = arith.addi %add3A_580, %add3A_582 : vector<16xi32>
    %swap3A_584 = arith.constant 10304 : index
    %swap3A_585 = tpu.vector_load %arg6[%swap3A_584] {strides = array<i32>} : memref<10496xi32, #tpu.memory_space<vmem>>, vector<16xi32>,
    %swap3A_586 = vector.shape_cast %swap3A_585 : vector<16xi32> to vector<16xi32>
    %swap3A_587 = vector.shape_cast %add3A_583 : vector<16xi32> to vector<16xi32>
    tpu.vector_store %arg6[%swap3A_584], %swap3A_587 {strides = array<i32>} : memref<10496xi32, #tpu.memory_space<vmem>>, vector<16xi32>,
    %add3A_588 = arith.constant 131072 : i32
    %add3A_589 = vector.broadcast %add3A_588 : i32 to vector<16xi32>
    %add3A_590 = arith.addi %add3A_580, %add3A_589 : vector<16xi32>
    %swap3A_591 = arith.constant 10320 : index
    %swap3A_592 = tpu.vector_load %arg6[%swap3A_591] {strides = array<i32>} : memref<10496xi32, #tpu.memory_space<vmem>>, vector<16xi32>,
    %swap3A_593 = vector.shape_cast %swap3A_592 : vector<16xi32> to vector<16xi32>
    %swap3A_594 = vector.shape_cast %add3A_590 : vector<16xi32> to vector<16xi32>
    tpu.vector_store %arg6[%swap3A_591], %swap3A_594 {strides = array<i32>} : memref<10496xi32, #tpu.memory_space<vmem>>, vector<16xi32>,
    %add3A_595 = arith.constant 262144 : i32
    %add3A_596 = vector.broadcast %add3A_595 : i32 to vector<16xi32>
    %add3A_597 = arith.addi %add3A_580, %add3A_596 : vector<16xi32>
    %swap3A_598 = arith.constant 10336 : index
    %swap3A_599 = tpu.vector_load %arg6[%swap3A_598] {strides = array<i32>} : memref<10496xi32, #tpu.memory_space<vmem>>, vector<16xi32>,
    %swap3A_600 = vector.shape_cast %swap3A_599 : vector<16xi32> to vector<16xi32>
    %swap3A_601 = vector.shape_cast %add3A_597 : vector<16xi32> to vector<16xi32>
    tpu.vector_store %arg6[%swap3A_598], %swap3A_601 {strides = array<i32>} : memref<10496xi32, #tpu.memory_space<vmem>>, vector<16xi32>,
    %add3A_602 = arith.constant 393216 : i32
    %add3A_603 = vector.broadcast %add3A_602 : i32 to vector<16xi32>
    %add3A_604 = arith.addi %add3A_580, %add3A_603 : vector<16xi32>
    %swap3A_605 = arith.constant 10352 : index
    %swap3A_606 = tpu.vector_load %arg6[%swap3A_605] {strides = array<i32>} : memref<10496xi32, #tpu.memory_space<vmem>>, vector<16xi32>,
    %swap3A_607 = vector.shape_cast %swap3A_606 : vector<16xi32> to vector<16xi32>
    %swap3A_608 = vector.shape_cast %add3A_604 : vector<16xi32> to vector<16xi32>
    tpu.vector_store %arg6[%swap3A_605], %swap3A_608 {strides = array<i32>} : memref<10496xi32, #tpu.memory_space<vmem>>, vector<16xi32>,
    %slice3A_609 = vector.extract_strided_slice %get3A_542 {offsets = [2], sizes = [1], strides = [1]} : vector<16xi32> to vector<1xi32>
    %squeeze3A_610 = vector.extract %slice3A_609[0] : i32 from vector<1xi32>
    %add3A_611 = arith.addi %mul3A_531, %squeeze3A_610 : i32
    %add3A_612 = vector.broadcast %add3A_611 : i32 to vector<16xi32>
    %add3A_613 = arith.addi %mul3A_3, %add3A_612 : vector<16xi32>
    %add3A_614 = arith.constant 0 : i32
    %add3A_615 = vector.broadcast %add3A_614 : i32 to vector<16xi32>
    %add3A_616 = arith.addi %add3A_613, %add3A_615 : vector<16xi32>
    %swap3A_617 = arith.constant 10368 : index
    %swap3A_618 = tpu.vector_load %arg6[%swap3A_617] {strides = array<i32>} : memref<10496xi32, #tpu.memory_space<vmem>>, vector<16xi32>,
    %swap3A_619 = vector.shape_cast %swap3A_618 : vector<16xi32> to vector<16xi32>
    %swap3A_620 = vector.shape_cast %add3A_616 : vector<16xi32> to vector<16xi32>
    tpu.vector_store %arg6[%swap3A_617], %swap3A_620 {strides = array<i32>} : memref<10496xi32, #tpu.memory_space<vmem>>, vector<16xi32>,
    %add3A_621 = arith.constant 131072 : i32
    %add3A_622 = vector.broadcast %add3A_621 : i32 to vector<16xi32>
    %add3A_623 = arith.addi %add3A_613, %add3A_622 : vector<16xi32>
    %swap3A_624 = arith.constant 10384 : index
    %swap3A_625 = tpu.vector_load %arg6[%swap3A_624] {strides = array<i32>} : memref<10496xi32, #tpu.memory_space<vmem>>, vector<16xi32>,
    %swap3A_626 = vector.shape_cast %swap3A_625 : vector<16xi32> to vector<16xi32>
    %swap3A_627 = vector.shape_cast %add3A_623 : vector<16xi32> to vector<16xi32>
    tpu.vector_store %arg6[%swap3A_624], %swap3A_627 {strides = array<i32>} : memref<10496xi32, #tpu.memory_space<vmem>>, vector<16xi32>,
    %add3A_628 = arith.constant 262144 : i32
    %add3A_629 = vector.broadcast %add3A_628 : i32 to vector<16xi32>
    %add3A_630 = arith.addi %add3A_613, %add3A_629 : vector<16xi32>
    %swap3A_631 = arith.constant 10400 : index
    %swap3A_632 = tpu.vector_load %arg6[%swap3A_631] {strides = array<i32>} : memref<10496xi32, #tpu.memory_space<vmem>>, vector<16xi32>,
    %swap3A_633 = vector.shape_cast %swap3A_632 : vector<16xi32> to vector<16xi32>
    %swap3A_634 = vector.shape_cast %add3A_630 : vector<16xi32> to vector<16xi32>
    tpu.vector_store %arg6[%swap3A_631], %swap3A_634 {strides = array<i32>} : memref<10496xi32, #tpu.memory_space<vmem>>, vector<16xi32>,
    %add3A_635 = arith.constant 393216 : i32
    %add3A_636 = vector.broadcast %add3A_635 : i32 to vector<16xi32>
    %add3A_637 = arith.addi %add3A_613, %add3A_636 : vector<16xi32>
    %swap3A_638 = arith.constant 10416 : index
    %swap3A_639 = tpu.vector_load %arg6[%swap3A_638] {strides = array<i32>} : memref<10496xi32, #tpu.memory_space<vmem>>, vector<16xi32>,
    %swap3A_640 = vector.shape_cast %swap3A_639 : vector<16xi32> to vector<16xi32>
    %swap3A_641 = vector.shape_cast %add3A_637 : vector<16xi32> to vector<16xi32>
    tpu.vector_store %arg6[%swap3A_638], %swap3A_641 {strides = array<i32>} : memref<10496xi32, #tpu.memory_space<vmem>>, vector<16xi32>,
    %slice3A_642 = vector.extract_strided_slice %get3A_542 {offsets = [3], sizes = [1], strides = [1]} : vector<16xi32> to vector<1xi32>
    %squeeze3A_643 = vector.extract %slice3A_642[0] : i32 from vector<1xi32>
    %add3A_644 = arith.addi %mul3A_531, %squeeze3A_643 : i32
    %add3A_645 = vector.broadcast %add3A_644 : i32 to vector<16xi32>
    %add3A_646 = arith.addi %mul3A_3, %add3A_645 : vector<16xi32>
    %add3A_647 = arith.constant 0 : i32
    %add3A_648 = vector.broadcast %add3A_647 : i32 to vector<16xi32>
    %add3A_649 = arith.addi %add3A_646, %add3A_648 : vector<16xi32>
    %swap3A_650 = arith.constant 10432 : index
    %swap3A_651 = tpu.vector_load %arg6[%swap3A_650] {strides = array<i32>} : memref<10496xi32, #tpu.memory_space<vmem>>, vector<16xi32>,
    %swap3A_652 = vector.shape_cast %swap3A_651 : vector<16xi32> to vector<16xi32>
    %swap3A_653 = vector.shape_cast %add3A_649 : vector<16xi32> to vector<16xi32>
    tpu.vector_store %arg6[%swap3A_650], %swap3A_653 {strides = array<i32>} : memref<10496xi32, #tpu.memory_space<vmem>>, vector<16xi32>,
    %add3A_654 = arith.constant 131072 : i32
    %add3A_655 = vector.broadcast %add3A_654 : i32 to vector<16xi32>
    %add3A_656 = arith.addi %add3A_646, %add3A_655 : vector<16xi32>
    %swap3A_657 = arith.constant 10448 : index
    %swap3A_658 = tpu.vector_load %arg6[%swap3A_657] {strides = array<i32>} : memref<10496xi32, #tpu.memory_space<vmem>>, vector<16xi32>,
    %swap3A_659 = vector.shape_cast %swap3A_658 : vector<16xi32> to vector<16xi32>
    %swap3A_660 = vector.shape_cast %add3A_656 : vector<16xi32> to vector<16xi32>
    tpu.vector_store %arg6[%swap3A_657], %swap3A_660 {strides = array<i32>} : memref<10496xi32, #tpu.memory_space<vmem>>, vector<16xi32>,
    %add3A_661 = arith.constant 262144 : i32
    %add3A_662 = vector.broadcast %add3A_661 : i32 to vector<16xi32>
    %add3A_663 = arith.addi %add3A_646, %add3A_662 : vector<16xi32>
    %swap3A_664 = arith.constant 10464 : index
    %swap3A_665 = tpu.vector_load %arg6[%swap3A_664] {strides = array<i32>} : memref<10496xi32, #tpu.memory_space<vmem>>, vector<16xi32>,
    %swap3A_666 = vector.shape_cast %swap3A_665 : vector<16xi32> to vector<16xi32>
    %swap3A_667 = vector.shape_cast %add3A_663 : vector<16xi32> to vector<16xi32>
    tpu.vector_store %arg6[%swap3A_664], %swap3A_667 {strides = array<i32>} : memref<10496xi32, #tpu.memory_space<vmem>>, vector<16xi32>,
    %add3A_668 = arith.constant 393216 : i32
    %add3A_669 = vector.broadcast %add3A_668 : i32 to vector<16xi32>
    %add3A_670 = arith.addi %add3A_646, %add3A_669 : vector<16xi32>
    %swap3A_671 = arith.constant 10480 : index
    %swap3A_672 = tpu.vector_load %arg6[%swap3A_671] {strides = array<i32>} : memref<10496xi32, #tpu.memory_space<vmem>>, vector<16xi32>,
    %swap3A_673 = vector.shape_cast %swap3A_672 : vector<16xi32> to vector<16xi32>
    %swap3A_674 = vector.shape_cast %add3A_670 : vector<16xi32> to vector<16xi32>
    tpu.vector_store %arg6[%swap3A_671], %swap3A_674 {strides = array<i32>} : memref<10496xi32, #tpu.memory_space<vmem>>, vector<16xi32>,
    %dma_start3A_675 = arith.constant 0 : i32
    %dma_start3A_676 = tpu.memref_slice %arg2[%dma_start3A_675] : memref<67108864xf32, #tpu.memory_space<hbm>> -> memref<67108864xf32, #tpu.memory_space<hbm>>
    tpu.enqueue_indirect_dma source(%dma_start3A_676 : memref<67108864xf32, #tpu.memory_space<hbm>>) target(%arg7 : memref<10496xf32, #tpu.memory_space<vmem>>) offsets(%arg6 : memref<10496xi32, #tpu.memory_space<vmem>>) semaphore(%arg9 : memref<!tpu.dma_semaphore, #tpu.memory_space<semaphore_mem>>)
    %dma_wait3A_677 = arith.constant 0 : i32
    %dma_wait3A_678 = tpu.memref_slice %arg2[%dma_wait3A_677] : memref<67108864xf32, #tpu.memory_space<hbm>> -> memref<67108864xf32, #tpu.memory_space<hbm>>
    tpu.wait_indirect_dma semaphore(%arg9 : memref<!tpu.dma_semaphore, #tpu.memory_space<semaphore_mem>>) src(%dma_wait3A_678 : memref<67108864xf32, #tpu.memory_space<hbm>>) dst(%arg7 : memref<10496xf32, #tpu.memory_space<vmem>>)
    %broadcast_in_dim3A_679 = arith.constant 0.000000e+00 : f32
    %broadcast_in_dim3A_680 = vector.broadcast %broadcast_in_dim3A_679 : f32 to vector<16xf32>
    %scan3A_681 = arith.constant 0 : i32
    %scan3A_682 = arith.constant 164 : i32
    %scan3A_683 = arith.addi %scan3A_681, %scan3A_682 : i32
    %scan3A_684 = arith.constant 1 : i32
    %scan3A_685:4 = scf.for %scan3A_703 = %scan3A_681 to %scan3A_683 step %scan3A_684 iter_args(%scan3A_704 = %broadcast_in_dim3A_680, %scan3A_705 = %broadcast_in_dim3A_680, %scan3A_706 = %broadcast_in_dim3A_680, %scan3A_707 = %broadcast_in_dim3A_680) -> (vector<16xf32>, vector<16xf32>, vector<16xf32>, vector<16xf32>)  : i32 {
      %mul3A_708 = arith.constant 4 : i32
      %mul3A_709 = arith.muli %scan3A_703, %mul3A_708 : i32
      %add3A_710 = arith.constant 0 : i32
      %add3A_711 = arith.addi %mul3A_709, %add3A_710 : i32
      %mul3A_712 = arith.constant 16 : i32
      %mul3A_713 = arith.muli %add3A_711, %mul3A_712 : i32
      %get3A_714 = arith.index_cast %mul3A_713 : i32 to index
      %get3A_715 = tpu.vector_load %arg7[%get3A_714] {strides = array<i32>} : memref<10496xf32, #tpu.memory_space<vmem>>, vector<16xf32>,
      %get3A_716 = vector.shape_cast %get3A_715 : vector<16xf32> to vector<16xf32>
      %ge3A = arith.constant 5.000000e-01 : f32
      %ge3A_717 = vector.broadcast %ge3A : f32 to vector<16xf32>
      %ge3A_718 = arith.cmpf oge, %get3A_716, %ge3A_717 : vector<16xf32>
      %jit3A = arith.constant 1.000000e+00 : f32
      %jit3A_719 = arith.constant 0.000000e+00 : f32
      %broadcast_in_dim3A_720 = vector.broadcast %jit3A : f32 to vector<16xf32>
      %broadcast_in_dim3A_721 = vector.broadcast %jit3A_719 : f32 to vector<16xf32>
      %select_n3A = arith.select %ge3A_718, %broadcast_in_dim3A_720, %broadcast_in_dim3A_721 : vector<16xi1>, vector<16xf32>
      %add3A_722 = arith.addf %scan3A_704, %select_n3A : vector<16xf32>
      %mul3A_723 = arith.constant 4 : i32
      %mul3A_724 = arith.muli %scan3A_703, %mul3A_723 : i32
      %add3A_725 = arith.constant 1 : i32
      %add3A_726 = arith.addi %mul3A_724, %add3A_725 : i32
      %mul3A_727 = arith.constant 16 : i32
      %mul3A_728 = arith.muli %add3A_726, %mul3A_727 : i32
      %get3A_729 = arith.index_cast %mul3A_728 : i32 to index
      %get3A_730 = tpu.vector_load %arg7[%get3A_729] {strides = array<i32>} : memref<10496xf32, #tpu.memory_space<vmem>>, vector<16xf32>,
      %get3A_731 = vector.shape_cast %get3A_730 : vector<16xf32> to vector<16xf32>
      %ge3A_732 = arith.constant 5.000000e-01 : f32
      %ge3A_733 = vector.broadcast %ge3A_732 : f32 to vector<16xf32>
      %ge3A_734 = arith.cmpf oge, %get3A_731, %ge3A_733 : vector<16xf32>
      %jit3A_735 = arith.constant 1.000000e+00 : f32
      %jit3A_736 = arith.constant 0.000000e+00 : f32
      %broadcast_in_dim3A_737 = vector.broadcast %jit3A_735 : f32 to vector<16xf32>
      %broadcast_in_dim3A_738 = vector.broadcast %jit3A_736 : f32 to vector<16xf32>
      %select_n3A_739 = arith.select %ge3A_734, %broadcast_in_dim3A_737, %broadcast_in_dim3A_738 : vector<16xi1>, vector<16xf32>
      %add3A_740 = arith.addf %scan3A_705, %select_n3A_739 : vector<16xf32>
      %mul3A_741 = arith.constant 4 : i32
      %mul3A_742 = arith.muli %scan3A_703, %mul3A_741 : i32
      %add3A_743 = arith.constant 2 : i32
      %add3A_744 = arith.addi %mul3A_742, %add3A_743 : i32
      %mul3A_745 = arith.constant 16 : i32
      %mul3A_746 = arith.muli %add3A_744, %mul3A_745 : i32
      %get3A_747 = arith.index_cast %mul3A_746 : i32 to index
      %get3A_748 = tpu.vector_load %arg7[%get3A_747] {strides = array<i32>} : memref<10496xf32, #tpu.memory_space<vmem>>, vector<16xf32>,
      %get3A_749 = vector.shape_cast %get3A_748 : vector<16xf32> to vector<16xf32>
      %ge3A_750 = arith.constant 5.000000e-01 : f32
      %ge3A_751 = vector.broadcast %ge3A_750 : f32 to vector<16xf32>
      %ge3A_752 = arith.cmpf oge, %get3A_749, %ge3A_751 : vector<16xf32>
      %jit3A_753 = arith.constant 1.000000e+00 : f32
      %jit3A_754 = arith.constant 0.000000e+00 : f32
      %broadcast_in_dim3A_755 = vector.broadcast %jit3A_753 : f32 to vector<16xf32>
      %broadcast_in_dim3A_756 = vector.broadcast %jit3A_754 : f32 to vector<16xf32>
      %select_n3A_757 = arith.select %ge3A_752, %broadcast_in_dim3A_755, %broadcast_in_dim3A_756 : vector<16xi1>, vector<16xf32>
      %add3A_758 = arith.addf %scan3A_706, %select_n3A_757 : vector<16xf32>
      %mul3A_759 = arith.constant 4 : i32
      %mul3A_760 = arith.muli %scan3A_703, %mul3A_759 : i32
      %add3A_761 = arith.constant 3 : i32
      %add3A_762 = arith.addi %mul3A_760, %add3A_761 : i32
      %mul3A_763 = arith.constant 16 : i32
      %mul3A_764 = arith.muli %add3A_762, %mul3A_763 : i32
      %get3A_765 = arith.index_cast %mul3A_764 : i32 to index
      %get3A_766 = tpu.vector_load %arg7[%get3A_765] {strides = array<i32>} : memref<10496xf32, #tpu.memory_space<vmem>>, vector<16xf32>,
      %get3A_767 = vector.shape_cast %get3A_766 : vector<16xf32> to vector<16xf32>
      %ge3A_768 = arith.constant 5.000000e-01 : f32
      %ge3A_769 = vector.broadcast %ge3A_768 : f32 to vector<16xf32>
      %ge3A_770 = arith.cmpf oge, %get3A_767, %ge3A_769 : vector<16xf32>
      %jit3A_771 = arith.constant 1.000000e+00 : f32
      %jit3A_772 = arith.constant 0.000000e+00 : f32
      %broadcast_in_dim3A_773 = vector.broadcast %jit3A_771 : f32 to vector<16xf32>
      %broadcast_in_dim3A_774 = vector.broadcast %jit3A_772 : f32 to vector<16xf32>
      %select_n3A_775 = arith.select %ge3A_770, %broadcast_in_dim3A_773, %broadcast_in_dim3A_774 : vector<16xi1>, vector<16xf32>
      %add3A_776 = arith.addf %scan3A_707, %select_n3A_775 : vector<16xf32>
      scf.yield %add3A_722, %add3A_740, %add3A_758, %add3A_776 : vector<16xf32>, vector<16xf32>, vector<16xf32>, vector<16xf32>
    }
    %scan3A_686 = arith.constant 164 : i32
    %swap3A_687 = arith.constant 0 : index
    %swap3A_688 = tpu.vector_load %arg8[%swap3A_687] {strides = array<i32>} : memref<64xf32, #tpu.memory_space<vmem>>, vector<16xf32>,
    %swap3A_689 = vector.shape_cast %swap3A_688 : vector<16xf32> to vector<16xf32>
    %swap3A_690 = vector.shape_cast %scan3A_685#0 : vector<16xf32> to vector<16xf32>
    tpu.vector_store %arg8[%swap3A_687], %swap3A_690 {strides = array<i32>} : memref<64xf32, #tpu.memory_space<vmem>>, vector<16xf32>,
    %swap3A_691 = arith.constant 16 : index
    %swap3A_692 = tpu.vector_load %arg8[%swap3A_691] {strides = array<i32>} : memref<64xf32, #tpu.memory_space<vmem>>, vector<16xf32>,
    %swap3A_693 = vector.shape_cast %swap3A_692 : vector<16xf32> to vector<16xf32>
    %swap3A_694 = vector.shape_cast %scan3A_685#1 : vector<16xf32> to vector<16xf32>
    tpu.vector_store %arg8[%swap3A_691], %swap3A_694 {strides = array<i32>} : memref<64xf32, #tpu.memory_space<vmem>>, vector<16xf32>,
    %swap3A_695 = arith.constant 32 : index
    %swap3A_696 = tpu.vector_load %arg8[%swap3A_695] {strides = array<i32>} : memref<64xf32, #tpu.memory_space<vmem>>, vector<16xf32>,
    %swap3A_697 = vector.shape_cast %swap3A_696 : vector<16xf32> to vector<16xf32>
    %swap3A_698 = vector.shape_cast %scan3A_685#2 : vector<16xf32> to vector<16xf32>
    tpu.vector_store %arg8[%swap3A_695], %swap3A_698 {strides = array<i32>} : memref<64xf32, #tpu.memory_space<vmem>>, vector<16xf32>,
    %swap3A_699 = arith.constant 48 : index
    %swap3A_700 = tpu.vector_load %arg8[%swap3A_699] {strides = array<i32>} : memref<64xf32, #tpu.memory_space<vmem>>, vector<16xf32>,
    %swap3A_701 = vector.shape_cast %swap3A_700 : vector<16xf32> to vector<16xf32>
    %swap3A_702 = vector.shape_cast %scan3A_685#3 : vector<16xf32> to vector<16xf32>
    tpu.vector_store %arg8[%swap3A_699], %swap3A_702 {strides = array<i32>} : memref<64xf32, #tpu.memory_space<vmem>>, vector<16xf32>,
    "tpu.region"() ({
      %run_scoped3A_703 = tpu.sem_alloc : memref<!tpu.dma_semaphore, #tpu.memory_space<semaphore_mem>>
      %dma_start3A_704 = tpu.memref_slice %arg4[%add3A_529] : memref<8192xf32, #tpu.memory_space<hbm>> -> memref<64xf32, #tpu.memory_space<hbm>>
      %dma_start3A_705 = tpu.memref_slice %arg4[%add3A_529] : memref<8192xf32, #tpu.memory_space<hbm>> -> memref<64xf32, #tpu.memory_space<hbm>>
      tpu.enqueue_dma source(%arg8 : memref<64xf32, #tpu.memory_space<vmem>>) target(%dma_start3A_705 : memref<64xf32, #tpu.memory_space<hbm>>) target_semaphore(%run_scoped3A_703 : memref<!tpu.dma_semaphore, #tpu.memory_space<semaphore_mem>>)
      %dma_wait3A_706 = tpu.memref_slice %arg4[%add3A_529] : memref<8192xf32, #tpu.memory_space<hbm>> -> memref<64xf32, #tpu.memory_space<hbm>>
      %dma_wait3A_707 = tpu.memref_slice %arg4[%add3A_529] : memref<8192xf32, #tpu.memory_space<hbm>> -> memref<64xf32, #tpu.memory_space<hbm>>
      tpu.wait_dma2 semaphore(%run_scoped3A_703 : memref<!tpu.dma_semaphore, #tpu.memory_space<semaphore_mem>>) src(%arg8 : memref<64xf32, #tpu.memory_space<vmem>>) dst(%dma_wait3A_707 : memref<64xf32, #tpu.memory_space<hbm>>)
      tpu.yield
    }) : () -> ()
    return
  }
}

module attributes {stable_mosaic.version = 14 : i64} {
  func.func @_topk_body(%arg0: i32, %arg1: memref<1x1x8192xf32, #tpu.memory_space<vmem>>, %arg2: memref<1x8192xf32, #tpu.memory_space<vmem>>, %arg3: memref<1x1x8192xf32, #tpu.memory_space<vmem>>, %arg4: memref<1x1x256xi32, #tpu.memory_space<vmem>>) attributes {dimension_semantics = [#tpu.dimension_semantics<arbitrary>], iteration_bounds = array<i64: 4>, scalar_prefetch = 0 : i64, scratch_operands = 0 : i64, tpu.core_type = #tpu.core_type<tc>, window_params = [{transform_indices = @transform_0, window_bounds = array<i64: 1, 1, 8192>}, {pipeline_mode = #tpu.pipeline_mode<synchronous>, transform_indices = @transform_1, window_bounds = array<i64: 1, 8192>}, {transform_indices = @transform_2, window_bounds = array<i64: 1, 1, 8192>}, {transform_indices = @transform_3, window_bounds = array<i64: 1, 1, 256>}]} {
    %get3A = arith.constant 0 : index
    %get3A_0 = arith.constant 0 : index
    %get3A_1 = arith.constant 0 : index
    %get3A_2 = vector.load %arg1[%get3A, %get3A_0, %get3A_1] : memref<1x1x8192xf32, #tpu.memory_space<vmem>>, vector<1x1x8192xf32>
    %get3A_3 = vector.shape_cast %get3A_2 : vector<1x1x8192xf32> to vector<8192xf32>
    %bitcast_convert_type3A = tpu.bitcast %get3A_3 : vector<8192xf32> -> vector<8192xi32>
    %shift_right_logical3A = arith.constant 31 : i32
    %shift_right_logical3A_4 = vector.broadcast %shift_right_logical3A : i32 to vector<8192xi32>
    %shift_right_logical3A_5 = arith.shrui %bitcast_convert_type3A, %shift_right_logical3A_4 : vector<8192xi32>
    %ne3A = arith.constant 0 : i32
    %ne3A_6 = vector.broadcast %ne3A : i32 to vector<8192xi32>
    %ne3A_7 = arith.cmpi ne, %shift_right_logical3A_5, %ne3A_6 : vector<8192xi32>
    %not3A = arith.constant dense<-1> : vector<8192xi32>
    %not3A_8 = arith.xori %bitcast_convert_type3A, %not3A : vector<8192xi32>
    %or3A = arith.constant -2147483648 : i32
    %or3A_9 = vector.broadcast %or3A : i32 to vector<8192xi32>
    %or3A_10 = arith.ori %bitcast_convert_type3A, %or3A_9 : vector<8192xi32>
    %select_n3A = arith.select %ne3A_7, %not3A_8, %or3A_10 : vector<8192xi1>, vector<8192xi32>
    %scan3A = arith.constant 0 : i32
    %scan3A_11 = arith.constant 0 : i32
    %scan3A_12 = arith.constant 32 : i32
    %scan3A_13 = arith.addi %scan3A_11, %scan3A_12 : i32
    %scan3A_14 = arith.constant 1 : i32
    %scan3A_15 = scf.for %scan3A_157 = %scan3A_11 to %scan3A_13 step %scan3A_14 iter_args(%scan3A_158 = %scan3A) -> (i32)  : i32 {
      %sub3A_159 = arith.constant 31 : i32
      %sub3A_160 = arith.subi %sub3A_159, %scan3A_157 : i32
      %shift_left3A = arith.constant 1 : i32
      %shift_left3A_161 = arith.shli %shift_left3A, %sub3A_160 : i32
      %or3A_162 = arith.ori %scan3A_158, %shift_left3A_161 : i32
      %ge3A = vector.broadcast %or3A_162 : i32 to vector<8192xi32>
      %ge3A_163 = arith.cmpi uge, %select_n3A, %ge3A : vector<8192xi32>
      %convert_element_type3A_164 = arith.extui %ge3A_163 : vector<8192xi1> to vector<8192xi32>
      %reduce_sum3A_165 = vector.shape_cast %convert_element_type3A_164 : vector<8192xi32> to vector<1x8192xi32>
      %reduce_sum3A_166 = arith.constant dense<0> : vector<1xi32>
      %reduce_sum3A_167 = vector.multi_reduction <add>, %reduce_sum3A_165, %reduce_sum3A_166 [1] : vector<1x8192xi32> to vector<1xi32>
      %reduce_sum3A_168 = vector.shape_cast %reduce_sum3A_167 : vector<1xi32> to vector<1x1xi32>
      %reduce_sum3A_169 = vector.extract %reduce_sum3A_168[0, 0] : i32 from vector<1x1xi32>
      %ge3A_170 = arith.constant 164 : i32
      %ge3A_171 = arith.cmpi sge, %reduce_sum3A_169, %ge3A_170 : i32
      %select_n3A_172 = arith.select %ge3A_171, %or3A_162, %scan3A_158 : i32
      scf.yield %select_n3A_172 : i32
    }
    %scan3A_16 = arith.constant 32 : i32
    %gt3A = vector.broadcast %scan3A_15 : i32 to vector<8192xi32>
    %gt3A_17 = arith.cmpi ugt, %select_n3A, %gt3A : vector<8192xi32>
    %convert_element_type3A = arith.extui %gt3A_17 : vector<8192xi1> to vector<8192xi32>
    %reduce_sum3A = vector.shape_cast %convert_element_type3A : vector<8192xi32> to vector<1x8192xi32>
    %reduce_sum3A_18 = arith.constant dense<0> : vector<1xi32>
    %reduce_sum3A_19 = vector.multi_reduction <add>, %reduce_sum3A, %reduce_sum3A_18 [1] : vector<1x8192xi32> to vector<1xi32>
    %reduce_sum3A_20 = vector.shape_cast %reduce_sum3A_19 : vector<1xi32> to vector<1x1xi32>
    %reduce_sum3A_21 = vector.extract %reduce_sum3A_20[0, 0] : i32 from vector<1x1xi32>
    %eq3A = vector.broadcast %scan3A_15 : i32 to vector<8192xi32>
    %eq3A_22 = arith.cmpi eq, %select_n3A, %eq3A : vector<8192xi32>
    %convert_element_type3A_23 = arith.extui %eq3A_22 : vector<8192xi1> to vector<8192xi32>
    %convert_element_type3A_24 = arith.sitofp %convert_element_type3A_23 : vector<8192xi32> to vector<8192xf32>
    %reshape3A = vector.shape_cast %convert_element_type3A_24 : vector<8192xf32> to vector<64x128xf32>
    %iota3A = tpu.iota {dimensions = array<i32: 0>} : vector<128x128xi32>
    %iota3A_25 = tpu.iota {dimensions = array<i32: 1>} : vector<128x128xi32>
    %le3A = arith.cmpi sle, %iota3A, %iota3A_25 : vector<128x128xi32>
    %convert_element_type3A_26 = arith.extui %le3A : vector<128x128xi1> to vector<128x128xi32>
    %convert_element_type3A_27 = arith.sitofp %convert_element_type3A_26 : vector<128x128xi32> to vector<128x128xf32>
    %dot_general3A = arith.constant dense<0.000000e+00> : vector<64x128xf32>
    %dot_general3A_28 = tpu.matmul %reshape3A, %convert_element_type3A_27, %dot_general3A {dimension_numbers = #tpu.dot_dimension_numbers<[1], [0], [0], [1], [0, 0, 1, 1], [], []>, transpose_lhs_hint = false} : vector<64x128xf32>, vector<128x128xf32>, vector<64x128xf32> -> vector<64x128xf32>
    %slice3A = vector.extract_strided_slice %dot_general3A_28 {offsets = [0, 127], sizes = [64, 1], strides = [1, 1]} : vector<64x128xf32> to vector<64x1xf32>
    %squeeze3A = vector.shape_cast %slice3A : vector<64x1xf32> to vector<64xf32>
    %reshape3A_29 = vector.shape_cast %squeeze3A : vector<64xf32> to vector<1x64xf32>
    %iota3A_30 = tpu.iota {dimensions = array<i32: 0>} : vector<64x64xi32>
    %iota3A_31 = tpu.iota {dimensions = array<i32: 1>} : vector<64x64xi32>
    %lt3A = arith.cmpi slt, %iota3A_30, %iota3A_31 : vector<64x64xi32>
    %convert_element_type3A_32 = arith.extui %lt3A : vector<64x64xi1> to vector<64x64xi32>
    %convert_element_type3A_33 = arith.sitofp %convert_element_type3A_32 : vector<64x64xi32> to vector<64x64xf32>
    %dot_general3A_34 = arith.constant dense<0.000000e+00> : vector<1x64xf32>
    %dot_general3A_35 = tpu.matmul %reshape3A_29, %convert_element_type3A_33, %dot_general3A_34 {dimension_numbers = #tpu.dot_dimension_numbers<[1], [0], [0], [1], [0, 0, 1, 1], [], []>, transpose_lhs_hint = false} : vector<1x64xf32>, vector<64x64xf32>, vector<1x64xf32> -> vector<1x64xf32>
    %reshape3A_36 = vector.shape_cast %dot_general3A_35 : vector<1x64xf32> to vector<64x1xf32>
    %add3A = vector.broadcast %reshape3A_36 : vector<64x1xf32> to vector<64x128xf32>
    %add3A_37 = arith.addf %dot_general3A_28, %add3A : vector<64x128xf32>
    %reshape3A_38 = vector.shape_cast %add3A_37 : vector<64x128xf32> to vector<8192xf32>
    %sub3A = arith.constant 164 : i32
    %sub3A_39 = arith.subi %sub3A, %reduce_sum3A_21 : i32
    %convert_element_type3A_40 = arith.sitofp %sub3A_39 : i32 to f32
    %le3A_41 = vector.broadcast %convert_element_type3A_40 : f32 to vector<8192xf32>
    %le3A_42 = arith.cmpf ole, %reshape3A_38, %le3A_41 : vector<8192xf32>
    %and3A = arith.andi %eq3A_22, %le3A_42 : vector<8192xi1>
    %or3A_43 = arith.ori %gt3A_17, %and3A : vector<8192xi1>
    %convert_element_type3A_44 = arith.extui %or3A_43 : vector<8192xi1> to vector<8192xi32>
    %convert_element_type3A_45 = arith.sitofp %convert_element_type3A_44 : vector<8192xi32> to vector<8192xf32>
    %broadcast_in_dim3A = vector.shape_cast %convert_element_type3A_45 : vector<8192xf32> to vector<1x1x8192xf32>
    %swap3A = arith.constant 0 : index
    %swap3A_46 = arith.constant 0 : index
    %swap3A_47 = arith.constant 0 : index
    %swap3A_48 = vector.load %arg3[%swap3A, %swap3A_46, %swap3A_47] : memref<1x1x8192xf32, #tpu.memory_space<vmem>>, vector<1x1x8192xf32>
    tpu.vector_store %arg3[%swap3A, %swap3A_46, %swap3A_47], %broadcast_in_dim3A {strides = array<i32>} : memref<1x1x8192xf32, #tpu.memory_space<vmem>>, vector<1x1x8192xf32>,
    %eq3A_49 = arith.constant 0 : i32
    %eq3A_50 = arith.cmpi eq, %arg0, %eq3A_49 : i32
    %convert_element_type3A_51 = arith.extui %eq3A_50 : i1 to i32
    %cond3A = arith.constant 0 : i32
    %cond3A_52 = arith.cmpi ne, %convert_element_type3A_51, %cond3A : i32
    scf.if %cond3A_52 {
      %broadcast_in_dim3A_157 = vector.shape_cast %convert_element_type3A_45 : vector<8192xf32> to vector<1x8192xf32>
      %swap3A_158 = arith.constant 0 : index
      %swap3A_159 = arith.constant 0 : index
      %swap3A_160 = vector.load %arg2[%swap3A_158, %swap3A_159] : memref<1x8192xf32, #tpu.memory_space<vmem>>, vector<1x8192xf32>
      tpu.vector_store %arg2[%swap3A_158, %swap3A_159], %broadcast_in_dim3A_157 {strides = array<i32>} : memref<1x8192xf32, #tpu.memory_space<vmem>>, vector<1x8192xf32>,
    } else {
    }
    %ne3A_53 = arith.constant 0 : i32
    %ne3A_54 = arith.cmpi ne, %arg0, %ne3A_53 : i32
    %convert_element_type3A_55 = arith.extui %ne3A_54 : i1 to i32
    %cond3A_56 = arith.constant 0 : i32
    %cond3A_57 = arith.cmpi ne, %convert_element_type3A_55, %cond3A_56 : i32
    scf.if %cond3A_57 {
      %get3A_157 = arith.constant 0 : index
      %get3A_158 = arith.constant 0 : index
      %get3A_159 = vector.load %arg2[%get3A_157, %get3A_158] : memref<1x8192xf32, #tpu.memory_space<vmem>>, vector<1x8192xf32>
      %broadcast_in_dim3A_160 = vector.shape_cast %convert_element_type3A_45 : vector<8192xf32> to vector<1x8192xf32>
      %mul3A_161 = arith.mulf %get3A_159, %broadcast_in_dim3A_160 : vector<1x8192xf32>
      %swap3A_162 = arith.constant 0 : index
      %swap3A_163 = arith.constant 0 : index
      %swap3A_164 = vector.load %arg2[%swap3A_162, %swap3A_163] : memref<1x8192xf32, #tpu.memory_space<vmem>>, vector<1x8192xf32>
      tpu.vector_store %arg2[%swap3A_162, %swap3A_163], %mul3A_161 {strides = array<i32>} : memref<1x8192xf32, #tpu.memory_space<vmem>>, vector<1x8192xf32>,
    } else {
    }
    %reshape3A_58 = vector.shape_cast %convert_element_type3A_45 : vector<8192xf32> to vector<64x128xf32>
    %iota3A_59 = tpu.iota {dimensions = array<i32: 0>} : vector<128x128xi32>
    %iota3A_60 = tpu.iota {dimensions = array<i32: 1>} : vector<128x128xi32>
    %le3A_61 = arith.cmpi sle, %iota3A_59, %iota3A_60 : vector<128x128xi32>
    %convert_element_type3A_62 = arith.extui %le3A_61 : vector<128x128xi1> to vector<128x128xi32>
    %convert_element_type3A_63 = arith.sitofp %convert_element_type3A_62 : vector<128x128xi32> to vector<128x128xf32>
    %dot_general3A_64 = arith.constant dense<0.000000e+00> : vector<64x128xf32>
    %dot_general3A_65 = tpu.matmul %reshape3A_58, %convert_element_type3A_63, %dot_general3A_64 {dimension_numbers = #tpu.dot_dimension_numbers<[1], [0], [0], [1], [0, 0, 1, 1], [], []>, transpose_lhs_hint = false} : vector<64x128xf32>, vector<128x128xf32>, vector<64x128xf32> -> vector<64x128xf32>
    %slice3A_66 = vector.extract_strided_slice %dot_general3A_65 {offsets = [0, 127], sizes = [64, 1], strides = [1, 1]} : vector<64x128xf32> to vector<64x1xf32>
    %squeeze3A_67 = vector.shape_cast %slice3A_66 : vector<64x1xf32> to vector<64xf32>
    %reshape3A_68 = vector.shape_cast %squeeze3A_67 : vector<64xf32> to vector<1x64xf32>
    %iota3A_69 = tpu.iota {dimensions = array<i32: 0>} : vector<64x64xi32>
    %iota3A_70 = tpu.iota {dimensions = array<i32: 1>} : vector<64x64xi32>
    %lt3A_71 = arith.cmpi slt, %iota3A_69, %iota3A_70 : vector<64x64xi32>
    %convert_element_type3A_72 = arith.extui %lt3A_71 : vector<64x64xi1> to vector<64x64xi32>
    %convert_element_type3A_73 = arith.sitofp %convert_element_type3A_72 : vector<64x64xi32> to vector<64x64xf32>
    %dot_general3A_74 = arith.constant dense<0.000000e+00> : vector<1x64xf32>
    %dot_general3A_75 = tpu.matmul %reshape3A_68, %convert_element_type3A_73, %dot_general3A_74 {dimension_numbers = #tpu.dot_dimension_numbers<[1], [0], [0], [1], [0, 0, 1, 1], [], []>, transpose_lhs_hint = false} : vector<1x64xf32>, vector<64x64xf32>, vector<1x64xf32> -> vector<1x64xf32>
    %reshape3A_76 = vector.shape_cast %dot_general3A_75 : vector<1x64xf32> to vector<64x1xf32>
    %add3A_77 = vector.broadcast %reshape3A_76 : vector<64x1xf32> to vector<64x128xf32>
    %add3A_78 = arith.addf %dot_general3A_65, %add3A_77 : vector<64x128xf32>
    %reshape3A_79 = vector.shape_cast %add3A_78 : vector<64x128xf32> to vector<8192xf32>
    %mul3A = arith.mulf %reshape3A_79, %convert_element_type3A_45 : vector<8192xf32>
    %iota3A_80 = tpu.iota {dimensions = array<i32: 1>} : vector<8192x256xi32>
    %convert_element_type3A_81 = arith.sitofp %iota3A_80 : vector<8192x256xi32> to vector<8192x256xf32>
    %broadcast_in_dim3A_82 = vector.shape_cast %mul3A : vector<8192xf32> to vector<8192x1xf32>
    %add3A_83 = arith.constant 1.000000e+00 : f32
    %add3A_84 = vector.broadcast %add3A_83 : f32 to vector<8192x256xf32>
    %add3A_85 = arith.addf %convert_element_type3A_81, %add3A_84 : vector<8192x256xf32>
    %eq3A_86 = vector.broadcast %broadcast_in_dim3A_82 : vector<8192x1xf32> to vector<8192x256xf32>
    %eq3A_87 = arith.cmpf oeq, %eq3A_86, %add3A_85 : vector<8192x256xf32>
    %convert_element_type3A_88 = arith.extui %eq3A_87 : vector<8192x256xi1> to vector<8192x256xi32>
    %convert_element_type3A_89 = arith.sitofp %convert_element_type3A_88 : vector<8192x256xi32> to vector<8192x256xf32>
    %iota3A_90 = tpu.iota {dimensions = array<i32: 1>} : vector<1x8192xi32>
    %jit3A = arith.constant 128 : i32
    %div3A = vector.broadcast %jit3A : i32 to vector<1x8192xi32>
    %div3A_91 = arith.divsi %iota3A_90, %div3A : vector<1x8192xi32>
    %sign3A = arith.constant 0 : i32
    %sign3A_92 = vector.broadcast %sign3A : i32 to vector<1x8192xi32>
    %sign3A_93 = arith.cmpi sgt, %iota3A_90, %sign3A_92 : vector<1x8192xi32>
    %sign3A_94 = arith.extui %sign3A_93 : vector<1x8192xi1> to vector<1x8192xi32>
    %sign3A_95 = arith.constant 0 : i32
    %sign3A_96 = vector.broadcast %sign3A_95 : i32 to vector<1x8192xi32>
    %sign3A_97 = arith.cmpi slt, %iota3A_90, %sign3A_96 : vector<1x8192xi32>
    %sign3A_98 = arith.extui %sign3A_97 : vector<1x8192xi1> to vector<1x8192xi32>
    %sign3A_99 = arith.subi %sign3A_94, %sign3A_98 : vector<1x8192xi32>
    %sign3A_100 = arith.constant 0 : i32
    %sign3A_101 = arith.cmpi sgt, %jit3A, %sign3A_100 : i32
    %sign3A_102 = arith.extui %sign3A_101 : i1 to i32
    %sign3A_103 = arith.constant 0 : i32
    %sign3A_104 = arith.cmpi slt, %jit3A, %sign3A_103 : i32
    %sign3A_105 = arith.extui %sign3A_104 : i1 to i32
    %sign3A_106 = arith.subi %sign3A_102, %sign3A_105 : i32
    %ne3A_107 = vector.broadcast %sign3A_106 : i32 to vector<1x8192xi32>
    %ne3A_108 = arith.cmpi ne, %sign3A_99, %ne3A_107 : vector<1x8192xi32>
    %rem3A = vector.broadcast %jit3A : i32 to vector<1x8192xi32>
    %rem3A_109 = arith.remsi %iota3A_90, %rem3A : vector<1x8192xi32>
    %ne3A_110 = arith.constant 0 : i32
    %ne3A_111 = vector.broadcast %ne3A_110 : i32 to vector<1x8192xi32>
    %ne3A_112 = arith.cmpi ne, %rem3A_109, %ne3A_111 : vector<1x8192xi32>
    %and3A_113 = arith.andi %ne3A_108, %ne3A_112 : vector<1x8192xi1>
    %sub3A_114 = arith.constant 1 : i32
    %sub3A_115 = vector.broadcast %sub3A_114 : i32 to vector<1x8192xi32>
    %sub3A_116 = arith.subi %div3A_91, %sub3A_115 : vector<1x8192xi32>
    %select_n3A_117 = arith.select %and3A_113, %sub3A_116, %div3A_91 : vector<1x8192xi1>, vector<1x8192xi32>
    %convert_element_type3A_118 = arith.sitofp %select_n3A_117 : vector<1x8192xi32> to vector<1x8192xf32>
    %dot_general3A_119 = arith.constant dense<0.000000e+00> : vector<1x256xf32>
    %dot_general3A_120 = tpu.matmul %convert_element_type3A_118, %convert_element_type3A_89, %dot_general3A_119 {dimension_numbers = #tpu.dot_dimension_numbers<[1], [0], [0], [1], [0, 0, 1, 1], [], []>, transpose_lhs_hint = false} : vector<1x8192xf32>, vector<8192x256xf32>, vector<1x256xf32> -> vector<1x256xf32>
    %jit3A_121 = arith.constant 128 : i32
    %eq3A_122 = arith.constant 0 : i32
    %eq3A_123 = arith.cmpi eq, %jit3A_121, %eq3A_122 : i32
    %jit3A_124 = arith.constant 1 : i32
    %select_n3A_125 = arith.select %eq3A_123, %jit3A_124, %jit3A_121 : i32
    %rem3A_126 = vector.broadcast %select_n3A_125 : i32 to vector<1x8192xi32>
    %rem3A_127 = arith.remsi %iota3A_90, %rem3A_126 : vector<1x8192xi32>
    %ne3A_128 = arith.constant 0 : i32
    %ne3A_129 = vector.broadcast %ne3A_128 : i32 to vector<1x8192xi32>
    %ne3A_130 = arith.cmpi ne, %rem3A_127, %ne3A_129 : vector<1x8192xi32>
    %lt3A_131 = arith.constant 0 : i32
    %lt3A_132 = vector.broadcast %lt3A_131 : i32 to vector<1x8192xi32>
    %lt3A_133 = arith.cmpi slt, %rem3A_127, %lt3A_132 : vector<1x8192xi32>
    %lt3A_134 = arith.constant 0 : i32
    %lt3A_135 = arith.cmpi slt, %select_n3A_125, %lt3A_134 : i32
    %ne3A_136 = vector.broadcast %lt3A_135 : i1 to vector<1x8192xi1>
    %ne3A_137 = vector.broadcast %ne3A_136 : vector<1x8192xi1> to vector<1x8192xi1>
    %ne3A_138 = arith.xori %lt3A_133, %ne3A_137 : vector<1x8192xi1>
    %and3A_139 = arith.andi %ne3A_138, %ne3A_130 : vector<1x8192xi1>
    %add3A_140 = vector.broadcast %select_n3A_125 : i32 to vector<1x8192xi32>
    %add3A_141 = arith.addi %rem3A_127, %add3A_140 : vector<1x8192xi32>
    %select_n3A_142 = arith.select %and3A_139, %add3A_141, %rem3A_127 : vector<1x8192xi1>, vector<1x8192xi32>
    %convert_element_type3A_143 = arith.sitofp %select_n3A_142 : vector<1x8192xi32> to vector<1x8192xf32>
    %dot_general3A_144 = arith.constant dense<0.000000e+00> : vector<1x256xf32>
    %dot_general3A_145 = tpu.matmul %convert_element_type3A_143, %convert_element_type3A_89, %dot_general3A_144 {dimension_numbers = #tpu.dot_dimension_numbers<[1], [0], [0], [1], [0, 0, 1, 1], [], []>, transpose_lhs_hint = false} : vector<1x8192xf32>, vector<8192x256xf32>, vector<1x256xf32> -> vector<1x256xf32>
    %convert_element_type3A_146 = arith.fptosi %dot_general3A_120 : vector<1x256xf32> to vector<1x256xi32>
    %mul3A_147 = arith.constant 128 : i32
    %mul3A_148 = vector.broadcast %mul3A_147 : i32 to vector<1x256xi32>
    %mul3A_149 = arith.muli %convert_element_type3A_146, %mul3A_148 : vector<1x256xi32>
    %convert_element_type3A_150 = arith.fptosi %dot_general3A_145 : vector<1x256xf32> to vector<1x256xi32>
    %add3A_151 = arith.addi %mul3A_149, %convert_element_type3A_150 : vector<1x256xi32>
    %broadcast_in_dim3A_152 = vector.shape_cast %add3A_151 : vector<1x256xi32> to vector<1x1x256xi32>
    %swap3A_153 = arith.constant 0 : index
    %swap3A_154 = arith.constant 0 : index
    %swap3A_155 = arith.constant 0 : index
    %swap3A_156 = vector.load %arg4[%swap3A_153, %swap3A_154, %swap3A_155] : memref<1x1x256xi32, #tpu.memory_space<vmem>>, vector<1x1x256xi32>
    tpu.vector_store %arg4[%swap3A_153, %swap3A_154, %swap3A_155], %broadcast_in_dim3A_152 {strides = array<i32>} : memref<1x1x256xi32, #tpu.memory_space<vmem>>, vector<1x1x256xi32>,
    return
  }
  func.func @transform_0(%arg0: i32) -> (i32, i32, i32) {
    %c0_i32 = arith.constant 0 : i32
    %c0_i32_0 = arith.constant 0 : i32
    %c0_i32_1 = arith.constant 0 : i32
    return %arg0, %c0_i32, %c0_i32_0 : i32, i32, i32
  }
  func.func @transform_1(%arg0: i32) -> (i32, i32) {
    %c0_i32 = arith.constant 0 : i32
    %c0_i32_0 = arith.constant 0 : i32
    %c0_i32_1 = arith.constant 0 : i32
    return %c0_i32, %c0_i32_0 : i32, i32
  }
  func.func @transform_2(%arg0: i32) -> (i32, i32, i32) {
    %c0_i32 = arith.constant 0 : i32
    %c0_i32_0 = arith.constant 0 : i32
    %c0_i32_1 = arith.constant 0 : i32
    return %arg0, %c0_i32, %c0_i32_0 : i32, i32, i32
  }
  func.func @transform_3(%arg0: i32) -> (i32, i32, i32) {
    %c0_i32 = arith.constant 0 : i32
    %c0_i32_0 = arith.constant 0 : i32
    %c0_i32_1 = arith.constant 0 : i32
    return %arg0, %c0_i32, %c0_i32_0 : i32, i32, i32
  }
}

module attributes {stable_mosaic.version = 14 : i64} {
  func.func @_act_body(%arg0: i32, %arg1: memref<1x1024xf32, #tpu.memory_space<vmem>>, %arg2: memref<1024x1024xf32, #tpu.memory_space<vmem>>, %arg3: memref<1x1x1024xf32, #tpu.memory_space<vmem>>) attributes {dimension_semantics = [#tpu.dimension_semantics<arbitrary>], iteration_bounds = array<i64: 32>, scalar_prefetch = 0 : i64, scratch_operands = 0 : i64, tpu.core_type = #tpu.core_type<tc>, window_params = [{pipeline_mode = #tpu.pipeline_mode<synchronous>, transform_indices = @transform_0, window_bounds = array<i64: 1, 1024>}, {transform_indices = @transform_1, window_bounds = array<i64: 1024, 1024>}, {transform_indices = @transform_2, window_bounds = array<i64: 1, 1, 1024>}]} {
    %get3A = arith.constant 0 : index
    %get3A_0 = arith.constant 0 : index
    %get3A_1 = vector.load %arg1[%get3A, %get3A_0] : memref<1x1024xf32, #tpu.memory_space<vmem>>, vector<1x1024xf32>
    %get3A_2 = arith.constant 0 : index
    %get3A_3 = arith.constant 0 : index
    %get3A_4 = vector.load %arg2[%get3A_2, %get3A_3] : memref<1024x1024xf32, #tpu.memory_space<vmem>>, vector<1024x1024xf32>
    %dot_general3A = arith.constant dense<0.000000e+00> : vector<1x1024xf32>
    %dot_general3A_5 = tpu.matmul %get3A_1, %get3A_4, %dot_general3A {dimension_numbers = #tpu.dot_dimension_numbers<[1], [1], [0], [0], [0, 0, 1, 0], [], []>, transpose_lhs_hint = false} : vector<1x1024xf32>, vector<1024x1024xf32>, vector<1x1024xf32> -> vector<1x1024xf32>
    %broadcast_in_dim3A = vector.shape_cast %dot_general3A_5 : vector<1x1024xf32> to vector<1x1x1024xf32>
    %swap3A = arith.constant 0 : index
    %swap3A_6 = arith.constant 0 : index
    %swap3A_7 = arith.constant 0 : index
    %swap3A_8 = vector.load %arg3[%swap3A, %swap3A_6, %swap3A_7] : memref<1x1x1024xf32, #tpu.memory_space<vmem>>, vector<1x1x1024xf32>
    tpu.vector_store %arg3[%swap3A, %swap3A_6, %swap3A_7], %broadcast_in_dim3A {strides = array<i32>} : memref<1x1x1024xf32, #tpu.memory_space<vmem>>, vector<1x1x1024xf32>,
    return
  }
  func.func @transform_0(%arg0: i32) -> (i32, i32) {
    %c0_i32 = arith.constant 0 : i32
    %c0_i32_0 = arith.constant 0 : i32
    %c0_i32_1 = arith.constant 0 : i32
    return %c0_i32, %c0_i32_0 : i32, i32
  }
  func.func @transform_1(%arg0: i32) -> (i32, i32) {
    %c0_i32 = arith.constant 0 : i32
    %c0_i32_0 = arith.constant 0 : i32
    return %arg0, %c0_i32 : i32, i32
  }
  func.func @transform_2(%arg0: i32) -> (i32, i32, i32) {
    %c0_i32 = arith.constant 0 : i32
    %c0_i32_0 = arith.constant 0 : i32
    %c0_i32_1 = arith.constant 0 : i32
    return %arg0, %c0_i32, %c0_i32_0 : i32, i32, i32
  }
}

module attributes {stable_mosaic.version = 14 : i64} {
  func.func @_code_body(%arg0: i32, %arg1: memref<1x1x2048xf32, #tpu.memory_space<vmem>>, %arg2: memref<1x16x2048xf32, #tpu.memory_space<vmem>>, %arg3: memref<1x16x128xf32, #tpu.memory_space<vmem>>, %arg4: memref<1x1x16xf32, #tpu.memory_space<vmem>>, %arg5: memref<1x128xf32, #tpu.memory_space<vmem>>, %arg6: memref<1x16xf32, #tpu.memory_space<vmem>>, %arg7: memref<1x2x16xf32, #tpu.memory_space<vmem>>) attributes {dimension_semantics = [#tpu.dimension_semantics<arbitrary>], iteration_bounds = array<i64: 4>, scalar_prefetch = 0 : i64, scratch_operands = 0 : i64, tpu.core_type = #tpu.core_type<tc>, window_params = [{transform_indices = @transform_0, window_bounds = array<i64: 1, 1, 2048>}, {transform_indices = @transform_1, window_bounds = array<i64: 1, 16, 2048>}, {transform_indices = @transform_2, window_bounds = array<i64: 1, 16, 128>}, {transform_indices = @transform_3, window_bounds = array<i64: 1, 1, 16>}, {pipeline_mode = #tpu.pipeline_mode<synchronous>, transform_indices = @transform_4, window_bounds = array<i64: 1, 128>}, {pipeline_mode = #tpu.pipeline_mode<synchronous>, transform_indices = @transform_5, window_bounds = array<i64: 1, 16>}, {transform_indices = @transform_6, window_bounds = array<i64: 1, 2, 16>}]} {
    %get3A = arith.constant 0 : index
    %get3A_0 = arith.constant 0 : index
    %get3A_1 = arith.constant 0 : index
    %get3A_2 = vector.load %arg1[%get3A, %get3A_0, %get3A_1] : memref<1x1x2048xf32, #tpu.memory_space<vmem>>, vector<1x1x2048xf32>
    %get3A_3 = vector.shape_cast %get3A_2 : vector<1x1x2048xf32> to vector<2048xf32>
    %iota3A = tpu.iota {dimensions = array<i32: 1>} : vector<1x2048xi32>
    %squeeze3A = vector.shape_cast %iota3A : vector<1x2048xi32> to vector<2048xi32>
    %convert_element_type3A = arith.fptosi %get3A_3 : vector<2048xf32> to vector<2048xi32>
    %mul3A = arith.constant 2048 : i32
    %mul3A_4 = vector.broadcast %mul3A : i32 to vector<2048xi32>
    %mul3A_5 = arith.muli %convert_element_type3A, %mul3A_4 : vector<2048xi32>
    %sub3A = arith.constant 2047 : i32
    %sub3A_6 = vector.broadcast %sub3A : i32 to vector<2048xi32>
    %sub3A_7 = arith.subi %sub3A_6, %squeeze3A : vector<2048xi32>
    %add3A = arith.addi %mul3A_5, %sub3A_7 : vector<2048xi32>
    %scan3A = arith.constant 0 : i32
    %scan3A_8 = arith.constant 0 : i32
    %scan3A_9 = arith.constant 19 : i32
    %scan3A_10 = arith.addi %scan3A_8, %scan3A_9 : i32
    %scan3A_11 = arith.constant 1 : i32
    %scan3A_12 = scf.for %scan3A_77 = %scan3A_8 to %scan3A_10 step %scan3A_11 iter_args(%scan3A_78 = %scan3A) -> (i32)  : i32 {
      %sub3A_79 = arith.constant 18 : i32
      %sub3A_80 = arith.subi %sub3A_79, %scan3A_77 : i32
      %shift_left3A = arith.constant 1 : i32
      %shift_left3A_81 = arith.shli %shift_left3A, %sub3A_80 : i32
      %or3A = arith.ori %scan3A_78, %shift_left3A_81 : i32
      %ge3A_82 = vector.broadcast %or3A : i32 to vector<2048xi32>
      %ge3A_83 = arith.cmpi sge, %add3A, %ge3A_82 : vector<2048xi32>
      %convert_element_type3A_84 = arith.extui %ge3A_83 : vector<2048xi1> to vector<2048xi32>
      %reduce_sum3A_85 = vector.shape_cast %convert_element_type3A_84 : vector<2048xi32> to vector<1x2048xi32>
      %reduce_sum3A_86 = arith.constant dense<0> : vector<1xi32>
      %reduce_sum3A_87 = vector.multi_reduction <add>, %reduce_sum3A_85, %reduce_sum3A_86 [1] : vector<1x2048xi32> to vector<1xi32>
      %reduce_sum3A_88 = vector.shape_cast %reduce_sum3A_87 : vector<1xi32> to vector<1x1xi32>
      %reduce_sum3A_89 = vector.extract %reduce_sum3A_88[0, 0] : i32 from vector<1x1xi32>
      %ge3A_90 = arith.constant 80 : i32
      %ge3A_91 = arith.cmpi sge, %reduce_sum3A_89, %ge3A_90 : i32
      %select_n3A_92 = arith.select %ge3A_91, %or3A, %scan3A_78 : i32
      scf.yield %select_n3A_92 : i32
    }
    %scan3A_13 = arith.constant 19 : i32
    %ge3A = vector.broadcast %scan3A_12 : i32 to vector<2048xi32>
    %ge3A_14 = arith.cmpi sge, %add3A, %ge3A : vector<2048xi32>
    %convert_element_type3A_15 = arith.extui %ge3A_14 : vector<2048xi1> to vector<2048xi32>
    %convert_element_type3A_16 = arith.sitofp %convert_element_type3A_15 : vector<2048xi32> to vector<2048xf32>
    %get3A_17 = arith.constant 0 : index
    %get3A_18 = arith.constant 0 : index
    %get3A_19 = arith.constant 0 : index
    %get3A_20 = vector.load %arg2[%get3A_17, %get3A_18, %get3A_19] : memref<1x16x2048xf32, #tpu.memory_space<vmem>>, vector<1x16x2048xf32>
    %get3A_21 = vector.shape_cast %get3A_20 : vector<1x16x2048xf32> to vector<16x2048xf32>
    %broadcast_in_dim3A = vector.shape_cast %convert_element_type3A_16 : vector<2048xf32> to vector<1x2048xf32>
    %mul3A_22 = vector.broadcast %broadcast_in_dim3A : vector<1x2048xf32> to vector<16x2048xf32>
    %mul3A_23 = arith.mulf %get3A_21, %mul3A_22 : vector<16x2048xf32>
    %reduce_sum3A = arith.constant dense<0.000000e+00> : vector<16xf32>
    %reduce_sum3A_24 = vector.multi_reduction <add>, %mul3A_23, %reduce_sum3A [1] : vector<16x2048xf32> to vector<16xf32>
    %get3A_25 = arith.constant 0 : index
    %get3A_26 = arith.constant 0 : index
    %get3A_27 = arith.constant 0 : index
    %get3A_28 = vector.load %arg3[%get3A_25, %get3A_26, %get3A_27] : memref<1x16x128xf32, #tpu.memory_space<vmem>>, vector<1x16x128xf32>
    %get3A_29 = vector.shape_cast %get3A_28 : vector<1x16x128xf32> to vector<16x128xf32>
    %get3A_30 = arith.constant 0 : index
    %get3A_31 = arith.constant 0 : index
    %get3A_32 = vector.load %arg5[%get3A_30, %get3A_31] : memref<1x128xf32, #tpu.memory_space<vmem>>, vector<1x128xf32>
    %mul3A_33 = vector.broadcast %get3A_32 : vector<1x128xf32> to vector<16x128xf32>
    %mul3A_34 = arith.mulf %get3A_29, %mul3A_33 : vector<16x128xf32>
    %reduce_sum3A_35 = arith.constant dense<0.000000e+00> : vector<16xf32>
    %reduce_sum3A_36 = vector.multi_reduction <add>, %mul3A_34, %reduce_sum3A_35 [1] : vector<16x128xf32> to vector<16xf32>
    %add3A_37 = arith.addf %reduce_sum3A_24, %reduce_sum3A_36 : vector<16xf32>
    %get3A_38 = arith.constant 0 : index
    %get3A_39 = arith.constant 0 : index
    %get3A_40 = arith.constant 0 : index
    %get3A_41 = vector.load %arg4[%get3A_38, %get3A_39, %get3A_40] : memref<1x1x16xf32, #tpu.memory_space<vmem>>, vector<1x1x16xf32>
    %get3A_42 = vector.shape_cast %get3A_41 : vector<1x1x16xf32> to vector<16xf32>
    %add3A_43 = arith.addf %add3A_37, %get3A_42 : vector<16xf32>
    %tanh3A = math.tanh %add3A_43 : vector<16xf32>
    %get3A_44 = arith.constant 0 : index
    %get3A_45 = arith.constant 0 : index
    %get3A_46 = vector.load %arg6[%get3A_44, %get3A_45] : memref<1x16xf32, #tpu.memory_space<vmem>>, vector<1x16xf32>
    %get3A_47 = vector.shape_cast %get3A_46 : vector<1x16xf32> to vector<16xf32>
    %div3A = arith.divf %tanh3A, %get3A_47 : vector<16xf32>
    %jit3A = arith.constant 1.000000e+00 : f32
    %rem3A = vector.broadcast %jit3A : f32 to vector<16xf32>
    %rem3A_48 = arith.remf %div3A, %rem3A : vector<16xf32>
    %ne3A = arith.constant 0.000000e+00 : f32
    %ne3A_49 = vector.broadcast %ne3A : f32 to vector<16xf32>
    %ne3A_50 = arith.cmpf one, %rem3A_48, %ne3A_49 : vector<16xf32>
    %lt3A = arith.constant 0.000000e+00 : f32
    %lt3A_51 = vector.broadcast %lt3A : f32 to vector<16xf32>
    %lt3A_52 = arith.cmpf olt, %rem3A_48, %lt3A_51 : vector<16xf32>
    %lt3A_53 = arith.constant 0.000000e+00 : f32
    %lt3A_54 = arith.cmpf olt, %jit3A, %lt3A_53 : f32
    %ne3A_55 = vector.broadcast %lt3A_54 : i1 to vector<16xi1>
    %ne3A_56 = vector.broadcast %ne3A_55 : vector<16xi1> to vector<16xi1>
    %ne3A_57 = arith.xori %lt3A_52, %ne3A_56 : vector<16xi1>
    %and3A = arith.andi %ne3A_57, %ne3A_50 : vector<16xi1>
    %add3A_58 = vector.broadcast %jit3A : f32 to vector<16xf32>
    %add3A_59 = arith.addf %rem3A_48, %add3A_58 : vector<16xf32>
    %select_n3A = arith.select %and3A, %add3A_59, %rem3A_48 : vector<16xi1>, vector<16xf32>
    %mul3A_60 = arith.constant 6.28318548 : f32
    %mul3A_61 = vector.broadcast %mul3A_60 : f32 to vector<16xf32>
    %mul3A_62 = arith.mulf %mul3A_61, %select_n3A : vector<16xf32>
    %sin3A = math.sin %mul3A_62 : vector<16xf32>
    %swap3A = arith.constant 0 : index
    %swap3A_63 = arith.constant 0 : index
    %swap3A_64 = arith.constant 0 : index
    %swap3A_65 = vector.load %arg7[%swap3A, %swap3A_63, %swap3A_64] : memref<1x2x16xf32, #tpu.memory_space<vmem>>, vector<1x1x16xf32>
    %swap3A_66 = vector.shape_cast %swap3A_65 : vector<1x1x16xf32> to vector<16xf32>
    %swap3A_67 = vector.shape_cast %sin3A : vector<16xf32> to vector<1x1x16xf32>
    tpu.vector_store %arg7[%swap3A, %swap3A_63, %swap3A_64], %swap3A_67 {strides = array<i32>} : memref<1x2x16xf32, #tpu.memory_space<vmem>>, vector<1x1x16xf32>,
    %mul3A_68 = arith.constant 6.28318548 : f32
    %mul3A_69 = vector.broadcast %mul3A_68 : f32 to vector<16xf32>
    %mul3A_70 = arith.mulf %mul3A_69, %select_n3A : vector<16xf32>
    %cos3A = math.cos %mul3A_70 : vector<16xf32>
    %swap3A_71 = arith.constant 0 : index
    %swap3A_72 = arith.constant 1 : index
    %swap3A_73 = arith.constant 0 : index
    %swap3A_74 = vector.load %arg7[%swap3A_71, %swap3A_72, %swap3A_73] : memref<1x2x16xf32, #tpu.memory_space<vmem>>, vector<1x1x16xf32>
    %swap3A_75 = vector.shape_cast %swap3A_74 : vector<1x1x16xf32> to vector<16xf32>
    %swap3A_76 = vector.shape_cast %cos3A : vector<16xf32> to vector<1x1x16xf32>
    tpu.vector_store %arg7[%swap3A_71, %swap3A_72, %swap3A_73], %swap3A_76 {strides = array<i32>} : memref<1x2x16xf32, #tpu.memory_space<vmem>>, vector<1x1x16xf32>,
    return
  }
  func.func @transform_0(%arg0: i32) -> (i32, i32, i32) {
    %c0_i32 = arith.constant 0 : i32
    %c0_i32_0 = arith.constant 0 : i32
    %c0_i32_1 = arith.constant 0 : i32
    return %arg0, %c0_i32, %c0_i32_0 : i32, i32, i32
  }
  func.func @transform_1(%arg0: i32) -> (i32, i32, i32) {
    %c0_i32 = arith.constant 0 : i32
    %c0_i32_0 = arith.constant 0 : i32
    %c0_i32_1 = arith.constant 0 : i32
    return %arg0, %c0_i32, %c0_i32_0 : i32, i32, i32
  }
  func.func @transform_2(%arg0: i32) -> (i32, i32, i32) {
    %c0_i32 = arith.constant 0 : i32
    %c0_i32_0 = arith.constant 0 : i32
    %c0_i32_1 = arith.constant 0 : i32
    return %arg0, %c0_i32, %c0_i32_0 : i32, i32, i32
  }
  func.func @transform_3(%arg0: i32) -> (i32, i32, i32) {
    %c0_i32 = arith.constant 0 : i32
    %c0_i32_0 = arith.constant 0 : i32
    %c0_i32_1 = arith.constant 0 : i32
    return %arg0, %c0_i32, %c0_i32_0 : i32, i32, i32
  }
  func.func @transform_4(%arg0: i32) -> (i32, i32) {
    %c0_i32 = arith.constant 0 : i32
    %c0_i32_0 = arith.constant 0 : i32
    %c0_i32_1 = arith.constant 0 : i32
    return %c0_i32, %c0_i32_0 : i32, i32
  }
  func.func @transform_5(%arg0: i32) -> (i32, i32) {
    %c0_i32 = arith.constant 0 : i32
    %c0_i32_0 = arith.constant 0 : i32
    %c0_i32_1 = arith.constant 0 : i32
    return %c0_i32, %c0_i32_0 : i32, i32
  }
  func.func @transform_6(%arg0: i32) -> (i32, i32, i32) {
    %c0_i32 = arith.constant 0 : i32
    %c0_i32_0 = arith.constant 0 : i32
    %c0_i32_1 = arith.constant 0 : i32
    return %arg0, %c0_i32, %c0_i32_0 : i32, i32, i32
  }
}

</mosaic_0001>

<sc_bundles>
// kernel: kernel.6.cloned.1.call-start
scs
__scs_entry_jumppad:
0x0: {  	(pc) =	sbr.rel $0x88, $3  }
0x1: {  	(tag) =	ssettag $0x0;
	lr =	simm.s32 $0x1  }
0x2: {  	[smem:$0x3F9B] =	sst lr;
	_ =	strace $0xD0000000  }
0x3: {  	_ = 	snop  }
0x4: {  	_ = 	snop  }
0x5: {  	_ = 	snop  }
0x6: {  	_ = 	snop  }
0x7: {  	_ = 	snop  }
__scs_overlays_trampoline_lowered:
0x8: {  	[smem:$0x3FAA] =	sst s0  }
0x9: {  	[smem:$0x3FAB] =	sst s1  }
0xa: {  	[smem:$0x3FAC] =	sst s2  }
0xb: {  	[smem:$0x3FAD] =	sst s3  }
0xc: {  	[smem:$0x3FAE] =	sst s4  }
0xd: {  	[smem:$0x3FAF] =	sst s5  }
0xe: {  	[smem:$0x3FB0] =	sst s6  }
0xf: {  	[smem:$0x3FB1] =	sst s7  }
0x10: {  	[smem:$0x3FB2] =	sst s8  }
0x11: {  	[smem:$0x3FB3] =	sst s9;
	s0 =	simm.s32 @!p0 $0x0  }
0x12: {  	s1 =	sld [smem:$0x3F99];
	s0 =	simm.s32 @p0 $0x1  }
0x13: {  	[smem:$0x3FB4] =	sst s0;
	s0 =	simm.s32 @!p1 $0x0  }
0x14: {  	s2 =	sld [smem:$0x3F98];
	s0 =	simm.s32 @p1 $0x1  }
0x15: {  	[smem:$0x3FB5] =	sst s0;
	s0 =	simm.s32 @!p2 $0x0  }
0x16: {  	s3 =	sld [smem:$0x3FDB];
	s0 =	simm.s32 @p2 $0x1  }
0x17: {  	s4 =	simm.s32 $0x1BF5;
	[smem:$0x3FB7] =	sst s0  }
0x18: {  	s0 =	sld [smem:$0x3F9A];
	_ =	swait.ge [sflag:s4], $0x0  }
0x19: {  	s7 =	sld [smem:$0x3F9B]  }
0x1a: {  	s8 =	sadd.s32 $0xFFFFE003, lr  }
0x1b: {  	s9 =	sadd.s32 $0xFFFFFEF7, lr;
	s5 =	simm.s32 $0xFFFFFFFF;
	p2 =	slt.u32 s8, $0xFFFFF086  }
0x1c: {  	p1 =	slt.u32 s9, $0xF7A;
	s5 =	simm.s32 @!p2 $0x0  }
0x1d: {  	s5 =	simm.s32 @p1 $0x1;
	p0 =	seq.s32 s7, s2  }
0x1e: {  	s7 =	smul.u32 @!p0 $0xF7A, s2;
	p2 =	seq.s32 @!p0 s5, $0x0  }
0x1f: {  	s9 =	smul.u32 $0xF7A, s1;
	s8 =	simm.s32 @!p0 $0x1BF5;
	p2 =	por !p2, p0  }
0x20: {  	[sflag:s8] =	ssyncset.s32 @!p0 $0xFFFFF086;
	s6 =	sadd.s32 @!p0 s3, s7;
	s7 =	simm.s32 @!p0 $0x108  }
0x21: {  	s3 =	sadd.s32 s3, s9;
	s6 =	sadd.s32 @!p0 $0x88, s6;
	s7 =	simm.s32 @p2 $0x1082  }
0x22: {  	[simem:s7], [sflag:s8] =	dma.local @!p0 [hbm:s6], $0xF7A  }
0x23: {  	s9 =	sor.u32 $0xD0000000, s2;
	s6 =	simm.s32 $0x108;
	_ =	swait.ge @!p0 [sflag:s8], $0x0  }
0x24: {  	s3 =	sadd.s32 $0x88, s3;
	s6 =	simm.s32 @!p1 $0x1082;
	[sflag:s4] =	ssyncset.s32 $0xFFFFF086  }
0x25: {  	[simem:s6], [sflag:s4] =	dma.local [hbm:s3], $0xF7A  }
0x26: {  	[smem:$0x3F9B] =	sst s1;
	(tag) =	ssettag s2;
	_ =	strace s9  }
0x27: {  	s1 =	sld [smem:$0x3FAB]  }
0x28: {  	s2 =	sld [smem:$0x3FAC]  }
0x29: {  	s4 =	sld [smem:$0x3FAE]  }
0x2a: {  	p0 =	seq.s32 s5, $0x0;
	s5 =	sld [smem:$0x3FAF]  }
0x2b: {  	s6 =	sld [smem:$0x3FB0]  }
0x2c: {  	s7 =	sld [smem:$0x3FB1]  }
0x2d: {  	s3 =	simm.s32 $0x108;
	s8 =	sld [smem:$0x3FB2]  }
0x2e: {  	s3 =	simm.s32 @!p0 $0x1082;
	s9 =	sld [smem:$0x3FB3]  }
0x2f: {  	lr =	sadd.s32 s0, s3;
	s0 =	sld [smem:$0x3FAA]  }
0x30: {  	s3 =	sld [smem:$0x3FAD]  }
0x31: {  	[smem:$0x3FB6] =	sst s10  }
0x32: {  	s10 =	sld [smem:$0x3FB4];
	_ =	sdelay $0x3  }
0x33: {  	p0 =	seq.s32 s10, $0x1;
	s10 =	sld [smem:$0x3FB6];
	_ =	sdelay $0x3  }
0x34: {  	[smem:$0x3FB6] =	sst s10  }
0x35: {  	s10 =	sld [smem:$0x3FB5];
	_ =	sdelay $0x3  }
0x36: {  	p1 =	seq.s32 s10, $0x1;
	s10 =	sld [smem:$0x3FB6];
	_ =	sdelay $0x3  }
0x37: {  	[smem:$0x3FB6] =	sst s10  }
0x38: {  	s10 =	sld [smem:$0x3FB7]  }
0x39: {  	_ = 	snop;
	(pc) =	sbr.ind lr, $3  }
0x3a: {  	_ = 	snop  }
0x3b: {  	_ = 	snop  }
0x3c: {  	p2 =	seq.s32 s10, $0x1;
	s10 =	sld [smem:$0x3FB6]  }
0x3d: {  	_ =	shalt  }
0x3e: {  	_ =	shalt  }
0x3f: {  	_ =	shalt  }
0x40: {  	_ =	shalt  }
0x41: {  	_ =	shalt  }
0x42: {  	_ =	shalt  }
0x43: {  	_ =	shalt  }
0x44: {  	_ =	shalt  }
0x45: {  	_ =	shalt  }
0x46: {  	_ =	shalt  }
0x47: {  	_ =	shalt  }
0x48: {  	_ =	shalt  }
0x49: {  	_ =	shalt  }
0x4a: {  	_ =	shalt  }
0x4b: {  	_ =	shalt  }
0x4c: {  	_ =	shalt  }
0x4d: {  	_ =	shalt  }
0x4e: {  	_ =	shalt  }
0x4f: {  	_ =	shalt  }
0x50: {  	_ =	shalt  }
0x51: {  	_ =	shalt  }
0x52: {  	_ =	shalt  }
0x53: {  	_ =	shalt  }
0x54: {  	_ =	shalt  }
0x55: {  	_ =	shalt  }
0x56: {  	_ =	shalt  }
0x57: {  	_ =	shalt  }
0x58: {  	_ =	shalt  }
0x59: {  	_ =	shalt  }
0x5a: {  	_ =	shalt  }
0x5b: {  	_ =	shalt  }
0x5c: {  	_ =	shalt  }
0x5d: {  	_ =	shalt  }
0x5e: {  	_ =	shalt  }
0x5f: {  	_ =	shalt  }
0x60: {  	_ =	shalt  }
0x61: {  	_ =	shalt  }
0x62: {  	_ =	shalt  }
0x63: {  	_ =	shalt  }
0x64: {  	_ =	shalt  }
0x65: {  	_ =	shalt  }
0x66: {  	_ =	shalt  }
0x67: {  	_ =	shalt  }
0x68: {  	_ =	shalt  }
0x69: {  	_ =	shalt  }
0x6a: {  	_ =	shalt  }
0x6b: {  	_ =	shalt  }
0x6c: {  	_ =	shalt  }
0x6d: {  	_ =	shalt  }
0x6e: {  	_ =	shalt  }
0x6f: {  	_ =	shalt  }
0x70: {  	_ =	shalt  }
0x71: {  	_ =	shalt  }
0x72: {  	_ =	shalt  }
0x73: {  	_ =	shalt  }
0x74: {  	_ =	shalt  }
0x75: {  	_ =	shalt  }
0x76: {  	_ =	shalt  }
0x77: {  	_ =	shalt  }
0x78: {  	_ =	shalt  }
0x79: {  	_ =	shalt  }
0x7a: {  	_ =	shalt  }
0x7b: {  	_ =	shalt  }
0x7c: {  	_ =	shalt  }
0x7d: {  	_ =	shalt  }
0x7e: {  	_ =	shalt  }
0x7f: {  	_ =	shalt  }
0x80: {  	_ =	shalt  }
0x81: {  	_ =	shalt  }
0x82: {  	_ =	shalt  }
0x83: {  	_ =	shalt  }
0x84: {  	_ =	shalt  }
0x85: {  	_ =	shalt  }
0x86: {  	_ =	shalt  }
0x87: {  	_ =	shalt  }
.Lfunc_end0:
.L_simem_size_0:
called_computation.1_lowered:
.L_overlay_start_0:
0x88: {  	s2 =	sld [smem:$0x3FD9]  }
0x89: {  	s3 =	sld [smem:$0x3FFE];
	_ =	sdelay $0x1  }
0x8a: {  	s1 =	srdreg.scid  }
0x8b: {  	s0 =	sand.u32 $0x1, s1  }
0x8c: {  	s17 =	sshll.u32 s0, $0xA;
	s2 =	sadd.s32 s3, s2  }
0x8d: {  	s2 =	sadd.s32 s2, s17  }
0x8e: {  	[smem:$0x3FC2] =	sst s2  }
0x8f: {  	_ = 	snop  }
0x90: {  	s2 =	sld [smem:$0x3FD0];
	(tm) =	ssettm $0x1  }
0x91: {  	s18 =	sld [smem:$0x3FFB];
	_ =	sdelay $0x3  }
0x92: {  	_ =	strace s18  }
0x93: {  	s3 =	sld [smem:$0x3FFC];
	_ =	sdelay $0x3  }
0x94: {  	_ =	strace s3  }
0x95: {  	s3 =	sld [smem:$0x3FFD];
	_ =	sdelay $0x3  }
0x96: {  	_ =	strace s3  }
0x97: {  	_ =	strace $0x8FFFFFFF  }
0x98: {  	s19 =	sld [smem:$0x3FDB];
	_ =	sdelay $0x1  }
0x99: {  	s4 =	simm.s32 $_scs_section_size  }
0x9a: {  	s5 =	simm.s32 $_size__tile_overlayer_lowered;
	s6 =	simm.s32 $_tile_overlayer_lowered  }
0x9b: {  	s22 =	simm.s32 $0x1BFF;
	s21 =	sshll.u32 s6, $0x1;
	s3 =	sadd.s32 s4, s19  }
0x9c: {  	s7 =	simm.s32 $0x0;
	s20 =	sshll.u32 s5, $0x1;
	s5 =	sadd.s32 s21, s3  }
0x9d: {  	[timem:s7], [sflag:s22] =	dma.local [hbm:s5], s20  }
0x9e: {  	_ =	swait.ge [sflag:s22], s20  }
0x9f: {  	s4 =	ssub.s32 $0x0, s20;
	[sflag:s22] =	ssyncset.done $0x0  }
0xa0: {  	[sflag:s22] =	ssyncadd.s32 s4;
	_ =	sdelay $0x1  }
0xa1: {  	s23 =	simm.s32 $0x1B8B  }
0xa2: {  	_ =	swait.ge [sflag:s23], $0x1  }
0xa3: {  	[sflag:s23] =	ssyncset.done $0x0  }
0xa4: {  	s25 =	simm.s32 $0x1B8E;
	s24 =	sld [smem:$0x3FFE];
	[sflag:s23] =	ssyncadd.s32 $0xFFFFFFFF  }
0xa5: {  	s26 =	simm.s32 $execute0_lowered;
	[smem:$0x3FD2] =	sst s25  }
0xa6: {  	s5 =	sshll.u32 s26, $0x1;
	_ =	strace $0x80000049;
	[dreg:$0x1] =	wrdreg $0xFFFFFFFF  }
0xa7: {  	s28 =	simm.s32 $_size_execute0_lowered;
	s3 =	sadd.s32 s3, s5;
	[dreg:$0x0] =	wrdreg $0x0  }
0xa8: {  	s5 =	sshll.u32 s28, $0x1;
	[dreg:$0x2] =	wrdreg s3  }
0xa9: {  	[dreg:$0x3] =	wrdreg s5  }
0xaa: {  	[dreg:$0x4] =	wrdreg $0xC0  }
0xab: {  	_ =	task [dreg:s7], $0x5FFFF  }
0xac: {  	[dreg:$0x1] =	wrdreg $0xFFFFFFFF  }
0xad: {  	[dreg:$0x0] =	wrdreg $0x60  }
0xae: {  	[dreg:$0x2] =	wrdreg s24  }
0xaf: {  	[dreg:$0x3] =	wrdreg s2  }
0xb0: {  	[dreg:$0x4] =	wrdreg $0x9  }
0xb1: {  	_ =	task.clear_ibuf [dreg:s7], $0x5FFFF;
	_ =	strace $0x90000049  }
0xb2: {  	s29 =	simm.s32 $0x9;
	_ =	strace $0x8000004B  }
0xb3: {  	_ =	swait.ge [sflag:s29], $0x1  }
0xb4: {  	[sflag:s29] =	ssyncadd.s32 $0xFFFFFFFF  }
0xb5: {  	_ =	strace $0x9000004B  }
0xb6: {  	_ =	sfence  }
0xb7: {  	s30 =	sld [smem:$0x0];
	_ =	sdelay $0x2  }
0xb8: {  	s31 =	sshll.u32 s1, $0xD;
	s1 =	sshrl.u32 s1, $0x2  }
0xb9: {  	s3 =	sand.u32 $0x4000, s31;
	s1 =	sadd.s32 s1, s30  }
0xba: {  	s0 =	sor.u32 s3, s0;
	s1 =	sshll.u32 s1, $0x11  }
0xbb: {  	s0 =	sor.u32 s1, s0  }
0xbc: {  	s0 =	sadd.s32 $0x8F2B, s0  }
0xbd: {  	[sflag:s0] =	ssyncadd.remote.s32 $0x1  }
0xbe: {  	_ =	sfence.sel $0xFFFF  }
0xbf: {  	[dreg:$0x0] =	wrdreg $0xFFFFFFFF;
	(pc) =	sbr.abs _section_cstart, $3  }
0xc0: {  	[dreg:$0x1] =	wrdreg $0xFFFFFFFF  }
0xc1: {  	_ =	task.clear_ibuf [dreg:s7], $0x2FFFF;
	_ =	strace $0x9FFFFFFF  }
0xc2: {  	(tm) =	ssettm $0x7FFFFFFF  }
0xc3: {  	_ =	shalt  }
tec
execute0_lowered:
.L_overlay_start_1:
0x0: {  	(tag) =	ssettag $0x1  }
0x1: {  	s14 =	rddreg [dreg:$0x0]  }
0x2: {  	s15 =	rddreg [dreg:$0x1]  }
0x3: {  	s0 =	rddreg [dreg:$0x2]  }
0x4: {  	s2 =	simm.s32 $0x0;
	s3 =	srdreg.scid;
	s1 =	stileid.u32  }
0x5: {  	s18 =	simm.s32 $0x200;
	s19 =	simm.s32 $0x2;
	s20 =	simm.s32 $0x2900  }
0x6: {  	s21 =	simm.s32 $0x100;
	s22 =	simm.s32 $0x2A00;
	s23 =	simm.s32 $0x1  }
0x7: {  	s24 =	simm.s32 $0x5300;
	s25 =	simm.s32 $0x0;
	[smem:$0x7FF] =	sst s2  }
0x8: {  	s5 =	sand.u32 $0x1, s3;
	s3 =	sadd.s32 $0x1C00, s14;
	s7 =	sshll.u32 s1, $0x1  }
0x9: {  	s4 =	sadd.s32 $0x802000, s14;
	s11 =	sadd.s32 $0x802020, s14;
	s6 =	ssub.s32 $0x2, s5  }
0xa: {  	_ =	strace $0x8000004A;
	s5 =	sor.u32 s5, s7;
	s8 =	sshrl.u32 s6, $0x1  }
0xb: {  	s12 =	sshll.u32 s5, $0x6;
	s30 =	sshll.u32 s5, $0x3;
	s5 =	sshll.u32 s5, $0x13  }
0xc: {  	s16 =	ssub.s32 s6, s8;
	s6 =	sadd.s32 s15, s30;
	s31 =	sor.u32 $0x800, s12  }
0xd: {  	s13 =	sor.u32 $0x1000, s12;
	s8 =	sadd.s32 $0x802010, s14;
	s17 =	sor.u32 $0x1800, s12  }
0xe: {  	v0 =	vlaneseq.u32;
	s14 =	sadd.s32 $0x802030, s14;
	s7 =	sshll.u32 s31, $0xD;
	s9 =	sshrl.u32 s31, $0x3  }
0xf: {  	v0 =	vmul.u32 $0x2000, v0;
	s10 =	sshll.u32 s13, $0xD;
	s13 =	sshrl.u32 s13, $0x3;
	s16 =	smax.u32 s16, $0x1  }
0x10: {  	v4 =	vimm.f32 $0.0e+00;
	s12 =	sadd.s32 s15, s13;
	s13 =	sshll.u32 s17, $0xD;
	s17 =	sshrl.u32 s17, $0x3  }
0x11: {  	v1 =	vor.u32 $0x20000, v0;
	v2 =	vor.u32 $0x40000, v0;
	v3 =	vor.u32 $0x60000, v0;
	s9 =	sadd.s32 s15, s9;
	s15 =	sadd.s32 s15, s17;
	s17 =	simm.s32 $0x80  }
.LBB2_1:
0x12: {  	[tilespmem:s2], [sflag:$0x2] =	stream.strided.gather [hbm4b:s4+s17], $0x100, s18, s17, $0x38;
	[tilespmem:$0x5380] =	vst v63  }
0x13: {  	_ =	swait.ge [sflag:s19], $0x100  }
0x14: {  	s26 =	simm.s32 $0x3C0;
	[sflag:s19] =	ssyncset.done $0x0  }
0x15: {  	s28 =	simm.s32 $0x300;
	s29 =	simm.s32 $0x0;
	[sflag:s19] =	ssyncadd.s32 $0xFFFFFF00  }
.LBB2_2:
0x16: {  	v5 =	vld [tilespmem:s29+$0x0];
	_ =	sdelay $0x4  }
0x17: {  	v5 =	vadd.s32 s5, v5  }
0x18: {  	v6 =	vbroadcast v5, $0x0;
	_ =	sdelay $0x1  }
0x19: {  	v7 =	vadd.s32 v0, v6  }
0x1a: {  	[tilespmem:s28+$0xFFFFFE00] =	vst v7;
	v7 =	vadd.s32 v1, v6  }
0x1b: {  	v8 =	vbroadcast v5, $0x1;
	[tilespmem:s28+$0xFFFFFE10] =	vst v7;
	v7 =	vadd.s32 v2, v6  }
0x1c: {  	v6 =	vadd.s32 v3, v6;
	[tilespmem:s28+$0xFFFFFE20] =	vst v7  }
0x1d: {  	[tilespmem:s28+$0xFFFFFE30] =	vst v6;
	v6 =	vadd.s32 v0, v8  }
0x1e: {  	[tilespmem:s28+$0xFFFFFE40] =	vst v6;
	v6 =	vadd.s32 v1, v8  }
0x1f: {  	v7 =	vbroadcast v5, $0x2;
	[tilespmem:s28+$0xFFFFFE50] =	vst v6;
	v6 =	vadd.s32 v2, v8  }
0x20: {  	[tilespmem:s28+$0xFFFFFE60] =	vst v6;
	v6 =	vadd.s32 v3, v8  }
0x21: {  	[tilespmem:s28+$0xFFFFFE70] =	vst v6;
	v6 =	vadd.s32 v0, v7  }
0x22: {  	[tilespmem:s28+$0xFFFFFE80] =	vst v6;
	v6 =	vadd.s32 v1, v7  }
0x23: {  	v58 =	vbroadcast v5, $0x3;
	[tilespmem:s28+$0xFFFFFE90] =	vst v6;
	v6 =	vadd.s32 v2, v7  }
0x24: {  	[tilespmem:s28+$0xFFFFFEA0] =	vst v6;
	v6 =	vadd.s32 v3, v7  }
0x25: {  	s30 =	sadd.s32 $0xFFFFFD00, s26;
	[tilespmem:s28+$0xFFFFFEB0] =	vst v6;
	v6 =	vadd.s32 v0, v58  }
0x26: {  	s31 =	sor.u32 $0x50, s30;
	[tilespmem:s28+$0xFFFFFEC0] =	vst v6;
	v6 =	vadd.s32 v1, v58  }
0x27: {  	v7 =	vbroadcast v5, $0x4;
	[tilespmem:s31+$0x100] =	vst v6;
	v6 =	vadd.s32 v2, v58;
	s31 =	sor.u32 $0x60, s30  }
0x28: {  	s30 =	sor.u32 $0x70, s30;
	[tilespmem:s31+$0x100] =	vst v6;
	v6 =	vadd.s32 v3, v58  }
0x29: {  	[tilespmem:s30+$0x100] =	vst v6;
	v6 =	vadd.s32 v0, v7  }
0x2a: {  	[tilespmem:s28+$0xFFFFFF00] =	vst v6;
	v6 =	vadd.s32 v1, v7  }
0x2b: {  	v59 =	vbroadcast v5, $0x5;
	[tilespmem:s28+$0xFFFFFF10] =	vst v6;
	v6 =	vadd.s32 v2, v7  }
0x2c: {  	[tilespmem:s28+$0xFFFFFF20] =	vst v6;
	v6 =	vadd.s32 v3, v7  }
0x2d: {  	s30 =	sadd.s32 $0xFFFFFD80, s26;
	[tilespmem:s28+$0xFFFFFF30] =	vst v6;
	v6 =	vadd.s32 v0, v59  }
0x2e: {  	s31 =	sor.u32 $0x50, s30;
	[tilespmem:s28+$0xFFFFFF40] =	vst v6;
	v6 =	vadd.s32 v1, v59  }
0x2f: {  	v7 =	vbroadcast v5, $0x6;
	[tilespmem:s31+$0x100] =	vst v6;
	v6 =	vadd.s32 v2, v59;
	s31 =	sor.u32 $0x60, s30  }
0x30: {  	s30 =	sor.u32 $0x70, s30;
	[tilespmem:s31+$0x100] =	vst v6;
	v6 =	vadd.s32 v3, v59  }
0x31: {  	[tilespmem:s30+$0x100] =	vst v6;
	v6 =	vadd.s32 v0, v7  }
0x32: {  	[tilespmem:s28+$0xFFFFFF80] =	vst v6;
	v6 =	vadd.s32 v1, v7  }
0x33: {  	v60 =	vbroadcast v5, $0x7;
	[tilespmem:s28+$0xFFFFFF90] =	vst v6;
	v6 =	vadd.s32 v2, v7  }
0x34: {  	[tilespmem:s28+$0xFFFFFFA0] =	vst v6;
	v6 =	vadd.s32 v3, v7  }
0x35: {  	s30 =	sadd.s32 $0xFFFFFE00, s26;
	[tilespmem:s28+$0xFFFFFFB0] =	vst v6;
	v6 =	vadd.s32 v0, v60  }
0x36: {  	s31 =	sor.u32 $0x50, s30;
	[tilespmem:s28+$0xFFFFFFC0] =	vst v6;
	v6 =	vadd.s32 v1, v60  }
0x37: {  	v7 =	vbroadcast v5, $0x8;
	[tilespmem:s31+$0x100] =	vst v6;
	v6 =	vadd.s32 v2, v60;
	s31 =	sor.u32 $0x60, s30  }
0x38: {  	s30 =	sor.u32 $0x70, s30;
	[tilespmem:s31+$0x100] =	vst v6;
	v6 =	vadd.s32 v3, v60  }
0x39: {  	[tilespmem:s30+$0x100] =	vst v6;
	v6 =	vadd.s32 v0, v7  }
0x3a: {  	[tilespmem:s28+$0x0] =	vst v6;
	v6 =	vadd.s32 v1, v7  }
0x3b: {  	v61 =	vbroadcast v5, $0x9;
	[tilespmem:s28+$0x10] =	vst v6;
	v6 =	vadd.s32 v2, v7  }
0x3c: {  	[tilespmem:s28+$0x20] =	vst v6;
	v6 =	vadd.s32 v3, v7  }
0x3d: {  	s30 =	sadd.s32 $0xFFFFFE80, s26;
	[tilespmem:s28+$0x30] =	vst v6;
	v6 =	vadd.s32 v0, v61  }
0x3e: {  	s31 =	sor.u32 $0x50, s30;
	[tilespmem:s28+$0x40] =	vst v6;
	v6 =	vadd.s32 v1, v61  }
0x3f: {  	v7 =	vbroadcast v5, $0xA;
	[tilespmem:s31+$0x100] =	vst v6;
	v6 =	vadd.s32 v2, v61;
	s31 =	sor.u32 $0x60, s30  }
0x40: {  	s30 =	sor.u32 $0x70, s30;
	[tilespmem:s31+$0x100] =	vst v6;
	v6 =	vadd.s32 v3, v61  }
0x41: {  	[tilespmem:s30+$0x100] =	vst v6;
	v6 =	vadd.s32 v0, v7  }
0x42: {  	[tilespmem:s28+$0x80] =	vst v6;
	v6 =	vadd.s32 v1, v7  }
0x43: {  	v62 =	vbroadcast v5, $0xB;
	[tilespmem:s28+$0x90] =	vst v6;
	v6 =	vadd.s32 v2, v7  }
0x44: {  	[tilespmem:s28+$0xA0] =	vst v6;
	v6 =	vadd.s32 v3, v7  }
0x45: {  	(v2sf) =	vpush v5, $0xF;
	s30 =	sadd.s32 $0xFFFFFF00, s26;
	[tilespmem:s28+$0xB0] =	vst v6;
	v6 =	vadd.s32 v0, v62  }
0x46: {  	s31 =	sor.u32 $0x50, s30;
	[tilespmem:s28+$0xC0] =	vst v6;
	v6 =	vadd.s32 v1, v62  }
0x47: {  	v7 =	vbroadcast v5, $0xC;
	[tilespmem:s31+$0x100] =	vst v6;
	v6 =	vadd.s32 v2, v62;
	s31 =	sor.u32 $0x60, s30  }
0x48: {  	s30 =	sor.u32 $0x70, s30;
	[tilespmem:s31+$0x100] =	vst v6;
	v6 =	vadd.s32 v3, v62  }
0x49: {  	[tilespmem:s30+$0x100] =	vst v6;
	v6 =	vadd.s32 v0, v7  }
0x4a: {  	[tilespmem:s28+$0x100] =	vst v6;
	v6 =	vadd.s32 v1, v7  }
0x4b: {  	v63 =	vbroadcast v5, $0xD;
	[tilespmem:s28+$0x110] =	vst v6;
	v6 =	vadd.s32 v2, v7  }
0x4c: {  	[tilespmem:s28+$0x120] =	vst v6;
	v6 =	vadd.s32 v3, v7  }
0x4d: {  	s30 =	sadd.s32 $0xFFFFFF80, s26;
	[tilespmem:s28+$0x130] =	vst v6;
	v6 =	vadd.s32 v0, v63  }
0x4e: {  	s31 =	sor.u32 $0x50, s30;
	[tilespmem:s28+$0x140] =	vst v6;
	v6 =	vadd.s32 v1, v63  }
0x4f: {  	v5 =	vbroadcast v5, $0xE;
	[tilespmem:s31+$0x100] =	vst v6;
	v6 =	vadd.s32 v2, v63;
	s31 =	sor.u32 $0x60, s30  }
0x50: {  	s30 =	sor.u32 $0x70, s30;
	[tilespmem:s31+$0x100] =	vst v6;
	v6 =	vadd.s32 v3, v63  }
0x51: {  	[tilespmem:s30+$0x100] =	vst v6;
	v6 =	vadd.s32 v0, v5  }
0x52: {  	[tilespmem:s28+$0x180] =	vst v6;
	v6 =	vadd.s32 v1, v5  }
0x53: {  	[tilespmem:s28+$0x190] =	vst v6;
	v6 =	vadd.s32 v2, v5  }
0x54: {  	p0 =	sne.s32 s26, $0x27C0;
	s30 =	spop (v2sf);
	v5 =	vadd.s32 v3, v5;
	[tilespmem:s28+$0x1A0] =	vst v6  }
.Ltmp0:
0x55: {  	[tilespmem:s28+$0x1B0] =	vst v5;
	v5 =	vadd.s32 s30, v0;
	(pc) =	sbr.rel @p0 .LBB2_2-.Ltmp0, $4  }
0x56: {  	s31 =	sor.u32 $0x50, s26;
	[tilespmem:s28+$0x1C0] =	vst v5;
	v5 =	vadd.s32 s30, v1  }
0x57: {  	[tilespmem:s31+$0x100] =	vst v5;
	v5 =	vadd.s32 s30, v2;
	s31 =	sor.u32 $0x60, s26  }
0x58: {  	[tilespmem:s31+$0x100] =	vst v5;
	v5 =	vadd.s32 s30, v3;
	s31 =	sor.u32 $0x70, s26  }
0x59: {  	s29 =	sadd.s32 $0x10, s29;
	s28 =	sadd.s32 $0x400, s28;
	s26 =	sadd.s32 $0x400, s26;
	[tilespmem:s31+$0x100] =	vst v5  }
0x5a: {  	v5 =	vld [tilespmem:$0xA0];
	_ =	sdelay $0x4  }
0x5b: {  	v5 =	vadd.s32 s5, v5  }
0x5c: {  	(v2sf) =	vpush v5, $0x3;
	_ =	sdelay $0x1  }
0x5d: {  	v6 =	vbroadcast v5, $0x0;
	_ =	sdelay $0x1  }
0x5e: {  	v7 =	vadd.s32 v0, v6  }
0x5f: {  	[tilespmem:$0x2900] =	vst v7;
	v7 =	vadd.s32 v1, v6  }
0x60: {  	v8 =	vbroadcast v5, $0x1;
	[tilespmem:$0x2910] =	vst v7;
	v7 =	vadd.s32 v2, v6  }
0x61: {  	v6 =	vadd.s32 v3, v6;
	[tilespmem:$0x2920] =	vst v7  }
0x62: {  	[tilespmem:$0x2930] =	vst v6;
	v6 =	vadd.s32 v0, v8  }
0x63: {  	[tilespmem:$0x2940] =	vst v6;
	v6 =	vadd.s32 v1, v8  }
0x64: {  	v5 =	vbroadcast v5, $0x2;
	[tilespmem:$0x2950] =	vst v6;
	v6 =	vadd.s32 v2, v8  }
0x65: {  	[tilespmem:$0x2960] =	vst v6;
	v6 =	vadd.s32 v3, v8  }
0x66: {  	[tilespmem:$0x2970] =	vst v6;
	v6 =	vadd.s32 v0, v5  }
0x67: {  	[tilespmem:$0x2980] =	vst v6;
	v6 =	vadd.s32 v1, v5  }
0x68: {  	[tilespmem:$0x2990] =	vst v6;
	v6 =	vadd.s32 v2, v5  }
0x69: {  	v5 =	vadd.s32 v3, v5;
	[tilespmem:$0x29A0] =	vst v6;
	s26 =	spop (v2sf)  }
0x6a: {  	[tilespmem:$0x29B0] =	vst v5;
	v5 =	vadd.s32 s26, v0  }
0x6b: {  	[tilespmem:$0x29C0] =	vst v5;
	v5 =	vadd.s32 s26, v1  }
0x6c: {  	[tilespmem:$0x29D0] =	vst v5;
	v5 =	vadd.s32 s26, v2  }
0x6d: {  	[tilespmem:$0x29E0] =	vst v5;
	v5 =	vadd.s32 s26, v3  }
0x6e: {  	[tilespmem:$0x29F0] =	vst v5  }
0x6f: {  	[tilespmem:s22], [sflag:$0x1] =	stream.indirect.gather [hbm4b:s3+s20], $0x1, s21, s20, $0xb8;
	[tilespmem:$0x5380] =	vst v63  }
0x70: {  	_ =	swait.ge [sflag:s23], $0x2900  }
0x71: {  	[sflag:s23] =	ssyncset.done $0x0  }
0x72: {  	s28 =	simm.s32 $0x0;
	[sflag:s23] =	ssyncadd.s32 $0xFFFFD700  }
0x73: {  	v6 =	vld [tilespmem:s28+$0x2A30]  }
0x74: {  	v11 =	vld [tilespmem:s28+$0x2A00]  }
0x75: {  	v12 =	vld [tilespmem:s28+$0x2A10]  }
0x76: {  	v10 =	vimm.f32 $0.0e+00;
	v9 =	vld [tilespmem:s28+$0x2A20]  }
0x77: {  	v7 =	vimm.f32 $0.0e+00;
	v8 =	vimm.f32 $0.0e+00;
	s26 =	simm.s32 $0x100;
	v5 =	vimm.f32 $0.0e+00  }
.LBB2_4:
0x78: {  	s28 =	sshra.s32 s26, $0x2;
	p0 =	sne.s32 s26, $0xA300;
	s26 =	sadd.s32 $0x100, s26;
	vm0 =	vge.f32 v6, $5.000000000e-01  }
.Ltmp1:
0x79: {  	v6 =	vld [tilespmem:s28+$0x2A30];
	vm1 =	vge.f32 v11, $5.000000000e-01;
	v13 =	vsel vm0, $0x3F800000, v4;
	(pc) =	sbr.rel @p0 .LBB2_4-.Ltmp1, $4  }
0x7a: {  	v11 =	vld [tilespmem:s28+$0x2A00];
	v14 =	vsel vm1, $0x3F800000, v4;
	vm0 =	vge.f32 v12, $5.000000000e-01;
	v5 =	vadd.f32 v13, v5  }
0x7b: {  	v12 =	vld [tilespmem:s28+$0x2A10];
	v10 =	vadd.f32 v14, v10;
	v13 =	vsel vm0, $0x3F800000, v4;
	vm0 =	vge.f32 v9, $5.000000000e-01  }
0x7c: {  	v9 =	vld [tilespmem:s28+$0x2A20];
	v8 =	vadd.f32 v13, v8;
	v13 =	vsel vm0, $0x3F800000, v4  }
0x7d: {  	v7 =	vadd.f32 v13, v7  }
0x7e: {  	vm1 =	vge.f32 v6, $5.000000000e-01  }
0x7f: {  	vm0 =	vge.f32 v11, $5.000000000e-01;
	v63 =	vsel vm1, $0x3F800000, v4  }
0x80: {  	v11 =	vsel vm0, $0x3F800000, v4;
	vm14 =	vge.f32 v12, $5.000000000e-01;
	v5 =	vadd.f32 v63, v5  }
0x81: {  	v10 =	vadd.f32 v11, v10;
	v61 =	vsel vm14, $0x3F800000, v4;
	vm15 =	vge.f32 v9, $5.000000000e-01  }
0x82: {  	v6 =	vadd.f32 v61, v8;
	v62 =	vsel vm15, $0x3F800000, v4;
	[tilespmem:$0x5330] =	vst v5  }
0x83: {  	v7 =	vadd.f32 v62, v7;
	[tilespmem:$0x5300] =	vst v10  }
0x84: {  	[tilespmem:$0x5310] =	vst v6  }
0x85: {  	s26 =	simm.s32 $0x0;
	[tilespmem:$0x5320] =	vst v7  }
0x86: {  	[hbm4b:s6+s26] =	stream.linear.scatter [tilespmem:s24], [sflag:$0x2], $0x40, $0x38;
	[tilespmem:$0x5380] =	vst v63  }
0x87: {  	_ =	swait.ge [sflag:s19], $0x40  }
0x88: {  	[sflag:s19] =	ssyncset.done $0x0  }
0x89: {  	[sflag:s19] =	ssyncadd.s32 $0xFFFFFFC0  }
0x8a: {  	[tilespmem:s26], [sflag:$0x2] =	stream.strided.gather [hbm4b:s8+s17], $0x100, s18, s17, $0x38;
	[tilespmem:$0x5380] =	vst v63  }
0x8b: {  	_ =	swait.ge [sflag:s19], $0x100  }
0x8c: {  	[sflag:s19] =	ssyncset.done $0x0  }
0x8d: {  	s28 =	simm.s32 $0x3C0;
	s29 =	simm.s32 $0x300;
	[sflag:s19] =	ssyncadd.s32 $0xFFFFFF00  }
.LBB2_6:
0x8e: {  	v5 =	vld [tilespmem:s26+$0x0];
	_ =	sdelay $0x4  }
0x8f: {  	v5 =	vadd.s32 s7, v5  }
0x90: {  	v6 =	vbroadcast v5, $0x0;
	_ =	sdelay $0x1  }
0x91: {  	v7 =	vadd.s32 v0, v6  }
0x92: {  	[tilespmem:s29+$0xFFFFFE00] =	vst v7;
	v7 =	vadd.s32 v1, v6  }
0x93: {  	v8 =	vbroadcast v5, $0x1;
	[tilespmem:s29+$0xFFFFFE10] =	vst v7;
	v7 =	vadd.s32 v2, v6  }
0x94: {  	v6 =	vadd.s32 v3, v6;
	[tilespmem:s29+$0xFFFFFE20] =	vst v7  }
0x95: {  	[tilespmem:s29+$0xFFFFFE30] =	vst v6;
	v6 =	vadd.s32 v0, v8  }
0x96: {  	[tilespmem:s29+$0xFFFFFE40] =	vst v6;
	v6 =	vadd.s32 v1, v8  }
0x97: {  	v7 =	vbroadcast v5, $0x2;
	[tilespmem:s29+$0xFFFFFE50] =	vst v6;
	v6 =	vadd.s32 v2, v8  }
0x98: {  	[tilespmem:s29+$0xFFFFFE60] =	vst v6;
	v6 =	vadd.s32 v3, v8  }
0x99: {  	[tilespmem:s29+$0xFFFFFE70] =	vst v6;
	v6 =	vadd.s32 v0, v7  }
0x9a: {  	[tilespmem:s29+$0xFFFFFE80] =	vst v6;
	v6 =	vadd.s32 v1, v7  }
0x9b: {  	v58 =	vbroadcast v5, $0x3;
	[tilespmem:s29+$0xFFFFFE90] =	vst v6;
	v6 =	vadd.s32 v2, v7  }
0x9c: {  	[tilespmem:s29+$0xFFFFFEA0] =	vst v6;
	v6 =	vadd.s32 v3, v7  }
0x9d: {  	s30 =	sadd.s32 $0xFFFFFD00, s28;
	[tilespmem:s29+$0xFFFFFEB0] =	vst v6;
	v6 =	vadd.s32 v0, v58  }
0x9e: {  	s31 =	sor.u32 $0x50, s30;
	[tilespmem:s29+$0xFFFFFEC0] =	vst v6;
	v6 =	vadd.s32 v1, v58  }
0x9f: {  	v7 =	vbroadcast v5, $0x4;
	[tilespmem:s31+$0x100] =	vst v6;
	v6 =	vadd.s32 v2, v58;
	s31 =	sor.u32 $0x60, s30  }
0xa0: {  	s30 =	sor.u32 $0x70, s30;
	[tilespmem:s31+$0x100] =	vst v6;
	v6 =	vadd.s32 v3, v58  }
0xa1: {  	[tilespmem:s30+$0x100] =	vst v6;
	v6 =	vadd.s32 v0, v7  }
0xa2: {  	[tilespmem:s29+$0xFFFFFF00] =	vst v6;
	v6 =	vadd.s32 v1, v7  }
0xa3: {  	v59 =	vbroadcast v5, $0x5;
	[tilespmem:s29+$0xFFFFFF10] =	vst v6;
	v6 =	vadd.s32 v2, v7  }
0xa4: {  	[tilespmem:s29+$0xFFFFFF20] =	vst v6;
	v6 =	vadd.s32 v3, v7  }
0xa5: {  	s30 =	sadd.s32 $0xFFFFFD80, s28;
	[tilespmem:s29+$0xFFFFFF30] =	vst v6;
	v6 =	vadd.s32 v0, v59  }
0xa6: {  	s31 =	sor.u32 $0x50, s30;
	[tilespmem:s29+$0xFFFFFF40] =	vst v6;
	v6 =	vadd.s32 v1, v59  }
0xa7: {  	v7 =	vbroadcast v5, $0x6;
	[tilespmem:s31+$0x100] =	vst v6;
	v6 =	vadd.s32 v2, v59;
	s31 =	sor.u32 $0x60, s30  }
0xa8: {  	s30 =	sor.u32 $0x70, s30;
	[tilespmem:s31+$0x100] =	vst v6;
	v6 =	vadd.s32 v3, v59  }
0xa9: {  	[tilespmem:s30+$0x100] =	vst v6;
	v6 =	vadd.s32 v0, v7  }
0xaa: {  	[tilespmem:s29+$0xFFFFFF80] =	vst v6;
	v6 =	vadd.s32 v1, v7  }
0xab: {  	v60 =	vbroadcast v5, $0x7;
	[tilespmem:s29+$0xFFFFFF90] =	vst v6;
	v6 =	vadd.s32 v2, v7  }
0xac: {  	[tilespmem:s29+$0xFFFFFFA0] =	vst v6;
	v6 =	vadd.s32 v3, v7  }
0xad: {  	s30 =	sadd.s32 $0xFFFFFE00, s28;
	[tilespmem:s29+$0xFFFFFFB0] =	vst v6;
	v6 =	vadd.s32 v0, v60  }
0xae: {  	s31 =	sor.u32 $0x50, s30;
	[tilespmem:s29+$0xFFFFFFC0] =	vst v6;
	v6 =	vadd.s32 v1, v60  }
0xaf: {  	v7 =	vbroadcast v5, $0x8;
	[tilespmem:s31+$0x100] =	vst v6;
	v6 =	vadd.s32 v2, v60;
	s31 =	sor.u32 $0x60, s30  }
0xb0: {  	s30 =	sor.u32 $0x70, s30;
	[tilespmem:s31+$0x100] =	vst v6;
	v6 =	vadd.s32 v3, v60  }
0xb1: {  	[tilespmem:s30+$0x100] =	vst v6;
	v6 =	vadd.s32 v0, v7  }
0xb2: {  	[tilespmem:s29+$0x0] =	vst v6;
	v6 =	vadd.s32 v1, v7  }
0xb3: {  	v61 =	vbroadcast v5, $0x9;
	[tilespmem:s29+$0x10] =	vst v6;
	v6 =	vadd.s32 v2, v7  }
0xb4: {  	[tilespmem:s29+$0x20] =	vst v6;
	v6 =	vadd.s32 v3, v7  }
0xb5: {  	s30 =	sadd.s32 $0xFFFFFE80, s28;
	[tilespmem:s29+$0x30] =	vst v6;
	v6 =	vadd.s32 v0, v61  }
0xb6: {  	s31 =	sor.u32 $0x50, s30;
	[tilespmem:s29+$0x40] =	vst v6;
	v6 =	vadd.s32 v1, v61  }
0xb7: {  	v7 =	vbroadcast v5, $0xA;
	[tilespmem:s31+$0x100] =	vst v6;
	v6 =	vadd.s32 v2, v61;
	s31 =	sor.u32 $0x60, s30  }
0xb8: {  	s30 =	sor.u32 $0x70, s30;
	[tilespmem:s31+$0x100] =	vst v6;
	v6 =	vadd.s32 v3, v61  }
0xb9: {  	[tilespmem:s30+$0x100] =	vst v6;
	v6 =	vadd.s32 v0, v7  }
0xba: {  	[tilespmem:s29+$0x80] =	vst v6;
	v6 =	vadd.s32 v1, v7  }
0xbb: {  	v62 =	vbroadcast v5, $0xB;
	[tilespmem:s29+$0x90] =	vst v6;
	v6 =	vadd.s32 v2, v7  }
0xbc: {  	[tilespmem:s29+$0xA0] =	vst v6;
	v6 =	vadd.s32 v3, v7  }
0xbd: {  	(v2sf) =	vpush v5, $0xF;
	s30 =	sadd.s32 $0xFFFFFF00, s28;
	[tilespmem:s29+$0xB0] =	vst v6;
	v6 =	vadd.s32 v0, v62  }
0xbe: {  	s31 =	sor.u32 $0x50, s30;
	[tilespmem:s29+$0xC0] =	vst v6;
	v6 =	vadd.s32 v1, v62  }
0xbf: {  	v7 =	vbroadcast v5, $0xC;
	[tilespmem:s31+$0x100] =	vst v6;
	v6 =	vadd.s32 v2, v62;
	s31 =	sor.u32 $0x60, s30  }
0xc0: {  	s30 =	sor.u32 $0x70, s30;
	[tilespmem:s31+$0x100] =	vst v6;
	v6 =	vadd.s32 v3, v62  }
0xc1: {  	[tilespmem:s30+$0x100] =	vst v6;
	v6 =	vadd.s32 v0, v7  }
0xc2: {  	[tilespmem:s29+$0x100] =	vst v6;
	v6 =	vadd.s32 v1, v7  }
0xc3: {  	v63 =	vbroadcast v5, $0xD;
	[tilespmem:s29+$0x110] =	vst v6;
	v6 =	vadd.s32 v2, v7  }
0xc4: {  	[tilespmem:s29+$0x120] =	vst v6;
	v6 =	vadd.s32 v3, v7  }
0xc5: {  	s30 =	sadd.s32 $0xFFFFFF80, s28;
	[tilespmem:s29+$0x130] =	vst v6;
	v6 =	vadd.s32 v0, v63  }
0xc6: {  	s31 =	sor.u32 $0x50, s30;
	[tilespmem:s29+$0x140] =	vst v6;
	v6 =	vadd.s32 v1, v63  }
0xc7: {  	v5 =	vbroadcast v5, $0xE;
	[tilespmem:s31+$0x100] =	vst v6;
	v6 =	vadd.s32 v2, v63;
	s31 =	sor.u32 $0x60, s30  }
0xc8: {  	s30 =	sor.u32 $0x70, s30;
	[tilespmem:s31+$0x100] =	vst v6;
	v6 =	vadd.s32 v3, v63  }
0xc9: {  	[tilespmem:s30+$0x100] =	vst v6;
	v6 =	vadd.s32 v0, v5  }
0xca: {  	[tilespmem:s29+$0x180] =	vst v6;
	v6 =	vadd.s32 v1, v5  }
0xcb: {  	[tilespmem:s29+$0x190] =	vst v6;
	v6 =	vadd.s32 v2, v5  }
0xcc: {  	p0 =	sne.s32 s28, $0x27C0;
	s30 =	spop (v2sf);
	v5 =	vadd.s32 v3, v5;
	[tilespmem:s29+$0x1A0] =	vst v6  }
.Ltmp2:
0xcd: {  	[tilespmem:s29+$0x1B0] =	vst v5;
	v5 =	vadd.s32 s30, v0;
	(pc) =	sbr.rel @p0 .LBB2_6-.Ltmp2, $4  }
0xce: {  	s31 =	sor.u32 $0x50, s28;
	[tilespmem:s29+$0x1C0] =	vst v5;
	v5 =	vadd.s32 s30, v1  }
0xcf: {  	[tilespmem:s31+$0x100] =	vst v5;
	v5 =	vadd.s32 s30, v2;
	s31 =	sor.u32 $0x60, s28  }
0xd0: {  	[tilespmem:s31+$0x100] =	vst v5;
	v5 =	vadd.s32 s30, v3;
	s31 =	sor.u32 $0x70, s28  }
0xd1: {  	s26 =	sadd.s32 $0x10, s26;
	s29 =	sadd.s32 $0x400, s29;
	s28 =	sadd.s32 $0x400, s28;
	[tilespmem:s31+$0x100] =	vst v5  }
0xd2: {  	v5 =	vld [tilespmem:$0xA0];
	_ =	sdelay $0x4  }
0xd3: {  	v5 =	vadd.s32 s7, v5  }
0xd4: {  	(v2sf) =	vpush v5, $0x3;
	_ =	sdelay $0x1  }
0xd5: {  	v6 =	vbroadcast v5, $0x0;
	_ =	sdelay $0x1  }
0xd6: {  	v7 =	vadd.s32 v0, v6  }
0xd7: {  	[tilespmem:$0x2900] =	vst v7;
	v7 =	vadd.s32 v1, v6  }
0xd8: {  	v8 =	vbroadcast v5, $0x1;
	[tilespmem:$0x2910] =	vst v7;
	v7 =	vadd.s32 v2, v6  }
0xd9: {  	v6 =	vadd.s32 v3, v6;
	[tilespmem:$0x2920] =	vst v7  }
0xda: {  	[tilespmem:$0x2930] =	vst v6;
	v6 =	vadd.s32 v0, v8  }
0xdb: {  	[tilespmem:$0x2940] =	vst v6;
	v6 =	vadd.s32 v1, v8  }
0xdc: {  	v5 =	vbroadcast v5, $0x2;
	[tilespmem:$0x2950] =	vst v6;
	v6 =	vadd.s32 v2, v8  }
0xdd: {  	[tilespmem:$0x2960] =	vst v6;
	v6 =	vadd.s32 v3, v8  }
0xde: {  	[tilespmem:$0x2970] =	vst v6;
	v6 =	vadd.s32 v0, v5  }
0xdf: {  	[tilespmem:$0x2980] =	vst v6;
	v6 =	vadd.s32 v1, v5  }
0xe0: {  	[tilespmem:$0x2990] =	vst v6;
	v6 =	vadd.s32 v2, v5  }
0xe1: {  	v5 =	vadd.s32 v3, v5;
	[tilespmem:$0x29A0] =	vst v6;
	s26 =	spop (v2sf)  }
0xe2: {  	[tilespmem:$0x29B0] =	vst v5;
	v5 =	vadd.s32 s26, v0  }
0xe3: {  	[tilespmem:$0x29C0] =	vst v5;
	v5 =	vadd.s32 s26, v1  }
0xe4: {  	[tilespmem:$0x29D0] =	vst v5;
	v5 =	vadd.s32 s26, v2  }
0xe5: {  	[tilespmem:$0x29E0] =	vst v5;
	v5 =	vadd.s32 s26, v3  }
0xe6: {  	[tilespmem:$0x29F0] =	vst v5  }
0xe7: {  	[tilespmem:s22], [sflag:$0x1] =	stream.indirect.gather [hbm4b:s3+s20], $0x1, s21, s20, $0xb8;
	[tilespmem:$0x5380] =	vst v63  }
0xe8: {  	_ =	swait.ge [sflag:s23], $0x2900  }
0xe9: {  	[sflag:s23] =	ssyncset.done $0x0  }
0xea: {  	s28 =	simm.s32 $0x0;
	[sflag:s23] =	ssyncadd.s32 $0xFFFFD700  }
0xeb: {  	v6 =	vld [tilespmem:s28+$0x2A30]  }
0xec: {  	v11 =	vld [tilespmem:s28+$0x2A00]  }
0xed: {  	v12 =	vld [tilespmem:s28+$0x2A10]  }
0xee: {  	v10 =	vimm.f32 $0.0e+00;
	v9 =	vld [tilespmem:s28+$0x2A20]  }
0xef: {  	v7 =	vimm.f32 $0.0e+00;
	v8 =	vimm.f32 $0.0e+00;
	s26 =	simm.s32 $0x100;
	v5 =	vimm.f32 $0.0e+00  }
.LBB2_8:
0xf0: {  	s28 =	sshra.s32 s26, $0x2;
	p0 =	sne.s32 s26, $0xA300;
	s26 =	sadd.s32 $0x100, s26;
	vm0 =	vge.f32 v6, $5.000000000e-01  }
.Ltmp3:
0xf1: {  	v6 =	vld [tilespmem:s28+$0x2A30];
	vm1 =	vge.f32 v11, $5.000000000e-01;
	v13 =	vsel vm0, $0x3F800000, v4;
	(pc) =	sbr.rel @p0 .LBB2_8-.Ltmp3, $4  }
0xf2: {  	v11 =	vld [tilespmem:s28+$0x2A00];
	v14 =	vsel vm1, $0x3F800000, v4;
	vm0 =	vge.f32 v12, $5.000000000e-01;
	v5 =	vadd.f32 v13, v5  }
0xf3: {  	v12 =	vld [tilespmem:s28+$0x2A10];
	v10 =	vadd.f32 v14, v10;
	v13 =	vsel vm0, $0x3F800000, v4;
	vm0 =	vge.f32 v9, $5.000000000e-01  }
0xf4: {  	v9 =	vld [tilespmem:s28+$0x2A20];
	v8 =	vadd.f32 v13, v8;
	v13 =	vsel vm0, $0x3F800000, v4  }
0xf5: {  	v7 =	vadd.f32 v13, v7  }
0xf6: {  	vm1 =	vge.f32 v6, $5.000000000e-01  }
0xf7: {  	vm0 =	vge.f32 v11, $5.000000000e-01;
	v63 =	vsel vm1, $0x3F800000, v4  }
0xf8: {  	v11 =	vsel vm0, $0x3F800000, v4;
	vm14 =	vge.f32 v12, $5.000000000e-01;
	v5 =	vadd.f32 v63, v5  }
0xf9: {  	v10 =	vadd.f32 v11, v10;
	v61 =	vsel vm14, $0x3F800000, v4;
	vm15 =	vge.f32 v9, $5.000000000e-01  }
0xfa: {  	v6 =	vadd.f32 v61, v8;
	v62 =	vsel vm15, $0x3F800000, v4;
	[tilespmem:$0x5330] =	vst v5  }
0xfb: {  	v7 =	vadd.f32 v62, v7;
	[tilespmem:$0x5300] =	vst v10  }
0xfc: {  	[tilespmem:$0x5310] =	vst v6  }
0xfd: {  	s26 =	simm.s32 $0x0;
	[tilespmem:$0x5320] =	vst v7  }
0xfe: {  	[hbm4b:s9+s26] =	stream.linear.scatter [tilespmem:s24], [sflag:$0x2], $0x40, $0x38;
	[tilespmem:$0x5380] =	vst v63  }
0xff: {  	_ =	swait.ge [sflag:s19], $0x40  }
0x100: {  	[sflag:s19] =	ssyncset.done $0x0  }
0x101: {  	[sflag:s19] =	ssyncadd.s32 $0xFFFFFFC0  }
0x102: {  	[tilespmem:s26], [sflag:$0x2] =	stream.strided.gather [hbm4b:s11+s17], $0x100, s18, s17, $0x38;
	[tilespmem:$0x5380] =	vst v63  }
0x103: {  	_ =	swait.ge [sflag:s19], $0x100  }
0x104: {  	[sflag:s19] =	ssyncset.done $0x0  }
0x105: {  	s28 =	simm.s32 $0x3C0;
	s29 =	simm.s32 $0x300;
	[sflag:s19] =	ssyncadd.s32 $0xFFFFFF00  }
.LBB2_10:
0x106: {  	v5 =	vld [tilespmem:s26+$0x0];
	_ =	sdelay $0x4  }
0x107: {  	v5 =	vadd.s32 s10, v5  }
0x108: {  	v6 =	vbroadcast v5, $0x0;
	_ =	sdelay $0x1  }
0x109: {  	v7 =	vadd.s32 v0, v6  }
0x10a: {  	[tilespmem:s29+$0xFFFFFE00] =	vst v7;
	v7 =	vadd.s32 v1, v6  }
0x10b: {  	v8 =	vbroadcast v5, $0x1;
	[tilespmem:s29+$0xFFFFFE10] =	vst v7;
	v7 =	vadd.s32 v2, v6  }
0x10c: {  	v6 =	vadd.s32 v3, v6;
	[tilespmem:s29+$0xFFFFFE20] =	vst v7  }
0x10d: {  	[tilespmem:s29+$0xFFFFFE30] =	vst v6;
	v6 =	vadd.s32 v0, v8  }
0x10e: {  	[tilespmem:s29+$0xFFFFFE40] =	vst v6;
	v6 =	vadd.s32 v1, v8  }
0x10f: {  	v7 =	vbroadcast v5, $0x2;
	[tilespmem:s29+$0xFFFFFE50] =	vst v6;
	v6 =	vadd.s32 v2, v8  }
0x110: {  	[tilespmem:s29+$0xFFFFFE60] =	vst v6;
	v6 =	vadd.s32 v3, v8  }
0x111: {  	[tilespmem:s29+$0xFFFFFE70] =	vst v6;
	v6 =	vadd.s32 v0, v7  }
0x112: {  	[tilespmem:s29+$0xFFFFFE80] =	vst v6;
	v6 =	vadd.s32 v1, v7  }
0x113: {  	v58 =	vbroadcast v5, $0x3;
	[tilespmem:s29+$0xFFFFFE90] =	vst v6;
	v6 =	vadd.s32 v2, v7  }
0x114: {  	[tilespmem:s29+$0xFFFFFEA0] =	vst v6;
	v6 =	vadd.s32 v3, v7  }
0x115: {  	s30 =	sadd.s32 $0xFFFFFD00, s28;
	[tilespmem:s29+$0xFFFFFEB0] =	vst v6;
	v6 =	vadd.s32 v0, v58  }
0x116: {  	s31 =	sor.u32 $0x50, s30;
	[tilespmem:s29+$0xFFFFFEC0] =	vst v6;
	v6 =	vadd.s32 v1, v58  }
0x117: {  	v7 =	vbroadcast v5, $0x4;
	[tilespmem:s31+$0x100] =	vst v6;
	v6 =	vadd.s32 v2, v58;
	s31 =	sor.u32 $0x60, s30  }
0x118: {  	s30 =	sor.u32 $0x70, s30;
	[tilespmem:s31+$0x100] =	vst v6;
	v6 =	vadd.s32 v3, v58  }
0x119: {  	[tilespmem:s30+$0x100] =	vst v6;
	v6 =	vadd.s32 v0, v7  }
0x11a: {  	[tilespmem:s29+$0xFFFFFF00] =	vst v6;
	v6 =	vadd.s32 v1, v7  }
0x11b: {  	v59 =	vbroadcast v5, $0x5;
	[tilespmem:s29+$0xFFFFFF10] =	vst v6;
	v6 =	vadd.s32 v2, v7  }
0x11c: {  	[tilespmem:s29+$0xFFFFFF20] =	vst v6;
	v6 =	vadd.s32 v3, v7  }
0x11d: {  	s30 =	sadd.s32 $0xFFFFFD80, s28;
	[tilespmem:s29+$0xFFFFFF30] =	vst v6;
	v6 =	vadd.s32 v0, v59  }
0x11e: {  	s31 =	sor.u32 $0x50, s30;
	[tilespmem:s29+$0xFFFFFF40] =	vst v6;
	v6 =	vadd.s32 v1, v59  }
0x11f: {  	v7 =	vbroadcast v5, $0x6;
	[tilespmem:s31+$0x100] =	vst v6;
	v6 =	vadd.s32 v2, v59;
	s31 =	sor.u32 $0x60, s30  }
0x120: {  	s30 =	sor.u32 $0x70, s30;
	[tilespmem:s31+$0x100] =	vst v6;
	v6 =	vadd.s32 v3, v59  }
0x121: {  	[tilespmem:s30+$0x100] =	vst v6;
	v6 =	vadd.s32 v0, v7  }
0x122: {  	[tilespmem:s29+$0xFFFFFF80] =	vst v6;
	v6 =	vadd.s32 v1, v7  }
0x123: {  	v60 =	vbroadcast v5, $0x7;
	[tilespmem:s29+$0xFFFFFF90] =	vst v6;
	v6 =	vadd.s32 v2, v7  }
0x124: {  	[tilespmem:s29+$0xFFFFFFA0] =	vst v6;
	v6 =	vadd.s32 v3, v7  }
0x125: {  	s30 =	sadd.s32 $0xFFFFFE00, s28;
	[tilespmem:s29+$0xFFFFFFB0] =	vst v6;
	v6 =	vadd.s32 v0, v60  }
0x126: {  	s31 =	sor.u32 $0x50, s30;
	[tilespmem:s29+$0xFFFFFFC0] =	vst v6;
	v6 =	vadd.s32 v1, v60  }
0x127: {  	v7 =	vbroadcast v5, $0x8;
	[tilespmem:s31+$0x100] =	vst v6;
	v6 =	vadd.s32 v2, v60;
	s31 =	sor.u32 $0x60, s30  }
0x128: {  	s30 =	sor.u32 $0x70, s30;
	[tilespmem:s31+$0x100] =	vst v6;
	v6 =	vadd.s32 v3, v60  }
0x129: {  	[tilespmem:s30+$0x100] =	vst v6;
	v6 =	vadd.s32 v0, v7  }
0x12a: {  	[tilespmem:s29+$0x0] =	vst v6;
	v6 =	vadd.s32 v1, v7  }
0x12b: {  	v61 =	vbroadcast v5, $0x9;
	[tilespmem:s29+$0x10] =	vst v6;
	v6 =	vadd.s32 v2, v7  }
0x12c: {  	[tilespmem:s29+$0x20] =	vst v6;
	v6 =	vadd.s32 v3, v7  }
0x12d: {  	s30 =	sadd.s32 $0xFFFFFE80, s28;
	[tilespmem:s29+$0x30] =	vst v6;
	v6 =	vadd.s32 v0, v61  }
0x12e: {  	s31 =	sor.u32 $0x50, s30;
	[tilespmem:s29+$0x40] =	vst v6;
	v6 =	vadd.s32 v1, v61  }
0x12f: {  	v7 =	vbroadcast v5, $0xA;
	[tilespmem:s31+$0x100] =	vst v6;
	v6 =	vadd.s32 v2, v61;
	s31 =	sor.u32 $0x60, s30  }
0x130: {  	s30 =	sor.u32 $0x70, s30;
	[tilespmem:s31+$0x100] =	vst v6;
	v6 =	vadd.s32 v3, v61  }
0x131: {  	[tilespmem:s30+$0x100] =	vst v6;
	v6 =	vadd.s32 v0, v7  }
0x132: {  	[tilespmem:s29+$0x80] =	vst v6;
	v6 =	vadd.s32 v1, v7  }
0x133: {  	v62 =	vbroadcast v5, $0xB;
	[tilespmem:s29+$0x90] =	vst v6;
	v6 =	vadd.s32 v2, v7  }
0x134: {  	[tilespmem:s29+$0xA0] =	vst v6;
	v6 =	vadd.s32 v3, v7  }
0x135: {  	(v2sf) =	vpush v5, $0xF;
	s30 =	sadd.s32 $0xFFFFFF00, s28;
	[tilespmem:s29+$0xB0] =	vst v6;
	v6 =	vadd.s32 v0, v62  }
0x136: {  	s31 =	sor.u32 $0x50, s30;
	[tilespmem:s29+$0xC0] =	vst v6;
	v6 =	vadd.s32 v1, v62  }
0x137: {  	v7 =	vbroadcast v5, $0xC;
	[tilespmem:s31+$0x100] =	vst v6;
	v6 =	vadd.s32 v2, v62;
	s31 =	sor.u32 $0x60, s30  }
0x138: {  	s30 =	sor.u32 $0x70, s30;
	[tilespmem:s31+$0x100] =	vst v6;
	v6 =	vadd.s32 v3, v62  }
0x139: {  	[tilespmem:s30+$0x100] =	vst v6;
	v6 =	vadd.s32 v0, v7  }
0x13a: {  	[tilespmem:s29+$0x100] =	vst v6;
	v6 =	vadd.s32 v1, v7  }
0x13b: {  	v63 =	vbroadcast v5, $0xD;
	[tilespmem:s29+$0x110] =	vst v6;
	v6 =	vadd.s32 v2, v7  }
0x13c: {  	[tilespmem:s29+$0x120] =	vst v6;
	v6 =	vadd.s32 v3, v7  }
0x13d: {  	s30 =	sadd.s32 $0xFFFFFF80, s28;
	[tilespmem:s29+$0x130] =	vst v6;
	v6 =	vadd.s32 v0, v63  }
0x13e: {  	s31 =	sor.u32 $0x50, s30;
	[tilespmem:s29+$0x140] =	vst v6;
	v6 =	vadd.s32 v1, v63  }
0x13f: {  	v5 =	vbroadcast v5, $0xE;
	[tilespmem:s31+$0x100] =	vst v6;
	v6 =	vadd.s32 v2, v63;
	s31 =	sor.u32 $0x60, s30  }
0x140: {  	s30 =	sor.u32 $0x70, s30;
	[tilespmem:s31+$0x100] =	vst v6;
	v6 =	vadd.s32 v3, v63  }
0x141: {  	[tilespmem:s30+$0x100] =	vst v6;
	v6 =	vadd.s32 v0, v5  }
0x142: {  	[tilespmem:s29+$0x180] =	vst v6;
	v6 =	vadd.s32 v1, v5  }
0x143: {  	[tilespmem:s29+$0x190] =	vst v6;
	v6 =	vadd.s32 v2, v5  }
0x144: {  	p0 =	sne.s32 s28, $0x27C0;
	s30 =	spop (v2sf);
	v5 =	vadd.s32 v3, v5;
	[tilespmem:s29+$0x1A0] =	vst v6  }
.Ltmp4:
0x145: {  	[tilespmem:s29+$0x1B0] =	vst v5;
	v5 =	vadd.s32 s30, v0;
	(pc) =	sbr.rel @p0 .LBB2_10-.Ltmp4, $4  }
0x146: {  	s31 =	sor.u32 $0x50, s28;
	[tilespmem:s29+$0x1C0] =	vst v5;
	v5 =	vadd.s32 s30, v1  }
0x147: {  	[tilespmem:s31+$0x100] =	vst v5;
	v5 =	vadd.s32 s30, v2;
	s31 =	sor.u32 $0x60, s28  }
0x148: {  	[tilespmem:s31+$0x100] =	vst v5;
	v5 =	vadd.s32 s30, v3;
	s31 =	sor.u32 $0x70, s28  }
0x149: {  	s26 =	sadd.s32 $0x10, s26;
	s29 =	sadd.s32 $0x400, s29;
	s28 =	sadd.s32 $0x400, s28;
	[tilespmem:s31+$0x100] =	vst v5  }
0x14a: {  	v5 =	vld [tilespmem:$0xA0];
	_ =	sdelay $0x4  }
0x14b: {  	v5 =	vadd.s32 s10, v5  }
0x14c: {  	(v2sf) =	vpush v5, $0x3;
	_ =	sdelay $0x1  }
0x14d: {  	v6 =	vbroadcast v5, $0x0;
	_ =	sdelay $0x1  }
0x14e: {  	v7 =	vadd.s32 v0, v6  }
0x14f: {  	[tilespmem:$0x2900] =	vst v7;
	v7 =	vadd.s32 v1, v6  }
0x150: {  	v8 =	vbroadcast v5, $0x1;
	[tilespmem:$0x2910] =	vst v7;
	v7 =	vadd.s32 v2, v6  }
0x151: {  	v6 =	vadd.s32 v3, v6;
	[tilespmem:$0x2920] =	vst v7  }
0x152: {  	[tilespmem:$0x2930] =	vst v6;
	v6 =	vadd.s32 v0, v8  }
0x153: {  	[tilespmem:$0x2940] =	vst v6;
	v6 =	vadd.s32 v1, v8  }
0x154: {  	v5 =	vbroadcast v5, $0x2;
	[tilespmem:$0x2950] =	vst v6;
	v6 =	vadd.s32 v2, v8  }
0x155: {  	[tilespmem:$0x2960] =	vst v6;
	v6 =	vadd.s32 v3, v8  }
0x156: {  	[tilespmem:$0x2970] =	vst v6;
	v6 =	vadd.s32 v0, v5  }
0x157: {  	[tilespmem:$0x2980] =	vst v6;
	v6 =	vadd.s32 v1, v5  }
0x158: {  	[tilespmem:$0x2990] =	vst v6;
	v6 =	vadd.s32 v2, v5  }
0x159: {  	v5 =	vadd.s32 v3, v5;
	[tilespmem:$0x29A0] =	vst v6;
	s26 =	spop (v2sf)  }
0x15a: {  	[tilespmem:$0x29B0] =	vst v5;
	v5 =	vadd.s32 s26, v0  }
0x15b: {  	[tilespmem:$0x29C0] =	vst v5;
	v5 =	vadd.s32 s26, v1  }
0x15c: {  	[tilespmem:$0x29D0] =	vst v5;
	v5 =	vadd.s32 s26, v2  }
0x15d: {  	[tilespmem:$0x29E0] =	vst v5;
	v5 =	vadd.s32 s26, v3  }
0x15e: {  	[tilespmem:$0x29F0] =	vst v5  }
0x15f: {  	[tilespmem:s22], [sflag:$0x1] =	stream.indirect.gather [hbm4b:s3+s20], $0x1, s21, s20, $0xb8;
	[tilespmem:$0x5380] =	vst v63  }
0x160: {  	_ =	swait.ge [sflag:s23], $0x2900  }
0x161: {  	[sflag:s23] =	ssyncset.done $0x0  }
0x162: {  	s28 =	simm.s32 $0x0;
	[sflag:s23] =	ssyncadd.s32 $0xFFFFD700  }
0x163: {  	v6 =	vld [tilespmem:s28+$0x2A30]  }
0x164: {  	v11 =	vld [tilespmem:s28+$0x2A00]  }
0x165: {  	v12 =	vld [tilespmem:s28+$0x2A10]  }
0x166: {  	v10 =	vimm.f32 $0.0e+00;
	v9 =	vld [tilespmem:s28+$0x2A20]  }
0x167: {  	v7 =	vimm.f32 $0.0e+00;
	v8 =	vimm.f32 $0.0e+00;
	s26 =	simm.s32 $0x100;
	v5 =	vimm.f32 $0.0e+00  }
.LBB2_12:
0x168: {  	s28 =	sshra.s32 s26, $0x2;
	p0 =	sne.s32 s26, $0xA300;
	s26 =	sadd.s32 $0x100, s26;
	vm0 =	vge.f32 v6, $5.000000000e-01  }
.Ltmp5:
0x169: {  	v6 =	vld [tilespmem:s28+$0x2A30];
	vm1 =	vge.f32 v11, $5.000000000e-01;
	v13 =	vsel vm0, $0x3F800000, v4;
	(pc) =	sbr.rel @p0 .LBB2_12-.Ltmp5, $4  }
0x16a: {  	v11 =	vld [tilespmem:s28+$0x2A00];
	v14 =	vsel vm1, $0x3F800000, v4;
	vm0 =	vge.f32 v12, $5.000000000e-01;
	v5 =	vadd.f32 v13, v5  }
0x16b: {  	v12 =	vld [tilespmem:s28+$0x2A10];
	v10 =	vadd.f32 v14, v10;
	v13 =	vsel vm0, $0x3F800000, v4;
	vm0 =	vge.f32 v9, $5.000000000e-01  }
0x16c: {  	v9 =	vld [tilespmem:s28+$0x2A20];
	v8 =	vadd.f32 v13, v8;
	v13 =	vsel vm0, $0x3F800000, v4  }
0x16d: {  	v7 =	vadd.f32 v13, v7  }
0x16e: {  	vm1 =	vge.f32 v6, $5.000000000e-01  }
0x16f: {  	vm0 =	vge.f32 v11, $5.000000000e-01;
	v63 =	vsel vm1, $0x3F800000, v4  }
0x170: {  	v11 =	vsel vm0, $0x3F800000, v4;
	vm14 =	vge.f32 v12, $5.000000000e-01;
	v5 =	vadd.f32 v63, v5  }
0x171: {  	v10 =	vadd.f32 v11, v10;
	v61 =	vsel vm14, $0x3F800000, v4;
	vm15 =	vge.f32 v9, $5.000000000e-01  }
0x172: {  	v6 =	vadd.f32 v61, v8;
	v62 =	vsel vm15, $0x3F800000, v4;
	[tilespmem:$0x5330] =	vst v5  }
0x173: {  	v7 =	vadd.f32 v62, v7;
	[tilespmem:$0x5300] =	vst v10  }
0x174: {  	[tilespmem:$0x5310] =	vst v6  }
0x175: {  	s26 =	simm.s32 $0x0;
	[tilespmem:$0x5320] =	vst v7  }
0x176: {  	[hbm4b:s12+s26] =	stream.linear.scatter [tilespmem:s24], [sflag:$0x2], $0x40, $0x38;
	[tilespmem:$0x5380] =	vst v63  }
0x177: {  	_ =	swait.ge [sflag:s19], $0x40  }
0x178: {  	[sflag:s19] =	ssyncset.done $0x0  }
0x179: {  	[sflag:s19] =	ssyncadd.s32 $0xFFFFFFC0  }
0x17a: {  	[tilespmem:s26], [sflag:$0x2] =	stream.strided.gather [hbm4b:s14+s17], $0x100, s18, s17, $0x38;
	[tilespmem:$0x5380] =	vst v63  }
0x17b: {  	_ =	swait.ge [sflag:s19], $0x100  }
0x17c: {  	[sflag:s19] =	ssyncset.done $0x0  }
0x17d: {  	s28 =	simm.s32 $0x3C0;
	s29 =	simm.s32 $0x300;
	[sflag:s19] =	ssyncadd.s32 $0xFFFFFF00  }
.LBB2_14:
0x17e: {  	v5 =	vld [tilespmem:s26+$0x0];
	_ =	sdelay $0x4  }
0x17f: {  	v5 =	vadd.s32 s13, v5  }
0x180: {  	v6 =	vbroadcast v5, $0x0;
	_ =	sdelay $0x1  }
0x181: {  	v7 =	vadd.s32 v0, v6  }
0x182: {  	[tilespmem:s29+$0xFFFFFE00] =	vst v7;
	v7 =	vadd.s32 v1, v6  }
0x183: {  	v8 =	vbroadcast v5, $0x1;
	[tilespmem:s29+$0xFFFFFE10] =	vst v7;
	v7 =	vadd.s32 v2, v6  }
0x184: {  	v6 =	vadd.s32 v3, v6;
	[tilespmem:s29+$0xFFFFFE20] =	vst v7  }
0x185: {  	[tilespmem:s29+$0xFFFFFE30] =	vst v6;
	v6 =	vadd.s32 v0, v8  }
0x186: {  	[tilespmem:s29+$0xFFFFFE40] =	vst v6;
	v6 =	vadd.s32 v1, v8  }
0x187: {  	v7 =	vbroadcast v5, $0x2;
	[tilespmem:s29+$0xFFFFFE50] =	vst v6;
	v6 =	vadd.s32 v2, v8  }
0x188: {  	[tilespmem:s29+$0xFFFFFE60] =	vst v6;
	v6 =	vadd.s32 v3, v8  }
0x189: {  	[tilespmem:s29+$0xFFFFFE70] =	vst v6;
	v6 =	vadd.s32 v0, v7  }
0x18a: {  	[tilespmem:s29+$0xFFFFFE80] =	vst v6;
	v6 =	vadd.s32 v1, v7  }
0x18b: {  	v58 =	vbroadcast v5, $0x3;
	[tilespmem:s29+$0xFFFFFE90] =	vst v6;
	v6 =	vadd.s32 v2, v7  }
0x18c: {  	[tilespmem:s29+$0xFFFFFEA0] =	vst v6;
	v6 =	vadd.s32 v3, v7  }
0x18d: {  	s30 =	sadd.s32 $0xFFFFFD00, s28;
	[tilespmem:s29+$0xFFFFFEB0] =	vst v6;
	v6 =	vadd.s32 v0, v58  }
0x18e: {  	s31 =	sor.u32 $0x50, s30;
	[tilespmem:s29+$0xFFFFFEC0] =	vst v6;
	v6 =	vadd.s32 v1, v58  }
0x18f: {  	v7 =	vbroadcast v5, $0x4;
	[tilespmem:s31+$0x100] =	vst v6;
	v6 =	vadd.s32 v2, v58;
	s31 =	sor.u32 $0x60, s30  }
0x190: {  	s30 =	sor.u32 $0x70, s30;
	[tilespmem:s31+$0x100] =	vst v6;
	v6 =	vadd.s32 v3, v58  }
0x191: {  	[tilespmem:s30+$0x100] =	vst v6;
	v6 =	vadd.s32 v0, v7  }
0x192: {  	[tilespmem:s29+$0xFFFFFF00] =	vst v6;
	v6 =	vadd.s32 v1, v7  }
0x193: {  	v59 =	vbroadcast v5, $0x5;
	[tilespmem:s29+$0xFFFFFF10] =	vst v6;
	v6 =	vadd.s32 v2, v7  }
0x194: {  	[tilespmem:s29+$0xFFFFFF20] =	vst v6;
	v6 =	vadd.s32 v3, v7  }
0x195: {  	s30 =	sadd.s32 $0xFFFFFD80, s28;
	[tilespmem:s29+$0xFFFFFF30] =	vst v6;
	v6 =	vadd.s32 v0, v59  }
0x196: {  	s31 =	sor.u32 $0x50, s30;
	[tilespmem:s29+$0xFFFFFF40] =	vst v6;
	v6 =	vadd.s32 v1, v59  }
0x197: {  	v7 =	vbroadcast v5, $0x6;
	[tilespmem:s31+$0x100] =	vst v6;
	v6 =	vadd.s32 v2, v59;
	s31 =	sor.u32 $0x60, s30  }
0x198: {  	s30 =	sor.u32 $0x70, s30;
	[tilespmem:s31+$0x100] =	vst v6;
	v6 =	vadd.s32 v3, v59  }
0x199: {  	[tilespmem:s30+$0x100] =	vst v6;
	v6 =	vadd.s32 v0, v7  }
0x19a: {  	[tilespmem:s29+$0xFFFFFF80] =	vst v6;
	v6 =	vadd.s32 v1, v7  }
0x19b: {  	v60 =	vbroadcast v5, $0x7;
	[tilespmem:s29+$0xFFFFFF90] =	vst v6;
	v6 =	vadd.s32 v2, v7  }
0x19c: {  	[tilespmem:s29+$0xFFFFFFA0] =	vst v6;
	v6 =	vadd.s32 v3, v7  }
0x19d: {  	s30 =	sadd.s32 $0xFFFFFE00, s28;
	[tilespmem:s29+$0xFFFFFFB0] =	vst v6;
	v6 =	vadd.s32 v0, v60  }
0x19e: {  	s31 =	sor.u32 $0x50, s30;
	[tilespmem:s29+$0xFFFFFFC0] =	vst v6;
	v6 =	vadd.s32 v1, v60  }
0x19f: {  	v7 =	vbroadcast v5, $0x8;
	[tilespmem:s31+$0x100] =	vst v6;
	v6 =	vadd.s32 v2, v60;
	s31 =	sor.u32 $0x60, s30  }
0x1a0: {  	s30 =	sor.u32 $0x70, s30;
	[tilespmem:s31+$0x100] =	vst v6;
	v6 =	vadd.s32 v3, v60  }
0x1a1: {  	[tilespmem:s30+$0x100] =	vst v6;
	v6 =	vadd.s32 v0, v7  }
0x1a2: {  	[tilespmem:s29+$0x0] =	vst v6;
	v6 =	vadd.s32 v1, v7  }
0x1a3: {  	v61 =	vbroadcast v5, $0x9;
	[tilespmem:s29+$0x10] =	vst v6;
	v6 =	vadd.s32 v2, v7  }
0x1a4: {  	[tilespmem:s29+$0x20] =	vst v6;
	v6 =	vadd.s32 v3, v7  }
0x1a5: {  	s30 =	sadd.s32 $0xFFFFFE80, s28;
	[tilespmem:s29+$0x30] =	vst v6;
	v6 =	vadd.s32 v0, v61  }
0x1a6: {  	s31 =	sor.u32 $0x50, s30;
	[tilespmem:s29+$0x40] =	vst v6;
	v6 =	vadd.s32 v1, v61  }
0x1a7: {  	v7 =	vbroadcast v5, $0xA;
	[tilespmem:s31+$0x100] =	vst v6;
	v6 =	vadd.s32 v2, v61;
	s31 =	sor.u32 $0x60, s30  }
0x1a8: {  	s30 =	sor.u32 $0x70, s30;
	[tilespmem:s31+$0x100] =	vst v6;
	v6 =	vadd.s32 v3, v61  }
0x1a9: {  	[tilespmem:s30+$0x100] =	vst v6;
	v6 =	vadd.s32 v0, v7  }
0x1aa: {  	[tilespmem:s29+$0x80] =	vst v6;
	v6 =	vadd.s32 v1, v7  }
0x1ab: {  	v62 =	vbroadcast v5, $0xB;
	[tilespmem:s29+$0x90] =	vst v6;
	v6 =	vadd.s32 v2, v7  }
0x1ac: {  	[tilespmem:s29+$0xA0] =	vst v6;
	v6 =	vadd.s32 v3, v7  }
0x1ad: {  	(v2sf) =	vpush v5, $0xF;
	s30 =	sadd.s32 $0xFFFFFF00, s28;
	[tilespmem:s29+$0xB0] =	vst v6;
	v6 =	vadd.s32 v0, v62  }
0x1ae: {  	s31 =	sor.u32 $0x50, s30;
	[tilespmem:s29+$0xC0] =	vst v6;
	v6 =	vadd.s32 v1, v62  }
0x1af: {  	v7 =	vbroadcast v5, $0xC;
	[tilespmem:s31+$0x100] =	vst v6;
	v6 =	vadd.s32 v2, v62;
	s31 =	sor.u32 $0x60, s30  }
0x1b0: {  	s30 =	sor.u32 $0x70, s30;
	[tilespmem:s31+$0x100] =	vst v6;
	v6 =	vadd.s32 v3, v62  }
0x1b1: {  	[tilespmem:s30+$0x100] =	vst v6;
	v6 =	vadd.s32 v0, v7  }
0x1b2: {  	[tilespmem:s29+$0x100] =	vst v6;
	v6 =	vadd.s32 v1, v7  }
0x1b3: {  	v63 =	vbroadcast v5, $0xD;
	[tilespmem:s29+$0x110] =	vst v6;
	v6 =	vadd.s32 v2, v7  }
0x1b4: {  	[tilespmem:s29+$0x120] =	vst v6;
	v6 =	vadd.s32 v3, v7  }
0x1b5: {  	s30 =	sadd.s32 $0xFFFFFF80, s28;
	[tilespmem:s29+$0x130] =	vst v6;
	v6 =	vadd.s32 v0, v63  }
0x1b6: {  	s31 =	sor.u32 $0x50, s30;
	[tilespmem:s29+$0x140] =	vst v6;
	v6 =	vadd.s32 v1, v63  }
0x1b7: {  	v5 =	vbroadcast v5, $0xE;
	[tilespmem:s31+$0x100] =	vst v6;
	v6 =	vadd.s32 v2, v63;
	s31 =	sor.u32 $0x60, s30  }
0x1b8: {  	s30 =	sor.u32 $0x70, s30;
	[tilespmem:s31+$0x100] =	vst v6;
	v6 =	vadd.s32 v3, v63  }
0x1b9: {  	[tilespmem:s30+$0x100] =	vst v6;
	v6 =	vadd.s32 v0, v5  }
0x1ba: {  	[tilespmem:s29+$0x180] =	vst v6;
	v6 =	vadd.s32 v1, v5  }
0x1bb: {  	[tilespmem:s29+$0x190] =	vst v6;
	v6 =	vadd.s32 v2, v5  }
0x1bc: {  	p0 =	sne.s32 s28, $0x27C0;
	s30 =	spop (v2sf);
	v5 =	vadd.s32 v3, v5;
	[tilespmem:s29+$0x1A0] =	vst v6  }
.Ltmp6:
0x1bd: {  	[tilespmem:s29+$0x1B0] =	vst v5;
	v5 =	vadd.s32 s30, v0;
	(pc) =	sbr.rel @p0 .LBB2_14-.Ltmp6, $4  }
0x1be: {  	s31 =	sor.u32 $0x50, s28;
	[tilespmem:s29+$0x1C0] =	vst v5;
	v5 =	vadd.s32 s30, v1  }
0x1bf: {  	[tilespmem:s31+$0x100] =	vst v5;
	v5 =	vadd.s32 s30, v2;
	s31 =	sor.u32 $0x60, s28  }
0x1c0: {  	[tilespmem:s31+$0x100] =	vst v5;
	v5 =	vadd.s32 s30, v3;
	s31 =	sor.u32 $0x70, s28  }
0x1c1: {  	s26 =	sadd.s32 $0x10, s26;
	s29 =	sadd.s32 $0x400, s29;
	s28 =	sadd.s32 $0x400, s28;
	[tilespmem:s31+$0x100] =	vst v5  }
0x1c2: {  	v5 =	vld [tilespmem:$0xA0];
	_ =	sdelay $0x4  }
0x1c3: {  	v5 =	vadd.s32 s13, v5  }
0x1c4: {  	(v2sf) =	vpush v5, $0x3;
	_ =	sdelay $0x1  }
0x1c5: {  	v6 =	vbroadcast v5, $0x0;
	_ =	sdelay $0x1  }
0x1c6: {  	v7 =	vadd.s32 v0, v6  }
0x1c7: {  	[tilespmem:$0x2900] =	vst v7;
	v7 =	vadd.s32 v1, v6  }
0x1c8: {  	v8 =	vbroadcast v5, $0x1;
	[tilespmem:$0x2910] =	vst v7;
	v7 =	vadd.s32 v2, v6  }
0x1c9: {  	v6 =	vadd.s32 v3, v6;
	[tilespmem:$0x2920] =	vst v7  }
0x1ca: {  	[tilespmem:$0x2930] =	vst v6;
	v6 =	vadd.s32 v0, v8  }
0x1cb: {  	[tilespmem:$0x2940] =	vst v6;
	v6 =	vadd.s32 v1, v8  }
0x1cc: {  	v5 =	vbroadcast v5, $0x2;
	[tilespmem:$0x2950] =	vst v6;
	v6 =	vadd.s32 v2, v8  }
0x1cd: {  	[tilespmem:$0x2960] =	vst v6;
	v6 =	vadd.s32 v3, v8  }
0x1ce: {  	[tilespmem:$0x2970] =	vst v6;
	v6 =	vadd.s32 v0, v5  }
0x1cf: {  	[tilespmem:$0x2980] =	vst v6;
	v6 =	vadd.s32 v1, v5  }
0x1d0: {  	[tilespmem:$0x2990] =	vst v6;
	v6 =	vadd.s32 v2, v5  }
0x1d1: {  	v5 =	vadd.s32 v3, v5;
	[tilespmem:$0x29A0] =	vst v6;
	s26 =	spop (v2sf)  }
0x1d2: {  	[tilespmem:$0x29B0] =	vst v5;
	v5 =	vadd.s32 s26, v0  }
0x1d3: {  	[tilespmem:$0x29C0] =	vst v5;
	v5 =	vadd.s32 s26, v1  }
0x1d4: {  	[tilespmem:$0x29D0] =	vst v5;
	v5 =	vadd.s32 s26, v2  }
0x1d5: {  	[tilespmem:$0x29E0] =	vst v5;
	v5 =	vadd.s32 s26, v3  }
0x1d6: {  	[tilespmem:$0x29F0] =	vst v5  }
0x1d7: {  	[tilespmem:s22], [sflag:$0x1] =	stream.indirect.gather [hbm4b:s3+s20], $0x1, s21, s20, $0xb8;
	[tilespmem:$0x5380] =	vst v63  }
0x1d8: {  	_ =	swait.ge [sflag:s23], $0x2900  }
0x1d9: {  	[sflag:s23] =	ssyncset.done $0x0  }
0x1da: {  	s28 =	simm.s32 $0x0;
	[sflag:s23] =	ssyncadd.s32 $0xFFFFD700  }
0x1db: {  	v6 =	vld [tilespmem:s28+$0x2A30]  }
0x1dc: {  	v11 =	vld [tilespmem:s28+$0x2A00]  }
0x1dd: {  	v12 =	vld [tilespmem:s28+$0x2A10]  }
0x1de: {  	v10 =	vimm.f32 $0.0e+00;
	v9 =	vld [tilespmem:s28+$0x2A20]  }
0x1df: {  	v7 =	vimm.f32 $0.0e+00;
	v8 =	vimm.f32 $0.0e+00;
	s26 =	simm.s32 $0x100;
	v5 =	vimm.f32 $0.0e+00  }
.LBB2_16:
0x1e0: {  	s28 =	sshra.s32 s26, $0x2;
	p0 =	sne.s32 s26, $0xA300;
	s26 =	sadd.s32 $0x100, s26;
	vm0 =	vge.f32 v6, $5.000000000e-01  }
.Ltmp7:
0x1e1: {  	v6 =	vld [tilespmem:s28+$0x2A30];
	vm1 =	vge.f32 v11, $5.000000000e-01;
	v13 =	vsel vm0, $0x3F800000, v4;
	(pc) =	sbr.rel @p0 .LBB2_16-.Ltmp7, $4  }
0x1e2: {  	v11 =	vld [tilespmem:s28+$0x2A00];
	v14 =	vsel vm1, $0x3F800000, v4;
	vm0 =	vge.f32 v12, $5.000000000e-01;
	v5 =	vadd.f32 v13, v5  }
0x1e3: {  	v12 =	vld [tilespmem:s28+$0x2A10];
	v10 =	vadd.f32 v14, v10;
	v13 =	vsel vm0, $0x3F800000, v4;
	vm0 =	vge.f32 v9, $5.000000000e-01  }
0x1e4: {  	v9 =	vld [tilespmem:s28+$0x2A20];
	v8 =	vadd.f32 v13, v8;
	v13 =	vsel vm0, $0x3F800000, v4  }
0x1e5: {  	v7 =	vadd.f32 v13, v7  }
0x1e6: {  	vm1 =	vge.f32 v6, $5.000000000e-01  }
0x1e7: {  	vm0 =	vge.f32 v11, $5.000000000e-01;
	v63 =	vsel vm1, $0x3F800000, v4  }
0x1e8: {  	v11 =	vsel vm0, $0x3F800000, v4;
	vm14 =	vge.f32 v12, $5.000000000e-01;
	v5 =	vadd.f32 v63, v5  }
0x1e9: {  	v10 =	vadd.f32 v11, v10;
	v61 =	vsel vm14, $0x3F800000, v4;
	vm15 =	vge.f32 v9, $5.000000000e-01  }
0x1ea: {  	v6 =	vadd.f32 v61, v8;
	v62 =	vsel vm15, $0x3F800000, v4;
	[tilespmem:$0x5330] =	vst v5  }
0x1eb: {  	s25 =	sadd.s32 $0x1, s25;
	v7 =	vadd.f32 v62, v7;
	[tilespmem:$0x5300] =	vst v10  }
0x1ec: {  	p0 =	sne.s32 s25, s16;
	[tilespmem:$0x5310] =	vst v6  }
.Ltmp8:
0x1ed: {  	[tilespmem:$0x5320] =	vst v7;
	(pc) =	sbr.rel @p0 .LBB2_1-.Ltmp8, $4  }
0x1ee: {  	[hbm4b:s15+s2] =	stream.linear.scatter [tilespmem:s24], [sflag:$0x2], $0x40, $0x38;
	[tilespmem:$0x5380] =	vst v63  }
0x1ef: {  	_ =	swait.ge [sflag:s19], $0x40  }
0x1f0: {  	[sflag:s19] =	ssyncset.done $0x0  }
0x1f1: {  	[sflag:s19] =	ssyncadd.s32 $0xFFFFFFC0  }
0x1f2: {  	_ =	sfence.sel $0x180000  }
0x1f3: {  	[bflag:$0x0] =	sbarrier.arrive $0xFFFF  }
0x1f4: {  	p0 =	sne.s32 s1, $0x0;
	_ =	strace $0x9000004A  }
0x1f5: {  	s0 =	sadd.s32 @!p0 $0x100000, s0;
	[bflag:$0x2] =	sbarrier.arrive $0xFFFF  }
0x1f6: {  	[sflag:s0] =	ssyncadd.tile.s32 @!p0 $0x1;
	_ =	shalt  }
.Lfunc_end2:
_tile_overlayer_lowered:
.L_overlay_start_2:
0x1f7: {  	(tag) =	ssettag $0x2  }
0x1f8: {  	s0 =	rddreg [dreg:$0x0];
	s2 =	stileid.u32  }
0x1f9: {  	s1 =	rddreg [dreg:$0x1];
	p0 =	sne.s32 s2, $0x0  }
0x1fa: {  	s3 =	rddreg [dreg:$0x2];
	[bflag:$0x3] =	sbarrier.arrive $0xFFFF;
	s2 =	simm.s32 @!p0 $0x1C02  }
0x1fb: {  	[timem:s3], [sflag:s2] =	dma.local @!p0 [hbm:s0], s1  }
0x1fc: {  	s0 =	simm.s32 @!p0 $0x2  }
0x1fd: {  	_ =	swait.ge @!p0 [sflag:s0], s1  }
0x1fe: {  	s1 =	ssub.s32 @!p0 $0x0, s1;
	[sflag:s0] =	ssyncset.done @!p0 $0x0  }
0x1ff: {  	[sflag:s0] =	ssyncadd.s32 @!p0 s1  }
0x200: {  	[bflag:$0x3] =	sbarrier.arrive $0xFFFF  }
0x201: {  	_ =	shalt  }

// kernel: sparse-core-data-format-call.cloned.1.call-start
scs
called_computation_lowered:
.L_overlay_start_0:
0x0: {  	s2 =	sld [smem:$0x3FD9]  }
0x1: {  	s3 =	sld [smem:$0x3FFE];
	_ =	sdelay $0x1  }
0x2: {  	s1 =	srdreg.scid  }
0x3: {  	s0 =	sand.u32 $0x1, s1  }
0x4: {  	s18 =	sshll.u32 s0, $0xA;
	s2 =	sadd.s32 s3, s2  }
0x5: {  	s2 =	sadd.s32 s2, s18  }
0x6: {  	[smem:$0x3FC2] =	sst s2  }
0x7: {  	_ = 	snop  }
0x8: {  	s2 =	sld [smem:$0x3FC6];
	(tm) =	ssettm $0x1  }
0x9: {  	s19 =	sld [smem:$0x3FFB];
	_ =	sdelay $0x3  }
0xa: {  	_ =	strace s19  }
0xb: {  	s3 =	sld [smem:$0x3FFC];
	_ =	sdelay $0x3  }
0xc: {  	_ =	strace s3  }
0xd: {  	s3 =	sld [smem:$0x3FFD];
	_ =	sdelay $0x3  }
0xe: {  	_ =	strace s3  }
0xf: {  	_ =	strace $0x8FFFFFFF  }
0x10: {  	s20 =	sld [smem:$0x3FDB];
	_ =	sdelay $0x1  }
0x11: {  	s4 =	simm.s32 $_scs_section_size  }
0x12: {  	s5 =	simm.s32 $_size__tile_overlayer_lowered;
	s6 =	simm.s32 $_tile_overlayer_lowered  }
0x13: {  	s23 =	simm.s32 $0x1BFF;
	s22 =	sshll.u32 s6, $0x1;
	s3 =	sadd.s32 s4, s20  }
0x14: {  	s7 =	simm.s32 $0x0;
	s21 =	sshll.u32 s5, $0x1;
	s5 =	sadd.s32 s22, s3  }
0x15: {  	[timem:s7], [sflag:s23] =	dma.local [hbm:s5], s21  }
0x16: {  	_ =	swait.ge [sflag:s23], s21  }
0x17: {  	s4 =	ssub.s32 $0x0, s21;
	[sflag:s23] =	ssyncset.done $0x0  }
0x18: {  	[sflag:s23] =	ssyncadd.s32 s4;
	_ =	sdelay $0x1  }
0x19: {  	s24 =	simm.s32 $0x1B8B  }
0x1a: {  	_ =	swait.ge [sflag:s24], $0x1  }
0x1b: {  	[sflag:s24] =	ssyncset.done $0x0  }
0x1c: {  	s26 =	simm.s32 $0x1B8E;
	s25 =	sld [smem:$0x3FFE];
	[sflag:s24] =	ssyncadd.s32 $0xFFFFFFFF  }
0x1d: {  	s27 =	simm.s32 $execute0_lowered;
	[smem:$0x3FD2] =	sst s26  }
0x1e: {  	s5 =	sshll.u32 s27, $0x1;
	_ =	strace $0x80000046;
	[dreg:$0x1] =	wrdreg $0xFFFFFFFF  }
0x1f: {  	s28 =	simm.s32 $_size_execute0_lowered;
	s3 =	sadd.s32 s3, s5;
	[dreg:$0x0] =	wrdreg $0x0  }
0x20: {  	s5 =	sshll.u32 s28, $0x1;
	[dreg:$0x2] =	wrdreg s3  }
0x21: {  	[dreg:$0x3] =	wrdreg s5  }
0x22: {  	[dreg:$0x4] =	wrdreg $0xC0  }
0x23: {  	_ =	task [dreg:s7], $0x5FFFF  }
0x24: {  	[dreg:$0x1] =	wrdreg $0xFFFFFFFF  }
0x25: {  	[dreg:$0x0] =	wrdreg $0x60  }
0x26: {  	[dreg:$0x2] =	wrdreg s2  }
0x27: {  	[dreg:$0x3] =	wrdreg s25  }
0x28: {  	[dreg:$0x4] =	wrdreg $0x9  }
0x29: {  	_ =	task.clear_ibuf [dreg:s7], $0x5FFFF;
	_ =	strace $0x90000046  }
0x2a: {  	s29 =	simm.s32 $0x9;
	_ =	strace $0x80000048  }
0x2b: {  	_ =	swait.ge [sflag:s29], $0x1  }
0x2c: {  	[sflag:s29] =	ssyncadd.s32 $0xFFFFFFFF  }
0x2d: {  	_ =	strace $0x90000048  }
0x2e: {  	_ =	sfence  }
0x2f: {  	s30 =	sld [smem:$0x0];
	_ =	sdelay $0x2  }
0x30: {  	s31 =	sshll.u32 s1, $0xD;
	s1 =	sshrl.u32 s1, $0x2  }
0x31: {  	s3 =	sand.u32 $0x4000, s31;
	s1 =	sadd.s32 s1, s30  }
0x32: {  	s0 =	sor.u32 s3, s0;
	s1 =	sshll.u32 s1, $0x11  }
0x33: {  	s0 =	sor.u32 s1, s0  }
0x34: {  	s0 =	sadd.s32 $0x8F2B, s0  }
0x35: {  	[sflag:s0] =	ssyncadd.remote.s32 $0x1  }
0x36: {  	_ =	sfence.sel $0xFFFF  }
0x37: {  	[dreg:$0x0] =	wrdreg $0xFFFFFFFF;
	(pc) =	sbr.abs _section_cstart, $3  }
0x38: {  	[dreg:$0x1] =	wrdreg $0xFFFFFFFF  }
0x39: {  	_ =	task.clear_ibuf [dreg:s7], $0x2FFFF;
	_ =	strace $0x9FFFFFFF  }
0x3a: {  	(tm) =	ssettm $0x7FFFFFFF  }
0x3b: {  	_ =	shalt  }
tec
execute0_lowered:
.L_overlay_start_1:
0x0: {  	(tag) =	ssettag $0x1  }
0x1: {  	s2 =	rddreg [dreg:$0x0]  }
0x2: {  	s1 =	rddreg [dreg:$0x1]  }
0x3: {  	s0 =	rddreg [dreg:$0x2];
	_ =	strace $0x80000047;
	s4 =	srdreg.scid  }
0x4: {  	s6 =	simm.s32 $0x2;
	s11 =	simm.s32 $0x0;
	p0 =	por $0x0, $0x0  }
.Ltmp0:
0x5: {  	s7 =	simm.s32 $0x2000;
	s12 =	simm.s32 $0x0;
	(pc) =	sbr.rel .LBB1_1-.Ltmp0, $4  }
0x6: {  	s9 =	simm.s32 $0x0;
	s3 =	sadd.s32 $0x1C00, s1;
	s5 =	sshll.u32 s4, $0x4  }
0x7: {  	s1 =	stileid.u32;
	s4 =	simm.s32 $0x1;
	s5 =	sand.u32 $0x10, s5  }
0x8: {  	s8 =	simm.s32 $0x0;
	[sflag:s4] =	ssyncpa.u1 $0x0;
	s5 =	sor.u32 s1, s5  }
0x9: {  	[sflag:s6] =	ssyncpa.u1 $0x0;
	s6 =	simm.s32 $0x800;
	s10 =	smov.u32 s5  }
.LBB1_7:
0xa: {  	s13 =	sadd.s32 $0x10, s9  }
0xb: {  	s11 =	sadd.s32 $0x20, s10;
	s15 =	smov.u32 s10;
	p2 =	sgt.s32 s13, $0x3F  }
0xc: {  	p1 =	slt.u32 s8, $0x2;
	s15 =	smov.u32 @p2 s11  }
0xd: {  	s8 =	sadd.s32 $0x1, s8;
	s13 =	simm.s32 @p2 $0x0;
	p2 =	sgt.s32 s15, $0x3FF  }
0xe: {  	s15 =	smov.u32 @p2 s5;
	p2 =	sne.s32 s8, $0x82  }
.Ltmp1:
0xf: {  	_ = 	snop;
	(pc) =	sbr.rel @!p2 .LBB1_8-.Ltmp1, $4  }
0x10: {  	s14 =	simm.s32 @!p1 $0x2  }
0x11: {  	s12 =	smov.u32 s10;
	_ =	swait.ge @!p1 [sflag:s14], $0x4000  }
0x12: {  	p0 =	por !p0, !p0;
	s11 =	smov.u32 s9;
	[sflag:s14] =	ssyncset.done @!p1 $0x0  }
0x13: {  	s9 =	smov.u32 s13;
	[sflag:s14] =	ssyncadd.s32 @!p1 $0xFFFFC000;
	s10 =	smov.u32 s15  }
.LBB1_1:
0x14: {  	p1 =	sgt.u32 s8, $0x7F  }
0x15: {  	s13 =	sxor.u32 @!p1 $0xFFFFFFFF, s8;
	s14 =	sshll.u32 @!p1 s10, $0xD  }
0x16: {  	s15 =	sshll.u32 @!p1 s9, $0x7;
	s13 =	sshll.u32 @!p1 s13, $0xE;
	s14 =	sadd.s32 @!p1 s2, s14  }
0x17: {  	s13 =	sand.u32 @!p1 $0x4000, s13;
	s14 =	sadd.s32 @!p1 s15, s14;
	s15 =	simm.s32 @!p1 $0x0  }
0x18: {  	[tilespmem:s13], [sflag:$0x1] =	stream.linear.gather @!p1 [hbm4b:s14+s15], $0x4000, $0x38;
	[tilespmem:$0x10000] =	vst v63  }
0x19: {  	p1 =	seq.s32 s8, $0x0  }
0x1a: {  	p2 =	seq.s32 @!p1 s8, $0x81  }
0x1b: {  	p1 =	por p1, p2  }
.Ltmp2:
0x1c: {  	_ = 	snop;
	(pc) =	sbr.rel @p1 .LBB1_7-.Ltmp2, $1  }
0x1d: {  	_ =	sdelay $0x3  }
0x1e: {  	s13 =	simm.s32 $0x1;
	_ =	swait.ge [sflag:s4], $0x4000;
	s16 =	sshll.u32 s8, $0xE  }
0x1f: {  	s13 =	simm.s32 @!p0 $0x0;
	[sflag:s4] =	ssyncset.done $0x0;
	s31 =	sand.u32 $0x4000, s16  }
0x20: {  	s16 =	simm.s32 $0x0;
	s14 =	sshll.u32 s13, $0xE;
	[sflag:s4] =	ssyncadd.s32 $0xFFFFC000  }
0x21: {  	s13 =	sor.u32 $0x8040, s14;
	s15 =	sor.u32 $0x40, s14;
	s14 =	sor.u32 $0x8000, s31  }
.LBB1_3:
0x22: {  	v0 =	vmov s15;
	_ =	sdelay $0x3  }
0x23: {  	s18 =	simm.s32 $0x0  }
0x24: {  	v6 =	vld.idx.msk [tilespmem:v0+s18+$0x30 ss:$0x1], $0xffff  }
0x25: {  	v7 =	vld.idx.msk [tilespmem:v0+s18+$0xFFFFFFC0 ss:$0x1], $0xffff  }
0x26: {  	v5 =	vld.idx.msk [tilespmem:v0+s18+$0xFFFFFFD0 ss:$0x1], $0xffff  }
0x27: {  	v4 =	vld.idx.msk [tilespmem:v0+s18+$0xFFFFFFE0 ss:$0x1], $0xffff  }
0x28: {  	v3 =	vld.idx.msk [tilespmem:v0+s18+$0xFFFFFFF0 ss:$0x1], $0xffff  }
0x29: {  	v1 =	vld.idx.msk [tilespmem:v0+s18+$0x0 ss:$0x1], $0xffff  }
0x2a: {  	v2 =	vld.idx.msk [tilespmem:v0+s18+$0x10 ss:$0x1], $0xffff;
	[tilespmem:s13+$0x30] =	vst v6  }
0x2b: {  	s17 =	simm.s32 $0x80;
	s19 =	simm.s32 $0x400;
	[tilespmem:s13+$0xFFFFFFC0] =	vst v7;
	v6 =	vld.idx.msk [tilespmem:v0+s18+$0x20 ss:$0x1], $0xffff;
	s18 =	smov.u32 s13  }
.LBB1_4:
0x2c: {  	p1 =	sne.s32 s19, $0xE00;
	v7 =	vld.idx.msk [tilespmem:v0+s17+$0x30 ss:$0x1], $0xffff;
	[tilespmem:s18+$0xFFFFFFD0] =	vst v5  }
0x2d: {  	v8 =	vld.idx.msk [tilespmem:v0+s17+$0xFFFFFFC0 ss:$0x1], $0xffff;
	[tilespmem:s18+$0xFFFFFFE0] =	vst v4  }
0x2e: {  	v5 =	vld.idx.msk [tilespmem:v0+s17+$0xFFFFFFD0 ss:$0x1], $0xffff;
	[tilespmem:s18+$0xFFFFFFF0] =	vst v3  }
.Ltmp3:
0x2f: {  	v4 =	vld.idx.msk [tilespmem:v0+s17+$0xFFFFFFE0 ss:$0x1], $0xffff;
	[tilespmem:s18+$0x0] =	vst v1;
	(pc) =	sbr.rel @p1 .LBB1_4-.Ltmp3, $4  }
0x30: {  	v3 =	vld.idx.msk [tilespmem:v0+s17+$0xFFFFFFF0 ss:$0x1], $0xffff;
	[tilespmem:s18+$0x10] =	vst v2  }
0x31: {  	v1 =	vld.idx.msk [tilespmem:v0+s17+$0x0 ss:$0x1], $0xffff;
	[tilespmem:s18+$0x20] =	vst v6;
	s18 =	sadd.s32 $0x800, s18  }
0x32: {  	v2 =	vld.idx.msk [tilespmem:v0+s17+$0x10 ss:$0x1], $0xffff;
	[tilespmem:s18+$0x30] =	vst v7  }
0x33: {  	[tilespmem:s18+$0xFFFFFFC0] =	vst v8;
	v6 =	vld.idx.msk [tilespmem:v0+s17+$0x20 ss:$0x1], $0xffff;
	s17 =	sshra.s32 s19, $0x2;
	s19 =	sadd.s32 $0x200, s19  }
0x34: {  	_ =	sdelay $0x2  }
0x35: {  	[tilespmem:s18+$0xFFFFFFD0] =	vst v5  }
0x36: {  	v56 =	vld.idx.msk [tilespmem:v0+s17+$0x30 ss:$0x1], $0xffff;
	[tilespmem:s18+$0xFFFFFFE0] =	vst v4  }
0x37: {  	v57 =	vld.idx.msk [tilespmem:v0+s17+$0xFFFFFFC0 ss:$0x1], $0xffff;
	[tilespmem:s18+$0xFFFFFFF0] =	vst v3  }
0x38: {  	v58 =	vld.idx.msk [tilespmem:v0+s17+$0xFFFFFFD0 ss:$0x1], $0xffff;
	[tilespmem:s18+$0x0] =	vst v1  }
0x39: {  	v59 =	vld.idx.msk [tilespmem:v0+s17+$0xFFFFFFE0 ss:$0x1], $0xffff;
	[tilespmem:s18+$0x10] =	vst v2  }
0x3a: {  	v60 =	vld.idx.msk [tilespmem:v0+s17+$0xFFFFFFF0 ss:$0x1], $0xffff;
	s31 =	sadd.s32 $0x800, s18;
	[tilespmem:s18+$0x20] =	vst v6  }
0x3b: {  	v61 =	vld.idx.msk [tilespmem:v0+s17+$0x0 ss:$0x1], $0xffff;
	[tilespmem:s31+$0x30] =	vst v56  }
0x3c: {  	v62 =	vld.idx.msk [tilespmem:v0+s17+$0x10 ss:$0x1], $0xffff;
	s16 =	sadd.s32 $0x1, s16;
	[tilespmem:s31+$0xFFFFFFC0] =	vst v57  }
0x3d: {  	v63 =	vld.idx.msk [tilespmem:v0+s17+$0x20 ss:$0x1], $0xffff;
	p1 =	sne.s32 s16, $0x10;
	[tilespmem:s31+$0xFFFFFFD0] =	vst v58  }
.Ltmp4:
0x3e: {  	[tilespmem:s31+$0xFFFFFFE0] =	vst v59;
	(pc) =	sbr.rel @p1 .LBB1_3-.Ltmp4, $4  }
0x3f: {  	[tilespmem:s31+$0xFFFFFFF0] =	vst v60  }
0x40: {  	[tilespmem:s31+$0x0] =	vst v61  }
0x41: {  	[tilespmem:s31+$0x10] =	vst v62  }
0x42: {  	s13 =	sadd.s32 $0x80, s13;
	s15 =	sadd.s32 $0x400, s15;
	[tilespmem:s31+$0x20] =	vst v63  }
.Ltmp5:
0x43: {  	(pc) =	sbr.rel .LBB1_7-.Ltmp5, $4  }
0x44: {  	s12 =	sshll.u32 s12, $0xD;
	s11 =	sshll.u32 s11, $0x4  }
0x45: {  	s11 =	sand.u32 $0x3F0, s11;
	s12 =	sadd.s32 s3, s12  }
0x46: {  	s11 =	sadd.s32 s11, s12  }
0x47: {  	[hbm4b:s11+s6] =	stream.strided.scatter [tilespmem:s14], [sflag:$0x2], $0x4000, s7, s6, $0x38;
	[tilespmem:$0x10000] =	vst v63  }
.LBB1_8:
0x48: {  	_ =	sfence.sel $0x180000  }
0x49: {  	s2 =	simm.s32 $0x1;
	[bflag:$0x0] =	sbarrier.arrive $0xFFFF  }
0x4a: {  	s31 =	simm.s32 $0x2;
	[sflag:s2] =	ssyncpa.u1 $0x1  }
0x4b: {  	[sflag:s31] =	ssyncpa.u1 $0x1  }
0x4c: {  	p0 =	sne.s32 s1, $0x0;
	_ =	strace $0x90000047  }
0x4d: {  	s0 =	sadd.s32 @!p0 $0x100000, s0;
	[bflag:$0x2] =	sbarrier.arrive $0xFFFF  }
0x4e: {  	[sflag:s0] =	ssyncadd.tile.s32 @!p0 $0x1;
	_ =	shalt  }
.Lfunc_end1:
_tile_overlayer_lowered:
.L_overlay_start_2:
0x4f: {  	(tag) =	ssettag $0x2  }
0x50: {  	s0 =	rddreg [dreg:$0x0];
	s2 =	stileid.u32  }
0x51: {  	s1 =	rddreg [dreg:$0x1];
	p0 =	sne.s32 s2, $0x0  }
0x52: {  	s3 =	rddreg [dreg:$0x2];
	[bflag:$0x3] =	sbarrier.arrive $0xFFFF;
	s2 =	simm.s32 @!p0 $0x1C01  }
0x53: {  	[timem:s3], [sflag:s2] =	dma.local @!p0 [hbm:s0], s1  }
0x54: {  	s0 =	simm.s32 @!p0 $0x1  }
0x55: {  	_ =	swait.ge @!p0 [sflag:s0], s1  }
0x56: {  	s1 =	ssub.s32 @!p0 $0x0, s1;
	[sflag:s0] =	ssyncset.done @!p0 $0x0  }
0x57: {  	[sflag:s0] =	ssyncadd.s32 @!p0 s1  }
0x58: {  	[bflag:$0x3] =	sbarrier.arrive $0xFFFF  }
0x59: {  	_ =	shalt  }

</sc_bundles>
